<compile_context>
chip_gen: v7x
topology: tpu7x:2x2x1
jax: 0.10.2.dev20260603
libtpu: 0.0.44.dev20260713+nightly
codegen_flags: <defaults>
</compile_context>

<pallas_src>
import functools

import jax
import jax.numpy as jnp
from jax import lax
from jax.experimental import pallas as pl
from jax.experimental.pallas import tpu as pltpu
from jax.experimental.pallas import tpu_sc as plsc

_NC = 2
_NS = 16
_LANES = 16

_D = 64
_ND = _D // _LANES
_NPHRASE = 3
_L = 20
_K = _NPHRASE * _L

_CB = 8
_SEG = 120
_NSEG = (_CB * _K) // _SEG


def _allsum(v, lane):
    for sh in (1, 2, 4, 8):
        v = v + v.at[lane ^ sh].get(mode="promise_in_bounds")
    return v


def _rsqrt_vec(x):
    bits = lax.bitcast_convert_type(x, jnp.int32)
    y = lax.bitcast_convert_type(jnp.int32(0x5F3759DF) - (bits >> 1), jnp.float32)
    for _ in range(3):
        y = y * (1.5 - 0.5 * x * y * y)
    return y


def _sc_kernel(bpw, idx_hbm, table_hbm, params_hbm, out_hbm,
               idx_v, rows_v, params_v, out_v, sem0, sem1):
    wid = lax.axis_index("s") * _NC + lax.axis_index("c")
    nch = bpw // _CB
    sems = (sem0, sem1)

    pltpu.sync_copy(idx_hbm.at[pl.ds(wid * nch, nch)], idx_v)
    pltpu.sync_copy(params_hbm, params_v)
    tsum = [params_v[0, pl.ds(d * _LANES, _LANES)]
            + params_v[1, pl.ds(d * _LANES, _LANES)]
            + params_v[2, pl.ds(d * _LANES, _LANES)] for d in range(_ND)]
    gam = [params_v[3, pl.ds(d * _LANES, _LANES)] for d in range(_ND)]
    bet = [params_v[4, pl.ds(d * _LANES, _LANES)] for d in range(_ND)]

    def gather_descs(g, buf):
        return [pltpu.make_async_copy(
                    table_hbm.at[idx_v.at[g, s]],
                    rows_v.at[buf, pl.ds(s * _SEG, _SEG)],
                    sems[buf]) for s in range(_NSEG)]

    def issue(g, buf):
        for cp in gather_descs(g, buf):
            cp.start()

    issue(0, 0)

    def outer(g2, carry):
        for par in range(2):
            g = g2 * 2 + par

            @pl.when(g + 1 < nch)
            def _():
                issue(g + 1, 1 - par)

            for cp in gather_descs(g, par):
                cp.wait()

            def row_body(j, accs):
                a = list(accs)
                for b in range(_CB):
                    r = b * _K + j
                    for d in range(_ND):
                        a[b * _ND + d] = (a[b * _ND + d]
                                          + rows_v[par, r, pl.ds(d * _LANES, _LANES)])
                return tuple(a)

            zero = jnp.zeros((_LANES,), jnp.float32)
            accs = lax.fori_loop(0, _K, row_body, (zero,) * (_CB * _ND),
                                 unroll=2)

            lane = lax.iota(jnp.int32, _LANES)
            for b in range(_CB):
                acc = accs[b * _ND:(b + 1) * _ND]
                y = [acc[d] * (1.0 / _L) + tsum[d] for d in range(_ND)]

                s4 = (y[0] + y[1]) + (y[2] + y[3])
                q4 = (y[0] * y[0] + y[1] * y[1]) + (y[2] * y[2] + y[3] * y[3])
                mu = _allsum(s4, lane) * (1.0 / _D)
                var = _allsum(q4, lane) * (1.0 / _D) - mu * mu
                rstd = _rsqrt_vec(var + 1e-5)
                row = g * _CB + b
                for d in range(_ND):
                    gd = rstd * gam[d]
                    out_v[row, pl.ds(d * _LANES, _LANES)] = (
                        (y[d] - mu) * gd + bet[d])
        return carry

    lax.fori_loop(0, nch // 2, outer, 0)
    pltpu.sync_copy(out_v, out_hbm.at[pl.ds(wid * bpw, bpw), :])


def kernel(action_input, arg1_input, arg2_input, emb_table, type_table,
           ln_gamma, ln_beta):
    b = action_input.shape[0]
    nw = _NC * _NS
    bpw = b // nw
    idx = jnp.concatenate([action_input, arg1_input, arg2_input], axis=1)
    idx = idx.astype(jnp.int32).reshape(b // _CB, _NSEG, _SEG)
    params = jnp.concatenate(
        [type_table.astype(jnp.float32),
         ln_gamma.astype(jnp.float32)[None, :],
         ln_beta.astype(jnp.float32)[None, :]], axis=0)

    mesh = plsc.VectorSubcoreMesh(core_axis_name="c", subcore_axis_name="s")
    run = pl.kernel(
        functools.partial(_sc_kernel, bpw),
        mesh=mesh,
        compiler_params=pltpu.CompilerParams(use_tc_tiling_on_sc=False),
        out_type=jax.ShapeDtypeStruct((b, _D), jnp.float32),
        scratch_types=[
            pltpu.VMEM((bpw // _CB, _NSEG, _SEG), jnp.int32),
            pltpu.VMEM((2, _CB * _K, _D), jnp.float32),
            pltpu.VMEM((5, _D), jnp.float32),
            pltpu.VMEM((bpw, _D), jnp.float32),
            pltpu.SemaphoreType.DMA,
            pltpu.SemaphoreType.DMA,
        ],
    )
    return run(idx, emb_table, params)

# --- scband reference (transcript-rebuilt; emitter-appended) ---
"""Pipeline reference for scband-encoder-action-51788715655713 (READ-ONLY COPY).

The authoritative reference and input builder live on the scoring server;
editing this copy changes nothing except your own understanding.
"""

import jax, jax.numpy as jnp
import numpy as np

VOCAB = 100000
DEMB = 64
B = 16384
L = 20


def layernorm(x, gamma, beta, eps=1e-5):
    mu = x.mean(axis=-1, keepdims=True)
    var = ((x - mu) ** 2).mean(axis=-1, keepdims=True)
    return (x - mu) / jnp.sqrt(var + eps) * gamma + beta


def setup_inputs(seed: int = 0) -> dict:
    key = jax.random.key(seed)
    k1, k2, k3, k4, k5 = jax.random.split(key, 5)
    action_input = jax.random.randint(k1, (B, L), 0, VOCAB, dtype=jnp.int64 if jax.config.jax_enable_x64 else jnp.int32)
    arg1_input = jax.random.randint(k2, (B, L), 0, VOCAB, dtype=jnp.int64 if jax.config.jax_enable_x64 else jnp.int32)
    arg2_input = jax.random.randint(k3, (B, L), 0, VOCAB, dtype=jnp.int64 if jax.config.jax_enable_x64 else jnp.int32)
    emb_table = jax.random.normal(k4, (VOCAB, DEMB), dtype=jnp.float32) * 0.02
    type_table = jax.random.normal(k5, (3, DEMB), dtype=jnp.float32) * 0.02
    ln_gamma = jnp.ones((DEMB,), dtype=jnp.float32)
    ln_beta = jnp.zeros((DEMB,), dtype=jnp.float32)
    return {
        "action_input": action_input,
        "arg1_input": arg1_input,
        "arg2_input": arg2_input,
        "emb_table": emb_table,
        "type_table": type_table,
        "ln_gamma": ln_gamma,
        "ln_beta": ln_beta,
    }


def reference(action_input, arg1_input, arg2_input, emb_table, type_table, ln_gamma, ln_beta):
    # embedder(action_input).mean(dim=-2) : gather + mean over phrase length
    action_emb = jnp.take(emb_table, action_input, axis=0).mean(axis=-2)
    # enc_type(x, 0): add learned type embedding 0
    action_emb = action_emb + type_table[0]
    # arg1 branch
    arg1_emb = jnp.take(emb_table, arg1_input, axis=0).mean(axis=-2)
    action_emb = action_emb + (arg1_emb + type_table[1])
    # arg2 branch
    arg2_emb = jnp.take(emb_table, arg2_input, axis=0).mean(axis=-2)
    action_emb = action_emb + (arg2_emb + type_table[2])
    # dropout is identity at inference; then layernorm
    return layernorm(action_emb, ln_gamma, ln_beta)

if __name__ == "__main__":
    import jax
    _d = setup_inputs()
    print(jax.jit(kernel)(*tuple(_d.values())))

</pallas_src>

<mosaic_0001>
#map = affine_map<(d0, d1) -> (0, 0, 0)>
#map1 = affine_map<(d0, d1) -> (0, 0)>
module attributes {stable_mosaic.version = 14 : i64} {
  func.func @_sc_kernel(%arg0: i32, %arg1: i32, %arg2: memref<2048x4x120xi32, #tpu.memory_space<hbm>>, %arg3: memref<100000x64xf32, #tpu.memory_space<hbm>>, %arg4: memref<5x64xf32, #tpu.memory_space<hbm>>, %arg5: memref<16384x64xf32, #tpu.memory_space<hbm>>, %arg6: memref<64x4x120xi32, #tpu.memory_space<vmem>>, %arg7: memref<2x480x64xf32, #tpu.memory_space<vmem>>, %arg8: memref<5x64xf32, #tpu.memory_space<vmem>>, %arg9: memref<512x64xf32, #tpu.memory_space<vmem>>, %arg10: memref<!tpu.dma_semaphore, #tpu.memory_space<semaphore_mem>>, %arg11: memref<!tpu.dma_semaphore, #tpu.memory_space<semaphore_mem>>) attributes {dimension_semantics = [#tpu.dimension_semantics<core_parallel>, #tpu.dimension_semantics<subcore_parallel>], iteration_bounds = array<i64: 2, 16>, scalar_prefetch = 0 : i64, scratch_operands = 6 : i64, tpu.core_type = #tpu.core_type<sc_vector_subcore>, window_params = [{transform_indices = #map}, {transform_indices = #map1}, {transform_indices = #map1}, {transform_indices = #map1}]} {
    %mul3A = arith.constant 2 : i32
    %mul3A_0 = arith.muli %arg1, %mul3A : i32
    %add3A = arith.addi %mul3A_0, %arg0 : i32
    %mul3A_1 = arith.constant 64 : i32
    %mul3A_2 = arith.muli %add3A, %mul3A_1 : i32
    "tpu.region"() ({
      %run_scoped3A = tpu.sem_alloc : memref<!tpu.dma_semaphore, #tpu.memory_space<semaphore_mem>>
      %dma_start3A_168 = arith.constant 0 : i32
      %dma_start3A_169 = arith.constant 0 : i32
      %dma_start3A_170 = tpu.memref_slice %arg2[%mul3A_2, %dma_start3A_168, %dma_start3A_169] : memref<2048x4x120xi32, #tpu.memory_space<hbm>> -> memref<64x4x120xi32, #tpu.memory_space<hbm>>
      %dma_start3A_171 = arith.constant 0 : i32
      %dma_start3A_172 = arith.constant 0 : i32
      %dma_start3A_173 = tpu.memref_slice %arg2[%mul3A_2, %dma_start3A_171, %dma_start3A_172] : memref<2048x4x120xi32, #tpu.memory_space<hbm>> -> memref<64x4x120xi32, #tpu.memory_space<hbm>>
      tpu.enqueue_dma source(%dma_start3A_173 : memref<64x4x120xi32, #tpu.memory_space<hbm>>) target(%arg6 : memref<64x4x120xi32, #tpu.memory_space<vmem>>) target_semaphore(%run_scoped3A : memref<!tpu.dma_semaphore, #tpu.memory_space<semaphore_mem>>)
      %dma_wait3A = arith.constant 0 : i32
      %dma_wait3A_174 = arith.constant 0 : i32
      %dma_wait3A_175 = tpu.memref_slice %arg2[%mul3A_2, %dma_wait3A, %dma_wait3A_174] : memref<2048x4x120xi32, #tpu.memory_space<hbm>> -> memref<64x4x120xi32, #tpu.memory_space<hbm>>
      %dma_wait3A_176 = arith.constant 0 : i32
      %dma_wait3A_177 = arith.constant 0 : i32
      %dma_wait3A_178 = tpu.memref_slice %arg2[%mul3A_2, %dma_wait3A_176, %dma_wait3A_177] : memref<2048x4x120xi32, #tpu.memory_space<hbm>> -> memref<64x4x120xi32, #tpu.memory_space<hbm>>
      tpu.wait_dma2 semaphore(%run_scoped3A : memref<!tpu.dma_semaphore, #tpu.memory_space<semaphore_mem>>) src(%dma_wait3A_178 : memref<64x4x120xi32, #tpu.memory_space<hbm>>) dst(%arg6 : memref<64x4x120xi32, #tpu.memory_space<vmem>>)
      tpu.yield
    }) : () -> ()
    "tpu.region"() ({
      %run_scoped3A = tpu.sem_alloc : memref<!tpu.dma_semaphore, #tpu.memory_space<semaphore_mem>>
      tpu.enqueue_dma source(%arg4 : memref<5x64xf32, #tpu.memory_space<hbm>>) target(%arg8 : memref<5x64xf32, #tpu.memory_space<vmem>>) target_semaphore(%run_scoped3A : memref<!tpu.dma_semaphore, #tpu.memory_space<semaphore_mem>>)
      tpu.wait_dma2 semaphore(%run_scoped3A : memref<!tpu.dma_semaphore, #tpu.memory_space<semaphore_mem>>) src(%arg4 : memref<5x64xf32, #tpu.memory_space<hbm>>) dst(%arg8 : memref<5x64xf32, #tpu.memory_space<vmem>>)
      tpu.yield
    }) : () -> ()
    %get3A = arith.constant 0 : i32
    %get3A_3 = arith.index_cast %get3A : i32 to index
    %get3A_4 = arith.constant 0 : index
    %get3A_5 = tpu.vector_load %arg8[%get3A_3, %get3A_4] {strides = array<i32>} : memref<5x64xf32, #tpu.memory_space<vmem>>, vector<1x16xf32>,
    %get3A_6 = vector.shape_cast %get3A_5 : vector<1x16xf32> to vector<16xf32>
    %get3A_7 = arith.constant 1 : i32
    %get3A_8 = arith.index_cast %get3A_7 : i32 to index
    %get3A_9 = arith.constant 0 : index
    %get3A_10 = tpu.vector_load %arg8[%get3A_8, %get3A_9] {strides = array<i32>} : memref<5x64xf32, #tpu.memory_space<vmem>>, vector<1x16xf32>,
    %get3A_11 = vector.shape_cast %get3A_10 : vector<1x16xf32> to vector<16xf32>
    %add3A_12 = arith.addf %get3A_6, %get3A_11 : vector<16xf32>
    %get3A_13 = arith.constant 2 : i32
    %get3A_14 = arith.index_cast %get3A_13 : i32 to index
    %get3A_15 = arith.constant 0 : index
    %get3A_16 = tpu.vector_load %arg8[%get3A_14, %get3A_15] {strides = array<i32>} : memref<5x64xf32, #tpu.memory_space<vmem>>, vector<1x16xf32>,
    %get3A_17 = vector.shape_cast %get3A_16 : vector<1x16xf32> to vector<16xf32>
    %add3A_18 = arith.addf %add3A_12, %get3A_17 : vector<16xf32>
    %get3A_19 = arith.constant 0 : i32
    %get3A_20 = arith.index_cast %get3A_19 : i32 to index
    %get3A_21 = arith.constant 16 : index
    %get3A_22 = tpu.vector_load %arg8[%get3A_20, %get3A_21] {strides = array<i32>} : memref<5x64xf32, #tpu.memory_space<vmem>>, vector<1x16xf32>,
    %get3A_23 = vector.shape_cast %get3A_22 : vector<1x16xf32> to vector<16xf32>
    %get3A_24 = arith.constant 1 : i32
    %get3A_25 = arith.index_cast %get3A_24 : i32 to index
    %get3A_26 = arith.constant 16 : index
    %get3A_27 = tpu.vector_load %arg8[%get3A_25, %get3A_26] {strides = array<i32>} : memref<5x64xf32, #tpu.memory_space<vmem>>, vector<1x16xf32>,
    %get3A_28 = vector.shape_cast %get3A_27 : vector<1x16xf32> to vector<16xf32>
    %add3A_29 = arith.addf %get3A_23, %get3A_28 : vector<16xf32>
    %get3A_30 = arith.constant 2 : i32
    %get3A_31 = arith.index_cast %get3A_30 : i32 to index
    %get3A_32 = arith.constant 16 : index
    %get3A_33 = tpu.vector_load %arg8[%get3A_31, %get3A_32] {strides = array<i32>} : memref<5x64xf32, #tpu.memory_space<vmem>>, vector<1x16xf32>,
    %get3A_34 = vector.shape_cast %get3A_33 : vector<1x16xf32> to vector<16xf32>
    %add3A_35 = arith.addf %add3A_29, %get3A_34 : vector<16xf32>
    %get3A_36 = arith.constant 0 : i32
    %get3A_37 = arith.index_cast %get3A_36 : i32 to index
    %get3A_38 = arith.constant 32 : index
    %get3A_39 = tpu.vector_load %arg8[%get3A_37, %get3A_38] {strides = array<i32>} : memref<5x64xf32, #tpu.memory_space<vmem>>, vector<1x16xf32>,
    %get3A_40 = vector.shape_cast %get3A_39 : vector<1x16xf32> to vector<16xf32>
    %get3A_41 = arith.constant 1 : i32
    %get3A_42 = arith.index_cast %get3A_41 : i32 to index
    %get3A_43 = arith.constant 32 : index
    %get3A_44 = tpu.vector_load %arg8[%get3A_42, %get3A_43] {strides = array<i32>} : memref<5x64xf32, #tpu.memory_space<vmem>>, vector<1x16xf32>,
    %get3A_45 = vector.shape_cast %get3A_44 : vector<1x16xf32> to vector<16xf32>
    %add3A_46 = arith.addf %get3A_40, %get3A_45 : vector<16xf32>
    %get3A_47 = arith.constant 2 : i32
    %get3A_48 = arith.index_cast %get3A_47 : i32 to index
    %get3A_49 = arith.constant 32 : index
    %get3A_50 = tpu.vector_load %arg8[%get3A_48, %get3A_49] {strides = array<i32>} : memref<5x64xf32, #tpu.memory_space<vmem>>, vector<1x16xf32>,
    %get3A_51 = vector.shape_cast %get3A_50 : vector<1x16xf32> to vector<16xf32>
    %add3A_52 = arith.addf %add3A_46, %get3A_51 : vector<16xf32>
    %get3A_53 = arith.constant 0 : i32
    %get3A_54 = arith.index_cast %get3A_53 : i32 to index
    %get3A_55 = arith.constant 48 : index
    %get3A_56 = tpu.vector_load %arg8[%get3A_54, %get3A_55] {strides = array<i32>} : memref<5x64xf32, #tpu.memory_space<vmem>>, vector<1x16xf32>,
    %get3A_57 = vector.shape_cast %get3A_56 : vector<1x16xf32> to vector<16xf32>
    %get3A_58 = arith.constant 1 : i32
    %get3A_59 = arith.index_cast %get3A_58 : i32 to index
    %get3A_60 = arith.constant 48 : index
    %get3A_61 = tpu.vector_load %arg8[%get3A_59, %get3A_60] {strides = array<i32>} : memref<5x64xf32, #tpu.memory_space<vmem>>, vector<1x16xf32>,
    %get3A_62 = vector.shape_cast %get3A_61 : vector<1x16xf32> to vector<16xf32>
    %add3A_63 = arith.addf %get3A_57, %get3A_62 : vector<16xf32>
    %get3A_64 = arith.constant 2 : i32
    %get3A_65 = arith.index_cast %get3A_64 : i32 to index
    %get3A_66 = arith.constant 48 : index
    %get3A_67 = tpu.vector_load %arg8[%get3A_65, %get3A_66] {strides = array<i32>} : memref<5x64xf32, #tpu.memory_space<vmem>>, vector<1x16xf32>,
    %get3A_68 = vector.shape_cast %get3A_67 : vector<1x16xf32> to vector<16xf32>
    %add3A_69 = arith.addf %add3A_63, %get3A_68 : vector<16xf32>
    %get3A_70 = arith.constant 3 : i32
    %get3A_71 = arith.index_cast %get3A_70 : i32 to index
    %get3A_72 = arith.constant 0 : index
    %get3A_73 = tpu.vector_load %arg8[%get3A_71, %get3A_72] {strides = array<i32>} : memref<5x64xf32, #tpu.memory_space<vmem>>, vector<1x16xf32>,
    %get3A_74 = vector.shape_cast %get3A_73 : vector<1x16xf32> to vector<16xf32>
    %get3A_75 = arith.constant 3 : i32
    %get3A_76 = arith.index_cast %get3A_75 : i32 to index
    %get3A_77 = arith.constant 16 : index
    %get3A_78 = tpu.vector_load %arg8[%get3A_76, %get3A_77] {strides = array<i32>} : memref<5x64xf32, #tpu.memory_space<vmem>>, vector<1x16xf32>,
    %get3A_79 = vector.shape_cast %get3A_78 : vector<1x16xf32> to vector<16xf32>
    %get3A_80 = arith.constant 3 : i32
    %get3A_81 = arith.index_cast %get3A_80 : i32 to index
    %get3A_82 = arith.constant 32 : index
    %get3A_83 = tpu.vector_load %arg8[%get3A_81, %get3A_82] {strides = array<i32>} : memref<5x64xf32, #tpu.memory_space<vmem>>, vector<1x16xf32>,
    %get3A_84 = vector.shape_cast %get3A_83 : vector<1x16xf32> to vector<16xf32>
    %get3A_85 = arith.constant 3 : i32
    %get3A_86 = arith.index_cast %get3A_85 : i32 to index
    %get3A_87 = arith.constant 48 : index
    %get3A_88 = tpu.vector_load %arg8[%get3A_86, %get3A_87] {strides = array<i32>} : memref<5x64xf32, #tpu.memory_space<vmem>>, vector<1x16xf32>,
    %get3A_89 = vector.shape_cast %get3A_88 : vector<1x16xf32> to vector<16xf32>
    %get3A_90 = arith.constant 4 : i32
    %get3A_91 = arith.index_cast %get3A_90 : i32 to index
    %get3A_92 = arith.constant 0 : index
    %get3A_93 = tpu.vector_load %arg8[%get3A_91, %get3A_92] {strides = array<i32>} : memref<5x64xf32, #tpu.memory_space<vmem>>, vector<1x16xf32>,
    %get3A_94 = vector.shape_cast %get3A_93 : vector<1x16xf32> to vector<16xf32>
    %get3A_95 = arith.constant 4 : i32
    %get3A_96 = arith.index_cast %get3A_95 : i32 to index
    %get3A_97 = arith.constant 16 : index
    %get3A_98 = tpu.vector_load %arg8[%get3A_96, %get3A_97] {strides = array<i32>} : memref<5x64xf32, #tpu.memory_space<vmem>>, vector<1x16xf32>,
    %get3A_99 = vector.shape_cast %get3A_98 : vector<1x16xf32> to vector<16xf32>
    %get3A_100 = arith.constant 4 : i32
    %get3A_101 = arith.index_cast %get3A_100 : i32 to index
    %get3A_102 = arith.constant 32 : index
    %get3A_103 = tpu.vector_load %arg8[%get3A_101, %get3A_102] {strides = array<i32>} : memref<5x64xf32, #tpu.memory_space<vmem>>, vector<1x16xf32>,
    %get3A_104 = vector.shape_cast %get3A_103 : vector<1x16xf32> to vector<16xf32>
    %get3A_105 = arith.constant 4 : i32
    %get3A_106 = arith.index_cast %get3A_105 : i32 to index
    %get3A_107 = arith.constant 48 : index
    %get3A_108 = tpu.vector_load %arg8[%get3A_106, %get3A_107] {strides = array<i32>} : memref<5x64xf32, #tpu.memory_space<vmem>>, vector<1x16xf32>,
    %get3A_109 = vector.shape_cast %get3A_108 : vector<1x16xf32> to vector<16xf32>
    %dma_start3A = arith.constant 0 : i32
    %dma_start3A_110 = arith.constant 0 : i32
    %dma_start3A_111 = arith.constant 0 : i32
    %dma_start3A_112 = arith.constant 0 : i32
    %dma_start3A_113 = arith.constant 0 : i32
    %dma_start3A_114 = tpu.memref_slice %arg7[%dma_start3A_111, %dma_start3A_112, %dma_start3A_113] : memref<2x480x64xf32, #tpu.memory_space<vmem>> -> memref<1x120x64xf32, #tpu.memory_space<vmem>>
    %dma_start3A_115 = tpu.memref_squeeze %dma_start3A_114 : memref<1x120x64xf32, #tpu.memory_space<vmem>> -> memref<120x64xf32, #tpu.memory_space<vmem>>
    %dma_start3A_116 = arith.constant 0 : i32
    %dma_start3A_117 = tpu.memref_slice %arg6[%dma_start3A, %dma_start3A_110, %dma_start3A_116] : memref<64x4x120xi32, #tpu.memory_space<vmem>> -> memref<1x1x120xi32, #tpu.memory_space<vmem>>
    %dma_start3A_118 = tpu.memref_squeeze %dma_start3A_117 : memref<1x1x120xi32, #tpu.memory_space<vmem>> -> memref<120xi32, #tpu.memory_space<vmem>>
    %dma_start3A_119 = arith.constant 0 : i32
    %dma_start3A_120 = arith.constant 0 : i32
    %dma_start3A_121 = tpu.memref_slice %arg3[%dma_start3A_119, %dma_start3A_120] : memref<100000x64xf32, #tpu.memory_space<hbm>> -> memref<100000x64xf32, #tpu.memory_space<hbm>>
    tpu.enqueue_indirect_dma source(%dma_start3A_121 : memref<100000x64xf32, #tpu.memory_space<hbm>>) target(%dma_start3A_115 : memref<120x64xf32, #tpu.memory_space<vmem>>) offsets(%dma_start3A_118 : memref<120xi32, #tpu.memory_space<vmem>>) semaphore(%arg10 : memref<!tpu.dma_semaphore, #tpu.memory_space<semaphore_mem>>)
    %dma_start3A_122 = arith.constant 0 : i32
    %dma_start3A_123 = arith.constant 1 : i32
    %dma_start3A_124 = arith.constant 0 : i32
    %dma_start3A_125 = arith.constant 120 : i32
    %dma_start3A_126 = arith.constant 0 : i32
    %dma_start3A_127 = tpu.memref_slice %arg7[%dma_start3A_124, %dma_start3A_125, %dma_start3A_126] : memref<2x480x64xf32, #tpu.memory_space<vmem>> -> memref<1x120x64xf32, #tpu.memory_space<vmem>>
    %dma_start3A_128 = tpu.memref_squeeze %dma_start3A_127 : memref<1x120x64xf32, #tpu.memory_space<vmem>> -> memref<120x64xf32, #tpu.memory_space<vmem>>
    %dma_start3A_129 = arith.constant 0 : i32
    %dma_start3A_130 = tpu.memref_slice %arg6[%dma_start3A_122, %dma_start3A_123, %dma_start3A_129] : memref<64x4x120xi32, #tpu.memory_space<vmem>> -> memref<1x1x120xi32, #tpu.memory_space<vmem>>
    %dma_start3A_131 = tpu.memref_squeeze %dma_start3A_130 : memref<1x1x120xi32, #tpu.memory_space<vmem>> -> memref<120xi32, #tpu.memory_space<vmem>>
    %dma_start3A_132 = arith.constant 0 : i32
    %dma_start3A_133 = arith.constant 0 : i32
    %dma_start3A_134 = tpu.memref_slice %arg3[%dma_start3A_132, %dma_start3A_133] : memref<100000x64xf32, #tpu.memory_space<hbm>> -> memref<100000x64xf32, #tpu.memory_space<hbm>>
    tpu.enqueue_indirect_dma source(%dma_start3A_134 : memref<100000x64xf32, #tpu.memory_space<hbm>>) target(%dma_start3A_128 : memref<120x64xf32, #tpu.memory_space<vmem>>) offsets(%dma_start3A_131 : memref<120xi32, #tpu.memory_space<vmem>>) semaphore(%arg10 : memref<!tpu.dma_semaphore, #tpu.memory_space<semaphore_mem>>)
    %dma_start3A_135 = arith.constant 0 : i32
    %dma_start3A_136 = arith.constant 2 : i32
    %dma_start3A_137 = arith.constant 0 : i32
    %dma_start3A_138 = arith.constant 240 : i32
    %dma_start3A_139 = arith.constant 0 : i32
    %dma_start3A_140 = tpu.memref_slice %arg7[%dma_start3A_137, %dma_start3A_138, %dma_start3A_139] : memref<2x480x64xf32, #tpu.memory_space<vmem>> -> memref<1x120x64xf32, #tpu.memory_space<vmem>>
    %dma_start3A_141 = tpu.memref_squeeze %dma_start3A_140 : memref<1x120x64xf32, #tpu.memory_space<vmem>> -> memref<120x64xf32, #tpu.memory_space<vmem>>
    %dma_start3A_142 = arith.constant 0 : i32
    %dma_start3A_143 = tpu.memref_slice %arg6[%dma_start3A_135, %dma_start3A_136, %dma_start3A_142] : memref<64x4x120xi32, #tpu.memory_space<vmem>> -> memref<1x1x120xi32, #tpu.memory_space<vmem>>
    %dma_start3A_144 = tpu.memref_squeeze %dma_start3A_143 : memref<1x1x120xi32, #tpu.memory_space<vmem>> -> memref<120xi32, #tpu.memory_space<vmem>>
    %dma_start3A_145 = arith.constant 0 : i32
    %dma_start3A_146 = arith.constant 0 : i32
    %dma_start3A_147 = tpu.memref_slice %arg3[%dma_start3A_145, %dma_start3A_146] : memref<100000x64xf32, #tpu.memory_space<hbm>> -> memref<100000x64xf32, #tpu.memory_space<hbm>>
    tpu.enqueue_indirect_dma source(%dma_start3A_147 : memref<100000x64xf32, #tpu.memory_space<hbm>>) target(%dma_start3A_141 : memref<120x64xf32, #tpu.memory_space<vmem>>) offsets(%dma_start3A_144 : memref<120xi32, #tpu.memory_space<vmem>>) semaphore(%arg10 : memref<!tpu.dma_semaphore, #tpu.memory_space<semaphore_mem>>)
    %dma_start3A_148 = arith.constant 0 : i32
    %dma_start3A_149 = arith.constant 3 : i32
    %dma_start3A_150 = arith.constant 0 : i32
    %dma_start3A_151 = arith.constant 360 : i32
    %dma_start3A_152 = arith.constant 0 : i32
    %dma_start3A_153 = tpu.memref_slice %arg7[%dma_start3A_150, %dma_start3A_151, %dma_start3A_152] : memref<2x480x64xf32, #tpu.memory_space<vmem>> -> memref<1x120x64xf32, #tpu.memory_space<vmem>>
    %dma_start3A_154 = tpu.memref_squeeze %dma_start3A_153 : memref<1x120x64xf32, #tpu.memory_space<vmem>> -> memref<120x64xf32, #tpu.memory_space<vmem>>
    %dma_start3A_155 = arith.constant 0 : i32
    %dma_start3A_156 = tpu.memref_slice %arg6[%dma_start3A_148, %dma_start3A_149, %dma_start3A_155] : memref<64x4x120xi32, #tpu.memory_space<vmem>> -> memref<1x1x120xi32, #tpu.memory_space<vmem>>
    %dma_start3A_157 = tpu.memref_squeeze %dma_start3A_156 : memref<1x1x120xi32, #tpu.memory_space<vmem>> -> memref<120xi32, #tpu.memory_space<vmem>>
    %dma_start3A_158 = arith.constant 0 : i32
    %dma_start3A_159 = arith.constant 0 : i32
    %dma_start3A_160 = tpu.memref_slice %arg3[%dma_start3A_158, %dma_start3A_159] : memref<100000x64xf32, #tpu.memory_space<hbm>> -> memref<100000x64xf32, #tpu.memory_space<hbm>>
    tpu.enqueue_indirect_dma source(%dma_start3A_160 : memref<100000x64xf32, #tpu.memory_space<hbm>>) target(%dma_start3A_154 : memref<120x64xf32, #tpu.memory_space<vmem>>) offsets(%dma_start3A_157 : memref<120xi32, #tpu.memory_space<vmem>>) semaphore(%arg10 : memref<!tpu.dma_semaphore, #tpu.memory_space<semaphore_mem>>)
    %scan3A = arith.constant 0 : i32
    %scan3A_161 = arith.constant 0 : i32
    %scan3A_162 = arith.constant 32 : i32
    %scan3A_163 = arith.addi %scan3A_161, %scan3A_162 : i32
    %scan3A_164 = arith.constant 1 : i32
    scf.for %scan3A_168 = %scan3A_161 to %scan3A_163 step %scan3A_164  : i32 {
      %mul3A_169 = arith.constant 2 : i32
      %mul3A_170 = arith.muli %scan3A_168, %mul3A_169 : i32
      %add3A_171 = arith.constant 0 : i32
      %add3A_172 = arith.addi %mul3A_170, %add3A_171 : i32
      %add3A_173 = arith.constant 1 : i32
      %add3A_174 = arith.addi %add3A_172, %add3A_173 : i32
      %lt3A = arith.constant 64 : i32
      %lt3A_175 = arith.cmpi slt, %add3A_174, %lt3A : i32
      %convert_element_type3A = arith.extui %lt3A_175 : i1 to i32
      %cond3A = arith.constant 0 : i32
      %cond3A_176 = arith.cmpi ne, %convert_element_type3A, %cond3A : i32
      scf.if %cond3A_176 {
        %add3A_3876 = arith.constant 1 : i32
        %add3A_3877 = arith.addi %add3A_172, %add3A_3876 : i32
        %dma_start3A_3878 = arith.constant 0 : i32
        %dma_start3A_3879 = arith.constant 1 : i32
        %dma_start3A_3880 = arith.constant 0 : i32
        %dma_start3A_3881 = arith.constant 0 : i32
        %dma_start3A_3882 = tpu.memref_slice %arg7[%dma_start3A_3879, %dma_start3A_3880, %dma_start3A_3881] : memref<2x480x64xf32, #tpu.memory_space<vmem>> -> memref<1x120x64xf32, #tpu.memory_space<vmem>>
        %dma_start3A_3883 = tpu.memref_squeeze %dma_start3A_3882 : memref<1x120x64xf32, #tpu.memory_space<vmem>> -> memref<120x64xf32, #tpu.memory_space<vmem>>
        %dma_start3A_3884 = arith.constant 0 : i32
        %dma_start3A_3885 = tpu.memref_slice %arg6[%add3A_3877, %dma_start3A_3878, %dma_start3A_3884] : memref<64x4x120xi32, #tpu.memory_space<vmem>> -> memref<1x1x120xi32, #tpu.memory_space<vmem>>
        %dma_start3A_3886 = tpu.memref_squeeze %dma_start3A_3885 : memref<1x1x120xi32, #tpu.memory_space<vmem>> -> memref<120xi32, #tpu.memory_space<vmem>>
        %dma_start3A_3887 = arith.constant 0 : i32
        %dma_start3A_3888 = arith.constant 0 : i32
        %dma_start3A_3889 = tpu.memref_slice %arg3[%dma_start3A_3887, %dma_start3A_3888] : memref<100000x64xf32, #tpu.memory_space<hbm>> -> memref<100000x64xf32, #tpu.memory_space<hbm>>
        tpu.enqueue_indirect_dma source(%dma_start3A_3889 : memref<100000x64xf32, #tpu.memory_space<hbm>>) target(%dma_start3A_3883 : memref<120x64xf32, #tpu.memory_space<vmem>>) offsets(%dma_start3A_3886 : memref<120xi32, #tpu.memory_space<vmem>>) semaphore(%arg11 : memref<!tpu.dma_semaphore, #tpu.memory_space<semaphore_mem>>)
        %dma_start3A_3890 = arith.constant 1 : i32
        %dma_start3A_3891 = arith.constant 1 : i32
        %dma_start3A_3892 = arith.constant 120 : i32
        %dma_start3A_3893 = arith.constant 0 : i32
        %dma_start3A_3894 = tpu.memref_slice %arg7[%dma_start3A_3891, %dma_start3A_3892, %dma_start3A_3893] : memref<2x480x64xf32, #tpu.memory_space<vmem>> -> memref<1x120x64xf32, #tpu.memory_space<vmem>>
        %dma_start3A_3895 = tpu.memref_squeeze %dma_start3A_3894 : memref<1x120x64xf32, #tpu.memory_space<vmem>> -> memref<120x64xf32, #tpu.memory_space<vmem>>
        %dma_start3A_3896 = arith.constant 0 : i32
        %dma_start3A_3897 = tpu.memref_slice %arg6[%add3A_3877, %dma_start3A_3890, %dma_start3A_3896] : memref<64x4x120xi32, #tpu.memory_space<vmem>> -> memref<1x1x120xi32, #tpu.memory_space<vmem>>
        %dma_start3A_3898 = tpu.memref_squeeze %dma_start3A_3897 : memref<1x1x120xi32, #tpu.memory_space<vmem>> -> memref<120xi32, #tpu.memory_space<vmem>>
        %dma_start3A_3899 = arith.constant 0 : i32
        %dma_start3A_3900 = arith.constant 0 : i32
        %dma_start3A_3901 = tpu.memref_slice %arg3[%dma_start3A_3899, %dma_start3A_3900] : memref<100000x64xf32, #tpu.memory_space<hbm>> -> memref<100000x64xf32, #tpu.memory_space<hbm>>
        tpu.enqueue_indirect_dma source(%dma_start3A_3901 : memref<100000x64xf32, #tpu.memory_space<hbm>>) target(%dma_start3A_3895 : memref<120x64xf32, #tpu.memory_space<vmem>>) offsets(%dma_start3A_3898 : memref<120xi32, #tpu.memory_space<vmem>>) semaphore(%arg11 : memref<!tpu.dma_semaphore, #tpu.memory_space<semaphore_mem>>)
        %dma_start3A_3902 = arith.constant 2 : i32
        %dma_start3A_3903 = arith.constant 1 : i32
        %dma_start3A_3904 = arith.constant 240 : i32
        %dma_start3A_3905 = arith.constant 0 : i32
        %dma_start3A_3906 = tpu.memref_slice %arg7[%dma_start3A_3903, %dma_start3A_3904, %dma_start3A_3905] : memref<2x480x64xf32, #tpu.memory_space<vmem>> -> memref<1x120x64xf32, #tpu.memory_space<vmem>>
        %dma_start3A_3907 = tpu.memref_squeeze %dma_start3A_3906 : memref<1x120x64xf32, #tpu.memory_space<vmem>> -> memref<120x64xf32, #tpu.memory_space<vmem>>
        %dma_start3A_3908 = arith.constant 0 : i32
        %dma_start3A_3909 = tpu.memref_slice %arg6[%add3A_3877, %dma_start3A_3902, %dma_start3A_3908] : memref<64x4x120xi32, #tpu.memory_space<vmem>> -> memref<1x1x120xi32, #tpu.memory_space<vmem>>
        %dma_start3A_3910 = tpu.memref_squeeze %dma_start3A_3909 : memref<1x1x120xi32, #tpu.memory_space<vmem>> -> memref<120xi32, #tpu.memory_space<vmem>>
        %dma_start3A_3911 = arith.constant 0 : i32
        %dma_start3A_3912 = arith.constant 0 : i32
        %dma_start3A_3913 = tpu.memref_slice %arg3[%dma_start3A_3911, %dma_start3A_3912] : memref<100000x64xf32, #tpu.memory_space<hbm>> -> memref<100000x64xf32, #tpu.memory_space<hbm>>
        tpu.enqueue_indirect_dma source(%dma_start3A_3913 : memref<100000x64xf32, #tpu.memory_space<hbm>>) target(%dma_start3A_3907 : memref<120x64xf32, #tpu.memory_space<vmem>>) offsets(%dma_start3A_3910 : memref<120xi32, #tpu.memory_space<vmem>>) semaphore(%arg11 : memref<!tpu.dma_semaphore, #tpu.memory_space<semaphore_mem>>)
        %dma_start3A_3914 = arith.constant 3 : i32
        %dma_start3A_3915 = arith.constant 1 : i32
        %dma_start3A_3916 = arith.constant 360 : i32
        %dma_start3A_3917 = arith.constant 0 : i32
        %dma_start3A_3918 = tpu.memref_slice %arg7[%dma_start3A_3915, %dma_start3A_3916, %dma_start3A_3917] : memref<2x480x64xf32, #tpu.memory_space<vmem>> -> memref<1x120x64xf32, #tpu.memory_space<vmem>>
        %dma_start3A_3919 = tpu.memref_squeeze %dma_start3A_3918 : memref<1x120x64xf32, #tpu.memory_space<vmem>> -> memref<120x64xf32, #tpu.memory_space<vmem>>
        %dma_start3A_3920 = arith.constant 0 : i32
        %dma_start3A_3921 = tpu.memref_slice %arg6[%add3A_3877, %dma_start3A_3914, %dma_start3A_3920] : memref<64x4x120xi32, #tpu.memory_space<vmem>> -> memref<1x1x120xi32, #tpu.memory_space<vmem>>
        %dma_start3A_3922 = tpu.memref_squeeze %dma_start3A_3921 : memref<1x1x120xi32, #tpu.memory_space<vmem>> -> memref<120xi32, #tpu.memory_space<vmem>>
        %dma_start3A_3923 = arith.constant 0 : i32
        %dma_start3A_3924 = arith.constant 0 : i32
        %dma_start3A_3925 = tpu.memref_slice %arg3[%dma_start3A_3923, %dma_start3A_3924] : memref<100000x64xf32, #tpu.memory_space<hbm>> -> memref<100000x64xf32, #tpu.memory_space<hbm>>
        tpu.enqueue_indirect_dma source(%dma_start3A_3925 : memref<100000x64xf32, #tpu.memory_space<hbm>>) target(%dma_start3A_3919 : memref<120x64xf32, #tpu.memory_space<vmem>>) offsets(%dma_start3A_3922 : memref<120xi32, #tpu.memory_space<vmem>>) semaphore(%arg11 : memref<!tpu.dma_semaphore, #tpu.memory_space<semaphore_mem>>)
      } else {
      }
      %dma_wait3A = arith.constant 0 : i32
      %dma_wait3A_177 = arith.constant 0 : i32
      %dma_wait3A_178 = arith.constant 0 : i32
      %dma_wait3A_179 = arith.constant 0 : i32
      %dma_wait3A_180 = tpu.memref_slice %arg7[%dma_wait3A_177, %dma_wait3A_178, %dma_wait3A_179] : memref<2x480x64xf32, #tpu.memory_space<vmem>> -> memref<1x120x64xf32, #tpu.memory_space<vmem>>
      %dma_wait3A_181 = tpu.memref_squeeze %dma_wait3A_180 : memref<1x120x64xf32, #tpu.memory_space<vmem>> -> memref<120x64xf32, #tpu.memory_space<vmem>>
      %dma_wait3A_182 = arith.constant 0 : i32
      %dma_wait3A_183 = tpu.memref_slice %arg6[%add3A_172, %dma_wait3A, %dma_wait3A_182] : memref<64x4x120xi32, #tpu.memory_space<vmem>> -> memref<1x1x120xi32, #tpu.memory_space<vmem>>
      %dma_wait3A_184 = tpu.memref_squeeze %dma_wait3A_183 : memref<1x1x120xi32, #tpu.memory_space<vmem>> -> memref<120xi32, #tpu.memory_space<vmem>>
      %dma_wait3A_185 = arith.constant 0 : i32
      %dma_wait3A_186 = arith.constant 0 : i32
      %dma_wait3A_187 = tpu.memref_slice %arg3[%dma_wait3A_185, %dma_wait3A_186] : memref<100000x64xf32, #tpu.memory_space<hbm>> -> memref<100000x64xf32, #tpu.memory_space<hbm>>
      tpu.wait_indirect_dma semaphore(%arg10 : memref<!tpu.dma_semaphore, #tpu.memory_space<semaphore_mem>>) src(%dma_wait3A_187 : memref<100000x64xf32, #tpu.memory_space<hbm>>) dst(%dma_wait3A_181 : memref<120x64xf32, #tpu.memory_space<vmem>>)
      %dma_wait3A_188 = arith.constant 1 : i32
      %dma_wait3A_189 = arith.constant 0 : i32
      %dma_wait3A_190 = arith.constant 120 : i32
      %dma_wait3A_191 = arith.constant 0 : i32
      %dma_wait3A_192 = tpu.memref_slice %arg7[%dma_wait3A_189, %dma_wait3A_190, %dma_wait3A_191] : memref<2x480x64xf32, #tpu.memory_space<vmem>> -> memref<1x120x64xf32, #tpu.memory_space<vmem>>
      %dma_wait3A_193 = tpu.memref_squeeze %dma_wait3A_192 : memref<1x120x64xf32, #tpu.memory_space<vmem>> -> memref<120x64xf32, #tpu.memory_space<vmem>>
      %dma_wait3A_194 = arith.constant 0 : i32
      %dma_wait3A_195 = tpu.memref_slice %arg6[%add3A_172, %dma_wait3A_188, %dma_wait3A_194] : memref<64x4x120xi32, #tpu.memory_space<vmem>> -> memref<1x1x120xi32, #tpu.memory_space<vmem>>
      %dma_wait3A_196 = tpu.memref_squeeze %dma_wait3A_195 : memref<1x1x120xi32, #tpu.memory_space<vmem>> -> memref<120xi32, #tpu.memory_space<vmem>>
      %dma_wait3A_197 = arith.constant 0 : i32
      %dma_wait3A_198 = arith.constant 0 : i32
      %dma_wait3A_199 = tpu.memref_slice %arg3[%dma_wait3A_197, %dma_wait3A_198] : memref<100000x64xf32, #tpu.memory_space<hbm>> -> memref<100000x64xf32, #tpu.memory_space<hbm>>
      tpu.wait_indirect_dma semaphore(%arg10 : memref<!tpu.dma_semaphore, #tpu.memory_space<semaphore_mem>>) src(%dma_wait3A_199 : memref<100000x64xf32, #tpu.memory_space<hbm>>) dst(%dma_wait3A_193 : memref<120x64xf32, #tpu.memory_space<vmem>>)
      %dma_wait3A_200 = arith.constant 2 : i32
      %dma_wait3A_201 = arith.constant 0 : i32
      %dma_wait3A_202 = arith.constant 240 : i32
      %dma_wait3A_203 = arith.constant 0 : i32
      %dma_wait3A_204 = tpu.memref_slice %arg7[%dma_wait3A_201, %dma_wait3A_202, %dma_wait3A_203] : memref<2x480x64xf32, #tpu.memory_space<vmem>> -> memref<1x120x64xf32, #tpu.memory_space<vmem>>
      %dma_wait3A_205 = tpu.memref_squeeze %dma_wait3A_204 : memref<1x120x64xf32, #tpu.memory_space<vmem>> -> memref<120x64xf32, #tpu.memory_space<vmem>>
      %dma_wait3A_206 = arith.constant 0 : i32
      %dma_wait3A_207 = tpu.memref_slice %arg6[%add3A_172, %dma_wait3A_200, %dma_wait3A_206] : memref<64x4x120xi32, #tpu.memory_space<vmem>> -> memref<1x1x120xi32, #tpu.memory_space<vmem>>
      %dma_wait3A_208 = tpu.memref_squeeze %dma_wait3A_207 : memref<1x1x120xi32, #tpu.memory_space<vmem>> -> memref<120xi32, #tpu.memory_space<vmem>>
      %dma_wait3A_209 = arith.constant 0 : i32
      %dma_wait3A_210 = arith.constant 0 : i32
      %dma_wait3A_211 = tpu.memref_slice %arg3[%dma_wait3A_209, %dma_wait3A_210] : memref<100000x64xf32, #tpu.memory_space<hbm>> -> memref<100000x64xf32, #tpu.memory_space<hbm>>
      tpu.wait_indirect_dma semaphore(%arg10 : memref<!tpu.dma_semaphore, #tpu.memory_space<semaphore_mem>>) src(%dma_wait3A_211 : memref<100000x64xf32, #tpu.memory_space<hbm>>) dst(%dma_wait3A_205 : memref<120x64xf32, #tpu.memory_space<vmem>>)
      %dma_wait3A_212 = arith.constant 3 : i32
      %dma_wait3A_213 = arith.constant 0 : i32
      %dma_wait3A_214 = arith.constant 360 : i32
      %dma_wait3A_215 = arith.constant 0 : i32
      %dma_wait3A_216 = tpu.memref_slice %arg7[%dma_wait3A_213, %dma_wait3A_214, %dma_wait3A_215] : memref<2x480x64xf32, #tpu.memory_space<vmem>> -> memref<1x120x64xf32, #tpu.memory_space<vmem>>
      %dma_wait3A_217 = tpu.memref_squeeze %dma_wait3A_216 : memref<1x120x64xf32, #tpu.memory_space<vmem>> -> memref<120x64xf32, #tpu.memory_space<vmem>>
      %dma_wait3A_218 = arith.constant 0 : i32
      %dma_wait3A_219 = tpu.memref_slice %arg6[%add3A_172, %dma_wait3A_212, %dma_wait3A_218] : memref<64x4x120xi32, #tpu.memory_space<vmem>> -> memref<1x1x120xi32, #tpu.memory_space<vmem>>
      %dma_wait3A_220 = tpu.memref_squeeze %dma_wait3A_219 : memref<1x1x120xi32, #tpu.memory_space<vmem>> -> memref<120xi32, #tpu.memory_space<vmem>>
      %dma_wait3A_221 = arith.constant 0 : i32
      %dma_wait3A_222 = arith.constant 0 : i32
      %dma_wait3A_223 = tpu.memref_slice %arg3[%dma_wait3A_221, %dma_wait3A_222] : memref<100000x64xf32, #tpu.memory_space<hbm>> -> memref<100000x64xf32, #tpu.memory_space<hbm>>
      tpu.wait_indirect_dma semaphore(%arg10 : memref<!tpu.dma_semaphore, #tpu.memory_space<semaphore_mem>>) src(%dma_wait3A_223 : memref<100000x64xf32, #tpu.memory_space<hbm>>) dst(%dma_wait3A_217 : memref<120x64xf32, #tpu.memory_space<vmem>>)
      %broadcast_in_dim3A = arith.constant 0.000000e+00 : f32
      %broadcast_in_dim3A_224 = vector.broadcast %broadcast_in_dim3A : f32 to vector<16xf32>
      %scan3A_225 = arith.constant 0 : i32
      %scan3A_226 = arith.constant 60 : i32
      %scan3A_227 = arith.addi %scan3A_225, %scan3A_226 : i32
      %scan3A_228 = arith.constant 2 : i32
      %scan3A_229:32 = scf.for %scan3A_3876 = %scan3A_225 to %scan3A_227 step %scan3A_228 iter_args(%scan3A_3877 = %broadcast_in_dim3A_224, %scan3A_3878 = %broadcast_in_dim3A_224, %scan3A_3879 = %broadcast_in_dim3A_224, %scan3A_3880 = %broadcast_in_dim3A_224, %scan3A_3881 = %broadcast_in_dim3A_224, %scan3A_3882 = %broadcast_in_dim3A_224, %scan3A_3883 = %broadcast_in_dim3A_224, %scan3A_3884 = %broadcast_in_dim3A_224, %scan3A_3885 = %broadcast_in_dim3A_224, %scan3A_3886 = %broadcast_in_dim3A_224, %scan3A_3887 = %broadcast_in_dim3A_224, %scan3A_3888 = %broadcast_in_dim3A_224, %scan3A_3889 = %broadcast_in_dim3A_224, %scan3A_3890 = %broadcast_in_dim3A_224, %scan3A_3891 = %broadcast_in_dim3A_224, %scan3A_3892 = %broadcast_in_dim3A_224, %scan3A_3893 = %broadcast_in_dim3A_224, %scan3A_3894 = %broadcast_in_dim3A_224, %scan3A_3895 = %broadcast_in_dim3A_224, %scan3A_3896 = %broadcast_in_dim3A_224, %scan3A_3897 = %broadcast_in_dim3A_224, %scan3A_3898 = %broadcast_in_dim3A_224, %scan3A_3899 = %broadcast_in_dim3A_224, %scan3A_3900 = %broadcast_in_dim3A_224, %scan3A_3901 = %broadcast_in_dim3A_224, %scan3A_3902 = %broadcast_in_dim3A_224, %scan3A_3903 = %broadcast_in_dim3A_224, %scan3A_3904 = %broadcast_in_dim3A_224, %scan3A_3905 = %broadcast_in_dim3A_224, %scan3A_3906 = %broadcast_in_dim3A_224, %scan3A_3907 = %broadcast_in_dim3A_224, %scan3A_3908 = %broadcast_in_dim3A_224) -> (vector<16xf32>, vector<16xf32>, vector<16xf32>, vector<16xf32>, vector<16xf32>, vector<16xf32>, vector<16xf32>, vector<16xf32>, vector<16xf32>, vector<16xf32>, vector<16xf32>, vector<16xf32>, vector<16xf32>, vector<16xf32>, vector<16xf32>, vector<16xf32>, vector<16xf32>, vector<16xf32>, vector<16xf32>, vector<16xf32>, vector<16xf32>, vector<16xf32>, vector<16xf32>, vector<16xf32>, vector<16xf32>, vector<16xf32>, vector<16xf32>, vector<16xf32>, vector<16xf32>, vector<16xf32>, vector<16xf32>, vector<16xf32>)  : i32 {
        %add3A_3909 = arith.constant 0 : i32
        %add3A_3910 = arith.addi %add3A_3909, %scan3A_3876 : i32
        %get3A_3911 = arith.constant 0 : i32
        %get3A_3912 = arith.index_cast %get3A_3911 : i32 to index
        %get3A_3913 = arith.index_cast %add3A_3910 : i32 to index
        %get3A_3914 = arith.constant 0 : index
        %get3A_3915 = tpu.vector_load %arg7[%get3A_3912, %get3A_3913, %get3A_3914] {strides = array<i32>} : memref<2x480x64xf32, #tpu.memory_space<vmem>>, vector<1x1x16xf32>,
        %get3A_3916 = vector.shape_cast %get3A_3915 : vector<1x1x16xf32> to vector<16xf32>
        %add3A_3917 = arith.addf %scan3A_3877, %get3A_3916 : vector<16xf32>
        %get3A_3918 = arith.constant 0 : i32
        %get3A_3919 = arith.index_cast %get3A_3918 : i32 to index
        %get3A_3920 = arith.index_cast %add3A_3910 : i32 to index
        %get3A_3921 = arith.constant 16 : index
        %get3A_3922 = tpu.vector_load %arg7[%get3A_3919, %get3A_3920, %get3A_3921] {strides = array<i32>} : memref<2x480x64xf32, #tpu.memory_space<vmem>>, vector<1x1x16xf32>,
        %get3A_3923 = vector.shape_cast %get3A_3922 : vector<1x1x16xf32> to vector<16xf32>
        %add3A_3924 = arith.addf %scan3A_3878, %get3A_3923 : vector<16xf32>
        %get3A_3925 = arith.constant 0 : i32
        %get3A_3926 = arith.index_cast %get3A_3925 : i32 to index
        %get3A_3927 = arith.index_cast %add3A_3910 : i32 to index
        %get3A_3928 = arith.constant 32 : index
        %get3A_3929 = tpu.vector_load %arg7[%get3A_3926, %get3A_3927, %get3A_3928] {strides = array<i32>} : memref<2x480x64xf32, #tpu.memory_space<vmem>>, vector<1x1x16xf32>,
        %get3A_3930 = vector.shape_cast %get3A_3929 : vector<1x1x16xf32> to vector<16xf32>
        %add3A_3931 = arith.addf %scan3A_3879, %get3A_3930 : vector<16xf32>
        %get3A_3932 = arith.constant 0 : i32
        %get3A_3933 = arith.index_cast %get3A_3932 : i32 to index
        %get3A_3934 = arith.index_cast %add3A_3910 : i32 to index
        %get3A_3935 = arith.constant 48 : index
        %get3A_3936 = tpu.vector_load %arg7[%get3A_3933, %get3A_3934, %get3A_3935] {strides = array<i32>} : memref<2x480x64xf32, #tpu.memory_space<vmem>>, vector<1x1x16xf32>,
        %get3A_3937 = vector.shape_cast %get3A_3936 : vector<1x1x16xf32> to vector<16xf32>
        %add3A_3938 = arith.addf %scan3A_3880, %get3A_3937 : vector<16xf32>
        %add3A_3939 = arith.constant 60 : i32
        %add3A_3940 = arith.addi %add3A_3939, %scan3A_3876 : i32
        %get3A_3941 = arith.constant 0 : i32
        %get3A_3942 = arith.index_cast %get3A_3941 : i32 to index
        %get3A_3943 = arith.index_cast %add3A_3940 : i32 to index
        %get3A_3944 = arith.constant 0 : index
        %get3A_3945 = tpu.vector_load %arg7[%get3A_3942, %get3A_3943, %get3A_3944] {strides = array<i32>} : memref<2x480x64xf32, #tpu.memory_space<vmem>>, vector<1x1x16xf32>,
        %get3A_3946 = vector.shape_cast %get3A_3945 : vector<1x1x16xf32> to vector<16xf32>
        %add3A_3947 = arith.addf %scan3A_3881, %get3A_3946 : vector<16xf32>
        %get3A_3948 = arith.constant 0 : i32
        %get3A_3949 = arith.index_cast %get3A_3948 : i32 to index
        %get3A_3950 = arith.index_cast %add3A_3940 : i32 to index
        %get3A_3951 = arith.constant 16 : index
        %get3A_3952 = tpu.vector_load %arg7[%get3A_3949, %get3A_3950, %get3A_3951] {strides = array<i32>} : memref<2x480x64xf32, #tpu.memory_space<vmem>>, vector<1x1x16xf32>,
        %get3A_3953 = vector.shape_cast %get3A_3952 : vector<1x1x16xf32> to vector<16xf32>
        %add3A_3954 = arith.addf %scan3A_3882, %get3A_3953 : vector<16xf32>
        %get3A_3955 = arith.constant 0 : i32
        %get3A_3956 = arith.index_cast %get3A_3955 : i32 to index
        %get3A_3957 = arith.index_cast %add3A_3940 : i32 to index
        %get3A_3958 = arith.constant 32 : index
        %get3A_3959 = tpu.vector_load %arg7[%get3A_3956, %get3A_3957, %get3A_3958] {strides = array<i32>} : memref<2x480x64xf32, #tpu.memory_space<vmem>>, vector<1x1x16xf32>,
        %get3A_3960 = vector.shape_cast %get3A_3959 : vector<1x1x16xf32> to vector<16xf32>
        %add3A_3961 = arith.addf %scan3A_3883, %get3A_3960 : vector<16xf32>
        %get3A_3962 = arith.constant 0 : i32
        %get3A_3963 = arith.index_cast %get3A_3962 : i32 to index
        %get3A_3964 = arith.index_cast %add3A_3940 : i32 to index
        %get3A_3965 = arith.constant 48 : index
        %get3A_3966 = tpu.vector_load %arg7[%get3A_3963, %get3A_3964, %get3A_3965] {strides = array<i32>} : memref<2x480x64xf32, #tpu.memory_space<vmem>>, vector<1x1x16xf32>,
        %get3A_3967 = vector.shape_cast %get3A_3966 : vector<1x1x16xf32> to vector<16xf32>
        %add3A_3968 = arith.addf %scan3A_3884, %get3A_3967 : vector<16xf32>
        %add3A_3969 = arith.constant 120 : i32
        %add3A_3970 = arith.addi %add3A_3969, %scan3A_3876 : i32
        %get3A_3971 = arith.constant 0 : i32
        %get3A_3972 = arith.index_cast %get3A_3971 : i32 to index
        %get3A_3973 = arith.index_cast %add3A_3970 : i32 to index
        %get3A_3974 = arith.constant 0 : index
        %get3A_3975 = tpu.vector_load %arg7[%get3A_3972, %get3A_3973, %get3A_3974] {strides = array<i32>} : memref<2x480x64xf32, #tpu.memory_space<vmem>>, vector<1x1x16xf32>,
        %get3A_3976 = vector.shape_cast %get3A_3975 : vector<1x1x16xf32> to vector<16xf32>
        %add3A_3977 = arith.addf %scan3A_3885, %get3A_3976 : vector<16xf32>
        %get3A_3978 = arith.constant 0 : i32
        %get3A_3979 = arith.index_cast %get3A_3978 : i32 to index
        %get3A_3980 = arith.index_cast %add3A_3970 : i32 to index
        %get3A_3981 = arith.constant 16 : index
        %get3A_3982 = tpu.vector_load %arg7[%get3A_3979, %get3A_3980, %get3A_3981] {strides = array<i32>} : memref<2x480x64xf32, #tpu.memory_space<vmem>>, vector<1x1x16xf32>,
        %get3A_3983 = vector.shape_cast %get3A_3982 : vector<1x1x16xf32> to vector<16xf32>
        %add3A_3984 = arith.addf %scan3A_3886, %get3A_3983 : vector<16xf32>
        %get3A_3985 = arith.constant 0 : i32
        %get3A_3986 = arith.index_cast %get3A_3985 : i32 to index
        %get3A_3987 = arith.index_cast %add3A_3970 : i32 to index
        %get3A_3988 = arith.constant 32 : index
        %get3A_3989 = tpu.vector_load %arg7[%get3A_3986, %get3A_3987, %get3A_3988] {strides = array<i32>} : memref<2x480x64xf32, #tpu.memory_space<vmem>>, vector<1x1x16xf32>,
        %get3A_3990 = vector.shape_cast %get3A_3989 : vector<1x1x16xf32> to vector<16xf32>
        %add3A_3991 = arith.addf %scan3A_3887, %get3A_3990 : vector<16xf32>
        %get3A_3992 = arith.constant 0 : i32
        %get3A_3993 = arith.index_cast %get3A_3992 : i32 to index
        %get3A_3994 = arith.index_cast %add3A_3970 : i32 to index
        %get3A_3995 = arith.constant 48 : index
        %get3A_3996 = tpu.vector_load %arg7[%get3A_3993, %get3A_3994, %get3A_3995] {strides = array<i32>} : memref<2x480x64xf32, #tpu.memory_space<vmem>>, vector<1x1x16xf32>,
        %get3A_3997 = vector.shape_cast %get3A_3996 : vector<1x1x16xf32> to vector<16xf32>
        %add3A_3998 = arith.addf %scan3A_3888, %get3A_3997 : vector<16xf32>
        %add3A_3999 = arith.constant 180 : i32
        %add3A_4000 = arith.addi %add3A_3999, %scan3A_3876 : i32
        %get3A_4001 = arith.constant 0 : i32
        %get3A_4002 = arith.index_cast %get3A_4001 : i32 to index
        %get3A_4003 = arith.index_cast %add3A_4000 : i32 to index
        %get3A_4004 = arith.constant 0 : index
        %get3A_4005 = tpu.vector_load %arg7[%get3A_4002, %get3A_4003, %get3A_4004] {strides = array<i32>} : memref<2x480x64xf32, #tpu.memory_space<vmem>>, vector<1x1x16xf32>,
        %get3A_4006 = vector.shape_cast %get3A_4005 : vector<1x1x16xf32> to vector<16xf32>
        %add3A_4007 = arith.addf %scan3A_3889, %get3A_4006 : vector<16xf32>
        %get3A_4008 = arith.constant 0 : i32
        %get3A_4009 = arith.index_cast %get3A_4008 : i32 to index
        %get3A_4010 = arith.index_cast %add3A_4000 : i32 to index
        %get3A_4011 = arith.constant 16 : index
        %get3A_4012 = tpu.vector_load %arg7[%get3A_4009, %get3A_4010, %get3A_4011] {strides = array<i32>} : memref<2x480x64xf32, #tpu.memory_space<vmem>>, vector<1x1x16xf32>,
        %get3A_4013 = vector.shape_cast %get3A_4012 : vector<1x1x16xf32> to vector<16xf32>
        %add3A_4014 = arith.addf %scan3A_3890, %get3A_4013 : vector<16xf32>
        %get3A_4015 = arith.constant 0 : i32
        %get3A_4016 = arith.index_cast %get3A_4015 : i32 to index
        %get3A_4017 = arith.index_cast %add3A_4000 : i32 to index
        %get3A_4018 = arith.constant 32 : index
        %get3A_4019 = tpu.vector_load %arg7[%get3A_4016, %get3A_4017, %get3A_4018] {strides = array<i32>} : memref<2x480x64xf32, #tpu.memory_space<vmem>>, vector<1x1x16xf32>,
        %get3A_4020 = vector.shape_cast %get3A_4019 : vector<1x1x16xf32> to vector<16xf32>
        %add3A_4021 = arith.addf %scan3A_3891, %get3A_4020 : vector<16xf32>
        %get3A_4022 = arith.constant 0 : i32
        %get3A_4023 = arith.index_cast %get3A_4022 : i32 to index
        %get3A_4024 = arith.index_cast %add3A_4000 : i32 to index
        %get3A_4025 = arith.constant 48 : index
        %get3A_4026 = tpu.vector_load %arg7[%get3A_4023, %get3A_4024, %get3A_4025] {strides = array<i32>} : memref<2x480x64xf32, #tpu.memory_space<vmem>>, vector<1x1x16xf32>,
        %get3A_4027 = vector.shape_cast %get3A_4026 : vector<1x1x16xf32> to vector<16xf32>
        %add3A_4028 = arith.addf %scan3A_3892, %get3A_4027 : vector<16xf32>
        %add3A_4029 = arith.constant 240 : i32
        %add3A_4030 = arith.addi %add3A_4029, %scan3A_3876 : i32
        %get3A_4031 = arith.constant 0 : i32
        %get3A_4032 = arith.index_cast %get3A_4031 : i32 to index
        %get3A_4033 = arith.index_cast %add3A_4030 : i32 to index
        %get3A_4034 = arith.constant 0 : index
        %get3A_4035 = tpu.vector_load %arg7[%get3A_4032, %get3A_4033, %get3A_4034] {strides = array<i32>} : memref<2x480x64xf32, #tpu.memory_space<vmem>>, vector<1x1x16xf32>,
        %get3A_4036 = vector.shape_cast %get3A_4035 : vector<1x1x16xf32> to vector<16xf32>
        %add3A_4037 = arith.addf %scan3A_3893, %get3A_4036 : vector<16xf32>
        %get3A_4038 = arith.constant 0 : i32
        %get3A_4039 = arith.index_cast %get3A_4038 : i32 to index
        %get3A_4040 = arith.index_cast %add3A_4030 : i32 to index
        %get3A_4041 = arith.constant 16 : index
        %get3A_4042 = tpu.vector_load %arg7[%get3A_4039, %get3A_4040, %get3A_4041] {strides = array<i32>} : memref<2x480x64xf32, #tpu.memory_space<vmem>>, vector<1x1x16xf32>,
        %get3A_4043 = vector.shape_cast %get3A_4042 : vector<1x1x16xf32> to vector<16xf32>
        %add3A_4044 = arith.addf %scan3A_3894, %get3A_4043 : vector<16xf32>
        %get3A_4045 = arith.constant 0 : i32
        %get3A_4046 = arith.index_cast %get3A_4045 : i32 to index
        %get3A_4047 = arith.index_cast %add3A_4030 : i32 to index
        %get3A_4048 = arith.constant 32 : index
        %get3A_4049 = tpu.vector_load %arg7[%get3A_4046, %get3A_4047, %get3A_4048] {strides = array<i32>} : memref<2x480x64xf32, #tpu.memory_space<vmem>>, vector<1x1x16xf32>,
        %get3A_4050 = vector.shape_cast %get3A_4049 : vector<1x1x16xf32> to vector<16xf32>
        %add3A_4051 = arith.addf %scan3A_3895, %get3A_4050 : vector<16xf32>
        %get3A_4052 = arith.constant 0 : i32
        %get3A_4053 = arith.index_cast %get3A_4052 : i32 to index
        %get3A_4054 = arith.index_cast %add3A_4030 : i32 to index
        %get3A_4055 = arith.constant 48 : index
        %get3A_4056 = tpu.vector_load %arg7[%get3A_4053, %get3A_4054, %get3A_4055] {strides = array<i32>} : memref<2x480x64xf32, #tpu.memory_space<vmem>>, vector<1x1x16xf32>,
        %get3A_4057 = vector.shape_cast %get3A_4056 : vector<1x1x16xf32> to vector<16xf32>
        %add3A_4058 = arith.addf %scan3A_3896, %get3A_4057 : vector<16xf32>
        %add3A_4059 = arith.constant 300 : i32
        %add3A_4060 = arith.addi %add3A_4059, %scan3A_3876 : i32
        %get3A_4061 = arith.constant 0 : i32
        %get3A_4062 = arith.index_cast %get3A_4061 : i32 to index
        %get3A_4063 = arith.index_cast %add3A_4060 : i32 to index
        %get3A_4064 = arith.constant 0 : index
        %get3A_4065 = tpu.vector_load %arg7[%get3A_4062, %get3A_4063, %get3A_4064] {strides = array<i32>} : memref<2x480x64xf32, #tpu.memory_space<vmem>>, vector<1x1x16xf32>,
        %get3A_4066 = vector.shape_cast %get3A_4065 : vector<1x1x16xf32> to vector<16xf32>
        %add3A_4067 = arith.addf %scan3A_3897, %get3A_4066 : vector<16xf32>
        %get3A_4068 = arith.constant 0 : i32
        %get3A_4069 = arith.index_cast %get3A_4068 : i32 to index
        %get3A_4070 = arith.index_cast %add3A_4060 : i32 to index
        %get3A_4071 = arith.constant 16 : index
        %get3A_4072 = tpu.vector_load %arg7[%get3A_4069, %get3A_4070, %get3A_4071] {strides = array<i32>} : memref<2x480x64xf32, #tpu.memory_space<vmem>>, vector<1x1x16xf32>,
        %get3A_4073 = vector.shape_cast %get3A_4072 : vector<1x1x16xf32> to vector<16xf32>
        %add3A_4074 = arith.addf %scan3A_3898, %get3A_4073 : vector<16xf32>
        %get3A_4075 = arith.constant 0 : i32
        %get3A_4076 = arith.index_cast %get3A_4075 : i32 to index
        %get3A_4077 = arith.index_cast %add3A_4060 : i32 to index
        %get3A_4078 = arith.constant 32 : index
        %get3A_4079 = tpu.vector_load %arg7[%get3A_4076, %get3A_4077, %get3A_4078] {strides = array<i32>} : memref<2x480x64xf32, #tpu.memory_space<vmem>>, vector<1x1x16xf32>,
        %get3A_4080 = vector.shape_cast %get3A_4079 : vector<1x1x16xf32> to vector<16xf32>
        %add3A_4081 = arith.addf %scan3A_3899, %get3A_4080 : vector<16xf32>
        %get3A_4082 = arith.constant 0 : i32
        %get3A_4083 = arith.index_cast %get3A_4082 : i32 to index
        %get3A_4084 = arith.index_cast %add3A_4060 : i32 to index
        %get3A_4085 = arith.constant 48 : index
        %get3A_4086 = tpu.vector_load %arg7[%get3A_4083, %get3A_4084, %get3A_4085] {strides = array<i32>} : memref<2x480x64xf32, #tpu.memory_space<vmem>>, vector<1x1x16xf32>,
        %get3A_4087 = vector.shape_cast %get3A_4086 : vector<1x1x16xf32> to vector<16xf32>
        %add3A_4088 = arith.addf %scan3A_3900, %get3A_4087 : vector<16xf32>
        %add3A_4089 = arith.constant 360 : i32
        %add3A_4090 = arith.addi %add3A_4089, %scan3A_3876 : i32
        %get3A_4091 = arith.constant 0 : i32
        %get3A_4092 = arith.index_cast %get3A_4091 : i32 to index
        %get3A_4093 = arith.index_cast %add3A_4090 : i32 to index
        %get3A_4094 = arith.constant 0 : index
        %get3A_4095 = tpu.vector_load %arg7[%get3A_4092, %get3A_4093, %get3A_4094] {strides = array<i32>} : memref<2x480x64xf32, #tpu.memory_space<vmem>>, vector<1x1x16xf32>,
        %get3A_4096 = vector.shape_cast %get3A_4095 : vector<1x1x16xf32> to vector<16xf32>
        %add3A_4097 = arith.addf %scan3A_3901, %get3A_4096 : vector<16xf32>
        %get3A_4098 = arith.constant 0 : i32
        %get3A_4099 = arith.index_cast %get3A_4098 : i32 to index
        %get3A_4100 = arith.index_cast %add3A_4090 : i32 to index
        %get3A_4101 = arith.constant 16 : index
        %get3A_4102 = tpu.vector_load %arg7[%get3A_4099, %get3A_4100, %get3A_4101] {strides = array<i32>} : memref<2x480x64xf32, #tpu.memory_space<vmem>>, vector<1x1x16xf32>,
        %get3A_4103 = vector.shape_cast %get3A_4102 : vector<1x1x16xf32> to vector<16xf32>
        %add3A_4104 = arith.addf %scan3A_3902, %get3A_4103 : vector<16xf32>
        %get3A_4105 = arith.constant 0 : i32
        %get3A_4106 = arith.index_cast %get3A_4105 : i32 to index
        %get3A_4107 = arith.index_cast %add3A_4090 : i32 to index
        %get3A_4108 = arith.constant 32 : index
        %get3A_4109 = tpu.vector_load %arg7[%get3A_4106, %get3A_4107, %get3A_4108] {strides = array<i32>} : memref<2x480x64xf32, #tpu.memory_space<vmem>>, vector<1x1x16xf32>,
        %get3A_4110 = vector.shape_cast %get3A_4109 : vector<1x1x16xf32> to vector<16xf32>
        %add3A_4111 = arith.addf %scan3A_3903, %get3A_4110 : vector<16xf32>
        %get3A_4112 = arith.constant 0 : i32
        %get3A_4113 = arith.index_cast %get3A_4112 : i32 to index
        %get3A_4114 = arith.index_cast %add3A_4090 : i32 to index
        %get3A_4115 = arith.constant 48 : index
        %get3A_4116 = tpu.vector_load %arg7[%get3A_4113, %get3A_4114, %get3A_4115] {strides = array<i32>} : memref<2x480x64xf32, #tpu.memory_space<vmem>>, vector<1x1x16xf32>,
        %get3A_4117 = vector.shape_cast %get3A_4116 : vector<1x1x16xf32> to vector<16xf32>
        %add3A_4118 = arith.addf %scan3A_3904, %get3A_4117 : vector<16xf32>
        %add3A_4119 = arith.constant 420 : i32
        %add3A_4120 = arith.addi %add3A_4119, %scan3A_3876 : i32
        %get3A_4121 = arith.constant 0 : i32
        %get3A_4122 = arith.index_cast %get3A_4121 : i32 to index
        %get3A_4123 = arith.index_cast %add3A_4120 : i32 to index
        %get3A_4124 = arith.constant 0 : index
        %get3A_4125 = tpu.vector_load %arg7[%get3A_4122, %get3A_4123, %get3A_4124] {strides = array<i32>} : memref<2x480x64xf32, #tpu.memory_space<vmem>>, vector<1x1x16xf32>,
        %get3A_4126 = vector.shape_cast %get3A_4125 : vector<1x1x16xf32> to vector<16xf32>
        %add3A_4127 = arith.addf %scan3A_3905, %get3A_4126 : vector<16xf32>
        %get3A_4128 = arith.constant 0 : i32
        %get3A_4129 = arith.index_cast %get3A_4128 : i32 to index
        %get3A_4130 = arith.index_cast %add3A_4120 : i32 to index
        %get3A_4131 = arith.constant 16 : index
        %get3A_4132 = tpu.vector_load %arg7[%get3A_4129, %get3A_4130, %get3A_4131] {strides = array<i32>} : memref<2x480x64xf32, #tpu.memory_space<vmem>>, vector<1x1x16xf32>,
        %get3A_4133 = vector.shape_cast %get3A_4132 : vector<1x1x16xf32> to vector<16xf32>
        %add3A_4134 = arith.addf %scan3A_3906, %get3A_4133 : vector<16xf32>
        %get3A_4135 = arith.constant 0 : i32
        %get3A_4136 = arith.index_cast %get3A_4135 : i32 to index
        %get3A_4137 = arith.index_cast %add3A_4120 : i32 to index
        %get3A_4138 = arith.constant 32 : index
        %get3A_4139 = tpu.vector_load %arg7[%get3A_4136, %get3A_4137, %get3A_4138] {strides = array<i32>} : memref<2x480x64xf32, #tpu.memory_space<vmem>>, vector<1x1x16xf32>,
        %get3A_4140 = vector.shape_cast %get3A_4139 : vector<1x1x16xf32> to vector<16xf32>
        %add3A_4141 = arith.addf %scan3A_3907, %get3A_4140 : vector<16xf32>
        %get3A_4142 = arith.constant 0 : i32
        %get3A_4143 = arith.index_cast %get3A_4142 : i32 to index
        %get3A_4144 = arith.index_cast %add3A_4120 : i32 to index
        %get3A_4145 = arith.constant 48 : index
        %get3A_4146 = tpu.vector_load %arg7[%get3A_4143, %get3A_4144, %get3A_4145] {strides = array<i32>} : memref<2x480x64xf32, #tpu.memory_space<vmem>>, vector<1x1x16xf32>,
        %get3A_4147 = vector.shape_cast %get3A_4146 : vector<1x1x16xf32> to vector<16xf32>
        %add3A_4148 = arith.addf %scan3A_3908, %get3A_4147 : vector<16xf32>
        %scan3A_4149 = arith.constant 1 : i32
        %scan3A_4150 = arith.addi %scan3A_3876, %scan3A_4149 : i32
        %add3A_4151 = arith.constant 0 : i32
        %add3A_4152 = arith.addi %add3A_4151, %scan3A_4150 : i32
        %get3A_4153 = arith.constant 0 : i32
        %get3A_4154 = arith.index_cast %get3A_4153 : i32 to index
        %get3A_4155 = arith.index_cast %add3A_4152 : i32 to index
        %get3A_4156 = arith.constant 0 : index
        %get3A_4157 = tpu.vector_load %arg7[%get3A_4154, %get3A_4155, %get3A_4156] {strides = array<i32>} : memref<2x480x64xf32, #tpu.memory_space<vmem>>, vector<1x1x16xf32>,
        %get3A_4158 = vector.shape_cast %get3A_4157 : vector<1x1x16xf32> to vector<16xf32>
        %add3A_4159 = arith.addf %add3A_3917, %get3A_4158 : vector<16xf32>
        %get3A_4160 = arith.constant 0 : i32
        %get3A_4161 = arith.index_cast %get3A_4160 : i32 to index
        %get3A_4162 = arith.index_cast %add3A_4152 : i32 to index
        %get3A_4163 = arith.constant 16 : index
        %get3A_4164 = tpu.vector_load %arg7[%get3A_4161, %get3A_4162, %get3A_4163] {strides = array<i32>} : memref<2x480x64xf32, #tpu.memory_space<vmem>>, vector<1x1x16xf32>,
        %get3A_4165 = vector.shape_cast %get3A_4164 : vector<1x1x16xf32> to vector<16xf32>
        %add3A_4166 = arith.addf %add3A_3924, %get3A_4165 : vector<16xf32>
        %get3A_4167 = arith.constant 0 : i32
        %get3A_4168 = arith.index_cast %get3A_4167 : i32 to index
        %get3A_4169 = arith.index_cast %add3A_4152 : i32 to index
        %get3A_4170 = arith.constant 32 : index
        %get3A_4171 = tpu.vector_load %arg7[%get3A_4168, %get3A_4169, %get3A_4170] {strides = array<i32>} : memref<2x480x64xf32, #tpu.memory_space<vmem>>, vector<1x1x16xf32>,
        %get3A_4172 = vector.shape_cast %get3A_4171 : vector<1x1x16xf32> to vector<16xf32>
        %add3A_4173 = arith.addf %add3A_3931, %get3A_4172 : vector<16xf32>
        %get3A_4174 = arith.constant 0 : i32
        %get3A_4175 = arith.index_cast %get3A_4174 : i32 to index
        %get3A_4176 = arith.index_cast %add3A_4152 : i32 to index
        %get3A_4177 = arith.constant 48 : index
        %get3A_4178 = tpu.vector_load %arg7[%get3A_4175, %get3A_4176, %get3A_4177] {strides = array<i32>} : memref<2x480x64xf32, #tpu.memory_space<vmem>>, vector<1x1x16xf32>,
        %get3A_4179 = vector.shape_cast %get3A_4178 : vector<1x1x16xf32> to vector<16xf32>
        %add3A_4180 = arith.addf %add3A_3938, %get3A_4179 : vector<16xf32>
        %add3A_4181 = arith.constant 60 : i32
        %add3A_4182 = arith.addi %add3A_4181, %scan3A_4150 : i32
        %get3A_4183 = arith.constant 0 : i32
        %get3A_4184 = arith.index_cast %get3A_4183 : i32 to index
        %get3A_4185 = arith.index_cast %add3A_4182 : i32 to index
        %get3A_4186 = arith.constant 0 : index
        %get3A_4187 = tpu.vector_load %arg7[%get3A_4184, %get3A_4185, %get3A_4186] {strides = array<i32>} : memref<2x480x64xf32, #tpu.memory_space<vmem>>, vector<1x1x16xf32>,
        %get3A_4188 = vector.shape_cast %get3A_4187 : vector<1x1x16xf32> to vector<16xf32>
        %add3A_4189 = arith.addf %add3A_3947, %get3A_4188 : vector<16xf32>
        %get3A_4190 = arith.constant 0 : i32
        %get3A_4191 = arith.index_cast %get3A_4190 : i32 to index
        %get3A_4192 = arith.index_cast %add3A_4182 : i32 to index
        %get3A_4193 = arith.constant 16 : index
        %get3A_4194 = tpu.vector_load %arg7[%get3A_4191, %get3A_4192, %get3A_4193] {strides = array<i32>} : memref<2x480x64xf32, #tpu.memory_space<vmem>>, vector<1x1x16xf32>,
        %get3A_4195 = vector.shape_cast %get3A_4194 : vector<1x1x16xf32> to vector<16xf32>
        %add3A_4196 = arith.addf %add3A_3954, %get3A_4195 : vector<16xf32>
        %get3A_4197 = arith.constant 0 : i32
        %get3A_4198 = arith.index_cast %get3A_4197 : i32 to index
        %get3A_4199 = arith.index_cast %add3A_4182 : i32 to index
        %get3A_4200 = arith.constant 32 : index
        %get3A_4201 = tpu.vector_load %arg7[%get3A_4198, %get3A_4199, %get3A_4200] {strides = array<i32>} : memref<2x480x64xf32, #tpu.memory_space<vmem>>, vector<1x1x16xf32>,
        %get3A_4202 = vector.shape_cast %get3A_4201 : vector<1x1x16xf32> to vector<16xf32>
        %add3A_4203 = arith.addf %add3A_3961, %get3A_4202 : vector<16xf32>
        %get3A_4204 = arith.constant 0 : i32
        %get3A_4205 = arith.index_cast %get3A_4204 : i32 to index
        %get3A_4206 = arith.index_cast %add3A_4182 : i32 to index
        %get3A_4207 = arith.constant 48 : index
        %get3A_4208 = tpu.vector_load %arg7[%get3A_4205, %get3A_4206, %get3A_4207] {strides = array<i32>} : memref<2x480x64xf32, #tpu.memory_space<vmem>>, vector<1x1x16xf32>,
        %get3A_4209 = vector.shape_cast %get3A_4208 : vector<1x1x16xf32> to vector<16xf32>
        %add3A_4210 = arith.addf %add3A_3968, %get3A_4209 : vector<16xf32>
        %add3A_4211 = arith.constant 120 : i32
        %add3A_4212 = arith.addi %add3A_4211, %scan3A_4150 : i32
        %get3A_4213 = arith.constant 0 : i32
        %get3A_4214 = arith.index_cast %get3A_4213 : i32 to index
        %get3A_4215 = arith.index_cast %add3A_4212 : i32 to index
        %get3A_4216 = arith.constant 0 : index
        %get3A_4217 = tpu.vector_load %arg7[%get3A_4214, %get3A_4215, %get3A_4216] {strides = array<i32>} : memref<2x480x64xf32, #tpu.memory_space<vmem>>, vector<1x1x16xf32>,
        %get3A_4218 = vector.shape_cast %get3A_4217 : vector<1x1x16xf32> to vector<16xf32>
        %add3A_4219 = arith.addf %add3A_3977, %get3A_4218 : vector<16xf32>
        %get3A_4220 = arith.constant 0 : i32
        %get3A_4221 = arith.index_cast %get3A_4220 : i32 to index
        %get3A_4222 = arith.index_cast %add3A_4212 : i32 to index
        %get3A_4223 = arith.constant 16 : index
        %get3A_4224 = tpu.vector_load %arg7[%get3A_4221, %get3A_4222, %get3A_4223] {strides = array<i32>} : memref<2x480x64xf32, #tpu.memory_space<vmem>>, vector<1x1x16xf32>,
        %get3A_4225 = vector.shape_cast %get3A_4224 : vector<1x1x16xf32> to vector<16xf32>
        %add3A_4226 = arith.addf %add3A_3984, %get3A_4225 : vector<16xf32>
        %get3A_4227 = arith.constant 0 : i32
        %get3A_4228 = arith.index_cast %get3A_4227 : i32 to index
        %get3A_4229 = arith.index_cast %add3A_4212 : i32 to index
        %get3A_4230 = arith.constant 32 : index
        %get3A_4231 = tpu.vector_load %arg7[%get3A_4228, %get3A_4229, %get3A_4230] {strides = array<i32>} : memref<2x480x64xf32, #tpu.memory_space<vmem>>, vector<1x1x16xf32>,
        %get3A_4232 = vector.shape_cast %get3A_4231 : vector<1x1x16xf32> to vector<16xf32>
        %add3A_4233 = arith.addf %add3A_3991, %get3A_4232 : vector<16xf32>
        %get3A_4234 = arith.constant 0 : i32
        %get3A_4235 = arith.index_cast %get3A_4234 : i32 to index
        %get3A_4236 = arith.index_cast %add3A_4212 : i32 to index
        %get3A_4237 = arith.constant 48 : index
        %get3A_4238 = tpu.vector_load %arg7[%get3A_4235, %get3A_4236, %get3A_4237] {strides = array<i32>} : memref<2x480x64xf32, #tpu.memory_space<vmem>>, vector<1x1x16xf32>,
        %get3A_4239 = vector.shape_cast %get3A_4238 : vector<1x1x16xf32> to vector<16xf32>
        %add3A_4240 = arith.addf %add3A_3998, %get3A_4239 : vector<16xf32>
        %add3A_4241 = arith.constant 180 : i32
        %add3A_4242 = arith.addi %add3A_4241, %scan3A_4150 : i32
        %get3A_4243 = arith.constant 0 : i32
        %get3A_4244 = arith.index_cast %get3A_4243 : i32 to index
        %get3A_4245 = arith.index_cast %add3A_4242 : i32 to index
        %get3A_4246 = arith.constant 0 : index
        %get3A_4247 = tpu.vector_load %arg7[%get3A_4244, %get3A_4245, %get3A_4246] {strides = array<i32>} : memref<2x480x64xf32, #tpu.memory_space<vmem>>, vector<1x1x16xf32>,
        %get3A_4248 = vector.shape_cast %get3A_4247 : vector<1x1x16xf32> to vector<16xf32>
        %add3A_4249 = arith.addf %add3A_4007, %get3A_4248 : vector<16xf32>
        %get3A_4250 = arith.constant 0 : i32
        %get3A_4251 = arith.index_cast %get3A_4250 : i32 to index
        %get3A_4252 = arith.index_cast %add3A_4242 : i32 to index
        %get3A_4253 = arith.constant 16 : index
        %get3A_4254 = tpu.vector_load %arg7[%get3A_4251, %get3A_4252, %get3A_4253] {strides = array<i32>} : memref<2x480x64xf32, #tpu.memory_space<vmem>>, vector<1x1x16xf32>,
        %get3A_4255 = vector.shape_cast %get3A_4254 : vector<1x1x16xf32> to vector<16xf32>
        %add3A_4256 = arith.addf %add3A_4014, %get3A_4255 : vector<16xf32>
        %get3A_4257 = arith.constant 0 : i32
        %get3A_4258 = arith.index_cast %get3A_4257 : i32 to index
        %get3A_4259 = arith.index_cast %add3A_4242 : i32 to index
        %get3A_4260 = arith.constant 32 : index
        %get3A_4261 = tpu.vector_load %arg7[%get3A_4258, %get3A_4259, %get3A_4260] {strides = array<i32>} : memref<2x480x64xf32, #tpu.memory_space<vmem>>, vector<1x1x16xf32>,
        %get3A_4262 = vector.shape_cast %get3A_4261 : vector<1x1x16xf32> to vector<16xf32>
        %add3A_4263 = arith.addf %add3A_4021, %get3A_4262 : vector<16xf32>
        %get3A_4264 = arith.constant 0 : i32
        %get3A_4265 = arith.index_cast %get3A_4264 : i32 to index
        %get3A_4266 = arith.index_cast %add3A_4242 : i32 to index
        %get3A_4267 = arith.constant 48 : index
        %get3A_4268 = tpu.vector_load %arg7[%get3A_4265, %get3A_4266, %get3A_4267] {strides = array<i32>} : memref<2x480x64xf32, #tpu.memory_space<vmem>>, vector<1x1x16xf32>,
        %get3A_4269 = vector.shape_cast %get3A_4268 : vector<1x1x16xf32> to vector<16xf32>
        %add3A_4270 = arith.addf %add3A_4028, %get3A_4269 : vector<16xf32>
        %add3A_4271 = arith.constant 240 : i32
        %add3A_4272 = arith.addi %add3A_4271, %scan3A_4150 : i32
        %get3A_4273 = arith.constant 0 : i32
        %get3A_4274 = arith.index_cast %get3A_4273 : i32 to index
        %get3A_4275 = arith.index_cast %add3A_4272 : i32 to index
        %get3A_4276 = arith.constant 0 : index
        %get3A_4277 = tpu.vector_load %arg7[%get3A_4274, %get3A_4275, %get3A_4276] {strides = array<i32>} : memref<2x480x64xf32, #tpu.memory_space<vmem>>, vector<1x1x16xf32>,
        %get3A_4278 = vector.shape_cast %get3A_4277 : vector<1x1x16xf32> to vector<16xf32>
        %add3A_4279 = arith.addf %add3A_4037, %get3A_4278 : vector<16xf32>
        %get3A_4280 = arith.constant 0 : i32
        %get3A_4281 = arith.index_cast %get3A_4280 : i32 to index
        %get3A_4282 = arith.index_cast %add3A_4272 : i32 to index
        %get3A_4283 = arith.constant 16 : index
        %get3A_4284 = tpu.vector_load %arg7[%get3A_4281, %get3A_4282, %get3A_4283] {strides = array<i32>} : memref<2x480x64xf32, #tpu.memory_space<vmem>>, vector<1x1x16xf32>,
        %get3A_4285 = vector.shape_cast %get3A_4284 : vector<1x1x16xf32> to vector<16xf32>
        %add3A_4286 = arith.addf %add3A_4044, %get3A_4285 : vector<16xf32>
        %get3A_4287 = arith.constant 0 : i32
        %get3A_4288 = arith.index_cast %get3A_4287 : i32 to index
        %get3A_4289 = arith.index_cast %add3A_4272 : i32 to index
        %get3A_4290 = arith.constant 32 : index
        %get3A_4291 = tpu.vector_load %arg7[%get3A_4288, %get3A_4289, %get3A_4290] {strides = array<i32>} : memref<2x480x64xf32, #tpu.memory_space<vmem>>, vector<1x1x16xf32>,
        %get3A_4292 = vector.shape_cast %get3A_4291 : vector<1x1x16xf32> to vector<16xf32>
        %add3A_4293 = arith.addf %add3A_4051, %get3A_4292 : vector<16xf32>
        %get3A_4294 = arith.constant 0 : i32
        %get3A_4295 = arith.index_cast %get3A_4294 : i32 to index
        %get3A_4296 = arith.index_cast %add3A_4272 : i32 to index
        %get3A_4297 = arith.constant 48 : index
        %get3A_4298 = tpu.vector_load %arg7[%get3A_4295, %get3A_4296, %get3A_4297] {strides = array<i32>} : memref<2x480x64xf32, #tpu.memory_space<vmem>>, vector<1x1x16xf32>,
        %get3A_4299 = vector.shape_cast %get3A_4298 : vector<1x1x16xf32> to vector<16xf32>
        %add3A_4300 = arith.addf %add3A_4058, %get3A_4299 : vector<16xf32>
        %add3A_4301 = arith.constant 300 : i32
        %add3A_4302 = arith.addi %add3A_4301, %scan3A_4150 : i32
        %get3A_4303 = arith.constant 0 : i32
        %get3A_4304 = arith.index_cast %get3A_4303 : i32 to index
        %get3A_4305 = arith.index_cast %add3A_4302 : i32 to index
        %get3A_4306 = arith.constant 0 : index
        %get3A_4307 = tpu.vector_load %arg7[%get3A_4304, %get3A_4305, %get3A_4306] {strides = array<i32>} : memref<2x480x64xf32, #tpu.memory_space<vmem>>, vector<1x1x16xf32>,
        %get3A_4308 = vector.shape_cast %get3A_4307 : vector<1x1x16xf32> to vector<16xf32>
        %add3A_4309 = arith.addf %add3A_4067, %get3A_4308 : vector<16xf32>
        %get3A_4310 = arith.constant 0 : i32
        %get3A_4311 = arith.index_cast %get3A_4310 : i32 to index
        %get3A_4312 = arith.index_cast %add3A_4302 : i32 to index
        %get3A_4313 = arith.constant 16 : index
        %get3A_4314 = tpu.vector_load %arg7[%get3A_4311, %get3A_4312, %get3A_4313] {strides = array<i32>} : memref<2x480x64xf32, #tpu.memory_space<vmem>>, vector<1x1x16xf32>,
        %get3A_4315 = vector.shape_cast %get3A_4314 : vector<1x1x16xf32> to vector<16xf32>
        %add3A_4316 = arith.addf %add3A_4074, %get3A_4315 : vector<16xf32>
        %get3A_4317 = arith.constant 0 : i32
        %get3A_4318 = arith.index_cast %get3A_4317 : i32 to index
        %get3A_4319 = arith.index_cast %add3A_4302 : i32 to index
        %get3A_4320 = arith.constant 32 : index
        %get3A_4321 = tpu.vector_load %arg7[%get3A_4318, %get3A_4319, %get3A_4320] {strides = array<i32>} : memref<2x480x64xf32, #tpu.memory_space<vmem>>, vector<1x1x16xf32>,
        %get3A_4322 = vector.shape_cast %get3A_4321 : vector<1x1x16xf32> to vector<16xf32>
        %add3A_4323 = arith.addf %add3A_4081, %get3A_4322 : vector<16xf32>
        %get3A_4324 = arith.constant 0 : i32
        %get3A_4325 = arith.index_cast %get3A_4324 : i32 to index
        %get3A_4326 = arith.index_cast %add3A_4302 : i32 to index
        %get3A_4327 = arith.constant 48 : index
        %get3A_4328 = tpu.vector_load %arg7[%get3A_4325, %get3A_4326, %get3A_4327] {strides = array<i32>} : memref<2x480x64xf32, #tpu.memory_space<vmem>>, vector<1x1x16xf32>,
        %get3A_4329 = vector.shape_cast %get3A_4328 : vector<1x1x16xf32> to vector<16xf32>
        %add3A_4330 = arith.addf %add3A_4088, %get3A_4329 : vector<16xf32>
        %add3A_4331 = arith.constant 360 : i32
        %add3A_4332 = arith.addi %add3A_4331, %scan3A_4150 : i32
        %get3A_4333 = arith.constant 0 : i32
        %get3A_4334 = arith.index_cast %get3A_4333 : i32 to index
        %get3A_4335 = arith.index_cast %add3A_4332 : i32 to index
        %get3A_4336 = arith.constant 0 : index
        %get3A_4337 = tpu.vector_load %arg7[%get3A_4334, %get3A_4335, %get3A_4336] {strides = array<i32>} : memref<2x480x64xf32, #tpu.memory_space<vmem>>, vector<1x1x16xf32>,
        %get3A_4338 = vector.shape_cast %get3A_4337 : vector<1x1x16xf32> to vector<16xf32>
        %add3A_4339 = arith.addf %add3A_4097, %get3A_4338 : vector<16xf32>
        %get3A_4340 = arith.constant 0 : i32
        %get3A_4341 = arith.index_cast %get3A_4340 : i32 to index
        %get3A_4342 = arith.index_cast %add3A_4332 : i32 to index
        %get3A_4343 = arith.constant 16 : index
        %get3A_4344 = tpu.vector_load %arg7[%get3A_4341, %get3A_4342, %get3A_4343] {strides = array<i32>} : memref<2x480x64xf32, #tpu.memory_space<vmem>>, vector<1x1x16xf32>,
        %get3A_4345 = vector.shape_cast %get3A_4344 : vector<1x1x16xf32> to vector<16xf32>
        %add3A_4346 = arith.addf %add3A_4104, %get3A_4345 : vector<16xf32>
        %get3A_4347 = arith.constant 0 : i32
        %get3A_4348 = arith.index_cast %get3A_4347 : i32 to index
        %get3A_4349 = arith.index_cast %add3A_4332 : i32 to index
        %get3A_4350 = arith.constant 32 : index
        %get3A_4351 = tpu.vector_load %arg7[%get3A_4348, %get3A_4349, %get3A_4350] {strides = array<i32>} : memref<2x480x64xf32, #tpu.memory_space<vmem>>, vector<1x1x16xf32>,
        %get3A_4352 = vector.shape_cast %get3A_4351 : vector<1x1x16xf32> to vector<16xf32>
        %add3A_4353 = arith.addf %add3A_4111, %get3A_4352 : vector<16xf32>
        %get3A_4354 = arith.constant 0 : i32
        %get3A_4355 = arith.index_cast %get3A_4354 : i32 to index
        %get3A_4356 = arith.index_cast %add3A_4332 : i32 to index
        %get3A_4357 = arith.constant 48 : index
        %get3A_4358 = tpu.vector_load %arg7[%get3A_4355, %get3A_4356, %get3A_4357] {strides = array<i32>} : memref<2x480x64xf32, #tpu.memory_space<vmem>>, vector<1x1x16xf32>,
        %get3A_4359 = vector.shape_cast %get3A_4358 : vector<1x1x16xf32> to vector<16xf32>
        %add3A_4360 = arith.addf %add3A_4118, %get3A_4359 : vector<16xf32>
        %add3A_4361 = arith.constant 420 : i32
        %add3A_4362 = arith.addi %add3A_4361, %scan3A_4150 : i32
        %get3A_4363 = arith.constant 0 : i32
        %get3A_4364 = arith.index_cast %get3A_4363 : i32 to index
        %get3A_4365 = arith.index_cast %add3A_4362 : i32 to index
        %get3A_4366 = arith.constant 0 : index
        %get3A_4367 = tpu.vector_load %arg7[%get3A_4364, %get3A_4365, %get3A_4366] {strides = array<i32>} : memref<2x480x64xf32, #tpu.memory_space<vmem>>, vector<1x1x16xf32>,
        %get3A_4368 = vector.shape_cast %get3A_4367 : vector<1x1x16xf32> to vector<16xf32>
        %add3A_4369 = arith.addf %add3A_4127, %get3A_4368 : vector<16xf32>
        %get3A_4370 = arith.constant 0 : i32
        %get3A_4371 = arith.index_cast %get3A_4370 : i32 to index
        %get3A_4372 = arith.index_cast %add3A_4362 : i32 to index
        %get3A_4373 = arith.constant 16 : index
        %get3A_4374 = tpu.vector_load %arg7[%get3A_4371, %get3A_4372, %get3A_4373] {strides = array<i32>} : memref<2x480x64xf32, #tpu.memory_space<vmem>>, vector<1x1x16xf32>,
        %get3A_4375 = vector.shape_cast %get3A_4374 : vector<1x1x16xf32> to vector<16xf32>
        %add3A_4376 = arith.addf %add3A_4134, %get3A_4375 : vector<16xf32>
        %get3A_4377 = arith.constant 0 : i32
        %get3A_4378 = arith.index_cast %get3A_4377 : i32 to index
        %get3A_4379 = arith.index_cast %add3A_4362 : i32 to index
        %get3A_4380 = arith.constant 32 : index
        %get3A_4381 = tpu.vector_load %arg7[%get3A_4378, %get3A_4379, %get3A_4380] {strides = array<i32>} : memref<2x480x64xf32, #tpu.memory_space<vmem>>, vector<1x1x16xf32>,
        %get3A_4382 = vector.shape_cast %get3A_4381 : vector<1x1x16xf32> to vector<16xf32>
        %add3A_4383 = arith.addf %add3A_4141, %get3A_4382 : vector<16xf32>
        %get3A_4384 = arith.constant 0 : i32
        %get3A_4385 = arith.index_cast %get3A_4384 : i32 to index
        %get3A_4386 = arith.index_cast %add3A_4362 : i32 to index
        %get3A_4387 = arith.constant 48 : index
        %get3A_4388 = tpu.vector_load %arg7[%get3A_4385, %get3A_4386, %get3A_4387] {strides = array<i32>} : memref<2x480x64xf32, #tpu.memory_space<vmem>>, vector<1x1x16xf32>,
        %get3A_4389 = vector.shape_cast %get3A_4388 : vector<1x1x16xf32> to vector<16xf32>
        %add3A_4390 = arith.addf %add3A_4148, %get3A_4389 : vector<16xf32>
        scf.yield %add3A_4159, %add3A_4166, %add3A_4173, %add3A_4180, %add3A_4189, %add3A_4196, %add3A_4203, %add3A_4210, %add3A_4219, %add3A_4226, %add3A_4233, %add3A_4240, %add3A_4249, %add3A_4256, %add3A_4263, %add3A_4270, %add3A_4279, %add3A_4286, %add3A_4293, %add3A_4300, %add3A_4309, %add3A_4316, %add3A_4323, %add3A_4330, %add3A_4339, %add3A_4346, %add3A_4353, %add3A_4360, %add3A_4369, %add3A_4376, %add3A_4383, %add3A_4390 : vector<16xf32>, vector<16xf32>, vector<16xf32>, vector<16xf32>, vector<16xf32>, vector<16xf32>, vector<16xf32>, vector<16xf32>, vector<16xf32>, vector<16xf32>, vector<16xf32>, vector<16xf32>, vector<16xf32>, vector<16xf32>, vector<16xf32>, vector<16xf32>, vector<16xf32>, vector<16xf32>, vector<16xf32>, vector<16xf32>, vector<16xf32>, vector<16xf32>, vector<16xf32>, vector<16xf32>, vector<16xf32>, vector<16xf32>, vector<16xf32>, vector<16xf32>, vector<16xf32>, vector<16xf32>, vector<16xf32>, vector<16xf32>
      }
      %scan3A_230 = arith.constant 60 : i32
      %iota3A = tpu.iota {dimensions = array<i32: 0>} : vector<16xi32>
      %mul3A_231 = arith.constant 5.000000e-02 : f32
      %mul3A_232 = vector.broadcast %mul3A_231 : f32 to vector<16xf32>
      %mul3A_233 = arith.mulf %scan3A_229#0, %mul3A_232 : vector<16xf32>
      %add3A_234 = arith.addf %mul3A_233, %add3A_18 : vector<16xf32>
      %mul3A_235 = arith.constant 5.000000e-02 : f32
      %mul3A_236 = vector.broadcast %mul3A_235 : f32 to vector<16xf32>
      %mul3A_237 = arith.mulf %scan3A_229#1, %mul3A_236 : vector<16xf32>
      %add3A_238 = arith.addf %mul3A_237, %add3A_35 : vector<16xf32>
      %mul3A_239 = arith.constant 5.000000e-02 : f32
      %mul3A_240 = vector.broadcast %mul3A_239 : f32 to vector<16xf32>
      %mul3A_241 = arith.mulf %scan3A_229#2, %mul3A_240 : vector<16xf32>
      %add3A_242 = arith.addf %mul3A_241, %add3A_52 : vector<16xf32>
      %mul3A_243 = arith.constant 5.000000e-02 : f32
      %mul3A_244 = vector.broadcast %mul3A_243 : f32 to vector<16xf32>
      %mul3A_245 = arith.mulf %scan3A_229#3, %mul3A_244 : vector<16xf32>
      %add3A_246 = arith.addf %mul3A_245, %add3A_69 : vector<16xf32>
      %add3A_247 = arith.addf %add3A_234, %add3A_238 : vector<16xf32>
      %add3A_248 = arith.addf %add3A_242, %add3A_246 : vector<16xf32>
      %add3A_249 = arith.addf %add3A_247, %add3A_248 : vector<16xf32>
      %mul3A_250 = arith.mulf %add3A_234, %add3A_234 : vector<16xf32>
      %mul3A_251 = arith.mulf %add3A_238, %add3A_238 : vector<16xf32>
      %add3A_252 = arith.addf %mul3A_250, %mul3A_251 : vector<16xf32>
      %mul3A_253 = arith.mulf %add3A_242, %add3A_242 : vector<16xf32>
      %mul3A_254 = arith.mulf %add3A_246, %add3A_246 : vector<16xf32>
      %add3A_255 = arith.addf %mul3A_253, %mul3A_254 : vector<16xf32>
      %add3A_256 = arith.addf %add3A_252, %add3A_255 : vector<16xf32>
      %xor3A = arith.constant 1 : i32
      %xor3A_257 = vector.broadcast %xor3A : i32 to vector<16xi32>
      %xor3A_258 = arith.xori %iota3A, %xor3A_257 : vector<16xi32>
      %lt3A_259 = arith.constant 0 : i32
      %lt3A_260 = vector.broadcast %lt3A_259 : i32 to vector<16xi32>
      %lt3A_261 = arith.cmpi slt, %xor3A_258, %lt3A_260 : vector<16xi32>
      %add3A_262 = arith.constant 16 : i32
      %add3A_263 = vector.broadcast %add3A_262 : i32 to vector<16xi32>
      %add3A_264 = arith.addi %xor3A_258, %add3A_263 : vector<16xi32>
      %select_n3A = arith.select %lt3A_261, %add3A_264, %xor3A_258 : vector<16xi1>, vector<16xi32>
      %broadcast_in_dim3A_265 = vector.shape_cast %select_n3A : vector<16xi32> to vector<16x1xi32>
      %gather3A = vector.shape_cast %broadcast_in_dim3A_265 : vector<16x1xi32> to vector<16xi32>
      %gather3A_266 = tpu.dynamic_gather %add3A_249[%gather3A] in [0] : vector<16xf32>, vector<16xi32> -> vector<16xf32>
      %add3A_267 = arith.addf %add3A_249, %gather3A_266 : vector<16xf32>
      %xor3A_268 = arith.constant 2 : i32
      %xor3A_269 = vector.broadcast %xor3A_268 : i32 to vector<16xi32>
      %xor3A_270 = arith.xori %iota3A, %xor3A_269 : vector<16xi32>
      %lt3A_271 = arith.constant 0 : i32
      %lt3A_272 = vector.broadcast %lt3A_271 : i32 to vector<16xi32>
      %lt3A_273 = arith.cmpi slt, %xor3A_270, %lt3A_272 : vector<16xi32>
      %add3A_274 = arith.constant 16 : i32
      %add3A_275 = vector.broadcast %add3A_274 : i32 to vector<16xi32>
      %add3A_276 = arith.addi %xor3A_270, %add3A_275 : vector<16xi32>
      %select_n3A_277 = arith.select %lt3A_273, %add3A_276, %xor3A_270 : vector<16xi1>, vector<16xi32>
      %broadcast_in_dim3A_278 = vector.shape_cast %select_n3A_277 : vector<16xi32> to vector<16x1xi32>
      %gather3A_279 = vector.shape_cast %broadcast_in_dim3A_278 : vector<16x1xi32> to vector<16xi32>
      %gather3A_280 = tpu.dynamic_gather %add3A_267[%gather3A_279] in [0] : vector<16xf32>, vector<16xi32> -> vector<16xf32>
      %add3A_281 = arith.addf %add3A_267, %gather3A_280 : vector<16xf32>
      %xor3A_282 = arith.constant 4 : i32
      %xor3A_283 = vector.broadcast %xor3A_282 : i32 to vector<16xi32>
      %xor3A_284 = arith.xori %iota3A, %xor3A_283 : vector<16xi32>
      %lt3A_285 = arith.constant 0 : i32
      %lt3A_286 = vector.broadcast %lt3A_285 : i32 to vector<16xi32>
      %lt3A_287 = arith.cmpi slt, %xor3A_284, %lt3A_286 : vector<16xi32>
      %add3A_288 = arith.constant 16 : i32
      %add3A_289 = vector.broadcast %add3A_288 : i32 to vector<16xi32>
      %add3A_290 = arith.addi %xor3A_284, %add3A_289 : vector<16xi32>
      %select_n3A_291 = arith.select %lt3A_287, %add3A_290, %xor3A_284 : vector<16xi1>, vector<16xi32>
      %broadcast_in_dim3A_292 = vector.shape_cast %select_n3A_291 : vector<16xi32> to vector<16x1xi32>
      %gather3A_293 = vector.shape_cast %broadcast_in_dim3A_292 : vector<16x1xi32> to vector<16xi32>
      %gather3A_294 = tpu.dynamic_gather %add3A_281[%gather3A_293] in [0] : vector<16xf32>, vector<16xi32> -> vector<16xf32>
      %add3A_295 = arith.addf %add3A_281, %gather3A_294 : vector<16xf32>
      %xor3A_296 = arith.constant 8 : i32
      %xor3A_297 = vector.broadcast %xor3A_296 : i32 to vector<16xi32>
      %xor3A_298 = arith.xori %iota3A, %xor3A_297 : vector<16xi32>
      %lt3A_299 = arith.constant 0 : i32
      %lt3A_300 = vector.broadcast %lt3A_299 : i32 to vector<16xi32>
      %lt3A_301 = arith.cmpi slt, %xor3A_298, %lt3A_300 : vector<16xi32>
      %add3A_302 = arith.constant 16 : i32
      %add3A_303 = vector.broadcast %add3A_302 : i32 to vector<16xi32>
      %add3A_304 = arith.addi %xor3A_298, %add3A_303 : vector<16xi32>
      %select_n3A_305 = arith.select %lt3A_301, %add3A_304, %xor3A_298 : vector<16xi1>, vector<16xi32>
      %broadcast_in_dim3A_306 = vector.shape_cast %select_n3A_305 : vector<16xi32> to vector<16x1xi32>
      %gather3A_307 = vector.shape_cast %broadcast_in_dim3A_306 : vector<16x1xi32> to vector<16xi32>
      %gather3A_308 = tpu.dynamic_gather %add3A_295[%gather3A_307] in [0] : vector<16xf32>, vector<16xi32> -> vector<16xf32>
      %add3A_309 = arith.addf %add3A_295, %gather3A_308 : vector<16xf32>
      %mul3A_310 = arith.constant 1.562500e-02 : f32
      %mul3A_311 = vector.broadcast %mul3A_310 : f32 to vector<16xf32>
      %mul3A_312 = arith.mulf %add3A_309, %mul3A_311 : vector<16xf32>
      %xor3A_313 = arith.constant 1 : i32
      %xor3A_314 = vector.broadcast %xor3A_313 : i32 to vector<16xi32>
      %xor3A_315 = arith.xori %iota3A, %xor3A_314 : vector<16xi32>
      %lt3A_316 = arith.constant 0 : i32
      %lt3A_317 = vector.broadcast %lt3A_316 : i32 to vector<16xi32>
      %lt3A_318 = arith.cmpi slt, %xor3A_315, %lt3A_317 : vector<16xi32>
      %add3A_319 = arith.constant 16 : i32
      %add3A_320 = vector.broadcast %add3A_319 : i32 to vector<16xi32>
      %add3A_321 = arith.addi %xor3A_315, %add3A_320 : vector<16xi32>
      %select_n3A_322 = arith.select %lt3A_318, %add3A_321, %xor3A_315 : vector<16xi1>, vector<16xi32>
      %broadcast_in_dim3A_323 = vector.shape_cast %select_n3A_322 : vector<16xi32> to vector<16x1xi32>
      %gather3A_324 = vector.shape_cast %broadcast_in_dim3A_323 : vector<16x1xi32> to vector<16xi32>
      %gather3A_325 = tpu.dynamic_gather %add3A_256[%gather3A_324] in [0] : vector<16xf32>, vector<16xi32> -> vector<16xf32>
      %add3A_326 = arith.addf %add3A_256, %gather3A_325 : vector<16xf32>
      %xor3A_327 = arith.constant 2 : i32
      %xor3A_328 = vector.broadcast %xor3A_327 : i32 to vector<16xi32>
      %xor3A_329 = arith.xori %iota3A, %xor3A_328 : vector<16xi32>
      %lt3A_330 = arith.constant 0 : i32
      %lt3A_331 = vector.broadcast %lt3A_330 : i32 to vector<16xi32>
      %lt3A_332 = arith.cmpi slt, %xor3A_329, %lt3A_331 : vector<16xi32>
      %add3A_333 = arith.constant 16 : i32
      %add3A_334 = vector.broadcast %add3A_333 : i32 to vector<16xi32>
      %add3A_335 = arith.addi %xor3A_329, %add3A_334 : vector<16xi32>
      %select_n3A_336 = arith.select %lt3A_332, %add3A_335, %xor3A_329 : vector<16xi1>, vector<16xi32>
      %broadcast_in_dim3A_337 = vector.shape_cast %select_n3A_336 : vector<16xi32> to vector<16x1xi32>
      %gather3A_338 = vector.shape_cast %broadcast_in_dim3A_337 : vector<16x1xi32> to vector<16xi32>
      %gather3A_339 = tpu.dynamic_gather %add3A_326[%gather3A_338] in [0] : vector<16xf32>, vector<16xi32> -> vector<16xf32>
      %add3A_340 = arith.addf %add3A_326, %gather3A_339 : vector<16xf32>
      %xor3A_341 = arith.constant 4 : i32
      %xor3A_342 = vector.broadcast %xor3A_341 : i32 to vector<16xi32>
      %xor3A_343 = arith.xori %iota3A, %xor3A_342 : vector<16xi32>
      %lt3A_344 = arith.constant 0 : i32
      %lt3A_345 = vector.broadcast %lt3A_344 : i32 to vector<16xi32>
      %lt3A_346 = arith.cmpi slt, %xor3A_343, %lt3A_345 : vector<16xi32>
      %add3A_347 = arith.constant 16 : i32
      %add3A_348 = vector.broadcast %add3A_347 : i32 to vector<16xi32>
      %add3A_349 = arith.addi %xor3A_343, %add3A_348 : vector<16xi32>
      %select_n3A_350 = arith.select %lt3A_346, %add3A_349, %xor3A_343 : vector<16xi1>, vector<16xi32>
      %broadcast_in_dim3A_351 = vector.shape_cast %select_n3A_350 : vector<16xi32> to vector<16x1xi32>
      %gather3A_352 = vector.shape_cast %broadcast_in_dim3A_351 : vector<16x1xi32> to vector<16xi32>
      %gather3A_353 = tpu.dynamic_gather %add3A_340[%gather3A_352] in [0] : vector<16xf32>, vector<16xi32> -> vector<16xf32>
      %add3A_354 = arith.addf %add3A_340, %gather3A_353 : vector<16xf32>
      %xor3A_355 = arith.constant 8 : i32
      %xor3A_356 = vector.broadcast %xor3A_355 : i32 to vector<16xi32>
      %xor3A_357 = arith.xori %iota3A, %xor3A_356 : vector<16xi32>
      %lt3A_358 = arith.constant 0 : i32
      %lt3A_359 = vector.broadcast %lt3A_358 : i32 to vector<16xi32>
      %lt3A_360 = arith.cmpi slt, %xor3A_357, %lt3A_359 : vector<16xi32>
      %add3A_361 = arith.constant 16 : i32
      %add3A_362 = vector.broadcast %add3A_361 : i32 to vector<16xi32>
      %add3A_363 = arith.addi %xor3A_357, %add3A_362 : vector<16xi32>
      %select_n3A_364 = arith.select %lt3A_360, %add3A_363, %xor3A_357 : vector<16xi1>, vector<16xi32>
      %broadcast_in_dim3A_365 = vector.shape_cast %select_n3A_364 : vector<16xi32> to vector<16x1xi32>
      %gather3A_366 = vector.shape_cast %broadcast_in_dim3A_365 : vector<16x1xi32> to vector<16xi32>
      %gather3A_367 = tpu.dynamic_gather %add3A_354[%gather3A_366] in [0] : vector<16xf32>, vector<16xi32> -> vector<16xf32>
      %add3A_368 = arith.addf %add3A_354, %gather3A_367 : vector<16xf32>
      %mul3A_369 = arith.constant 1.562500e-02 : f32
      %mul3A_370 = vector.broadcast %mul3A_369 : f32 to vector<16xf32>
      %mul3A_371 = arith.mulf %add3A_368, %mul3A_370 : vector<16xf32>
      %mul3A_372 = arith.mulf %mul3A_312, %mul3A_312 : vector<16xf32>
      %sub3A = arith.subf %mul3A_371, %mul3A_372 : vector<16xf32>
      %add3A_373 = arith.constant 9.99999974E-6 : f32
      %add3A_374 = vector.broadcast %add3A_373 : f32 to vector<16xf32>
      %add3A_375 = arith.addf %sub3A, %add3A_374 : vector<16xf32>
      %bitcast_convert_type3A = tpu.bitcast %add3A_375 : vector<16xf32> -> vector<16xi32>
      %shift_right_arithmetic3A = arith.constant 1 : i32
      %shift_right_arithmetic3A_376 = vector.broadcast %shift_right_arithmetic3A : i32 to vector<16xi32>
      %shift_right_arithmetic3A_377 = arith.shrsi %bitcast_convert_type3A, %shift_right_arithmetic3A_376 : vector<16xi32>
      %sub3A_378 = arith.constant 1597463007 : i32
      %sub3A_379 = vector.broadcast %sub3A_378 : i32 to vector<16xi32>
      %sub3A_380 = arith.subi %sub3A_379, %shift_right_arithmetic3A_377 : vector<16xi32>
      %bitcast_convert_type3A_381 = tpu.bitcast %sub3A_380 : vector<16xi32> -> vector<16xf32>
      %mul3A_382 = arith.constant 5.000000e-01 : f32
      %mul3A_383 = vector.broadcast %mul3A_382 : f32 to vector<16xf32>
      %mul3A_384 = arith.mulf %mul3A_383, %add3A_375 : vector<16xf32>
      %mul3A_385 = arith.mulf %mul3A_384, %bitcast_convert_type3A_381 : vector<16xf32>
      %mul3A_386 = arith.mulf %mul3A_385, %bitcast_convert_type3A_381 : vector<16xf32>
      %sub3A_387 = arith.constant 1.500000e+00 : f32
      %sub3A_388 = vector.broadcast %sub3A_387 : f32 to vector<16xf32>
      %sub3A_389 = arith.subf %sub3A_388, %mul3A_386 : vector<16xf32>
      %mul3A_390 = arith.mulf %bitcast_convert_type3A_381, %sub3A_389 : vector<16xf32>
      %mul3A_391 = arith.constant 5.000000e-01 : f32
      %mul3A_392 = vector.broadcast %mul3A_391 : f32 to vector<16xf32>
      %mul3A_393 = arith.mulf %mul3A_392, %add3A_375 : vector<16xf32>
      %mul3A_394 = arith.mulf %mul3A_393, %mul3A_390 : vector<16xf32>
      %mul3A_395 = arith.mulf %mul3A_394, %mul3A_390 : vector<16xf32>
      %sub3A_396 = arith.constant 1.500000e+00 : f32
      %sub3A_397 = vector.broadcast %sub3A_396 : f32 to vector<16xf32>
      %sub3A_398 = arith.subf %sub3A_397, %mul3A_395 : vector<16xf32>
      %mul3A_399 = arith.mulf %mul3A_390, %sub3A_398 : vector<16xf32>
      %mul3A_400 = arith.constant 5.000000e-01 : f32
      %mul3A_401 = vector.broadcast %mul3A_400 : f32 to vector<16xf32>
      %mul3A_402 = arith.mulf %mul3A_401, %add3A_375 : vector<16xf32>
      %mul3A_403 = arith.mulf %mul3A_402, %mul3A_399 : vector<16xf32>
      %mul3A_404 = arith.mulf %mul3A_403, %mul3A_399 : vector<16xf32>
      %sub3A_405 = arith.constant 1.500000e+00 : f32
      %sub3A_406 = vector.broadcast %sub3A_405 : f32 to vector<16xf32>
      %sub3A_407 = arith.subf %sub3A_406, %mul3A_404 : vector<16xf32>
      %mul3A_408 = arith.mulf %mul3A_399, %sub3A_407 : vector<16xf32>
      %mul3A_409 = arith.constant 8 : i32
      %mul3A_410 = arith.muli %add3A_172, %mul3A_409 : i32
      %add3A_411 = arith.constant 0 : i32
      %add3A_412 = arith.addi %mul3A_410, %add3A_411 : i32
      %mul3A_413 = arith.mulf %mul3A_408, %get3A_74 : vector<16xf32>
      %sub3A_414 = arith.subf %add3A_234, %mul3A_312 : vector<16xf32>
      %mul3A_415 = arith.mulf %sub3A_414, %mul3A_413 : vector<16xf32>
      %add3A_416 = arith.addf %mul3A_415, %get3A_94 : vector<16xf32>
      %swap3A = arith.index_cast %add3A_412 : i32 to index
      %swap3A_417 = arith.constant 0 : index
      %swap3A_418 = tpu.vector_load %arg9[%swap3A, %swap3A_417] {strides = array<i32>} : memref<512x64xf32, #tpu.memory_space<vmem>>, vector<1x16xf32>,
      %swap3A_419 = vector.shape_cast %swap3A_418 : vector<1x16xf32> to vector<16xf32>
      %swap3A_420 = vector.shape_cast %add3A_416 : vector<16xf32> to vector<1x16xf32>
      tpu.vector_store %arg9[%swap3A, %swap3A_417], %swap3A_420 {strides = array<i32>} : memref<512x64xf32, #tpu.memory_space<vmem>>, vector<1x16xf32>,
      %mul3A_421 = arith.mulf %mul3A_408, %get3A_79 : vector<16xf32>
      %sub3A_422 = arith.subf %add3A_238, %mul3A_312 : vector<16xf32>
      %mul3A_423 = arith.mulf %sub3A_422, %mul3A_421 : vector<16xf32>
      %add3A_424 = arith.addf %mul3A_423, %get3A_99 : vector<16xf32>
      %swap3A_425 = arith.index_cast %add3A_412 : i32 to index
      %swap3A_426 = arith.constant 16 : index
      %swap3A_427 = tpu.vector_load %arg9[%swap3A_425, %swap3A_426] {strides = array<i32>} : memref<512x64xf32, #tpu.memory_space<vmem>>, vector<1x16xf32>,
      %swap3A_428 = vector.shape_cast %swap3A_427 : vector<1x16xf32> to vector<16xf32>
      %swap3A_429 = vector.shape_cast %add3A_424 : vector<16xf32> to vector<1x16xf32>
      tpu.vector_store %arg9[%swap3A_425, %swap3A_426], %swap3A_429 {strides = array<i32>} : memref<512x64xf32, #tpu.memory_space<vmem>>, vector<1x16xf32>,
      %mul3A_430 = arith.mulf %mul3A_408, %get3A_84 : vector<16xf32>
      %sub3A_431 = arith.subf %add3A_242, %mul3A_312 : vector<16xf32>
      %mul3A_432 = arith.mulf %sub3A_431, %mul3A_430 : vector<16xf32>
      %add3A_433 = arith.addf %mul3A_432, %get3A_104 : vector<16xf32>
      %swap3A_434 = arith.index_cast %add3A_412 : i32 to index
      %swap3A_435 = arith.constant 32 : index
      %swap3A_436 = tpu.vector_load %arg9[%swap3A_434, %swap3A_435] {strides = array<i32>} : memref<512x64xf32, #tpu.memory_space<vmem>>, vector<1x16xf32>,
      %swap3A_437 = vector.shape_cast %swap3A_436 : vector<1x16xf32> to vector<16xf32>
      %swap3A_438 = vector.shape_cast %add3A_433 : vector<16xf32> to vector<1x16xf32>
      tpu.vector_store %arg9[%swap3A_434, %swap3A_435], %swap3A_438 {strides = array<i32>} : memref<512x64xf32, #tpu.memory_space<vmem>>, vector<1x16xf32>,
      %mul3A_439 = arith.mulf %mul3A_408, %get3A_89 : vector<16xf32>
      %sub3A_440 = arith.subf %add3A_246, %mul3A_312 : vector<16xf32>
      %mul3A_441 = arith.mulf %sub3A_440, %mul3A_439 : vector<16xf32>
      %add3A_442 = arith.addf %mul3A_441, %get3A_109 : vector<16xf32>
      %swap3A_443 = arith.index_cast %add3A_412 : i32 to index
      %swap3A_444 = arith.constant 48 : index
      %swap3A_445 = tpu.vector_load %arg9[%swap3A_443, %swap3A_444] {strides = array<i32>} : memref<512x64xf32, #tpu.memory_space<vmem>>, vector<1x16xf32>,
      %swap3A_446 = vector.shape_cast %swap3A_445 : vector<1x16xf32> to vector<16xf32>
      %swap3A_447 = vector.shape_cast %add3A_442 : vector<16xf32> to vector<1x16xf32>
      tpu.vector_store %arg9[%swap3A_443, %swap3A_444], %swap3A_447 {strides = array<i32>} : memref<512x64xf32, #tpu.memory_space<vmem>>, vector<1x16xf32>,
      %mul3A_448 = arith.constant 5.000000e-02 : f32
      %mul3A_449 = vector.broadcast %mul3A_448 : f32 to vector<16xf32>
      %mul3A_450 = arith.mulf %scan3A_229#4, %mul3A_449 : vector<16xf32>
      %add3A_451 = arith.addf %mul3A_450, %add3A_18 : vector<16xf32>
      %mul3A_452 = arith.constant 5.000000e-02 : f32
      %mul3A_453 = vector.broadcast %mul3A_452 : f32 to vector<16xf32>
      %mul3A_454 = arith.mulf %scan3A_229#5, %mul3A_453 : vector<16xf32>
      %add3A_455 = arith.addf %mul3A_454, %add3A_35 : vector<16xf32>
      %mul3A_456 = arith.constant 5.000000e-02 : f32
      %mul3A_457 = vector.broadcast %mul3A_456 : f32 to vector<16xf32>
      %mul3A_458 = arith.mulf %scan3A_229#6, %mul3A_457 : vector<16xf32>
      %add3A_459 = arith.addf %mul3A_458, %add3A_52 : vector<16xf32>
      %mul3A_460 = arith.constant 5.000000e-02 : f32
      %mul3A_461 = vector.broadcast %mul3A_460 : f32 to vector<16xf32>
      %mul3A_462 = arith.mulf %scan3A_229#7, %mul3A_461 : vector<16xf32>
      %add3A_463 = arith.addf %mul3A_462, %add3A_69 : vector<16xf32>
      %add3A_464 = arith.addf %add3A_451, %add3A_455 : vector<16xf32>
      %add3A_465 = arith.addf %add3A_459, %add3A_463 : vector<16xf32>
      %add3A_466 = arith.addf %add3A_464, %add3A_465 : vector<16xf32>
      %mul3A_467 = arith.mulf %add3A_451, %add3A_451 : vector<16xf32>
      %mul3A_468 = arith.mulf %add3A_455, %add3A_455 : vector<16xf32>
      %add3A_469 = arith.addf %mul3A_467, %mul3A_468 : vector<16xf32>
      %mul3A_470 = arith.mulf %add3A_459, %add3A_459 : vector<16xf32>
      %mul3A_471 = arith.mulf %add3A_463, %add3A_463 : vector<16xf32>
      %add3A_472 = arith.addf %mul3A_470, %mul3A_471 : vector<16xf32>
      %add3A_473 = arith.addf %add3A_469, %add3A_472 : vector<16xf32>
      %xor3A_474 = arith.constant 1 : i32
      %xor3A_475 = vector.broadcast %xor3A_474 : i32 to vector<16xi32>
      %xor3A_476 = arith.xori %iota3A, %xor3A_475 : vector<16xi32>
      %lt3A_477 = arith.constant 0 : i32
      %lt3A_478 = vector.broadcast %lt3A_477 : i32 to vector<16xi32>
      %lt3A_479 = arith.cmpi slt, %xor3A_476, %lt3A_478 : vector<16xi32>
      %add3A_480 = arith.constant 16 : i32
      %add3A_481 = vector.broadcast %add3A_480 : i32 to vector<16xi32>
      %add3A_482 = arith.addi %xor3A_476, %add3A_481 : vector<16xi32>
      %select_n3A_483 = arith.select %lt3A_479, %add3A_482, %xor3A_476 : vector<16xi1>, vector<16xi32>
      %broadcast_in_dim3A_484 = vector.shape_cast %select_n3A_483 : vector<16xi32> to vector<16x1xi32>
      %gather3A_485 = vector.shape_cast %broadcast_in_dim3A_484 : vector<16x1xi32> to vector<16xi32>
      %gather3A_486 = tpu.dynamic_gather %add3A_466[%gather3A_485] in [0] : vector<16xf32>, vector<16xi32> -> vector<16xf32>
      %add3A_487 = arith.addf %add3A_466, %gather3A_486 : vector<16xf32>
      %xor3A_488 = arith.constant 2 : i32
      %xor3A_489 = vector.broadcast %xor3A_488 : i32 to vector<16xi32>
      %xor3A_490 = arith.xori %iota3A, %xor3A_489 : vector<16xi32>
      %lt3A_491 = arith.constant 0 : i32
      %lt3A_492 = vector.broadcast %lt3A_491 : i32 to vector<16xi32>
      %lt3A_493 = arith.cmpi slt, %xor3A_490, %lt3A_492 : vector<16xi32>
      %add3A_494 = arith.constant 16 : i32
      %add3A_495 = vector.broadcast %add3A_494 : i32 to vector<16xi32>
      %add3A_496 = arith.addi %xor3A_490, %add3A_495 : vector<16xi32>
      %select_n3A_497 = arith.select %lt3A_493, %add3A_496, %xor3A_490 : vector<16xi1>, vector<16xi32>
      %broadcast_in_dim3A_498 = vector.shape_cast %select_n3A_497 : vector<16xi32> to vector<16x1xi32>
      %gather3A_499 = vector.shape_cast %broadcast_in_dim3A_498 : vector<16x1xi32> to vector<16xi32>
      %gather3A_500 = tpu.dynamic_gather %add3A_487[%gather3A_499] in [0] : vector<16xf32>, vector<16xi32> -> vector<16xf32>
      %add3A_501 = arith.addf %add3A_487, %gather3A_500 : vector<16xf32>
      %xor3A_502 = arith.constant 4 : i32
      %xor3A_503 = vector.broadcast %xor3A_502 : i32 to vector<16xi32>
      %xor3A_504 = arith.xori %iota3A, %xor3A_503 : vector<16xi32>
      %lt3A_505 = arith.constant 0 : i32
      %lt3A_506 = vector.broadcast %lt3A_505 : i32 to vector<16xi32>
      %lt3A_507 = arith.cmpi slt, %xor3A_504, %lt3A_506 : vector<16xi32>
      %add3A_508 = arith.constant 16 : i32
      %add3A_509 = vector.broadcast %add3A_508 : i32 to vector<16xi32>
      %add3A_510 = arith.addi %xor3A_504, %add3A_509 : vector<16xi32>
      %select_n3A_511 = arith.select %lt3A_507, %add3A_510, %xor3A_504 : vector<16xi1>, vector<16xi32>
      %broadcast_in_dim3A_512 = vector.shape_cast %select_n3A_511 : vector<16xi32> to vector<16x1xi32>
      %gather3A_513 = vector.shape_cast %broadcast_in_dim3A_512 : vector<16x1xi32> to vector<16xi32>
      %gather3A_514 = tpu.dynamic_gather %add3A_501[%gather3A_513] in [0] : vector<16xf32>, vector<16xi32> -> vector<16xf32>
      %add3A_515 = arith.addf %add3A_501, %gather3A_514 : vector<16xf32>
      %xor3A_516 = arith.constant 8 : i32
      %xor3A_517 = vector.broadcast %xor3A_516 : i32 to vector<16xi32>
      %xor3A_518 = arith.xori %iota3A, %xor3A_517 : vector<16xi32>
      %lt3A_519 = arith.constant 0 : i32
      %lt3A_520 = vector.broadcast %lt3A_519 : i32 to vector<16xi32>
      %lt3A_521 = arith.cmpi slt, %xor3A_518, %lt3A_520 : vector<16xi32>
      %add3A_522 = arith.constant 16 : i32
      %add3A_523 = vector.broadcast %add3A_522 : i32 to vector<16xi32>
      %add3A_524 = arith.addi %xor3A_518, %add3A_523 : vector<16xi32>
      %select_n3A_525 = arith.select %lt3A_521, %add3A_524, %xor3A_518 : vector<16xi1>, vector<16xi32>
      %broadcast_in_dim3A_526 = vector.shape_cast %select_n3A_525 : vector<16xi32> to vector<16x1xi32>
      %gather3A_527 = vector.shape_cast %broadcast_in_dim3A_526 : vector<16x1xi32> to vector<16xi32>
      %gather3A_528 = tpu.dynamic_gather %add3A_515[%gather3A_527] in [0] : vector<16xf32>, vector<16xi32> -> vector<16xf32>
      %add3A_529 = arith.addf %add3A_515, %gather3A_528 : vector<16xf32>
      %mul3A_530 = arith.constant 1.562500e-02 : f32
      %mul3A_531 = vector.broadcast %mul3A_530 : f32 to vector<16xf32>
      %mul3A_532 = arith.mulf %add3A_529, %mul3A_531 : vector<16xf32>
      %xor3A_533 = arith.constant 1 : i32
      %xor3A_534 = vector.broadcast %xor3A_533 : i32 to vector<16xi32>
      %xor3A_535 = arith.xori %iota3A, %xor3A_534 : vector<16xi32>
      %lt3A_536 = arith.constant 0 : i32
      %lt3A_537 = vector.broadcast %lt3A_536 : i32 to vector<16xi32>
      %lt3A_538 = arith.cmpi slt, %xor3A_535, %lt3A_537 : vector<16xi32>
      %add3A_539 = arith.constant 16 : i32
      %add3A_540 = vector.broadcast %add3A_539 : i32 to vector<16xi32>
      %add3A_541 = arith.addi %xor3A_535, %add3A_540 : vector<16xi32>
      %select_n3A_542 = arith.select %lt3A_538, %add3A_541, %xor3A_535 : vector<16xi1>, vector<16xi32>
      %broadcast_in_dim3A_543 = vector.shape_cast %select_n3A_542 : vector<16xi32> to vector<16x1xi32>
      %gather3A_544 = vector.shape_cast %broadcast_in_dim3A_543 : vector<16x1xi32> to vector<16xi32>
      %gather3A_545 = tpu.dynamic_gather %add3A_473[%gather3A_544] in [0] : vector<16xf32>, vector<16xi32> -> vector<16xf32>
      %add3A_546 = arith.addf %add3A_473, %gather3A_545 : vector<16xf32>
      %xor3A_547 = arith.constant 2 : i32
      %xor3A_548 = vector.broadcast %xor3A_547 : i32 to vector<16xi32>
      %xor3A_549 = arith.xori %iota3A, %xor3A_548 : vector<16xi32>
      %lt3A_550 = arith.constant 0 : i32
      %lt3A_551 = vector.broadcast %lt3A_550 : i32 to vector<16xi32>
      %lt3A_552 = arith.cmpi slt, %xor3A_549, %lt3A_551 : vector<16xi32>
      %add3A_553 = arith.constant 16 : i32
      %add3A_554 = vector.broadcast %add3A_553 : i32 to vector<16xi32>
      %add3A_555 = arith.addi %xor3A_549, %add3A_554 : vector<16xi32>
      %select_n3A_556 = arith.select %lt3A_552, %add3A_555, %xor3A_549 : vector<16xi1>, vector<16xi32>
      %broadcast_in_dim3A_557 = vector.shape_cast %select_n3A_556 : vector<16xi32> to vector<16x1xi32>
      %gather3A_558 = vector.shape_cast %broadcast_in_dim3A_557 : vector<16x1xi32> to vector<16xi32>
      %gather3A_559 = tpu.dynamic_gather %add3A_546[%gather3A_558] in [0] : vector<16xf32>, vector<16xi32> -> vector<16xf32>
      %add3A_560 = arith.addf %add3A_546, %gather3A_559 : vector<16xf32>
      %xor3A_561 = arith.constant 4 : i32
      %xor3A_562 = vector.broadcast %xor3A_561 : i32 to vector<16xi32>
      %xor3A_563 = arith.xori %iota3A, %xor3A_562 : vector<16xi32>
      %lt3A_564 = arith.constant 0 : i32
      %lt3A_565 = vector.broadcast %lt3A_564 : i32 to vector<16xi32>
      %lt3A_566 = arith.cmpi slt, %xor3A_563, %lt3A_565 : vector<16xi32>
      %add3A_567 = arith.constant 16 : i32
      %add3A_568 = vector.broadcast %add3A_567 : i32 to vector<16xi32>
      %add3A_569 = arith.addi %xor3A_563, %add3A_568 : vector<16xi32>
      %select_n3A_570 = arith.select %lt3A_566, %add3A_569, %xor3A_563 : vector<16xi1>, vector<16xi32>
      %broadcast_in_dim3A_571 = vector.shape_cast %select_n3A_570 : vector<16xi32> to vector<16x1xi32>
      %gather3A_572 = vector.shape_cast %broadcast_in_dim3A_571 : vector<16x1xi32> to vector<16xi32>
      %gather3A_573 = tpu.dynamic_gather %add3A_560[%gather3A_572] in [0] : vector<16xf32>, vector<16xi32> -> vector<16xf32>
      %add3A_574 = arith.addf %add3A_560, %gather3A_573 : vector<16xf32>
      %xor3A_575 = arith.constant 8 : i32
      %xor3A_576 = vector.broadcast %xor3A_575 : i32 to vector<16xi32>
      %xor3A_577 = arith.xori %iota3A, %xor3A_576 : vector<16xi32>
      %lt3A_578 = arith.constant 0 : i32
      %lt3A_579 = vector.broadcast %lt3A_578 : i32 to vector<16xi32>
      %lt3A_580 = arith.cmpi slt, %xor3A_577, %lt3A_579 : vector<16xi32>
      %add3A_581 = arith.constant 16 : i32
      %add3A_582 = vector.broadcast %add3A_581 : i32 to vector<16xi32>
      %add3A_583 = arith.addi %xor3A_577, %add3A_582 : vector<16xi32>
      %select_n3A_584 = arith.select %lt3A_580, %add3A_583, %xor3A_577 : vector<16xi1>, vector<16xi32>
      %broadcast_in_dim3A_585 = vector.shape_cast %select_n3A_584 : vector<16xi32> to vector<16x1xi32>
      %gather3A_586 = vector.shape_cast %broadcast_in_dim3A_585 : vector<16x1xi32> to vector<16xi32>
      %gather3A_587 = tpu.dynamic_gather %add3A_574[%gather3A_586] in [0] : vector<16xf32>, vector<16xi32> -> vector<16xf32>
      %add3A_588 = arith.addf %add3A_574, %gather3A_587 : vector<16xf32>
      %mul3A_589 = arith.constant 1.562500e-02 : f32
      %mul3A_590 = vector.broadcast %mul3A_589 : f32 to vector<16xf32>
      %mul3A_591 = arith.mulf %add3A_588, %mul3A_590 : vector<16xf32>
      %mul3A_592 = arith.mulf %mul3A_532, %mul3A_532 : vector<16xf32>
      %sub3A_593 = arith.subf %mul3A_591, %mul3A_592 : vector<16xf32>
      %add3A_594 = arith.constant 9.99999974E-6 : f32
      %add3A_595 = vector.broadcast %add3A_594 : f32 to vector<16xf32>
      %add3A_596 = arith.addf %sub3A_593, %add3A_595 : vector<16xf32>
      %bitcast_convert_type3A_597 = tpu.bitcast %add3A_596 : vector<16xf32> -> vector<16xi32>
      %shift_right_arithmetic3A_598 = arith.constant 1 : i32
      %shift_right_arithmetic3A_599 = vector.broadcast %shift_right_arithmetic3A_598 : i32 to vector<16xi32>
      %shift_right_arithmetic3A_600 = arith.shrsi %bitcast_convert_type3A_597, %shift_right_arithmetic3A_599 : vector<16xi32>
      %sub3A_601 = arith.constant 1597463007 : i32
      %sub3A_602 = vector.broadcast %sub3A_601 : i32 to vector<16xi32>
      %sub3A_603 = arith.subi %sub3A_602, %shift_right_arithmetic3A_600 : vector<16xi32>
      %bitcast_convert_type3A_604 = tpu.bitcast %sub3A_603 : vector<16xi32> -> vector<16xf32>
      %mul3A_605 = arith.constant 5.000000e-01 : f32
      %mul3A_606 = vector.broadcast %mul3A_605 : f32 to vector<16xf32>
      %mul3A_607 = arith.mulf %mul3A_606, %add3A_596 : vector<16xf32>
      %mul3A_608 = arith.mulf %mul3A_607, %bitcast_convert_type3A_604 : vector<16xf32>
      %mul3A_609 = arith.mulf %mul3A_608, %bitcast_convert_type3A_604 : vector<16xf32>
      %sub3A_610 = arith.constant 1.500000e+00 : f32
      %sub3A_611 = vector.broadcast %sub3A_610 : f32 to vector<16xf32>
      %sub3A_612 = arith.subf %sub3A_611, %mul3A_609 : vector<16xf32>
      %mul3A_613 = arith.mulf %bitcast_convert_type3A_604, %sub3A_612 : vector<16xf32>
      %mul3A_614 = arith.constant 5.000000e-01 : f32
      %mul3A_615 = vector.broadcast %mul3A_614 : f32 to vector<16xf32>
      %mul3A_616 = arith.mulf %mul3A_615, %add3A_596 : vector<16xf32>
      %mul3A_617 = arith.mulf %mul3A_616, %mul3A_613 : vector<16xf32>
      %mul3A_618 = arith.mulf %mul3A_617, %mul3A_613 : vector<16xf32>
      %sub3A_619 = arith.constant 1.500000e+00 : f32
      %sub3A_620 = vector.broadcast %sub3A_619 : f32 to vector<16xf32>
      %sub3A_621 = arith.subf %sub3A_620, %mul3A_618 : vector<16xf32>
      %mul3A_622 = arith.mulf %mul3A_613, %sub3A_621 : vector<16xf32>
      %mul3A_623 = arith.constant 5.000000e-01 : f32
      %mul3A_624 = vector.broadcast %mul3A_623 : f32 to vector<16xf32>
      %mul3A_625 = arith.mulf %mul3A_624, %add3A_596 : vector<16xf32>
      %mul3A_626 = arith.mulf %mul3A_625, %mul3A_622 : vector<16xf32>
      %mul3A_627 = arith.mulf %mul3A_626, %mul3A_622 : vector<16xf32>
      %sub3A_628 = arith.constant 1.500000e+00 : f32
      %sub3A_629 = vector.broadcast %sub3A_628 : f32 to vector<16xf32>
      %sub3A_630 = arith.subf %sub3A_629, %mul3A_627 : vector<16xf32>
      %mul3A_631 = arith.mulf %mul3A_622, %sub3A_630 : vector<16xf32>
      %mul3A_632 = arith.constant 8 : i32
      %mul3A_633 = arith.muli %add3A_172, %mul3A_632 : i32
      %add3A_634 = arith.constant 1 : i32
      %add3A_635 = arith.addi %mul3A_633, %add3A_634 : i32
      %mul3A_636 = arith.mulf %mul3A_631, %get3A_74 : vector<16xf32>
      %sub3A_637 = arith.subf %add3A_451, %mul3A_532 : vector<16xf32>
      %mul3A_638 = arith.mulf %sub3A_637, %mul3A_636 : vector<16xf32>
      %add3A_639 = arith.addf %mul3A_638, %get3A_94 : vector<16xf32>
      %swap3A_640 = arith.index_cast %add3A_635 : i32 to index
      %swap3A_641 = arith.constant 0 : index
      %swap3A_642 = tpu.vector_load %arg9[%swap3A_640, %swap3A_641] {strides = array<i32>} : memref<512x64xf32, #tpu.memory_space<vmem>>, vector<1x16xf32>,
      %swap3A_643 = vector.shape_cast %swap3A_642 : vector<1x16xf32> to vector<16xf32>
      %swap3A_644 = vector.shape_cast %add3A_639 : vector<16xf32> to vector<1x16xf32>
      tpu.vector_store %arg9[%swap3A_640, %swap3A_641], %swap3A_644 {strides = array<i32>} : memref<512x64xf32, #tpu.memory_space<vmem>>, vector<1x16xf32>,
      %mul3A_645 = arith.mulf %mul3A_631, %get3A_79 : vector<16xf32>
      %sub3A_646 = arith.subf %add3A_455, %mul3A_532 : vector<16xf32>
      %mul3A_647 = arith.mulf %sub3A_646, %mul3A_645 : vector<16xf32>
      %add3A_648 = arith.addf %mul3A_647, %get3A_99 : vector<16xf32>
      %swap3A_649 = arith.index_cast %add3A_635 : i32 to index
      %swap3A_650 = arith.constant 16 : index
      %swap3A_651 = tpu.vector_load %arg9[%swap3A_649, %swap3A_650] {strides = array<i32>} : memref<512x64xf32, #tpu.memory_space<vmem>>, vector<1x16xf32>,
      %swap3A_652 = vector.shape_cast %swap3A_651 : vector<1x16xf32> to vector<16xf32>
      %swap3A_653 = vector.shape_cast %add3A_648 : vector<16xf32> to vector<1x16xf32>
      tpu.vector_store %arg9[%swap3A_649, %swap3A_650], %swap3A_653 {strides = array<i32>} : memref<512x64xf32, #tpu.memory_space<vmem>>, vector<1x16xf32>,
      %mul3A_654 = arith.mulf %mul3A_631, %get3A_84 : vector<16xf32>
      %sub3A_655 = arith.subf %add3A_459, %mul3A_532 : vector<16xf32>
      %mul3A_656 = arith.mulf %sub3A_655, %mul3A_654 : vector<16xf32>
      %add3A_657 = arith.addf %mul3A_656, %get3A_104 : vector<16xf32>
      %swap3A_658 = arith.index_cast %add3A_635 : i32 to index
      %swap3A_659 = arith.constant 32 : index
      %swap3A_660 = tpu.vector_load %arg9[%swap3A_658, %swap3A_659] {strides = array<i32>} : memref<512x64xf32, #tpu.memory_space<vmem>>, vector<1x16xf32>,
      %swap3A_661 = vector.shape_cast %swap3A_660 : vector<1x16xf32> to vector<16xf32>
      %swap3A_662 = vector.shape_cast %add3A_657 : vector<16xf32> to vector<1x16xf32>
      tpu.vector_store %arg9[%swap3A_658, %swap3A_659], %swap3A_662 {strides = array<i32>} : memref<512x64xf32, #tpu.memory_space<vmem>>, vector<1x16xf32>,
      %mul3A_663 = arith.mulf %mul3A_631, %get3A_89 : vector<16xf32>
      %sub3A_664 = arith.subf %add3A_463, %mul3A_532 : vector<16xf32>
      %mul3A_665 = arith.mulf %sub3A_664, %mul3A_663 : vector<16xf32>
      %add3A_666 = arith.addf %mul3A_665, %get3A_109 : vector<16xf32>
      %swap3A_667 = arith.index_cast %add3A_635 : i32 to index
      %swap3A_668 = arith.constant 48 : index
      %swap3A_669 = tpu.vector_load %arg9[%swap3A_667, %swap3A_668] {strides = array<i32>} : memref<512x64xf32, #tpu.memory_space<vmem>>, vector<1x16xf32>,
      %swap3A_670 = vector.shape_cast %swap3A_669 : vector<1x16xf32> to vector<16xf32>
      %swap3A_671 = vector.shape_cast %add3A_666 : vector<16xf32> to vector<1x16xf32>
      tpu.vector_store %arg9[%swap3A_667, %swap3A_668], %swap3A_671 {strides = array<i32>} : memref<512x64xf32, #tpu.memory_space<vmem>>, vector<1x16xf32>,
      %mul3A_672 = arith.constant 5.000000e-02 : f32
      %mul3A_673 = vector.broadcast %mul3A_672 : f32 to vector<16xf32>
      %mul3A_674 = arith.mulf %scan3A_229#8, %mul3A_673 : vector<16xf32>
      %add3A_675 = arith.addf %mul3A_674, %add3A_18 : vector<16xf32>
      %mul3A_676 = arith.constant 5.000000e-02 : f32
      %mul3A_677 = vector.broadcast %mul3A_676 : f32 to vector<16xf32>
      %mul3A_678 = arith.mulf %scan3A_229#9, %mul3A_677 : vector<16xf32>
      %add3A_679 = arith.addf %mul3A_678, %add3A_35 : vector<16xf32>
      %mul3A_680 = arith.constant 5.000000e-02 : f32
      %mul3A_681 = vector.broadcast %mul3A_680 : f32 to vector<16xf32>
      %mul3A_682 = arith.mulf %scan3A_229#10, %mul3A_681 : vector<16xf32>
      %add3A_683 = arith.addf %mul3A_682, %add3A_52 : vector<16xf32>
      %mul3A_684 = arith.constant 5.000000e-02 : f32
      %mul3A_685 = vector.broadcast %mul3A_684 : f32 to vector<16xf32>
      %mul3A_686 = arith.mulf %scan3A_229#11, %mul3A_685 : vector<16xf32>
      %add3A_687 = arith.addf %mul3A_686, %add3A_69 : vector<16xf32>
      %add3A_688 = arith.addf %add3A_675, %add3A_679 : vector<16xf32>
      %add3A_689 = arith.addf %add3A_683, %add3A_687 : vector<16xf32>
      %add3A_690 = arith.addf %add3A_688, %add3A_689 : vector<16xf32>
      %mul3A_691 = arith.mulf %add3A_675, %add3A_675 : vector<16xf32>
      %mul3A_692 = arith.mulf %add3A_679, %add3A_679 : vector<16xf32>
      %add3A_693 = arith.addf %mul3A_691, %mul3A_692 : vector<16xf32>
      %mul3A_694 = arith.mulf %add3A_683, %add3A_683 : vector<16xf32>
      %mul3A_695 = arith.mulf %add3A_687, %add3A_687 : vector<16xf32>
      %add3A_696 = arith.addf %mul3A_694, %mul3A_695 : vector<16xf32>
      %add3A_697 = arith.addf %add3A_693, %add3A_696 : vector<16xf32>
      %xor3A_698 = arith.constant 1 : i32
      %xor3A_699 = vector.broadcast %xor3A_698 : i32 to vector<16xi32>
      %xor3A_700 = arith.xori %iota3A, %xor3A_699 : vector<16xi32>
      %lt3A_701 = arith.constant 0 : i32
      %lt3A_702 = vector.broadcast %lt3A_701 : i32 to vector<16xi32>
      %lt3A_703 = arith.cmpi slt, %xor3A_700, %lt3A_702 : vector<16xi32>
      %add3A_704 = arith.constant 16 : i32
      %add3A_705 = vector.broadcast %add3A_704 : i32 to vector<16xi32>
      %add3A_706 = arith.addi %xor3A_700, %add3A_705 : vector<16xi32>
      %select_n3A_707 = arith.select %lt3A_703, %add3A_706, %xor3A_700 : vector<16xi1>, vector<16xi32>
      %broadcast_in_dim3A_708 = vector.shape_cast %select_n3A_707 : vector<16xi32> to vector<16x1xi32>
      %gather3A_709 = vector.shape_cast %broadcast_in_dim3A_708 : vector<16x1xi32> to vector<16xi32>
      %gather3A_710 = tpu.dynamic_gather %add3A_690[%gather3A_709] in [0] : vector<16xf32>, vector<16xi32> -> vector<16xf32>
      %add3A_711 = arith.addf %add3A_690, %gather3A_710 : vector<16xf32>
      %xor3A_712 = arith.constant 2 : i32
      %xor3A_713 = vector.broadcast %xor3A_712 : i32 to vector<16xi32>
      %xor3A_714 = arith.xori %iota3A, %xor3A_713 : vector<16xi32>
      %lt3A_715 = arith.constant 0 : i32
      %lt3A_716 = vector.broadcast %lt3A_715 : i32 to vector<16xi32>
      %lt3A_717 = arith.cmpi slt, %xor3A_714, %lt3A_716 : vector<16xi32>
      %add3A_718 = arith.constant 16 : i32
      %add3A_719 = vector.broadcast %add3A_718 : i32 to vector<16xi32>
      %add3A_720 = arith.addi %xor3A_714, %add3A_719 : vector<16xi32>
      %select_n3A_721 = arith.select %lt3A_717, %add3A_720, %xor3A_714 : vector<16xi1>, vector<16xi32>
      %broadcast_in_dim3A_722 = vector.shape_cast %select_n3A_721 : vector<16xi32> to vector<16x1xi32>
      %gather3A_723 = vector.shape_cast %broadcast_in_dim3A_722 : vector<16x1xi32> to vector<16xi32>
      %gather3A_724 = tpu.dynamic_gather %add3A_711[%gather3A_723] in [0] : vector<16xf32>, vector<16xi32> -> vector<16xf32>
      %add3A_725 = arith.addf %add3A_711, %gather3A_724 : vector<16xf32>
      %xor3A_726 = arith.constant 4 : i32
      %xor3A_727 = vector.broadcast %xor3A_726 : i32 to vector<16xi32>
      %xor3A_728 = arith.xori %iota3A, %xor3A_727 : vector<16xi32>
      %lt3A_729 = arith.constant 0 : i32
      %lt3A_730 = vector.broadcast %lt3A_729 : i32 to vector<16xi32>
      %lt3A_731 = arith.cmpi slt, %xor3A_728, %lt3A_730 : vector<16xi32>
      %add3A_732 = arith.constant 16 : i32
      %add3A_733 = vector.broadcast %add3A_732 : i32 to vector<16xi32>
      %add3A_734 = arith.addi %xor3A_728, %add3A_733 : vector<16xi32>
      %select_n3A_735 = arith.select %lt3A_731, %add3A_734, %xor3A_728 : vector<16xi1>, vector<16xi32>
      %broadcast_in_dim3A_736 = vector.shape_cast %select_n3A_735 : vector<16xi32> to vector<16x1xi32>
      %gather3A_737 = vector.shape_cast %broadcast_in_dim3A_736 : vector<16x1xi32> to vector<16xi32>
      %gather3A_738 = tpu.dynamic_gather %add3A_725[%gather3A_737] in [0] : vector<16xf32>, vector<16xi32> -> vector<16xf32>
      %add3A_739 = arith.addf %add3A_725, %gather3A_738 : vector<16xf32>
      %xor3A_740 = arith.constant 8 : i32
      %xor3A_741 = vector.broadcast %xor3A_740 : i32 to vector<16xi32>
      %xor3A_742 = arith.xori %iota3A, %xor3A_741 : vector<16xi32>
      %lt3A_743 = arith.constant 0 : i32
      %lt3A_744 = vector.broadcast %lt3A_743 : i32 to vector<16xi32>
      %lt3A_745 = arith.cmpi slt, %xor3A_742, %lt3A_744 : vector<16xi32>
      %add3A_746 = arith.constant 16 : i32
      %add3A_747 = vector.broadcast %add3A_746 : i32 to vector<16xi32>
      %add3A_748 = arith.addi %xor3A_742, %add3A_747 : vector<16xi32>
      %select_n3A_749 = arith.select %lt3A_745, %add3A_748, %xor3A_742 : vector<16xi1>, vector<16xi32>
      %broadcast_in_dim3A_750 = vector.shape_cast %select_n3A_749 : vector<16xi32> to vector<16x1xi32>
      %gather3A_751 = vector.shape_cast %broadcast_in_dim3A_750 : vector<16x1xi32> to vector<16xi32>
      %gather3A_752 = tpu.dynamic_gather %add3A_739[%gather3A_751] in [0] : vector<16xf32>, vector<16xi32> -> vector<16xf32>
      %add3A_753 = arith.addf %add3A_739, %gather3A_752 : vector<16xf32>
      %mul3A_754 = arith.constant 1.562500e-02 : f32
      %mul3A_755 = vector.broadcast %mul3A_754 : f32 to vector<16xf32>
      %mul3A_756 = arith.mulf %add3A_753, %mul3A_755 : vector<16xf32>
      %xor3A_757 = arith.constant 1 : i32
      %xor3A_758 = vector.broadcast %xor3A_757 : i32 to vector<16xi32>
      %xor3A_759 = arith.xori %iota3A, %xor3A_758 : vector<16xi32>
      %lt3A_760 = arith.constant 0 : i32
      %lt3A_761 = vector.broadcast %lt3A_760 : i32 to vector<16xi32>
      %lt3A_762 = arith.cmpi slt, %xor3A_759, %lt3A_761 : vector<16xi32>
      %add3A_763 = arith.constant 16 : i32
      %add3A_764 = vector.broadcast %add3A_763 : i32 to vector<16xi32>
      %add3A_765 = arith.addi %xor3A_759, %add3A_764 : vector<16xi32>
      %select_n3A_766 = arith.select %lt3A_762, %add3A_765, %xor3A_759 : vector<16xi1>, vector<16xi32>
      %broadcast_in_dim3A_767 = vector.shape_cast %select_n3A_766 : vector<16xi32> to vector<16x1xi32>
      %gather3A_768 = vector.shape_cast %broadcast_in_dim3A_767 : vector<16x1xi32> to vector<16xi32>
      %gather3A_769 = tpu.dynamic_gather %add3A_697[%gather3A_768] in [0] : vector<16xf32>, vector<16xi32> -> vector<16xf32>
      %add3A_770 = arith.addf %add3A_697, %gather3A_769 : vector<16xf32>
      %xor3A_771 = arith.constant 2 : i32
      %xor3A_772 = vector.broadcast %xor3A_771 : i32 to vector<16xi32>
      %xor3A_773 = arith.xori %iota3A, %xor3A_772 : vector<16xi32>
      %lt3A_774 = arith.constant 0 : i32
      %lt3A_775 = vector.broadcast %lt3A_774 : i32 to vector<16xi32>
      %lt3A_776 = arith.cmpi slt, %xor3A_773, %lt3A_775 : vector<16xi32>
      %add3A_777 = arith.constant 16 : i32
      %add3A_778 = vector.broadcast %add3A_777 : i32 to vector<16xi32>
      %add3A_779 = arith.addi %xor3A_773, %add3A_778 : vector<16xi32>
      %select_n3A_780 = arith.select %lt3A_776, %add3A_779, %xor3A_773 : vector<16xi1>, vector<16xi32>
      %broadcast_in_dim3A_781 = vector.shape_cast %select_n3A_780 : vector<16xi32> to vector<16x1xi32>
      %gather3A_782 = vector.shape_cast %broadcast_in_dim3A_781 : vector<16x1xi32> to vector<16xi32>
      %gather3A_783 = tpu.dynamic_gather %add3A_770[%gather3A_782] in [0] : vector<16xf32>, vector<16xi32> -> vector<16xf32>
      %add3A_784 = arith.addf %add3A_770, %gather3A_783 : vector<16xf32>
      %xor3A_785 = arith.constant 4 : i32
      %xor3A_786 = vector.broadcast %xor3A_785 : i32 to vector<16xi32>
      %xor3A_787 = arith.xori %iota3A, %xor3A_786 : vector<16xi32>
      %lt3A_788 = arith.constant 0 : i32
      %lt3A_789 = vector.broadcast %lt3A_788 : i32 to vector<16xi32>
      %lt3A_790 = arith.cmpi slt, %xor3A_787, %lt3A_789 : vector<16xi32>
      %add3A_791 = arith.constant 16 : i32
      %add3A_792 = vector.broadcast %add3A_791 : i32 to vector<16xi32>
      %add3A_793 = arith.addi %xor3A_787, %add3A_792 : vector<16xi32>
      %select_n3A_794 = arith.select %lt3A_790, %add3A_793, %xor3A_787 : vector<16xi1>, vector<16xi32>
      %broadcast_in_dim3A_795 = vector.shape_cast %select_n3A_794 : vector<16xi32> to vector<16x1xi32>
      %gather3A_796 = vector.shape_cast %broadcast_in_dim3A_795 : vector<16x1xi32> to vector<16xi32>
      %gather3A_797 = tpu.dynamic_gather %add3A_784[%gather3A_796] in [0] : vector<16xf32>, vector<16xi32> -> vector<16xf32>
      %add3A_798 = arith.addf %add3A_784, %gather3A_797 : vector<16xf32>
      %xor3A_799 = arith.constant 8 : i32
      %xor3A_800 = vector.broadcast %xor3A_799 : i32 to vector<16xi32>
      %xor3A_801 = arith.xori %iota3A, %xor3A_800 : vector<16xi32>
      %lt3A_802 = arith.constant 0 : i32
      %lt3A_803 = vector.broadcast %lt3A_802 : i32 to vector<16xi32>
      %lt3A_804 = arith.cmpi slt, %xor3A_801, %lt3A_803 : vector<16xi32>
      %add3A_805 = arith.constant 16 : i32
      %add3A_806 = vector.broadcast %add3A_805 : i32 to vector<16xi32>
      %add3A_807 = arith.addi %xor3A_801, %add3A_806 : vector<16xi32>
      %select_n3A_808 = arith.select %lt3A_804, %add3A_807, %xor3A_801 : vector<16xi1>, vector<16xi32>
      %broadcast_in_dim3A_809 = vector.shape_cast %select_n3A_808 : vector<16xi32> to vector<16x1xi32>
      %gather3A_810 = vector.shape_cast %broadcast_in_dim3A_809 : vector<16x1xi32> to vector<16xi32>
      %gather3A_811 = tpu.dynamic_gather %add3A_798[%gather3A_810] in [0] : vector<16xf32>, vector<16xi32> -> vector<16xf32>
      %add3A_812 = arith.addf %add3A_798, %gather3A_811 : vector<16xf32>
      %mul3A_813 = arith.constant 1.562500e-02 : f32
      %mul3A_814 = vector.broadcast %mul3A_813 : f32 to vector<16xf32>
      %mul3A_815 = arith.mulf %add3A_812, %mul3A_814 : vector<16xf32>
      %mul3A_816 = arith.mulf %mul3A_756, %mul3A_756 : vector<16xf32>
      %sub3A_817 = arith.subf %mul3A_815, %mul3A_816 : vector<16xf32>
      %add3A_818 = arith.constant 9.99999974E-6 : f32
      %add3A_819 = vector.broadcast %add3A_818 : f32 to vector<16xf32>
      %add3A_820 = arith.addf %sub3A_817, %add3A_819 : vector<16xf32>
      %bitcast_convert_type3A_821 = tpu.bitcast %add3A_820 : vector<16xf32> -> vector<16xi32>
      %shift_right_arithmetic3A_822 = arith.constant 1 : i32
      %shift_right_arithmetic3A_823 = vector.broadcast %shift_right_arithmetic3A_822 : i32 to vector<16xi32>
      %shift_right_arithmetic3A_824 = arith.shrsi %bitcast_convert_type3A_821, %shift_right_arithmetic3A_823 : vector<16xi32>
      %sub3A_825 = arith.constant 1597463007 : i32
      %sub3A_826 = vector.broadcast %sub3A_825 : i32 to vector<16xi32>
      %sub3A_827 = arith.subi %sub3A_826, %shift_right_arithmetic3A_824 : vector<16xi32>
      %bitcast_convert_type3A_828 = tpu.bitcast %sub3A_827 : vector<16xi32> -> vector<16xf32>
      %mul3A_829 = arith.constant 5.000000e-01 : f32
      %mul3A_830 = vector.broadcast %mul3A_829 : f32 to vector<16xf32>
      %mul3A_831 = arith.mulf %mul3A_830, %add3A_820 : vector<16xf32>
      %mul3A_832 = arith.mulf %mul3A_831, %bitcast_convert_type3A_828 : vector<16xf32>
      %mul3A_833 = arith.mulf %mul3A_832, %bitcast_convert_type3A_828 : vector<16xf32>
      %sub3A_834 = arith.constant 1.500000e+00 : f32
      %sub3A_835 = vector.broadcast %sub3A_834 : f32 to vector<16xf32>
      %sub3A_836 = arith.subf %sub3A_835, %mul3A_833 : vector<16xf32>
      %mul3A_837 = arith.mulf %bitcast_convert_type3A_828, %sub3A_836 : vector<16xf32>
      %mul3A_838 = arith.constant 5.000000e-01 : f32
      %mul3A_839 = vector.broadcast %mul3A_838 : f32 to vector<16xf32>
      %mul3A_840 = arith.mulf %mul3A_839, %add3A_820 : vector<16xf32>
      %mul3A_841 = arith.mulf %mul3A_840, %mul3A_837 : vector<16xf32>
      %mul3A_842 = arith.mulf %mul3A_841, %mul3A_837 : vector<16xf32>
      %sub3A_843 = arith.constant 1.500000e+00 : f32
      %sub3A_844 = vector.broadcast %sub3A_843 : f32 to vector<16xf32>
      %sub3A_845 = arith.subf %sub3A_844, %mul3A_842 : vector<16xf32>
      %mul3A_846 = arith.mulf %mul3A_837, %sub3A_845 : vector<16xf32>
      %mul3A_847 = arith.constant 5.000000e-01 : f32
      %mul3A_848 = vector.broadcast %mul3A_847 : f32 to vector<16xf32>
      %mul3A_849 = arith.mulf %mul3A_848, %add3A_820 : vector<16xf32>
      %mul3A_850 = arith.mulf %mul3A_849, %mul3A_846 : vector<16xf32>
      %mul3A_851 = arith.mulf %mul3A_850, %mul3A_846 : vector<16xf32>
      %sub3A_852 = arith.constant 1.500000e+00 : f32
      %sub3A_853 = vector.broadcast %sub3A_852 : f32 to vector<16xf32>
      %sub3A_854 = arith.subf %sub3A_853, %mul3A_851 : vector<16xf32>
      %mul3A_855 = arith.mulf %mul3A_846, %sub3A_854 : vector<16xf32>
      %mul3A_856 = arith.constant 8 : i32
      %mul3A_857 = arith.muli %add3A_172, %mul3A_856 : i32
      %add3A_858 = arith.constant 2 : i32
      %add3A_859 = arith.addi %mul3A_857, %add3A_858 : i32
      %mul3A_860 = arith.mulf %mul3A_855, %get3A_74 : vector<16xf32>
      %sub3A_861 = arith.subf %add3A_675, %mul3A_756 : vector<16xf32>
      %mul3A_862 = arith.mulf %sub3A_861, %mul3A_860 : vector<16xf32>
      %add3A_863 = arith.addf %mul3A_862, %get3A_94 : vector<16xf32>
      %swap3A_864 = arith.index_cast %add3A_859 : i32 to index
      %swap3A_865 = arith.constant 0 : index
      %swap3A_866 = tpu.vector_load %arg9[%swap3A_864, %swap3A_865] {strides = array<i32>} : memref<512x64xf32, #tpu.memory_space<vmem>>, vector<1x16xf32>,
      %swap3A_867 = vector.shape_cast %swap3A_866 : vector<1x16xf32> to vector<16xf32>
      %swap3A_868 = vector.shape_cast %add3A_863 : vector<16xf32> to vector<1x16xf32>
      tpu.vector_store %arg9[%swap3A_864, %swap3A_865], %swap3A_868 {strides = array<i32>} : memref<512x64xf32, #tpu.memory_space<vmem>>, vector<1x16xf32>,
      %mul3A_869 = arith.mulf %mul3A_855, %get3A_79 : vector<16xf32>
      %sub3A_870 = arith.subf %add3A_679, %mul3A_756 : vector<16xf32>
      %mul3A_871 = arith.mulf %sub3A_870, %mul3A_869 : vector<16xf32>
      %add3A_872 = arith.addf %mul3A_871, %get3A_99 : vector<16xf32>
      %swap3A_873 = arith.index_cast %add3A_859 : i32 to index
      %swap3A_874 = arith.constant 16 : index
      %swap3A_875 = tpu.vector_load %arg9[%swap3A_873, %swap3A_874] {strides = array<i32>} : memref<512x64xf32, #tpu.memory_space<vmem>>, vector<1x16xf32>,
      %swap3A_876 = vector.shape_cast %swap3A_875 : vector<1x16xf32> to vector<16xf32>
      %swap3A_877 = vector.shape_cast %add3A_872 : vector<16xf32> to vector<1x16xf32>
      tpu.vector_store %arg9[%swap3A_873, %swap3A_874], %swap3A_877 {strides = array<i32>} : memref<512x64xf32, #tpu.memory_space<vmem>>, vector<1x16xf32>,
      %mul3A_878 = arith.mulf %mul3A_855, %get3A_84 : vector<16xf32>
      %sub3A_879 = arith.subf %add3A_683, %mul3A_756 : vector<16xf32>
      %mul3A_880 = arith.mulf %sub3A_879, %mul3A_878 : vector<16xf32>
      %add3A_881 = arith.addf %mul3A_880, %get3A_104 : vector<16xf32>
      %swap3A_882 = arith.index_cast %add3A_859 : i32 to index
      %swap3A_883 = arith.constant 32 : index
      %swap3A_884 = tpu.vector_load %arg9[%swap3A_882, %swap3A_883] {strides = array<i32>} : memref<512x64xf32, #tpu.memory_space<vmem>>, vector<1x16xf32>,
      %swap3A_885 = vector.shape_cast %swap3A_884 : vector<1x16xf32> to vector<16xf32>
      %swap3A_886 = vector.shape_cast %add3A_881 : vector<16xf32> to vector<1x16xf32>
      tpu.vector_store %arg9[%swap3A_882, %swap3A_883], %swap3A_886 {strides = array<i32>} : memref<512x64xf32, #tpu.memory_space<vmem>>, vector<1x16xf32>,
      %mul3A_887 = arith.mulf %mul3A_855, %get3A_89 : vector<16xf32>
      %sub3A_888 = arith.subf %add3A_687, %mul3A_756 : vector<16xf32>
      %mul3A_889 = arith.mulf %sub3A_888, %mul3A_887 : vector<16xf32>
      %add3A_890 = arith.addf %mul3A_889, %get3A_109 : vector<16xf32>
      %swap3A_891 = arith.index_cast %add3A_859 : i32 to index
      %swap3A_892 = arith.constant 48 : index
      %swap3A_893 = tpu.vector_load %arg9[%swap3A_891, %swap3A_892] {strides = array<i32>} : memref<512x64xf32, #tpu.memory_space<vmem>>, vector<1x16xf32>,
      %swap3A_894 = vector.shape_cast %swap3A_893 : vector<1x16xf32> to vector<16xf32>
      %swap3A_895 = vector.shape_cast %add3A_890 : vector<16xf32> to vector<1x16xf32>
      tpu.vector_store %arg9[%swap3A_891, %swap3A_892], %swap3A_895 {strides = array<i32>} : memref<512x64xf32, #tpu.memory_space<vmem>>, vector<1x16xf32>,
      %mul3A_896 = arith.constant 5.000000e-02 : f32
      %mul3A_897 = vector.broadcast %mul3A_896 : f32 to vector<16xf32>
      %mul3A_898 = arith.mulf %scan3A_229#12, %mul3A_897 : vector<16xf32>
      %add3A_899 = arith.addf %mul3A_898, %add3A_18 : vector<16xf32>
      %mul3A_900 = arith.constant 5.000000e-02 : f32
      %mul3A_901 = vector.broadcast %mul3A_900 : f32 to vector<16xf32>
      %mul3A_902 = arith.mulf %scan3A_229#13, %mul3A_901 : vector<16xf32>
      %add3A_903 = arith.addf %mul3A_902, %add3A_35 : vector<16xf32>
      %mul3A_904 = arith.constant 5.000000e-02 : f32
      %mul3A_905 = vector.broadcast %mul3A_904 : f32 to vector<16xf32>
      %mul3A_906 = arith.mulf %scan3A_229#14, %mul3A_905 : vector<16xf32>
      %add3A_907 = arith.addf %mul3A_906, %add3A_52 : vector<16xf32>
      %mul3A_908 = arith.constant 5.000000e-02 : f32
      %mul3A_909 = vector.broadcast %mul3A_908 : f32 to vector<16xf32>
      %mul3A_910 = arith.mulf %scan3A_229#15, %mul3A_909 : vector<16xf32>
      %add3A_911 = arith.addf %mul3A_910, %add3A_69 : vector<16xf32>
      %add3A_912 = arith.addf %add3A_899, %add3A_903 : vector<16xf32>
      %add3A_913 = arith.addf %add3A_907, %add3A_911 : vector<16xf32>
      %add3A_914 = arith.addf %add3A_912, %add3A_913 : vector<16xf32>
      %mul3A_915 = arith.mulf %add3A_899, %add3A_899 : vector<16xf32>
      %mul3A_916 = arith.mulf %add3A_903, %add3A_903 : vector<16xf32>
      %add3A_917 = arith.addf %mul3A_915, %mul3A_916 : vector<16xf32>
      %mul3A_918 = arith.mulf %add3A_907, %add3A_907 : vector<16xf32>
      %mul3A_919 = arith.mulf %add3A_911, %add3A_911 : vector<16xf32>
      %add3A_920 = arith.addf %mul3A_918, %mul3A_919 : vector<16xf32>
      %add3A_921 = arith.addf %add3A_917, %add3A_920 : vector<16xf32>
      %xor3A_922 = arith.constant 1 : i32
      %xor3A_923 = vector.broadcast %xor3A_922 : i32 to vector<16xi32>
      %xor3A_924 = arith.xori %iota3A, %xor3A_923 : vector<16xi32>
      %lt3A_925 = arith.constant 0 : i32
      %lt3A_926 = vector.broadcast %lt3A_925 : i32 to vector<16xi32>
      %lt3A_927 = arith.cmpi slt, %xor3A_924, %lt3A_926 : vector<16xi32>
      %add3A_928 = arith.constant 16 : i32
      %add3A_929 = vector.broadcast %add3A_928 : i32 to vector<16xi32>
      %add3A_930 = arith.addi %xor3A_924, %add3A_929 : vector<16xi32>
      %select_n3A_931 = arith.select %lt3A_927, %add3A_930, %xor3A_924 : vector<16xi1>, vector<16xi32>
      %broadcast_in_dim3A_932 = vector.shape_cast %select_n3A_931 : vector<16xi32> to vector<16x1xi32>
      %gather3A_933 = vector.shape_cast %broadcast_in_dim3A_932 : vector<16x1xi32> to vector<16xi32>
      %gather3A_934 = tpu.dynamic_gather %add3A_914[%gather3A_933] in [0] : vector<16xf32>, vector<16xi32> -> vector<16xf32>
      %add3A_935 = arith.addf %add3A_914, %gather3A_934 : vector<16xf32>
      %xor3A_936 = arith.constant 2 : i32
      %xor3A_937 = vector.broadcast %xor3A_936 : i32 to vector<16xi32>
      %xor3A_938 = arith.xori %iota3A, %xor3A_937 : vector<16xi32>
      %lt3A_939 = arith.constant 0 : i32
      %lt3A_940 = vector.broadcast %lt3A_939 : i32 to vector<16xi32>
      %lt3A_941 = arith.cmpi slt, %xor3A_938, %lt3A_940 : vector<16xi32>
      %add3A_942 = arith.constant 16 : i32
      %add3A_943 = vector.broadcast %add3A_942 : i32 to vector<16xi32>
      %add3A_944 = arith.addi %xor3A_938, %add3A_943 : vector<16xi32>
      %select_n3A_945 = arith.select %lt3A_941, %add3A_944, %xor3A_938 : vector<16xi1>, vector<16xi32>
      %broadcast_in_dim3A_946 = vector.shape_cast %select_n3A_945 : vector<16xi32> to vector<16x1xi32>
      %gather3A_947 = vector.shape_cast %broadcast_in_dim3A_946 : vector<16x1xi32> to vector<16xi32>
      %gather3A_948 = tpu.dynamic_gather %add3A_935[%gather3A_947] in [0] : vector<16xf32>, vector<16xi32> -> vector<16xf32>
      %add3A_949 = arith.addf %add3A_935, %gather3A_948 : vector<16xf32>
      %xor3A_950 = arith.constant 4 : i32
      %xor3A_951 = vector.broadcast %xor3A_950 : i32 to vector<16xi32>
      %xor3A_952 = arith.xori %iota3A, %xor3A_951 : vector<16xi32>
      %lt3A_953 = arith.constant 0 : i32
      %lt3A_954 = vector.broadcast %lt3A_953 : i32 to vector<16xi32>
      %lt3A_955 = arith.cmpi slt, %xor3A_952, %lt3A_954 : vector<16xi32>
      %add3A_956 = arith.constant 16 : i32
      %add3A_957 = vector.broadcast %add3A_956 : i32 to vector<16xi32>
      %add3A_958 = arith.addi %xor3A_952, %add3A_957 : vector<16xi32>
      %select_n3A_959 = arith.select %lt3A_955, %add3A_958, %xor3A_952 : vector<16xi1>, vector<16xi32>
      %broadcast_in_dim3A_960 = vector.shape_cast %select_n3A_959 : vector<16xi32> to vector<16x1xi32>
      %gather3A_961 = vector.shape_cast %broadcast_in_dim3A_960 : vector<16x1xi32> to vector<16xi32>
      %gather3A_962 = tpu.dynamic_gather %add3A_949[%gather3A_961] in [0] : vector<16xf32>, vector<16xi32> -> vector<16xf32>
      %add3A_963 = arith.addf %add3A_949, %gather3A_962 : vector<16xf32>
      %xor3A_964 = arith.constant 8 : i32
      %xor3A_965 = vector.broadcast %xor3A_964 : i32 to vector<16xi32>
      %xor3A_966 = arith.xori %iota3A, %xor3A_965 : vector<16xi32>
      %lt3A_967 = arith.constant 0 : i32
      %lt3A_968 = vector.broadcast %lt3A_967 : i32 to vector<16xi32>
      %lt3A_969 = arith.cmpi slt, %xor3A_966, %lt3A_968 : vector<16xi32>
      %add3A_970 = arith.constant 16 : i32
      %add3A_971 = vector.broadcast %add3A_970 : i32 to vector<16xi32>
      %add3A_972 = arith.addi %xor3A_966, %add3A_971 : vector<16xi32>
      %select_n3A_973 = arith.select %lt3A_969, %add3A_972, %xor3A_966 : vector<16xi1>, vector<16xi32>
      %broadcast_in_dim3A_974 = vector.shape_cast %select_n3A_973 : vector<16xi32> to vector<16x1xi32>
      %gather3A_975 = vector.shape_cast %broadcast_in_dim3A_974 : vector<16x1xi32> to vector<16xi32>
      %gather3A_976 = tpu.dynamic_gather %add3A_963[%gather3A_975] in [0] : vector<16xf32>, vector<16xi32> -> vector<16xf32>
      %add3A_977 = arith.addf %add3A_963, %gather3A_976 : vector<16xf32>
      %mul3A_978 = arith.constant 1.562500e-02 : f32
      %mul3A_979 = vector.broadcast %mul3A_978 : f32 to vector<16xf32>
      %mul3A_980 = arith.mulf %add3A_977, %mul3A_979 : vector<16xf32>
      %xor3A_981 = arith.constant 1 : i32
      %xor3A_982 = vector.broadcast %xor3A_981 : i32 to vector<16xi32>
      %xor3A_983 = arith.xori %iota3A, %xor3A_982 : vector<16xi32>
      %lt3A_984 = arith.constant 0 : i32
      %lt3A_985 = vector.broadcast %lt3A_984 : i32 to vector<16xi32>
      %lt3A_986 = arith.cmpi slt, %xor3A_983, %lt3A_985 : vector<16xi32>
      %add3A_987 = arith.constant 16 : i32
      %add3A_988 = vector.broadcast %add3A_987 : i32 to vector<16xi32>
      %add3A_989 = arith.addi %xor3A_983, %add3A_988 : vector<16xi32>
      %select_n3A_990 = arith.select %lt3A_986, %add3A_989, %xor3A_983 : vector<16xi1>, vector<16xi32>
      %broadcast_in_dim3A_991 = vector.shape_cast %select_n3A_990 : vector<16xi32> to vector<16x1xi32>
      %gather3A_992 = vector.shape_cast %broadcast_in_dim3A_991 : vector<16x1xi32> to vector<16xi32>
      %gather3A_993 = tpu.dynamic_gather %add3A_921[%gather3A_992] in [0] : vector<16xf32>, vector<16xi32> -> vector<16xf32>
      %add3A_994 = arith.addf %add3A_921, %gather3A_993 : vector<16xf32>
      %xor3A_995 = arith.constant 2 : i32
      %xor3A_996 = vector.broadcast %xor3A_995 : i32 to vector<16xi32>
      %xor3A_997 = arith.xori %iota3A, %xor3A_996 : vector<16xi32>
      %lt3A_998 = arith.constant 0 : i32
      %lt3A_999 = vector.broadcast %lt3A_998 : i32 to vector<16xi32>
      %lt3A_1000 = arith.cmpi slt, %xor3A_997, %lt3A_999 : vector<16xi32>
      %add3A_1001 = arith.constant 16 : i32
      %add3A_1002 = vector.broadcast %add3A_1001 : i32 to vector<16xi32>
      %add3A_1003 = arith.addi %xor3A_997, %add3A_1002 : vector<16xi32>
      %select_n3A_1004 = arith.select %lt3A_1000, %add3A_1003, %xor3A_997 : vector<16xi1>, vector<16xi32>
      %broadcast_in_dim3A_1005 = vector.shape_cast %select_n3A_1004 : vector<16xi32> to vector<16x1xi32>
      %gather3A_1006 = vector.shape_cast %broadcast_in_dim3A_1005 : vector<16x1xi32> to vector<16xi32>
      %gather3A_1007 = tpu.dynamic_gather %add3A_994[%gather3A_1006] in [0] : vector<16xf32>, vector<16xi32> -> vector<16xf32>
      %add3A_1008 = arith.addf %add3A_994, %gather3A_1007 : vector<16xf32>
      %xor3A_1009 = arith.constant 4 : i32
      %xor3A_1010 = vector.broadcast %xor3A_1009 : i32 to vector<16xi32>
      %xor3A_1011 = arith.xori %iota3A, %xor3A_1010 : vector<16xi32>
      %lt3A_1012 = arith.constant 0 : i32
      %lt3A_1013 = vector.broadcast %lt3A_1012 : i32 to vector<16xi32>
      %lt3A_1014 = arith.cmpi slt, %xor3A_1011, %lt3A_1013 : vector<16xi32>
      %add3A_1015 = arith.constant 16 : i32
      %add3A_1016 = vector.broadcast %add3A_1015 : i32 to vector<16xi32>
      %add3A_1017 = arith.addi %xor3A_1011, %add3A_1016 : vector<16xi32>
      %select_n3A_1018 = arith.select %lt3A_1014, %add3A_1017, %xor3A_1011 : vector<16xi1>, vector<16xi32>
      %broadcast_in_dim3A_1019 = vector.shape_cast %select_n3A_1018 : vector<16xi32> to vector<16x1xi32>
      %gather3A_1020 = vector.shape_cast %broadcast_in_dim3A_1019 : vector<16x1xi32> to vector<16xi32>
      %gather3A_1021 = tpu.dynamic_gather %add3A_1008[%gather3A_1020] in [0] : vector<16xf32>, vector<16xi32> -> vector<16xf32>
      %add3A_1022 = arith.addf %add3A_1008, %gather3A_1021 : vector<16xf32>
      %xor3A_1023 = arith.constant 8 : i32
      %xor3A_1024 = vector.broadcast %xor3A_1023 : i32 to vector<16xi32>
      %xor3A_1025 = arith.xori %iota3A, %xor3A_1024 : vector<16xi32>
      %lt3A_1026 = arith.constant 0 : i32
      %lt3A_1027 = vector.broadcast %lt3A_1026 : i32 to vector<16xi32>
      %lt3A_1028 = arith.cmpi slt, %xor3A_1025, %lt3A_1027 : vector<16xi32>
      %add3A_1029 = arith.constant 16 : i32
      %add3A_1030 = vector.broadcast %add3A_1029 : i32 to vector<16xi32>
      %add3A_1031 = arith.addi %xor3A_1025, %add3A_1030 : vector<16xi32>
      %select_n3A_1032 = arith.select %lt3A_1028, %add3A_1031, %xor3A_1025 : vector<16xi1>, vector<16xi32>
      %broadcast_in_dim3A_1033 = vector.shape_cast %select_n3A_1032 : vector<16xi32> to vector<16x1xi32>
      %gather3A_1034 = vector.shape_cast %broadcast_in_dim3A_1033 : vector<16x1xi32> to vector<16xi32>
      %gather3A_1035 = tpu.dynamic_gather %add3A_1022[%gather3A_1034] in [0] : vector<16xf32>, vector<16xi32> -> vector<16xf32>
      %add3A_1036 = arith.addf %add3A_1022, %gather3A_1035 : vector<16xf32>
      %mul3A_1037 = arith.constant 1.562500e-02 : f32
      %mul3A_1038 = vector.broadcast %mul3A_1037 : f32 to vector<16xf32>
      %mul3A_1039 = arith.mulf %add3A_1036, %mul3A_1038 : vector<16xf32>
      %mul3A_1040 = arith.mulf %mul3A_980, %mul3A_980 : vector<16xf32>
      %sub3A_1041 = arith.subf %mul3A_1039, %mul3A_1040 : vector<16xf32>
      %add3A_1042 = arith.constant 9.99999974E-6 : f32
      %add3A_1043 = vector.broadcast %add3A_1042 : f32 to vector<16xf32>
      %add3A_1044 = arith.addf %sub3A_1041, %add3A_1043 : vector<16xf32>
      %bitcast_convert_type3A_1045 = tpu.bitcast %add3A_1044 : vector<16xf32> -> vector<16xi32>
      %shift_right_arithmetic3A_1046 = arith.constant 1 : i32
      %shift_right_arithmetic3A_1047 = vector.broadcast %shift_right_arithmetic3A_1046 : i32 to vector<16xi32>
      %shift_right_arithmetic3A_1048 = arith.shrsi %bitcast_convert_type3A_1045, %shift_right_arithmetic3A_1047 : vector<16xi32>
      %sub3A_1049 = arith.constant 1597463007 : i32
      %sub3A_1050 = vector.broadcast %sub3A_1049 : i32 to vector<16xi32>
      %sub3A_1051 = arith.subi %sub3A_1050, %shift_right_arithmetic3A_1048 : vector<16xi32>
      %bitcast_convert_type3A_1052 = tpu.bitcast %sub3A_1051 : vector<16xi32> -> vector<16xf32>
      %mul3A_1053 = arith.constant 5.000000e-01 : f32
      %mul3A_1054 = vector.broadcast %mul3A_1053 : f32 to vector<16xf32>
      %mul3A_1055 = arith.mulf %mul3A_1054, %add3A_1044 : vector<16xf32>
      %mul3A_1056 = arith.mulf %mul3A_1055, %bitcast_convert_type3A_1052 : vector<16xf32>
      %mul3A_1057 = arith.mulf %mul3A_1056, %bitcast_convert_type3A_1052 : vector<16xf32>
      %sub3A_1058 = arith.constant 1.500000e+00 : f32
      %sub3A_1059 = vector.broadcast %sub3A_1058 : f32 to vector<16xf32>
      %sub3A_1060 = arith.subf %sub3A_1059, %mul3A_1057 : vector<16xf32>
      %mul3A_1061 = arith.mulf %bitcast_convert_type3A_1052, %sub3A_1060 : vector<16xf32>
      %mul3A_1062 = arith.constant 5.000000e-01 : f32
      %mul3A_1063 = vector.broadcast %mul3A_1062 : f32 to vector<16xf32>
      %mul3A_1064 = arith.mulf %mul3A_1063, %add3A_1044 : vector<16xf32>
      %mul3A_1065 = arith.mulf %mul3A_1064, %mul3A_1061 : vector<16xf32>
      %mul3A_1066 = arith.mulf %mul3A_1065, %mul3A_1061 : vector<16xf32>
      %sub3A_1067 = arith.constant 1.500000e+00 : f32
      %sub3A_1068 = vector.broadcast %sub3A_1067 : f32 to vector<16xf32>
      %sub3A_1069 = arith.subf %sub3A_1068, %mul3A_1066 : vector<16xf32>
      %mul3A_1070 = arith.mulf %mul3A_1061, %sub3A_1069 : vector<16xf32>
      %mul3A_1071 = arith.constant 5.000000e-01 : f32
      %mul3A_1072 = vector.broadcast %mul3A_1071 : f32 to vector<16xf32>
      %mul3A_1073 = arith.mulf %mul3A_1072, %add3A_1044 : vector<16xf32>
      %mul3A_1074 = arith.mulf %mul3A_1073, %mul3A_1070 : vector<16xf32>
      %mul3A_1075 = arith.mulf %mul3A_1074, %mul3A_1070 : vector<16xf32>
      %sub3A_1076 = arith.constant 1.500000e+00 : f32
      %sub3A_1077 = vector.broadcast %sub3A_1076 : f32 to vector<16xf32>
      %sub3A_1078 = arith.subf %sub3A_1077, %mul3A_1075 : vector<16xf32>
      %mul3A_1079 = arith.mulf %mul3A_1070, %sub3A_1078 : vector<16xf32>
      %mul3A_1080 = arith.constant 8 : i32
      %mul3A_1081 = arith.muli %add3A_172, %mul3A_1080 : i32
      %add3A_1082 = arith.constant 3 : i32
      %add3A_1083 = arith.addi %mul3A_1081, %add3A_1082 : i32
      %mul3A_1084 = arith.mulf %mul3A_1079, %get3A_74 : vector<16xf32>
      %sub3A_1085 = arith.subf %add3A_899, %mul3A_980 : vector<16xf32>
      %mul3A_1086 = arith.mulf %sub3A_1085, %mul3A_1084 : vector<16xf32>
      %add3A_1087 = arith.addf %mul3A_1086, %get3A_94 : vector<16xf32>
      %swap3A_1088 = arith.index_cast %add3A_1083 : i32 to index
      %swap3A_1089 = arith.constant 0 : index
      %swap3A_1090 = tpu.vector_load %arg9[%swap3A_1088, %swap3A_1089] {strides = array<i32>} : memref<512x64xf32, #tpu.memory_space<vmem>>, vector<1x16xf32>,
      %swap3A_1091 = vector.shape_cast %swap3A_1090 : vector<1x16xf32> to vector<16xf32>
      %swap3A_1092 = vector.shape_cast %add3A_1087 : vector<16xf32> to vector<1x16xf32>
      tpu.vector_store %arg9[%swap3A_1088, %swap3A_1089], %swap3A_1092 {strides = array<i32>} : memref<512x64xf32, #tpu.memory_space<vmem>>, vector<1x16xf32>,
      %mul3A_1093 = arith.mulf %mul3A_1079, %get3A_79 : vector<16xf32>
      %sub3A_1094 = arith.subf %add3A_903, %mul3A_980 : vector<16xf32>
      %mul3A_1095 = arith.mulf %sub3A_1094, %mul3A_1093 : vector<16xf32>
      %add3A_1096 = arith.addf %mul3A_1095, %get3A_99 : vector<16xf32>
      %swap3A_1097 = arith.index_cast %add3A_1083 : i32 to index
      %swap3A_1098 = arith.constant 16 : index
      %swap3A_1099 = tpu.vector_load %arg9[%swap3A_1097, %swap3A_1098] {strides = array<i32>} : memref<512x64xf32, #tpu.memory_space<vmem>>, vector<1x16xf32>,
      %swap3A_1100 = vector.shape_cast %swap3A_1099 : vector<1x16xf32> to vector<16xf32>
      %swap3A_1101 = vector.shape_cast %add3A_1096 : vector<16xf32> to vector<1x16xf32>
      tpu.vector_store %arg9[%swap3A_1097, %swap3A_1098], %swap3A_1101 {strides = array<i32>} : memref<512x64xf32, #tpu.memory_space<vmem>>, vector<1x16xf32>,
      %mul3A_1102 = arith.mulf %mul3A_1079, %get3A_84 : vector<16xf32>
      %sub3A_1103 = arith.subf %add3A_907, %mul3A_980 : vector<16xf32>
      %mul3A_1104 = arith.mulf %sub3A_1103, %mul3A_1102 : vector<16xf32>
      %add3A_1105 = arith.addf %mul3A_1104, %get3A_104 : vector<16xf32>
      %swap3A_1106 = arith.index_cast %add3A_1083 : i32 to index
      %swap3A_1107 = arith.constant 32 : index
      %swap3A_1108 = tpu.vector_load %arg9[%swap3A_1106, %swap3A_1107] {strides = array<i32>} : memref<512x64xf32, #tpu.memory_space<vmem>>, vector<1x16xf32>,
      %swap3A_1109 = vector.shape_cast %swap3A_1108 : vector<1x16xf32> to vector<16xf32>
      %swap3A_1110 = vector.shape_cast %add3A_1105 : vector<16xf32> to vector<1x16xf32>
      tpu.vector_store %arg9[%swap3A_1106, %swap3A_1107], %swap3A_1110 {strides = array<i32>} : memref<512x64xf32, #tpu.memory_space<vmem>>, vector<1x16xf32>,
      %mul3A_1111 = arith.mulf %mul3A_1079, %get3A_89 : vector<16xf32>
      %sub3A_1112 = arith.subf %add3A_911, %mul3A_980 : vector<16xf32>
      %mul3A_1113 = arith.mulf %sub3A_1112, %mul3A_1111 : vector<16xf32>
      %add3A_1114 = arith.addf %mul3A_1113, %get3A_109 : vector<16xf32>
      %swap3A_1115 = arith.index_cast %add3A_1083 : i32 to index
      %swap3A_1116 = arith.constant 48 : index
      %swap3A_1117 = tpu.vector_load %arg9[%swap3A_1115, %swap3A_1116] {strides = array<i32>} : memref<512x64xf32, #tpu.memory_space<vmem>>, vector<1x16xf32>,
      %swap3A_1118 = vector.shape_cast %swap3A_1117 : vector<1x16xf32> to vector<16xf32>
      %swap3A_1119 = vector.shape_cast %add3A_1114 : vector<16xf32> to vector<1x16xf32>
      tpu.vector_store %arg9[%swap3A_1115, %swap3A_1116], %swap3A_1119 {strides = array<i32>} : memref<512x64xf32, #tpu.memory_space<vmem>>, vector<1x16xf32>,
      %mul3A_1120 = arith.constant 5.000000e-02 : f32
      %mul3A_1121 = vector.broadcast %mul3A_1120 : f32 to vector<16xf32>
      %mul3A_1122 = arith.mulf %scan3A_229#16, %mul3A_1121 : vector<16xf32>
      %add3A_1123 = arith.addf %mul3A_1122, %add3A_18 : vector<16xf32>
      %mul3A_1124 = arith.constant 5.000000e-02 : f32
      %mul3A_1125 = vector.broadcast %mul3A_1124 : f32 to vector<16xf32>
      %mul3A_1126 = arith.mulf %scan3A_229#17, %mul3A_1125 : vector<16xf32>
      %add3A_1127 = arith.addf %mul3A_1126, %add3A_35 : vector<16xf32>
      %mul3A_1128 = arith.constant 5.000000e-02 : f32
      %mul3A_1129 = vector.broadcast %mul3A_1128 : f32 to vector<16xf32>
      %mul3A_1130 = arith.mulf %scan3A_229#18, %mul3A_1129 : vector<16xf32>
      %add3A_1131 = arith.addf %mul3A_1130, %add3A_52 : vector<16xf32>
      %mul3A_1132 = arith.constant 5.000000e-02 : f32
      %mul3A_1133 = vector.broadcast %mul3A_1132 : f32 to vector<16xf32>
      %mul3A_1134 = arith.mulf %scan3A_229#19, %mul3A_1133 : vector<16xf32>
      %add3A_1135 = arith.addf %mul3A_1134, %add3A_69 : vector<16xf32>
      %add3A_1136 = arith.addf %add3A_1123, %add3A_1127 : vector<16xf32>
      %add3A_1137 = arith.addf %add3A_1131, %add3A_1135 : vector<16xf32>
      %add3A_1138 = arith.addf %add3A_1136, %add3A_1137 : vector<16xf32>
      %mul3A_1139 = arith.mulf %add3A_1123, %add3A_1123 : vector<16xf32>
      %mul3A_1140 = arith.mulf %add3A_1127, %add3A_1127 : vector<16xf32>
      %add3A_1141 = arith.addf %mul3A_1139, %mul3A_1140 : vector<16xf32>
      %mul3A_1142 = arith.mulf %add3A_1131, %add3A_1131 : vector<16xf32>
      %mul3A_1143 = arith.mulf %add3A_1135, %add3A_1135 : vector<16xf32>
      %add3A_1144 = arith.addf %mul3A_1142, %mul3A_1143 : vector<16xf32>
      %add3A_1145 = arith.addf %add3A_1141, %add3A_1144 : vector<16xf32>
      %xor3A_1146 = arith.constant 1 : i32
      %xor3A_1147 = vector.broadcast %xor3A_1146 : i32 to vector<16xi32>
      %xor3A_1148 = arith.xori %iota3A, %xor3A_1147 : vector<16xi32>
      %lt3A_1149 = arith.constant 0 : i32
      %lt3A_1150 = vector.broadcast %lt3A_1149 : i32 to vector<16xi32>
      %lt3A_1151 = arith.cmpi slt, %xor3A_1148, %lt3A_1150 : vector<16xi32>
      %add3A_1152 = arith.constant 16 : i32
      %add3A_1153 = vector.broadcast %add3A_1152 : i32 to vector<16xi32>
      %add3A_1154 = arith.addi %xor3A_1148, %add3A_1153 : vector<16xi32>
      %select_n3A_1155 = arith.select %lt3A_1151, %add3A_1154, %xor3A_1148 : vector<16xi1>, vector<16xi32>
      %broadcast_in_dim3A_1156 = vector.shape_cast %select_n3A_1155 : vector<16xi32> to vector<16x1xi32>
      %gather3A_1157 = vector.shape_cast %broadcast_in_dim3A_1156 : vector<16x1xi32> to vector<16xi32>
      %gather3A_1158 = tpu.dynamic_gather %add3A_1138[%gather3A_1157] in [0] : vector<16xf32>, vector<16xi32> -> vector<16xf32>
      %add3A_1159 = arith.addf %add3A_1138, %gather3A_1158 : vector<16xf32>
      %xor3A_1160 = arith.constant 2 : i32
      %xor3A_1161 = vector.broadcast %xor3A_1160 : i32 to vector<16xi32>
      %xor3A_1162 = arith.xori %iota3A, %xor3A_1161 : vector<16xi32>
      %lt3A_1163 = arith.constant 0 : i32
      %lt3A_1164 = vector.broadcast %lt3A_1163 : i32 to vector<16xi32>
      %lt3A_1165 = arith.cmpi slt, %xor3A_1162, %lt3A_1164 : vector<16xi32>
      %add3A_1166 = arith.constant 16 : i32
      %add3A_1167 = vector.broadcast %add3A_1166 : i32 to vector<16xi32>
      %add3A_1168 = arith.addi %xor3A_1162, %add3A_1167 : vector<16xi32>
      %select_n3A_1169 = arith.select %lt3A_1165, %add3A_1168, %xor3A_1162 : vector<16xi1>, vector<16xi32>
      %broadcast_in_dim3A_1170 = vector.shape_cast %select_n3A_1169 : vector<16xi32> to vector<16x1xi32>
      %gather3A_1171 = vector.shape_cast %broadcast_in_dim3A_1170 : vector<16x1xi32> to vector<16xi32>
      %gather3A_1172 = tpu.dynamic_gather %add3A_1159[%gather3A_1171] in [0] : vector<16xf32>, vector<16xi32> -> vector<16xf32>
      %add3A_1173 = arith.addf %add3A_1159, %gather3A_1172 : vector<16xf32>
      %xor3A_1174 = arith.constant 4 : i32
      %xor3A_1175 = vector.broadcast %xor3A_1174 : i32 to vector<16xi32>
      %xor3A_1176 = arith.xori %iota3A, %xor3A_1175 : vector<16xi32>
      %lt3A_1177 = arith.constant 0 : i32
      %lt3A_1178 = vector.broadcast %lt3A_1177 : i32 to vector<16xi32>
      %lt3A_1179 = arith.cmpi slt, %xor3A_1176, %lt3A_1178 : vector<16xi32>
      %add3A_1180 = arith.constant 16 : i32
      %add3A_1181 = vector.broadcast %add3A_1180 : i32 to vector<16xi32>
      %add3A_1182 = arith.addi %xor3A_1176, %add3A_1181 : vector<16xi32>
      %select_n3A_1183 = arith.select %lt3A_1179, %add3A_1182, %xor3A_1176 : vector<16xi1>, vector<16xi32>
      %broadcast_in_dim3A_1184 = vector.shape_cast %select_n3A_1183 : vector<16xi32> to vector<16x1xi32>
      %gather3A_1185 = vector.shape_cast %broadcast_in_dim3A_1184 : vector<16x1xi32> to vector<16xi32>
      %gather3A_1186 = tpu.dynamic_gather %add3A_1173[%gather3A_1185] in [0] : vector<16xf32>, vector<16xi32> -> vector<16xf32>
      %add3A_1187 = arith.addf %add3A_1173, %gather3A_1186 : vector<16xf32>
      %xor3A_1188 = arith.constant 8 : i32
      %xor3A_1189 = vector.broadcast %xor3A_1188 : i32 to vector<16xi32>
      %xor3A_1190 = arith.xori %iota3A, %xor3A_1189 : vector<16xi32>
      %lt3A_1191 = arith.constant 0 : i32
      %lt3A_1192 = vector.broadcast %lt3A_1191 : i32 to vector<16xi32>
      %lt3A_1193 = arith.cmpi slt, %xor3A_1190, %lt3A_1192 : vector<16xi32>
      %add3A_1194 = arith.constant 16 : i32
      %add3A_1195 = vector.broadcast %add3A_1194 : i32 to vector<16xi32>
      %add3A_1196 = arith.addi %xor3A_1190, %add3A_1195 : vector<16xi32>
      %select_n3A_1197 = arith.select %lt3A_1193, %add3A_1196, %xor3A_1190 : vector<16xi1>, vector<16xi32>
      %broadcast_in_dim3A_1198 = vector.shape_cast %select_n3A_1197 : vector<16xi32> to vector<16x1xi32>
      %gather3A_1199 = vector.shape_cast %broadcast_in_dim3A_1198 : vector<16x1xi32> to vector<16xi32>
      %gather3A_1200 = tpu.dynamic_gather %add3A_1187[%gather3A_1199] in [0] : vector<16xf32>, vector<16xi32> -> vector<16xf32>
      %add3A_1201 = arith.addf %add3A_1187, %gather3A_1200 : vector<16xf32>
      %mul3A_1202 = arith.constant 1.562500e-02 : f32
      %mul3A_1203 = vector.broadcast %mul3A_1202 : f32 to vector<16xf32>
      %mul3A_1204 = arith.mulf %add3A_1201, %mul3A_1203 : vector<16xf32>
      %xor3A_1205 = arith.constant 1 : i32
      %xor3A_1206 = vector.broadcast %xor3A_1205 : i32 to vector<16xi32>
      %xor3A_1207 = arith.xori %iota3A, %xor3A_1206 : vector<16xi32>
      %lt3A_1208 = arith.constant 0 : i32
      %lt3A_1209 = vector.broadcast %lt3A_1208 : i32 to vector<16xi32>
      %lt3A_1210 = arith.cmpi slt, %xor3A_1207, %lt3A_1209 : vector<16xi32>
      %add3A_1211 = arith.constant 16 : i32
      %add3A_1212 = vector.broadcast %add3A_1211 : i32 to vector<16xi32>
      %add3A_1213 = arith.addi %xor3A_1207, %add3A_1212 : vector<16xi32>
      %select_n3A_1214 = arith.select %lt3A_1210, %add3A_1213, %xor3A_1207 : vector<16xi1>, vector<16xi32>
      %broadcast_in_dim3A_1215 = vector.shape_cast %select_n3A_1214 : vector<16xi32> to vector<16x1xi32>
      %gather3A_1216 = vector.shape_cast %broadcast_in_dim3A_1215 : vector<16x1xi32> to vector<16xi32>
      %gather3A_1217 = tpu.dynamic_gather %add3A_1145[%gather3A_1216] in [0] : vector<16xf32>, vector<16xi32> -> vector<16xf32>
      %add3A_1218 = arith.addf %add3A_1145, %gather3A_1217 : vector<16xf32>
      %xor3A_1219 = arith.constant 2 : i32
      %xor3A_1220 = vector.broadcast %xor3A_1219 : i32 to vector<16xi32>
      %xor3A_1221 = arith.xori %iota3A, %xor3A_1220 : vector<16xi32>
      %lt3A_1222 = arith.constant 0 : i32
      %lt3A_1223 = vector.broadcast %lt3A_1222 : i32 to vector<16xi32>
      %lt3A_1224 = arith.cmpi slt, %xor3A_1221, %lt3A_1223 : vector<16xi32>
      %add3A_1225 = arith.constant 16 : i32
      %add3A_1226 = vector.broadcast %add3A_1225 : i32 to vector<16xi32>
      %add3A_1227 = arith.addi %xor3A_1221, %add3A_1226 : vector<16xi32>
      %select_n3A_1228 = arith.select %lt3A_1224, %add3A_1227, %xor3A_1221 : vector<16xi1>, vector<16xi32>
      %broadcast_in_dim3A_1229 = vector.shape_cast %select_n3A_1228 : vector<16xi32> to vector<16x1xi32>
      %gather3A_1230 = vector.shape_cast %broadcast_in_dim3A_1229 : vector<16x1xi32> to vector<16xi32>
      %gather3A_1231 = tpu.dynamic_gather %add3A_1218[%gather3A_1230] in [0] : vector<16xf32>, vector<16xi32> -> vector<16xf32>
      %add3A_1232 = arith.addf %add3A_1218, %gather3A_1231 : vector<16xf32>
      %xor3A_1233 = arith.constant 4 : i32
      %xor3A_1234 = vector.broadcast %xor3A_1233 : i32 to vector<16xi32>
      %xor3A_1235 = arith.xori %iota3A, %xor3A_1234 : vector<16xi32>
      %lt3A_1236 = arith.constant 0 : i32
      %lt3A_1237 = vector.broadcast %lt3A_1236 : i32 to vector<16xi32>
      %lt3A_1238 = arith.cmpi slt, %xor3A_1235, %lt3A_1237 : vector<16xi32>
      %add3A_1239 = arith.constant 16 : i32
      %add3A_1240 = vector.broadcast %add3A_1239 : i32 to vector<16xi32>
      %add3A_1241 = arith.addi %xor3A_1235, %add3A_1240 : vector<16xi32>
      %select_n3A_1242 = arith.select %lt3A_1238, %add3A_1241, %xor3A_1235 : vector<16xi1>, vector<16xi32>
      %broadcast_in_dim3A_1243 = vector.shape_cast %select_n3A_1242 : vector<16xi32> to vector<16x1xi32>
      %gather3A_1244 = vector.shape_cast %broadcast_in_dim3A_1243 : vector<16x1xi32> to vector<16xi32>
      %gather3A_1245 = tpu.dynamic_gather %add3A_1232[%gather3A_1244] in [0] : vector<16xf32>, vector<16xi32> -> vector<16xf32>
      %add3A_1246 = arith.addf %add3A_1232, %gather3A_1245 : vector<16xf32>
      %xor3A_1247 = arith.constant 8 : i32
      %xor3A_1248 = vector.broadcast %xor3A_1247 : i32 to vector<16xi32>
      %xor3A_1249 = arith.xori %iota3A, %xor3A_1248 : vector<16xi32>
      %lt3A_1250 = arith.constant 0 : i32
      %lt3A_1251 = vector.broadcast %lt3A_1250 : i32 to vector<16xi32>
      %lt3A_1252 = arith.cmpi slt, %xor3A_1249, %lt3A_1251 : vector<16xi32>
      %add3A_1253 = arith.constant 16 : i32
      %add3A_1254 = vector.broadcast %add3A_1253 : i32 to vector<16xi32>
      %add3A_1255 = arith.addi %xor3A_1249, %add3A_1254 : vector<16xi32>
      %select_n3A_1256 = arith.select %lt3A_1252, %add3A_1255, %xor3A_1249 : vector<16xi1>, vector<16xi32>
      %broadcast_in_dim3A_1257 = vector.shape_cast %select_n3A_1256 : vector<16xi32> to vector<16x1xi32>
      %gather3A_1258 = vector.shape_cast %broadcast_in_dim3A_1257 : vector<16x1xi32> to vector<16xi32>
      %gather3A_1259 = tpu.dynamic_gather %add3A_1246[%gather3A_1258] in [0] : vector<16xf32>, vector<16xi32> -> vector<16xf32>
      %add3A_1260 = arith.addf %add3A_1246, %gather3A_1259 : vector<16xf32>
      %mul3A_1261 = arith.constant 1.562500e-02 : f32
      %mul3A_1262 = vector.broadcast %mul3A_1261 : f32 to vector<16xf32>
      %mul3A_1263 = arith.mulf %add3A_1260, %mul3A_1262 : vector<16xf32>
      %mul3A_1264 = arith.mulf %mul3A_1204, %mul3A_1204 : vector<16xf32>
      %sub3A_1265 = arith.subf %mul3A_1263, %mul3A_1264 : vector<16xf32>
      %add3A_1266 = arith.constant 9.99999974E-6 : f32
      %add3A_1267 = vector.broadcast %add3A_1266 : f32 to vector<16xf32>
      %add3A_1268 = arith.addf %sub3A_1265, %add3A_1267 : vector<16xf32>
      %bitcast_convert_type3A_1269 = tpu.bitcast %add3A_1268 : vector<16xf32> -> vector<16xi32>
      %shift_right_arithmetic3A_1270 = arith.constant 1 : i32
      %shift_right_arithmetic3A_1271 = vector.broadcast %shift_right_arithmetic3A_1270 : i32 to vector<16xi32>
      %shift_right_arithmetic3A_1272 = arith.shrsi %bitcast_convert_type3A_1269, %shift_right_arithmetic3A_1271 : vector<16xi32>
      %sub3A_1273 = arith.constant 1597463007 : i32
      %sub3A_1274 = vector.broadcast %sub3A_1273 : i32 to vector<16xi32>
      %sub3A_1275 = arith.subi %sub3A_1274, %shift_right_arithmetic3A_1272 : vector<16xi32>
      %bitcast_convert_type3A_1276 = tpu.bitcast %sub3A_1275 : vector<16xi32> -> vector<16xf32>
      %mul3A_1277 = arith.constant 5.000000e-01 : f32
      %mul3A_1278 = vector.broadcast %mul3A_1277 : f32 to vector<16xf32>
      %mul3A_1279 = arith.mulf %mul3A_1278, %add3A_1268 : vector<16xf32>
      %mul3A_1280 = arith.mulf %mul3A_1279, %bitcast_convert_type3A_1276 : vector<16xf32>
      %mul3A_1281 = arith.mulf %mul3A_1280, %bitcast_convert_type3A_1276 : vector<16xf32>
      %sub3A_1282 = arith.constant 1.500000e+00 : f32
      %sub3A_1283 = vector.broadcast %sub3A_1282 : f32 to vector<16xf32>
      %sub3A_1284 = arith.subf %sub3A_1283, %mul3A_1281 : vector<16xf32>
      %mul3A_1285 = arith.mulf %bitcast_convert_type3A_1276, %sub3A_1284 : vector<16xf32>
      %mul3A_1286 = arith.constant 5.000000e-01 : f32
      %mul3A_1287 = vector.broadcast %mul3A_1286 : f32 to vector<16xf32>
      %mul3A_1288 = arith.mulf %mul3A_1287, %add3A_1268 : vector<16xf32>
      %mul3A_1289 = arith.mulf %mul3A_1288, %mul3A_1285 : vector<16xf32>
      %mul3A_1290 = arith.mulf %mul3A_1289, %mul3A_1285 : vector<16xf32>
      %sub3A_1291 = arith.constant 1.500000e+00 : f32
      %sub3A_1292 = vector.broadcast %sub3A_1291 : f32 to vector<16xf32>
      %sub3A_1293 = arith.subf %sub3A_1292, %mul3A_1290 : vector<16xf32>
      %mul3A_1294 = arith.mulf %mul3A_1285, %sub3A_1293 : vector<16xf32>
      %mul3A_1295 = arith.constant 5.000000e-01 : f32
      %mul3A_1296 = vector.broadcast %mul3A_1295 : f32 to vector<16xf32>
      %mul3A_1297 = arith.mulf %mul3A_1296, %add3A_1268 : vector<16xf32>
      %mul3A_1298 = arith.mulf %mul3A_1297, %mul3A_1294 : vector<16xf32>
      %mul3A_1299 = arith.mulf %mul3A_1298, %mul3A_1294 : vector<16xf32>
      %sub3A_1300 = arith.constant 1.500000e+00 : f32
      %sub3A_1301 = vector.broadcast %sub3A_1300 : f32 to vector<16xf32>
      %sub3A_1302 = arith.subf %sub3A_1301, %mul3A_1299 : vector<16xf32>
      %mul3A_1303 = arith.mulf %mul3A_1294, %sub3A_1302 : vector<16xf32>
      %mul3A_1304 = arith.constant 8 : i32
      %mul3A_1305 = arith.muli %add3A_172, %mul3A_1304 : i32
      %add3A_1306 = arith.constant 4 : i32
      %add3A_1307 = arith.addi %mul3A_1305, %add3A_1306 : i32
      %mul3A_1308 = arith.mulf %mul3A_1303, %get3A_74 : vector<16xf32>
      %sub3A_1309 = arith.subf %add3A_1123, %mul3A_1204 : vector<16xf32>
      %mul3A_1310 = arith.mulf %sub3A_1309, %mul3A_1308 : vector<16xf32>
      %add3A_1311 = arith.addf %mul3A_1310, %get3A_94 : vector<16xf32>
      %swap3A_1312 = arith.index_cast %add3A_1307 : i32 to index
      %swap3A_1313 = arith.constant 0 : index
      %swap3A_1314 = tpu.vector_load %arg9[%swap3A_1312, %swap3A_1313] {strides = array<i32>} : memref<512x64xf32, #tpu.memory_space<vmem>>, vector<1x16xf32>,
      %swap3A_1315 = vector.shape_cast %swap3A_1314 : vector<1x16xf32> to vector<16xf32>
      %swap3A_1316 = vector.shape_cast %add3A_1311 : vector<16xf32> to vector<1x16xf32>
      tpu.vector_store %arg9[%swap3A_1312, %swap3A_1313], %swap3A_1316 {strides = array<i32>} : memref<512x64xf32, #tpu.memory_space<vmem>>, vector<1x16xf32>,
      %mul3A_1317 = arith.mulf %mul3A_1303, %get3A_79 : vector<16xf32>
      %sub3A_1318 = arith.subf %add3A_1127, %mul3A_1204 : vector<16xf32>
      %mul3A_1319 = arith.mulf %sub3A_1318, %mul3A_1317 : vector<16xf32>
      %add3A_1320 = arith.addf %mul3A_1319, %get3A_99 : vector<16xf32>
      %swap3A_1321 = arith.index_cast %add3A_1307 : i32 to index
      %swap3A_1322 = arith.constant 16 : index
      %swap3A_1323 = tpu.vector_load %arg9[%swap3A_1321, %swap3A_1322] {strides = array<i32>} : memref<512x64xf32, #tpu.memory_space<vmem>>, vector<1x16xf32>,
      %swap3A_1324 = vector.shape_cast %swap3A_1323 : vector<1x16xf32> to vector<16xf32>
      %swap3A_1325 = vector.shape_cast %add3A_1320 : vector<16xf32> to vector<1x16xf32>
      tpu.vector_store %arg9[%swap3A_1321, %swap3A_1322], %swap3A_1325 {strides = array<i32>} : memref<512x64xf32, #tpu.memory_space<vmem>>, vector<1x16xf32>,
      %mul3A_1326 = arith.mulf %mul3A_1303, %get3A_84 : vector<16xf32>
      %sub3A_1327 = arith.subf %add3A_1131, %mul3A_1204 : vector<16xf32>
      %mul3A_1328 = arith.mulf %sub3A_1327, %mul3A_1326 : vector<16xf32>
      %add3A_1329 = arith.addf %mul3A_1328, %get3A_104 : vector<16xf32>
      %swap3A_1330 = arith.index_cast %add3A_1307 : i32 to index
      %swap3A_1331 = arith.constant 32 : index
      %swap3A_1332 = tpu.vector_load %arg9[%swap3A_1330, %swap3A_1331] {strides = array<i32>} : memref<512x64xf32, #tpu.memory_space<vmem>>, vector<1x16xf32>,
      %swap3A_1333 = vector.shape_cast %swap3A_1332 : vector<1x16xf32> to vector<16xf32>
      %swap3A_1334 = vector.shape_cast %add3A_1329 : vector<16xf32> to vector<1x16xf32>
      tpu.vector_store %arg9[%swap3A_1330, %swap3A_1331], %swap3A_1334 {strides = array<i32>} : memref<512x64xf32, #tpu.memory_space<vmem>>, vector<1x16xf32>,
      %mul3A_1335 = arith.mulf %mul3A_1303, %get3A_89 : vector<16xf32>
      %sub3A_1336 = arith.subf %add3A_1135, %mul3A_1204 : vector<16xf32>
      %mul3A_1337 = arith.mulf %sub3A_1336, %mul3A_1335 : vector<16xf32>
      %add3A_1338 = arith.addf %mul3A_1337, %get3A_109 : vector<16xf32>
      %swap3A_1339 = arith.index_cast %add3A_1307 : i32 to index
      %swap3A_1340 = arith.constant 48 : index
      %swap3A_1341 = tpu.vector_load %arg9[%swap3A_1339, %swap3A_1340] {strides = array<i32>} : memref<512x64xf32, #tpu.memory_space<vmem>>, vector<1x16xf32>,
      %swap3A_1342 = vector.shape_cast %swap3A_1341 : vector<1x16xf32> to vector<16xf32>
      %swap3A_1343 = vector.shape_cast %add3A_1338 : vector<16xf32> to vector<1x16xf32>
      tpu.vector_store %arg9[%swap3A_1339, %swap3A_1340], %swap3A_1343 {strides = array<i32>} : memref<512x64xf32, #tpu.memory_space<vmem>>, vector<1x16xf32>,
      %mul3A_1344 = arith.constant 5.000000e-02 : f32
      %mul3A_1345 = vector.broadcast %mul3A_1344 : f32 to vector<16xf32>
      %mul3A_1346 = arith.mulf %scan3A_229#20, %mul3A_1345 : vector<16xf32>
      %add3A_1347 = arith.addf %mul3A_1346, %add3A_18 : vector<16xf32>
      %mul3A_1348 = arith.constant 5.000000e-02 : f32
      %mul3A_1349 = vector.broadcast %mul3A_1348 : f32 to vector<16xf32>
      %mul3A_1350 = arith.mulf %scan3A_229#21, %mul3A_1349 : vector<16xf32>
      %add3A_1351 = arith.addf %mul3A_1350, %add3A_35 : vector<16xf32>
      %mul3A_1352 = arith.constant 5.000000e-02 : f32
      %mul3A_1353 = vector.broadcast %mul3A_1352 : f32 to vector<16xf32>
      %mul3A_1354 = arith.mulf %scan3A_229#22, %mul3A_1353 : vector<16xf32>
      %add3A_1355 = arith.addf %mul3A_1354, %add3A_52 : vector<16xf32>
      %mul3A_1356 = arith.constant 5.000000e-02 : f32
      %mul3A_1357 = vector.broadcast %mul3A_1356 : f32 to vector<16xf32>
      %mul3A_1358 = arith.mulf %scan3A_229#23, %mul3A_1357 : vector<16xf32>
      %add3A_1359 = arith.addf %mul3A_1358, %add3A_69 : vector<16xf32>
      %add3A_1360 = arith.addf %add3A_1347, %add3A_1351 : vector<16xf32>
      %add3A_1361 = arith.addf %add3A_1355, %add3A_1359 : vector<16xf32>
      %add3A_1362 = arith.addf %add3A_1360, %add3A_1361 : vector<16xf32>
      %mul3A_1363 = arith.mulf %add3A_1347, %add3A_1347 : vector<16xf32>
      %mul3A_1364 = arith.mulf %add3A_1351, %add3A_1351 : vector<16xf32>
      %add3A_1365 = arith.addf %mul3A_1363, %mul3A_1364 : vector<16xf32>
      %mul3A_1366 = arith.mulf %add3A_1355, %add3A_1355 : vector<16xf32>
      %mul3A_1367 = arith.mulf %add3A_1359, %add3A_1359 : vector<16xf32>
      %add3A_1368 = arith.addf %mul3A_1366, %mul3A_1367 : vector<16xf32>
      %add3A_1369 = arith.addf %add3A_1365, %add3A_1368 : vector<16xf32>
      %xor3A_1370 = arith.constant 1 : i32
      %xor3A_1371 = vector.broadcast %xor3A_1370 : i32 to vector<16xi32>
      %xor3A_1372 = arith.xori %iota3A, %xor3A_1371 : vector<16xi32>
      %lt3A_1373 = arith.constant 0 : i32
      %lt3A_1374 = vector.broadcast %lt3A_1373 : i32 to vector<16xi32>
      %lt3A_1375 = arith.cmpi slt, %xor3A_1372, %lt3A_1374 : vector<16xi32>
      %add3A_1376 = arith.constant 16 : i32
      %add3A_1377 = vector.broadcast %add3A_1376 : i32 to vector<16xi32>
      %add3A_1378 = arith.addi %xor3A_1372, %add3A_1377 : vector<16xi32>
      %select_n3A_1379 = arith.select %lt3A_1375, %add3A_1378, %xor3A_1372 : vector<16xi1>, vector<16xi32>
      %broadcast_in_dim3A_1380 = vector.shape_cast %select_n3A_1379 : vector<16xi32> to vector<16x1xi32>
      %gather3A_1381 = vector.shape_cast %broadcast_in_dim3A_1380 : vector<16x1xi32> to vector<16xi32>
      %gather3A_1382 = tpu.dynamic_gather %add3A_1362[%gather3A_1381] in [0] : vector<16xf32>, vector<16xi32> -> vector<16xf32>
      %add3A_1383 = arith.addf %add3A_1362, %gather3A_1382 : vector<16xf32>
      %xor3A_1384 = arith.constant 2 : i32
      %xor3A_1385 = vector.broadcast %xor3A_1384 : i32 to vector<16xi32>
      %xor3A_1386 = arith.xori %iota3A, %xor3A_1385 : vector<16xi32>
      %lt3A_1387 = arith.constant 0 : i32
      %lt3A_1388 = vector.broadcast %lt3A_1387 : i32 to vector<16xi32>
      %lt3A_1389 = arith.cmpi slt, %xor3A_1386, %lt3A_1388 : vector<16xi32>
      %add3A_1390 = arith.constant 16 : i32
      %add3A_1391 = vector.broadcast %add3A_1390 : i32 to vector<16xi32>
      %add3A_1392 = arith.addi %xor3A_1386, %add3A_1391 : vector<16xi32>
      %select_n3A_1393 = arith.select %lt3A_1389, %add3A_1392, %xor3A_1386 : vector<16xi1>, vector<16xi32>
      %broadcast_in_dim3A_1394 = vector.shape_cast %select_n3A_1393 : vector<16xi32> to vector<16x1xi32>
      %gather3A_1395 = vector.shape_cast %broadcast_in_dim3A_1394 : vector<16x1xi32> to vector<16xi32>
      %gather3A_1396 = tpu.dynamic_gather %add3A_1383[%gather3A_1395] in [0] : vector<16xf32>, vector<16xi32> -> vector<16xf32>
      %add3A_1397 = arith.addf %add3A_1383, %gather3A_1396 : vector<16xf32>
      %xor3A_1398 = arith.constant 4 : i32
      %xor3A_1399 = vector.broadcast %xor3A_1398 : i32 to vector<16xi32>
      %xor3A_1400 = arith.xori %iota3A, %xor3A_1399 : vector<16xi32>
      %lt3A_1401 = arith.constant 0 : i32
      %lt3A_1402 = vector.broadcast %lt3A_1401 : i32 to vector<16xi32>
      %lt3A_1403 = arith.cmpi slt, %xor3A_1400, %lt3A_1402 : vector<16xi32>
      %add3A_1404 = arith.constant 16 : i32
      %add3A_1405 = vector.broadcast %add3A_1404 : i32 to vector<16xi32>
      %add3A_1406 = arith.addi %xor3A_1400, %add3A_1405 : vector<16xi32>
      %select_n3A_1407 = arith.select %lt3A_1403, %add3A_1406, %xor3A_1400 : vector<16xi1>, vector<16xi32>
      %broadcast_in_dim3A_1408 = vector.shape_cast %select_n3A_1407 : vector<16xi32> to vector<16x1xi32>
      %gather3A_1409 = vector.shape_cast %broadcast_in_dim3A_1408 : vector<16x1xi32> to vector<16xi32>
      %gather3A_1410 = tpu.dynamic_gather %add3A_1397[%gather3A_1409] in [0] : vector<16xf32>, vector<16xi32> -> vector<16xf32>
      %add3A_1411 = arith.addf %add3A_1397, %gather3A_1410 : vector<16xf32>
      %xor3A_1412 = arith.constant 8 : i32
      %xor3A_1413 = vector.broadcast %xor3A_1412 : i32 to vector<16xi32>
      %xor3A_1414 = arith.xori %iota3A, %xor3A_1413 : vector<16xi32>
      %lt3A_1415 = arith.constant 0 : i32
      %lt3A_1416 = vector.broadcast %lt3A_1415 : i32 to vector<16xi32>
      %lt3A_1417 = arith.cmpi slt, %xor3A_1414, %lt3A_1416 : vector<16xi32>
      %add3A_1418 = arith.constant 16 : i32
      %add3A_1419 = vector.broadcast %add3A_1418 : i32 to vector<16xi32>
      %add3A_1420 = arith.addi %xor3A_1414, %add3A_1419 : vector<16xi32>
      %select_n3A_1421 = arith.select %lt3A_1417, %add3A_1420, %xor3A_1414 : vector<16xi1>, vector<16xi32>
      %broadcast_in_dim3A_1422 = vector.shape_cast %select_n3A_1421 : vector<16xi32> to vector<16x1xi32>
      %gather3A_1423 = vector.shape_cast %broadcast_in_dim3A_1422 : vector<16x1xi32> to vector<16xi32>
      %gather3A_1424 = tpu.dynamic_gather %add3A_1411[%gather3A_1423] in [0] : vector<16xf32>, vector<16xi32> -> vector<16xf32>
      %add3A_1425 = arith.addf %add3A_1411, %gather3A_1424 : vector<16xf32>
      %mul3A_1426 = arith.constant 1.562500e-02 : f32
      %mul3A_1427 = vector.broadcast %mul3A_1426 : f32 to vector<16xf32>
      %mul3A_1428 = arith.mulf %add3A_1425, %mul3A_1427 : vector<16xf32>
      %xor3A_1429 = arith.constant 1 : i32
      %xor3A_1430 = vector.broadcast %xor3A_1429 : i32 to vector<16xi32>
      %xor3A_1431 = arith.xori %iota3A, %xor3A_1430 : vector<16xi32>
      %lt3A_1432 = arith.constant 0 : i32
      %lt3A_1433 = vector.broadcast %lt3A_1432 : i32 to vector<16xi32>
      %lt3A_1434 = arith.cmpi slt, %xor3A_1431, %lt3A_1433 : vector<16xi32>
      %add3A_1435 = arith.constant 16 : i32
      %add3A_1436 = vector.broadcast %add3A_1435 : i32 to vector<16xi32>
      %add3A_1437 = arith.addi %xor3A_1431, %add3A_1436 : vector<16xi32>
      %select_n3A_1438 = arith.select %lt3A_1434, %add3A_1437, %xor3A_1431 : vector<16xi1>, vector<16xi32>
      %broadcast_in_dim3A_1439 = vector.shape_cast %select_n3A_1438 : vector<16xi32> to vector<16x1xi32>
      %gather3A_1440 = vector.shape_cast %broadcast_in_dim3A_1439 : vector<16x1xi32> to vector<16xi32>
      %gather3A_1441 = tpu.dynamic_gather %add3A_1369[%gather3A_1440] in [0] : vector<16xf32>, vector<16xi32> -> vector<16xf32>
      %add3A_1442 = arith.addf %add3A_1369, %gather3A_1441 : vector<16xf32>
      %xor3A_1443 = arith.constant 2 : i32
      %xor3A_1444 = vector.broadcast %xor3A_1443 : i32 to vector<16xi32>
      %xor3A_1445 = arith.xori %iota3A, %xor3A_1444 : vector<16xi32>
      %lt3A_1446 = arith.constant 0 : i32
      %lt3A_1447 = vector.broadcast %lt3A_1446 : i32 to vector<16xi32>
      %lt3A_1448 = arith.cmpi slt, %xor3A_1445, %lt3A_1447 : vector<16xi32>
      %add3A_1449 = arith.constant 16 : i32
      %add3A_1450 = vector.broadcast %add3A_1449 : i32 to vector<16xi32>
      %add3A_1451 = arith.addi %xor3A_1445, %add3A_1450 : vector<16xi32>
      %select_n3A_1452 = arith.select %lt3A_1448, %add3A_1451, %xor3A_1445 : vector<16xi1>, vector<16xi32>
      %broadcast_in_dim3A_1453 = vector.shape_cast %select_n3A_1452 : vector<16xi32> to vector<16x1xi32>
      %gather3A_1454 = vector.shape_cast %broadcast_in_dim3A_1453 : vector<16x1xi32> to vector<16xi32>
      %gather3A_1455 = tpu.dynamic_gather %add3A_1442[%gather3A_1454] in [0] : vector<16xf32>, vector<16xi32> -> vector<16xf32>
      %add3A_1456 = arith.addf %add3A_1442, %gather3A_1455 : vector<16xf32>
      %xor3A_1457 = arith.constant 4 : i32
      %xor3A_1458 = vector.broadcast %xor3A_1457 : i32 to vector<16xi32>
      %xor3A_1459 = arith.xori %iota3A, %xor3A_1458 : vector<16xi32>
      %lt3A_1460 = arith.constant 0 : i32
      %lt3A_1461 = vector.broadcast %lt3A_1460 : i32 to vector<16xi32>
      %lt3A_1462 = arith.cmpi slt, %xor3A_1459, %lt3A_1461 : vector<16xi32>
      %add3A_1463 = arith.constant 16 : i32
      %add3A_1464 = vector.broadcast %add3A_1463 : i32 to vector<16xi32>
      %add3A_1465 = arith.addi %xor3A_1459, %add3A_1464 : vector<16xi32>
      %select_n3A_1466 = arith.select %lt3A_1462, %add3A_1465, %xor3A_1459 : vector<16xi1>, vector<16xi32>
      %broadcast_in_dim3A_1467 = vector.shape_cast %select_n3A_1466 : vector<16xi32> to vector<16x1xi32>
      %gather3A_1468 = vector.shape_cast %broadcast_in_dim3A_1467 : vector<16x1xi32> to vector<16xi32>
      %gather3A_1469 = tpu.dynamic_gather %add3A_1456[%gather3A_1468] in [0] : vector<16xf32>, vector<16xi32> -> vector<16xf32>
      %add3A_1470 = arith.addf %add3A_1456, %gather3A_1469 : vector<16xf32>
      %xor3A_1471 = arith.constant 8 : i32
      %xor3A_1472 = vector.broadcast %xor3A_1471 : i32 to vector<16xi32>
      %xor3A_1473 = arith.xori %iota3A, %xor3A_1472 : vector<16xi32>
      %lt3A_1474 = arith.constant 0 : i32
      %lt3A_1475 = vector.broadcast %lt3A_1474 : i32 to vector<16xi32>
      %lt3A_1476 = arith.cmpi slt, %xor3A_1473, %lt3A_1475 : vector<16xi32>
      %add3A_1477 = arith.constant 16 : i32
      %add3A_1478 = vector.broadcast %add3A_1477 : i32 to vector<16xi32>
      %add3A_1479 = arith.addi %xor3A_1473, %add3A_1478 : vector<16xi32>
      %select_n3A_1480 = arith.select %lt3A_1476, %add3A_1479, %xor3A_1473 : vector<16xi1>, vector<16xi32>
      %broadcast_in_dim3A_1481 = vector.shape_cast %select_n3A_1480 : vector<16xi32> to vector<16x1xi32>
      %gather3A_1482 = vector.shape_cast %broadcast_in_dim3A_1481 : vector<16x1xi32> to vector<16xi32>
      %gather3A_1483 = tpu.dynamic_gather %add3A_1470[%gather3A_1482] in [0] : vector<16xf32>, vector<16xi32> -> vector<16xf32>
      %add3A_1484 = arith.addf %add3A_1470, %gather3A_1483 : vector<16xf32>
      %mul3A_1485 = arith.constant 1.562500e-02 : f32
      %mul3A_1486 = vector.broadcast %mul3A_1485 : f32 to vector<16xf32>
      %mul3A_1487 = arith.mulf %add3A_1484, %mul3A_1486 : vector<16xf32>
      %mul3A_1488 = arith.mulf %mul3A_1428, %mul3A_1428 : vector<16xf32>
      %sub3A_1489 = arith.subf %mul3A_1487, %mul3A_1488 : vector<16xf32>
      %add3A_1490 = arith.constant 9.99999974E-6 : f32
      %add3A_1491 = vector.broadcast %add3A_1490 : f32 to vector<16xf32>
      %add3A_1492 = arith.addf %sub3A_1489, %add3A_1491 : vector<16xf32>
      %bitcast_convert_type3A_1493 = tpu.bitcast %add3A_1492 : vector<16xf32> -> vector<16xi32>
      %shift_right_arithmetic3A_1494 = arith.constant 1 : i32
      %shift_right_arithmetic3A_1495 = vector.broadcast %shift_right_arithmetic3A_1494 : i32 to vector<16xi32>
      %shift_right_arithmetic3A_1496 = arith.shrsi %bitcast_convert_type3A_1493, %shift_right_arithmetic3A_1495 : vector<16xi32>
      %sub3A_1497 = arith.constant 1597463007 : i32
      %sub3A_1498 = vector.broadcast %sub3A_1497 : i32 to vector<16xi32>
      %sub3A_1499 = arith.subi %sub3A_1498, %shift_right_arithmetic3A_1496 : vector<16xi32>
      %bitcast_convert_type3A_1500 = tpu.bitcast %sub3A_1499 : vector<16xi32> -> vector<16xf32>
      %mul3A_1501 = arith.constant 5.000000e-01 : f32
      %mul3A_1502 = vector.broadcast %mul3A_1501 : f32 to vector<16xf32>
      %mul3A_1503 = arith.mulf %mul3A_1502, %add3A_1492 : vector<16xf32>
      %mul3A_1504 = arith.mulf %mul3A_1503, %bitcast_convert_type3A_1500 : vector<16xf32>
      %mul3A_1505 = arith.mulf %mul3A_1504, %bitcast_convert_type3A_1500 : vector<16xf32>
      %sub3A_1506 = arith.constant 1.500000e+00 : f32
      %sub3A_1507 = vector.broadcast %sub3A_1506 : f32 to vector<16xf32>
      %sub3A_1508 = arith.subf %sub3A_1507, %mul3A_1505 : vector<16xf32>
      %mul3A_1509 = arith.mulf %bitcast_convert_type3A_1500, %sub3A_1508 : vector<16xf32>
      %mul3A_1510 = arith.constant 5.000000e-01 : f32
      %mul3A_1511 = vector.broadcast %mul3A_1510 : f32 to vector<16xf32>
      %mul3A_1512 = arith.mulf %mul3A_1511, %add3A_1492 : vector<16xf32>
      %mul3A_1513 = arith.mulf %mul3A_1512, %mul3A_1509 : vector<16xf32>
      %mul3A_1514 = arith.mulf %mul3A_1513, %mul3A_1509 : vector<16xf32>
      %sub3A_1515 = arith.constant 1.500000e+00 : f32
      %sub3A_1516 = vector.broadcast %sub3A_1515 : f32 to vector<16xf32>
      %sub3A_1517 = arith.subf %sub3A_1516, %mul3A_1514 : vector<16xf32>
      %mul3A_1518 = arith.mulf %mul3A_1509, %sub3A_1517 : vector<16xf32>
      %mul3A_1519 = arith.constant 5.000000e-01 : f32
      %mul3A_1520 = vector.broadcast %mul3A_1519 : f32 to vector<16xf32>
      %mul3A_1521 = arith.mulf %mul3A_1520, %add3A_1492 : vector<16xf32>
      %mul3A_1522 = arith.mulf %mul3A_1521, %mul3A_1518 : vector<16xf32>
      %mul3A_1523 = arith.mulf %mul3A_1522, %mul3A_1518 : vector<16xf32>
      %sub3A_1524 = arith.constant 1.500000e+00 : f32
      %sub3A_1525 = vector.broadcast %sub3A_1524 : f32 to vector<16xf32>
      %sub3A_1526 = arith.subf %sub3A_1525, %mul3A_1523 : vector<16xf32>
      %mul3A_1527 = arith.mulf %mul3A_1518, %sub3A_1526 : vector<16xf32>
      %mul3A_1528 = arith.constant 8 : i32
      %mul3A_1529 = arith.muli %add3A_172, %mul3A_1528 : i32
      %add3A_1530 = arith.constant 5 : i32
      %add3A_1531 = arith.addi %mul3A_1529, %add3A_1530 : i32
      %mul3A_1532 = arith.mulf %mul3A_1527, %get3A_74 : vector<16xf32>
      %sub3A_1533 = arith.subf %add3A_1347, %mul3A_1428 : vector<16xf32>
      %mul3A_1534 = arith.mulf %sub3A_1533, %mul3A_1532 : vector<16xf32>
      %add3A_1535 = arith.addf %mul3A_1534, %get3A_94 : vector<16xf32>
      %swap3A_1536 = arith.index_cast %add3A_1531 : i32 to index
      %swap3A_1537 = arith.constant 0 : index
      %swap3A_1538 = tpu.vector_load %arg9[%swap3A_1536, %swap3A_1537] {strides = array<i32>} : memref<512x64xf32, #tpu.memory_space<vmem>>, vector<1x16xf32>,
      %swap3A_1539 = vector.shape_cast %swap3A_1538 : vector<1x16xf32> to vector<16xf32>
      %swap3A_1540 = vector.shape_cast %add3A_1535 : vector<16xf32> to vector<1x16xf32>
      tpu.vector_store %arg9[%swap3A_1536, %swap3A_1537], %swap3A_1540 {strides = array<i32>} : memref<512x64xf32, #tpu.memory_space<vmem>>, vector<1x16xf32>,
      %mul3A_1541 = arith.mulf %mul3A_1527, %get3A_79 : vector<16xf32>
      %sub3A_1542 = arith.subf %add3A_1351, %mul3A_1428 : vector<16xf32>
      %mul3A_1543 = arith.mulf %sub3A_1542, %mul3A_1541 : vector<16xf32>
      %add3A_1544 = arith.addf %mul3A_1543, %get3A_99 : vector<16xf32>
      %swap3A_1545 = arith.index_cast %add3A_1531 : i32 to index
      %swap3A_1546 = arith.constant 16 : index
      %swap3A_1547 = tpu.vector_load %arg9[%swap3A_1545, %swap3A_1546] {strides = array<i32>} : memref<512x64xf32, #tpu.memory_space<vmem>>, vector<1x16xf32>,
      %swap3A_1548 = vector.shape_cast %swap3A_1547 : vector<1x16xf32> to vector<16xf32>
      %swap3A_1549 = vector.shape_cast %add3A_1544 : vector<16xf32> to vector<1x16xf32>
      tpu.vector_store %arg9[%swap3A_1545, %swap3A_1546], %swap3A_1549 {strides = array<i32>} : memref<512x64xf32, #tpu.memory_space<vmem>>, vector<1x16xf32>,
      %mul3A_1550 = arith.mulf %mul3A_1527, %get3A_84 : vector<16xf32>
      %sub3A_1551 = arith.subf %add3A_1355, %mul3A_1428 : vector<16xf32>
      %mul3A_1552 = arith.mulf %sub3A_1551, %mul3A_1550 : vector<16xf32>
      %add3A_1553 = arith.addf %mul3A_1552, %get3A_104 : vector<16xf32>
      %swap3A_1554 = arith.index_cast %add3A_1531 : i32 to index
      %swap3A_1555 = arith.constant 32 : index
      %swap3A_1556 = tpu.vector_load %arg9[%swap3A_1554, %swap3A_1555] {strides = array<i32>} : memref<512x64xf32, #tpu.memory_space<vmem>>, vector<1x16xf32>,
      %swap3A_1557 = vector.shape_cast %swap3A_1556 : vector<1x16xf32> to vector<16xf32>
      %swap3A_1558 = vector.shape_cast %add3A_1553 : vector<16xf32> to vector<1x16xf32>
      tpu.vector_store %arg9[%swap3A_1554, %swap3A_1555], %swap3A_1558 {strides = array<i32>} : memref<512x64xf32, #tpu.memory_space<vmem>>, vector<1x16xf32>,
      %mul3A_1559 = arith.mulf %mul3A_1527, %get3A_89 : vector<16xf32>
      %sub3A_1560 = arith.subf %add3A_1359, %mul3A_1428 : vector<16xf32>
      %mul3A_1561 = arith.mulf %sub3A_1560, %mul3A_1559 : vector<16xf32>
      %add3A_1562 = arith.addf %mul3A_1561, %get3A_109 : vector<16xf32>
      %swap3A_1563 = arith.index_cast %add3A_1531 : i32 to index
      %swap3A_1564 = arith.constant 48 : index
      %swap3A_1565 = tpu.vector_load %arg9[%swap3A_1563, %swap3A_1564] {strides = array<i32>} : memref<512x64xf32, #tpu.memory_space<vmem>>, vector<1x16xf32>,
      %swap3A_1566 = vector.shape_cast %swap3A_1565 : vector<1x16xf32> to vector<16xf32>
      %swap3A_1567 = vector.shape_cast %add3A_1562 : vector<16xf32> to vector<1x16xf32>
      tpu.vector_store %arg9[%swap3A_1563, %swap3A_1564], %swap3A_1567 {strides = array<i32>} : memref<512x64xf32, #tpu.memory_space<vmem>>, vector<1x16xf32>,
      %mul3A_1568 = arith.constant 5.000000e-02 : f32
      %mul3A_1569 = vector.broadcast %mul3A_1568 : f32 to vector<16xf32>
      %mul3A_1570 = arith.mulf %scan3A_229#24, %mul3A_1569 : vector<16xf32>
      %add3A_1571 = arith.addf %mul3A_1570, %add3A_18 : vector<16xf32>
      %mul3A_1572 = arith.constant 5.000000e-02 : f32
      %mul3A_1573 = vector.broadcast %mul3A_1572 : f32 to vector<16xf32>
      %mul3A_1574 = arith.mulf %scan3A_229#25, %mul3A_1573 : vector<16xf32>
      %add3A_1575 = arith.addf %mul3A_1574, %add3A_35 : vector<16xf32>
      %mul3A_1576 = arith.constant 5.000000e-02 : f32
      %mul3A_1577 = vector.broadcast %mul3A_1576 : f32 to vector<16xf32>
      %mul3A_1578 = arith.mulf %scan3A_229#26, %mul3A_1577 : vector<16xf32>
      %add3A_1579 = arith.addf %mul3A_1578, %add3A_52 : vector<16xf32>
      %mul3A_1580 = arith.constant 5.000000e-02 : f32
      %mul3A_1581 = vector.broadcast %mul3A_1580 : f32 to vector<16xf32>
      %mul3A_1582 = arith.mulf %scan3A_229#27, %mul3A_1581 : vector<16xf32>
      %add3A_1583 = arith.addf %mul3A_1582, %add3A_69 : vector<16xf32>
      %add3A_1584 = arith.addf %add3A_1571, %add3A_1575 : vector<16xf32>
      %add3A_1585 = arith.addf %add3A_1579, %add3A_1583 : vector<16xf32>
      %add3A_1586 = arith.addf %add3A_1584, %add3A_1585 : vector<16xf32>
      %mul3A_1587 = arith.mulf %add3A_1571, %add3A_1571 : vector<16xf32>
      %mul3A_1588 = arith.mulf %add3A_1575, %add3A_1575 : vector<16xf32>
      %add3A_1589 = arith.addf %mul3A_1587, %mul3A_1588 : vector<16xf32>
      %mul3A_1590 = arith.mulf %add3A_1579, %add3A_1579 : vector<16xf32>
      %mul3A_1591 = arith.mulf %add3A_1583, %add3A_1583 : vector<16xf32>
      %add3A_1592 = arith.addf %mul3A_1590, %mul3A_1591 : vector<16xf32>
      %add3A_1593 = arith.addf %add3A_1589, %add3A_1592 : vector<16xf32>
      %xor3A_1594 = arith.constant 1 : i32
      %xor3A_1595 = vector.broadcast %xor3A_1594 : i32 to vector<16xi32>
      %xor3A_1596 = arith.xori %iota3A, %xor3A_1595 : vector<16xi32>
      %lt3A_1597 = arith.constant 0 : i32
      %lt3A_1598 = vector.broadcast %lt3A_1597 : i32 to vector<16xi32>
      %lt3A_1599 = arith.cmpi slt, %xor3A_1596, %lt3A_1598 : vector<16xi32>
      %add3A_1600 = arith.constant 16 : i32
      %add3A_1601 = vector.broadcast %add3A_1600 : i32 to vector<16xi32>
      %add3A_1602 = arith.addi %xor3A_1596, %add3A_1601 : vector<16xi32>
      %select_n3A_1603 = arith.select %lt3A_1599, %add3A_1602, %xor3A_1596 : vector<16xi1>, vector<16xi32>
      %broadcast_in_dim3A_1604 = vector.shape_cast %select_n3A_1603 : vector<16xi32> to vector<16x1xi32>
      %gather3A_1605 = vector.shape_cast %broadcast_in_dim3A_1604 : vector<16x1xi32> to vector<16xi32>
      %gather3A_1606 = tpu.dynamic_gather %add3A_1586[%gather3A_1605] in [0] : vector<16xf32>, vector<16xi32> -> vector<16xf32>
      %add3A_1607 = arith.addf %add3A_1586, %gather3A_1606 : vector<16xf32>
      %xor3A_1608 = arith.constant 2 : i32
      %xor3A_1609 = vector.broadcast %xor3A_1608 : i32 to vector<16xi32>
      %xor3A_1610 = arith.xori %iota3A, %xor3A_1609 : vector<16xi32>
      %lt3A_1611 = arith.constant 0 : i32
      %lt3A_1612 = vector.broadcast %lt3A_1611 : i32 to vector<16xi32>
      %lt3A_1613 = arith.cmpi slt, %xor3A_1610, %lt3A_1612 : vector<16xi32>
      %add3A_1614 = arith.constant 16 : i32
      %add3A_1615 = vector.broadcast %add3A_1614 : i32 to vector<16xi32>
      %add3A_1616 = arith.addi %xor3A_1610, %add3A_1615 : vector<16xi32>
      %select_n3A_1617 = arith.select %lt3A_1613, %add3A_1616, %xor3A_1610 : vector<16xi1>, vector<16xi32>
      %broadcast_in_dim3A_1618 = vector.shape_cast %select_n3A_1617 : vector<16xi32> to vector<16x1xi32>
      %gather3A_1619 = vector.shape_cast %broadcast_in_dim3A_1618 : vector<16x1xi32> to vector<16xi32>
      %gather3A_1620 = tpu.dynamic_gather %add3A_1607[%gather3A_1619] in [0] : vector<16xf32>, vector<16xi32> -> vector<16xf32>
      %add3A_1621 = arith.addf %add3A_1607, %gather3A_1620 : vector<16xf32>
      %xor3A_1622 = arith.constant 4 : i32
      %xor3A_1623 = vector.broadcast %xor3A_1622 : i32 to vector<16xi32>
      %xor3A_1624 = arith.xori %iota3A, %xor3A_1623 : vector<16xi32>
      %lt3A_1625 = arith.constant 0 : i32
      %lt3A_1626 = vector.broadcast %lt3A_1625 : i32 to vector<16xi32>
      %lt3A_1627 = arith.cmpi slt, %xor3A_1624, %lt3A_1626 : vector<16xi32>
      %add3A_1628 = arith.constant 16 : i32
      %add3A_1629 = vector.broadcast %add3A_1628 : i32 to vector<16xi32>
      %add3A_1630 = arith.addi %xor3A_1624, %add3A_1629 : vector<16xi32>
      %select_n3A_1631 = arith.select %lt3A_1627, %add3A_1630, %xor3A_1624 : vector<16xi1>, vector<16xi32>
      %broadcast_in_dim3A_1632 = vector.shape_cast %select_n3A_1631 : vector<16xi32> to vector<16x1xi32>
      %gather3A_1633 = vector.shape_cast %broadcast_in_dim3A_1632 : vector<16x1xi32> to vector<16xi32>
      %gather3A_1634 = tpu.dynamic_gather %add3A_1621[%gather3A_1633] in [0] : vector<16xf32>, vector<16xi32> -> vector<16xf32>
      %add3A_1635 = arith.addf %add3A_1621, %gather3A_1634 : vector<16xf32>
      %xor3A_1636 = arith.constant 8 : i32
      %xor3A_1637 = vector.broadcast %xor3A_1636 : i32 to vector<16xi32>
      %xor3A_1638 = arith.xori %iota3A, %xor3A_1637 : vector<16xi32>
      %lt3A_1639 = arith.constant 0 : i32
      %lt3A_1640 = vector.broadcast %lt3A_1639 : i32 to vector<16xi32>
      %lt3A_1641 = arith.cmpi slt, %xor3A_1638, %lt3A_1640 : vector<16xi32>
      %add3A_1642 = arith.constant 16 : i32
      %add3A_1643 = vector.broadcast %add3A_1642 : i32 to vector<16xi32>
      %add3A_1644 = arith.addi %xor3A_1638, %add3A_1643 : vector<16xi32>
      %select_n3A_1645 = arith.select %lt3A_1641, %add3A_1644, %xor3A_1638 : vector<16xi1>, vector<16xi32>
      %broadcast_in_dim3A_1646 = vector.shape_cast %select_n3A_1645 : vector<16xi32> to vector<16x1xi32>
      %gather3A_1647 = vector.shape_cast %broadcast_in_dim3A_1646 : vector<16x1xi32> to vector<16xi32>
      %gather3A_1648 = tpu.dynamic_gather %add3A_1635[%gather3A_1647] in [0] : vector<16xf32>, vector<16xi32> -> vector<16xf32>
      %add3A_1649 = arith.addf %add3A_1635, %gather3A_1648 : vector<16xf32>
      %mul3A_1650 = arith.constant 1.562500e-02 : f32
      %mul3A_1651 = vector.broadcast %mul3A_1650 : f32 to vector<16xf32>
      %mul3A_1652 = arith.mulf %add3A_1649, %mul3A_1651 : vector<16xf32>
      %xor3A_1653 = arith.constant 1 : i32
      %xor3A_1654 = vector.broadcast %xor3A_1653 : i32 to vector<16xi32>
      %xor3A_1655 = arith.xori %iota3A, %xor3A_1654 : vector<16xi32>
      %lt3A_1656 = arith.constant 0 : i32
      %lt3A_1657 = vector.broadcast %lt3A_1656 : i32 to vector<16xi32>
      %lt3A_1658 = arith.cmpi slt, %xor3A_1655, %lt3A_1657 : vector<16xi32>
      %add3A_1659 = arith.constant 16 : i32
      %add3A_1660 = vector.broadcast %add3A_1659 : i32 to vector<16xi32>
      %add3A_1661 = arith.addi %xor3A_1655, %add3A_1660 : vector<16xi32>
      %select_n3A_1662 = arith.select %lt3A_1658, %add3A_1661, %xor3A_1655 : vector<16xi1>, vector<16xi32>
      %broadcast_in_dim3A_1663 = vector.shape_cast %select_n3A_1662 : vector<16xi32> to vector<16x1xi32>
      %gather3A_1664 = vector.shape_cast %broadcast_in_dim3A_1663 : vector<16x1xi32> to vector<16xi32>
      %gather3A_1665 = tpu.dynamic_gather %add3A_1593[%gather3A_1664] in [0] : vector<16xf32>, vector<16xi32> -> vector<16xf32>
      %add3A_1666 = arith.addf %add3A_1593, %gather3A_1665 : vector<16xf32>
      %xor3A_1667 = arith.constant 2 : i32
      %xor3A_1668 = vector.broadcast %xor3A_1667 : i32 to vector<16xi32>
      %xor3A_1669 = arith.xori %iota3A, %xor3A_1668 : vector<16xi32>
      %lt3A_1670 = arith.constant 0 : i32
      %lt3A_1671 = vector.broadcast %lt3A_1670 : i32 to vector<16xi32>
      %lt3A_1672 = arith.cmpi slt, %xor3A_1669, %lt3A_1671 : vector<16xi32>
      %add3A_1673 = arith.constant 16 : i32
      %add3A_1674 = vector.broadcast %add3A_1673 : i32 to vector<16xi32>
      %add3A_1675 = arith.addi %xor3A_1669, %add3A_1674 : vector<16xi32>
      %select_n3A_1676 = arith.select %lt3A_1672, %add3A_1675, %xor3A_1669 : vector<16xi1>, vector<16xi32>
      %broadcast_in_dim3A_1677 = vector.shape_cast %select_n3A_1676 : vector<16xi32> to vector<16x1xi32>
      %gather3A_1678 = vector.shape_cast %broadcast_in_dim3A_1677 : vector<16x1xi32> to vector<16xi32>
      %gather3A_1679 = tpu.dynamic_gather %add3A_1666[%gather3A_1678] in [0] : vector<16xf32>, vector<16xi32> -> vector<16xf32>
      %add3A_1680 = arith.addf %add3A_1666, %gather3A_1679 : vector<16xf32>
      %xor3A_1681 = arith.constant 4 : i32
      %xor3A_1682 = vector.broadcast %xor3A_1681 : i32 to vector<16xi32>
      %xor3A_1683 = arith.xori %iota3A, %xor3A_1682 : vector<16xi32>
      %lt3A_1684 = arith.constant 0 : i32
      %lt3A_1685 = vector.broadcast %lt3A_1684 : i32 to vector<16xi32>
      %lt3A_1686 = arith.cmpi slt, %xor3A_1683, %lt3A_1685 : vector<16xi32>
      %add3A_1687 = arith.constant 16 : i32
      %add3A_1688 = vector.broadcast %add3A_1687 : i32 to vector<16xi32>
      %add3A_1689 = arith.addi %xor3A_1683, %add3A_1688 : vector<16xi32>
      %select_n3A_1690 = arith.select %lt3A_1686, %add3A_1689, %xor3A_1683 : vector<16xi1>, vector<16xi32>
      %broadcast_in_dim3A_1691 = vector.shape_cast %select_n3A_1690 : vector<16xi32> to vector<16x1xi32>
      %gather3A_1692 = vector.shape_cast %broadcast_in_dim3A_1691 : vector<16x1xi32> to vector<16xi32>
      %gather3A_1693 = tpu.dynamic_gather %add3A_1680[%gather3A_1692] in [0] : vector<16xf32>, vector<16xi32> -> vector<16xf32>
      %add3A_1694 = arith.addf %add3A_1680, %gather3A_1693 : vector<16xf32>
      %xor3A_1695 = arith.constant 8 : i32
      %xor3A_1696 = vector.broadcast %xor3A_1695 : i32 to vector<16xi32>
      %xor3A_1697 = arith.xori %iota3A, %xor3A_1696 : vector<16xi32>
      %lt3A_1698 = arith.constant 0 : i32
      %lt3A_1699 = vector.broadcast %lt3A_1698 : i32 to vector<16xi32>
      %lt3A_1700 = arith.cmpi slt, %xor3A_1697, %lt3A_1699 : vector<16xi32>
      %add3A_1701 = arith.constant 16 : i32
      %add3A_1702 = vector.broadcast %add3A_1701 : i32 to vector<16xi32>
      %add3A_1703 = arith.addi %xor3A_1697, %add3A_1702 : vector<16xi32>
      %select_n3A_1704 = arith.select %lt3A_1700, %add3A_1703, %xor3A_1697 : vector<16xi1>, vector<16xi32>
      %broadcast_in_dim3A_1705 = vector.shape_cast %select_n3A_1704 : vector<16xi32> to vector<16x1xi32>
      %gather3A_1706 = vector.shape_cast %broadcast_in_dim3A_1705 : vector<16x1xi32> to vector<16xi32>
      %gather3A_1707 = tpu.dynamic_gather %add3A_1694[%gather3A_1706] in [0] : vector<16xf32>, vector<16xi32> -> vector<16xf32>
      %add3A_1708 = arith.addf %add3A_1694, %gather3A_1707 : vector<16xf32>
      %mul3A_1709 = arith.constant 1.562500e-02 : f32
      %mul3A_1710 = vector.broadcast %mul3A_1709 : f32 to vector<16xf32>
      %mul3A_1711 = arith.mulf %add3A_1708, %mul3A_1710 : vector<16xf32>
      %mul3A_1712 = arith.mulf %mul3A_1652, %mul3A_1652 : vector<16xf32>
      %sub3A_1713 = arith.subf %mul3A_1711, %mul3A_1712 : vector<16xf32>
      %add3A_1714 = arith.constant 9.99999974E-6 : f32
      %add3A_1715 = vector.broadcast %add3A_1714 : f32 to vector<16xf32>
      %add3A_1716 = arith.addf %sub3A_1713, %add3A_1715 : vector<16xf32>
      %bitcast_convert_type3A_1717 = tpu.bitcast %add3A_1716 : vector<16xf32> -> vector<16xi32>
      %shift_right_arithmetic3A_1718 = arith.constant 1 : i32
      %shift_right_arithmetic3A_1719 = vector.broadcast %shift_right_arithmetic3A_1718 : i32 to vector<16xi32>
      %shift_right_arithmetic3A_1720 = arith.shrsi %bitcast_convert_type3A_1717, %shift_right_arithmetic3A_1719 : vector<16xi32>
      %sub3A_1721 = arith.constant 1597463007 : i32
      %sub3A_1722 = vector.broadcast %sub3A_1721 : i32 to vector<16xi32>
      %sub3A_1723 = arith.subi %sub3A_1722, %shift_right_arithmetic3A_1720 : vector<16xi32>
      %bitcast_convert_type3A_1724 = tpu.bitcast %sub3A_1723 : vector<16xi32> -> vector<16xf32>
      %mul3A_1725 = arith.constant 5.000000e-01 : f32
      %mul3A_1726 = vector.broadcast %mul3A_1725 : f32 to vector<16xf32>
      %mul3A_1727 = arith.mulf %mul3A_1726, %add3A_1716 : vector<16xf32>
      %mul3A_1728 = arith.mulf %mul3A_1727, %bitcast_convert_type3A_1724 : vector<16xf32>
      %mul3A_1729 = arith.mulf %mul3A_1728, %bitcast_convert_type3A_1724 : vector<16xf32>
      %sub3A_1730 = arith.constant 1.500000e+00 : f32
      %sub3A_1731 = vector.broadcast %sub3A_1730 : f32 to vector<16xf32>
      %sub3A_1732 = arith.subf %sub3A_1731, %mul3A_1729 : vector<16xf32>
      %mul3A_1733 = arith.mulf %bitcast_convert_type3A_1724, %sub3A_1732 : vector<16xf32>
      %mul3A_1734 = arith.constant 5.000000e-01 : f32
      %mul3A_1735 = vector.broadcast %mul3A_1734 : f32 to vector<16xf32>
      %mul3A_1736 = arith.mulf %mul3A_1735, %add3A_1716 : vector<16xf32>
      %mul3A_1737 = arith.mulf %mul3A_1736, %mul3A_1733 : vector<16xf32>
      %mul3A_1738 = arith.mulf %mul3A_1737, %mul3A_1733 : vector<16xf32>
      %sub3A_1739 = arith.constant 1.500000e+00 : f32
      %sub3A_1740 = vector.broadcast %sub3A_1739 : f32 to vector<16xf32>
      %sub3A_1741 = arith.subf %sub3A_1740, %mul3A_1738 : vector<16xf32>
      %mul3A_1742 = arith.mulf %mul3A_1733, %sub3A_1741 : vector<16xf32>
      %mul3A_1743 = arith.constant 5.000000e-01 : f32
      %mul3A_1744 = vector.broadcast %mul3A_1743 : f32 to vector<16xf32>
      %mul3A_1745 = arith.mulf %mul3A_1744, %add3A_1716 : vector<16xf32>
      %mul3A_1746 = arith.mulf %mul3A_1745, %mul3A_1742 : vector<16xf32>
      %mul3A_1747 = arith.mulf %mul3A_1746, %mul3A_1742 : vector<16xf32>
      %sub3A_1748 = arith.constant 1.500000e+00 : f32
      %sub3A_1749 = vector.broadcast %sub3A_1748 : f32 to vector<16xf32>
      %sub3A_1750 = arith.subf %sub3A_1749, %mul3A_1747 : vector<16xf32>
      %mul3A_1751 = arith.mulf %mul3A_1742, %sub3A_1750 : vector<16xf32>
      %mul3A_1752 = arith.constant 8 : i32
      %mul3A_1753 = arith.muli %add3A_172, %mul3A_1752 : i32
      %add3A_1754 = arith.constant 6 : i32
      %add3A_1755 = arith.addi %mul3A_1753, %add3A_1754 : i32
      %mul3A_1756 = arith.mulf %mul3A_1751, %get3A_74 : vector<16xf32>
      %sub3A_1757 = arith.subf %add3A_1571, %mul3A_1652 : vector<16xf32>
      %mul3A_1758 = arith.mulf %sub3A_1757, %mul3A_1756 : vector<16xf32>
      %add3A_1759 = arith.addf %mul3A_1758, %get3A_94 : vector<16xf32>
      %swap3A_1760 = arith.index_cast %add3A_1755 : i32 to index
      %swap3A_1761 = arith.constant 0 : index
      %swap3A_1762 = tpu.vector_load %arg9[%swap3A_1760, %swap3A_1761] {strides = array<i32>} : memref<512x64xf32, #tpu.memory_space<vmem>>, vector<1x16xf32>,
      %swap3A_1763 = vector.shape_cast %swap3A_1762 : vector<1x16xf32> to vector<16xf32>
      %swap3A_1764 = vector.shape_cast %add3A_1759 : vector<16xf32> to vector<1x16xf32>
      tpu.vector_store %arg9[%swap3A_1760, %swap3A_1761], %swap3A_1764 {strides = array<i32>} : memref<512x64xf32, #tpu.memory_space<vmem>>, vector<1x16xf32>,
      %mul3A_1765 = arith.mulf %mul3A_1751, %get3A_79 : vector<16xf32>
      %sub3A_1766 = arith.subf %add3A_1575, %mul3A_1652 : vector<16xf32>
      %mul3A_1767 = arith.mulf %sub3A_1766, %mul3A_1765 : vector<16xf32>
      %add3A_1768 = arith.addf %mul3A_1767, %get3A_99 : vector<16xf32>
      %swap3A_1769 = arith.index_cast %add3A_1755 : i32 to index
      %swap3A_1770 = arith.constant 16 : index
      %swap3A_1771 = tpu.vector_load %arg9[%swap3A_1769, %swap3A_1770] {strides = array<i32>} : memref<512x64xf32, #tpu.memory_space<vmem>>, vector<1x16xf32>,
      %swap3A_1772 = vector.shape_cast %swap3A_1771 : vector<1x16xf32> to vector<16xf32>
      %swap3A_1773 = vector.shape_cast %add3A_1768 : vector<16xf32> to vector<1x16xf32>
      tpu.vector_store %arg9[%swap3A_1769, %swap3A_1770], %swap3A_1773 {strides = array<i32>} : memref<512x64xf32, #tpu.memory_space<vmem>>, vector<1x16xf32>,
      %mul3A_1774 = arith.mulf %mul3A_1751, %get3A_84 : vector<16xf32>
      %sub3A_1775 = arith.subf %add3A_1579, %mul3A_1652 : vector<16xf32>
      %mul3A_1776 = arith.mulf %sub3A_1775, %mul3A_1774 : vector<16xf32>
      %add3A_1777 = arith.addf %mul3A_1776, %get3A_104 : vector<16xf32>
      %swap3A_1778 = arith.index_cast %add3A_1755 : i32 to index
      %swap3A_1779 = arith.constant 32 : index
      %swap3A_1780 = tpu.vector_load %arg9[%swap3A_1778, %swap3A_1779] {strides = array<i32>} : memref<512x64xf32, #tpu.memory_space<vmem>>, vector<1x16xf32>,
      %swap3A_1781 = vector.shape_cast %swap3A_1780 : vector<1x16xf32> to vector<16xf32>
      %swap3A_1782 = vector.shape_cast %add3A_1777 : vector<16xf32> to vector<1x16xf32>
      tpu.vector_store %arg9[%swap3A_1778, %swap3A_1779], %swap3A_1782 {strides = array<i32>} : memref<512x64xf32, #tpu.memory_space<vmem>>, vector<1x16xf32>,
      %mul3A_1783 = arith.mulf %mul3A_1751, %get3A_89 : vector<16xf32>
      %sub3A_1784 = arith.subf %add3A_1583, %mul3A_1652 : vector<16xf32>
      %mul3A_1785 = arith.mulf %sub3A_1784, %mul3A_1783 : vector<16xf32>
      %add3A_1786 = arith.addf %mul3A_1785, %get3A_109 : vector<16xf32>
      %swap3A_1787 = arith.index_cast %add3A_1755 : i32 to index
      %swap3A_1788 = arith.constant 48 : index
      %swap3A_1789 = tpu.vector_load %arg9[%swap3A_1787, %swap3A_1788] {strides = array<i32>} : memref<512x64xf32, #tpu.memory_space<vmem>>, vector<1x16xf32>,
      %swap3A_1790 = vector.shape_cast %swap3A_1789 : vector<1x16xf32> to vector<16xf32>
      %swap3A_1791 = vector.shape_cast %add3A_1786 : vector<16xf32> to vector<1x16xf32>
      tpu.vector_store %arg9[%swap3A_1787, %swap3A_1788], %swap3A_1791 {strides = array<i32>} : memref<512x64xf32, #tpu.memory_space<vmem>>, vector<1x16xf32>,
      %mul3A_1792 = arith.constant 5.000000e-02 : f32
      %mul3A_1793 = vector.broadcast %mul3A_1792 : f32 to vector<16xf32>
      %mul3A_1794 = arith.mulf %scan3A_229#28, %mul3A_1793 : vector<16xf32>
      %add3A_1795 = arith.addf %mul3A_1794, %add3A_18 : vector<16xf32>
      %mul3A_1796 = arith.constant 5.000000e-02 : f32
      %mul3A_1797 = vector.broadcast %mul3A_1796 : f32 to vector<16xf32>
      %mul3A_1798 = arith.mulf %scan3A_229#29, %mul3A_1797 : vector<16xf32>
      %add3A_1799 = arith.addf %mul3A_1798, %add3A_35 : vector<16xf32>
      %mul3A_1800 = arith.constant 5.000000e-02 : f32
      %mul3A_1801 = vector.broadcast %mul3A_1800 : f32 to vector<16xf32>
      %mul3A_1802 = arith.mulf %scan3A_229#30, %mul3A_1801 : vector<16xf32>
      %add3A_1803 = arith.addf %mul3A_1802, %add3A_52 : vector<16xf32>
      %mul3A_1804 = arith.constant 5.000000e-02 : f32
      %mul3A_1805 = vector.broadcast %mul3A_1804 : f32 to vector<16xf32>
      %mul3A_1806 = arith.mulf %scan3A_229#31, %mul3A_1805 : vector<16xf32>
      %add3A_1807 = arith.addf %mul3A_1806, %add3A_69 : vector<16xf32>
      %add3A_1808 = arith.addf %add3A_1795, %add3A_1799 : vector<16xf32>
      %add3A_1809 = arith.addf %add3A_1803, %add3A_1807 : vector<16xf32>
      %add3A_1810 = arith.addf %add3A_1808, %add3A_1809 : vector<16xf32>
      %mul3A_1811 = arith.mulf %add3A_1795, %add3A_1795 : vector<16xf32>
      %mul3A_1812 = arith.mulf %add3A_1799, %add3A_1799 : vector<16xf32>
      %add3A_1813 = arith.addf %mul3A_1811, %mul3A_1812 : vector<16xf32>
      %mul3A_1814 = arith.mulf %add3A_1803, %add3A_1803 : vector<16xf32>
      %mul3A_1815 = arith.mulf %add3A_1807, %add3A_1807 : vector<16xf32>
      %add3A_1816 = arith.addf %mul3A_1814, %mul3A_1815 : vector<16xf32>
      %add3A_1817 = arith.addf %add3A_1813, %add3A_1816 : vector<16xf32>
      %xor3A_1818 = arith.constant 1 : i32
      %xor3A_1819 = vector.broadcast %xor3A_1818 : i32 to vector<16xi32>
      %xor3A_1820 = arith.xori %iota3A, %xor3A_1819 : vector<16xi32>
      %lt3A_1821 = arith.constant 0 : i32
      %lt3A_1822 = vector.broadcast %lt3A_1821 : i32 to vector<16xi32>
      %lt3A_1823 = arith.cmpi slt, %xor3A_1820, %lt3A_1822 : vector<16xi32>
      %add3A_1824 = arith.constant 16 : i32
      %add3A_1825 = vector.broadcast %add3A_1824 : i32 to vector<16xi32>
      %add3A_1826 = arith.addi %xor3A_1820, %add3A_1825 : vector<16xi32>
      %select_n3A_1827 = arith.select %lt3A_1823, %add3A_1826, %xor3A_1820 : vector<16xi1>, vector<16xi32>
      %broadcast_in_dim3A_1828 = vector.shape_cast %select_n3A_1827 : vector<16xi32> to vector<16x1xi32>
      %gather3A_1829 = vector.shape_cast %broadcast_in_dim3A_1828 : vector<16x1xi32> to vector<16xi32>
      %gather3A_1830 = tpu.dynamic_gather %add3A_1810[%gather3A_1829] in [0] : vector<16xf32>, vector<16xi32> -> vector<16xf32>
      %add3A_1831 = arith.addf %add3A_1810, %gather3A_1830 : vector<16xf32>
      %xor3A_1832 = arith.constant 2 : i32
      %xor3A_1833 = vector.broadcast %xor3A_1832 : i32 to vector<16xi32>
      %xor3A_1834 = arith.xori %iota3A, %xor3A_1833 : vector<16xi32>
      %lt3A_1835 = arith.constant 0 : i32
      %lt3A_1836 = vector.broadcast %lt3A_1835 : i32 to vector<16xi32>
      %lt3A_1837 = arith.cmpi slt, %xor3A_1834, %lt3A_1836 : vector<16xi32>
      %add3A_1838 = arith.constant 16 : i32
      %add3A_1839 = vector.broadcast %add3A_1838 : i32 to vector<16xi32>
      %add3A_1840 = arith.addi %xor3A_1834, %add3A_1839 : vector<16xi32>
      %select_n3A_1841 = arith.select %lt3A_1837, %add3A_1840, %xor3A_1834 : vector<16xi1>, vector<16xi32>
      %broadcast_in_dim3A_1842 = vector.shape_cast %select_n3A_1841 : vector<16xi32> to vector<16x1xi32>
      %gather3A_1843 = vector.shape_cast %broadcast_in_dim3A_1842 : vector<16x1xi32> to vector<16xi32>
      %gather3A_1844 = tpu.dynamic_gather %add3A_1831[%gather3A_1843] in [0] : vector<16xf32>, vector<16xi32> -> vector<16xf32>
      %add3A_1845 = arith.addf %add3A_1831, %gather3A_1844 : vector<16xf32>
      %xor3A_1846 = arith.constant 4 : i32
      %xor3A_1847 = vector.broadcast %xor3A_1846 : i32 to vector<16xi32>
      %xor3A_1848 = arith.xori %iota3A, %xor3A_1847 : vector<16xi32>
      %lt3A_1849 = arith.constant 0 : i32
      %lt3A_1850 = vector.broadcast %lt3A_1849 : i32 to vector<16xi32>
      %lt3A_1851 = arith.cmpi slt, %xor3A_1848, %lt3A_1850 : vector<16xi32>
      %add3A_1852 = arith.constant 16 : i32
      %add3A_1853 = vector.broadcast %add3A_1852 : i32 to vector<16xi32>
      %add3A_1854 = arith.addi %xor3A_1848, %add3A_1853 : vector<16xi32>
      %select_n3A_1855 = arith.select %lt3A_1851, %add3A_1854, %xor3A_1848 : vector<16xi1>, vector<16xi32>
      %broadcast_in_dim3A_1856 = vector.shape_cast %select_n3A_1855 : vector<16xi32> to vector<16x1xi32>
      %gather3A_1857 = vector.shape_cast %broadcast_in_dim3A_1856 : vector<16x1xi32> to vector<16xi32>
      %gather3A_1858 = tpu.dynamic_gather %add3A_1845[%gather3A_1857] in [0] : vector<16xf32>, vector<16xi32> -> vector<16xf32>
      %add3A_1859 = arith.addf %add3A_1845, %gather3A_1858 : vector<16xf32>
      %xor3A_1860 = arith.constant 8 : i32
      %xor3A_1861 = vector.broadcast %xor3A_1860 : i32 to vector<16xi32>
      %xor3A_1862 = arith.xori %iota3A, %xor3A_1861 : vector<16xi32>
      %lt3A_1863 = arith.constant 0 : i32
      %lt3A_1864 = vector.broadcast %lt3A_1863 : i32 to vector<16xi32>
      %lt3A_1865 = arith.cmpi slt, %xor3A_1862, %lt3A_1864 : vector<16xi32>
      %add3A_1866 = arith.constant 16 : i32
      %add3A_1867 = vector.broadcast %add3A_1866 : i32 to vector<16xi32>
      %add3A_1868 = arith.addi %xor3A_1862, %add3A_1867 : vector<16xi32>
      %select_n3A_1869 = arith.select %lt3A_1865, %add3A_1868, %xor3A_1862 : vector<16xi1>, vector<16xi32>
      %broadcast_in_dim3A_1870 = vector.shape_cast %select_n3A_1869 : vector<16xi32> to vector<16x1xi32>
      %gather3A_1871 = vector.shape_cast %broadcast_in_dim3A_1870 : vector<16x1xi32> to vector<16xi32>
      %gather3A_1872 = tpu.dynamic_gather %add3A_1859[%gather3A_1871] in [0] : vector<16xf32>, vector<16xi32> -> vector<16xf32>
      %add3A_1873 = arith.addf %add3A_1859, %gather3A_1872 : vector<16xf32>
      %mul3A_1874 = arith.constant 1.562500e-02 : f32
      %mul3A_1875 = vector.broadcast %mul3A_1874 : f32 to vector<16xf32>
      %mul3A_1876 = arith.mulf %add3A_1873, %mul3A_1875 : vector<16xf32>
      %xor3A_1877 = arith.constant 1 : i32
      %xor3A_1878 = vector.broadcast %xor3A_1877 : i32 to vector<16xi32>
      %xor3A_1879 = arith.xori %iota3A, %xor3A_1878 : vector<16xi32>
      %lt3A_1880 = arith.constant 0 : i32
      %lt3A_1881 = vector.broadcast %lt3A_1880 : i32 to vector<16xi32>
      %lt3A_1882 = arith.cmpi slt, %xor3A_1879, %lt3A_1881 : vector<16xi32>
      %add3A_1883 = arith.constant 16 : i32
      %add3A_1884 = vector.broadcast %add3A_1883 : i32 to vector<16xi32>
      %add3A_1885 = arith.addi %xor3A_1879, %add3A_1884 : vector<16xi32>
      %select_n3A_1886 = arith.select %lt3A_1882, %add3A_1885, %xor3A_1879 : vector<16xi1>, vector<16xi32>
      %broadcast_in_dim3A_1887 = vector.shape_cast %select_n3A_1886 : vector<16xi32> to vector<16x1xi32>
      %gather3A_1888 = vector.shape_cast %broadcast_in_dim3A_1887 : vector<16x1xi32> to vector<16xi32>
      %gather3A_1889 = tpu.dynamic_gather %add3A_1817[%gather3A_1888] in [0] : vector<16xf32>, vector<16xi32> -> vector<16xf32>
      %add3A_1890 = arith.addf %add3A_1817, %gather3A_1889 : vector<16xf32>
      %xor3A_1891 = arith.constant 2 : i32
      %xor3A_1892 = vector.broadcast %xor3A_1891 : i32 to vector<16xi32>
      %xor3A_1893 = arith.xori %iota3A, %xor3A_1892 : vector<16xi32>
      %lt3A_1894 = arith.constant 0 : i32
      %lt3A_1895 = vector.broadcast %lt3A_1894 : i32 to vector<16xi32>
      %lt3A_1896 = arith.cmpi slt, %xor3A_1893, %lt3A_1895 : vector<16xi32>
      %add3A_1897 = arith.constant 16 : i32
      %add3A_1898 = vector.broadcast %add3A_1897 : i32 to vector<16xi32>
      %add3A_1899 = arith.addi %xor3A_1893, %add3A_1898 : vector<16xi32>
      %select_n3A_1900 = arith.select %lt3A_1896, %add3A_1899, %xor3A_1893 : vector<16xi1>, vector<16xi32>
      %broadcast_in_dim3A_1901 = vector.shape_cast %select_n3A_1900 : vector<16xi32> to vector<16x1xi32>
      %gather3A_1902 = vector.shape_cast %broadcast_in_dim3A_1901 : vector<16x1xi32> to vector<16xi32>
      %gather3A_1903 = tpu.dynamic_gather %add3A_1890[%gather3A_1902] in [0] : vector<16xf32>, vector<16xi32> -> vector<16xf32>
      %add3A_1904 = arith.addf %add3A_1890, %gather3A_1903 : vector<16xf32>
      %xor3A_1905 = arith.constant 4 : i32
      %xor3A_1906 = vector.broadcast %xor3A_1905 : i32 to vector<16xi32>
      %xor3A_1907 = arith.xori %iota3A, %xor3A_1906 : vector<16xi32>
      %lt3A_1908 = arith.constant 0 : i32
      %lt3A_1909 = vector.broadcast %lt3A_1908 : i32 to vector<16xi32>
      %lt3A_1910 = arith.cmpi slt, %xor3A_1907, %lt3A_1909 : vector<16xi32>
      %add3A_1911 = arith.constant 16 : i32
      %add3A_1912 = vector.broadcast %add3A_1911 : i32 to vector<16xi32>
      %add3A_1913 = arith.addi %xor3A_1907, %add3A_1912 : vector<16xi32>
      %select_n3A_1914 = arith.select %lt3A_1910, %add3A_1913, %xor3A_1907 : vector<16xi1>, vector<16xi32>
      %broadcast_in_dim3A_1915 = vector.shape_cast %select_n3A_1914 : vector<16xi32> to vector<16x1xi32>
      %gather3A_1916 = vector.shape_cast %broadcast_in_dim3A_1915 : vector<16x1xi32> to vector<16xi32>
      %gather3A_1917 = tpu.dynamic_gather %add3A_1904[%gather3A_1916] in [0] : vector<16xf32>, vector<16xi32> -> vector<16xf32>
      %add3A_1918 = arith.addf %add3A_1904, %gather3A_1917 : vector<16xf32>
      %xor3A_1919 = arith.constant 8 : i32
      %xor3A_1920 = vector.broadcast %xor3A_1919 : i32 to vector<16xi32>
      %xor3A_1921 = arith.xori %iota3A, %xor3A_1920 : vector<16xi32>
      %lt3A_1922 = arith.constant 0 : i32
      %lt3A_1923 = vector.broadcast %lt3A_1922 : i32 to vector<16xi32>
      %lt3A_1924 = arith.cmpi slt, %xor3A_1921, %lt3A_1923 : vector<16xi32>
      %add3A_1925 = arith.constant 16 : i32
      %add3A_1926 = vector.broadcast %add3A_1925 : i32 to vector<16xi32>
      %add3A_1927 = arith.addi %xor3A_1921, %add3A_1926 : vector<16xi32>
      %select_n3A_1928 = arith.select %lt3A_1924, %add3A_1927, %xor3A_1921 : vector<16xi1>, vector<16xi32>
      %broadcast_in_dim3A_1929 = vector.shape_cast %select_n3A_1928 : vector<16xi32> to vector<16x1xi32>
      %gather3A_1930 = vector.shape_cast %broadcast_in_dim3A_1929 : vector<16x1xi32> to vector<16xi32>
      %gather3A_1931 = tpu.dynamic_gather %add3A_1918[%gather3A_1930] in [0] : vector<16xf32>, vector<16xi32> -> vector<16xf32>
      %add3A_1932 = arith.addf %add3A_1918, %gather3A_1931 : vector<16xf32>
      %mul3A_1933 = arith.constant 1.562500e-02 : f32
      %mul3A_1934 = vector.broadcast %mul3A_1933 : f32 to vector<16xf32>
      %mul3A_1935 = arith.mulf %add3A_1932, %mul3A_1934 : vector<16xf32>
      %mul3A_1936 = arith.mulf %mul3A_1876, %mul3A_1876 : vector<16xf32>
      %sub3A_1937 = arith.subf %mul3A_1935, %mul3A_1936 : vector<16xf32>
      %add3A_1938 = arith.constant 9.99999974E-6 : f32
      %add3A_1939 = vector.broadcast %add3A_1938 : f32 to vector<16xf32>
      %add3A_1940 = arith.addf %sub3A_1937, %add3A_1939 : vector<16xf32>
      %bitcast_convert_type3A_1941 = tpu.bitcast %add3A_1940 : vector<16xf32> -> vector<16xi32>
      %shift_right_arithmetic3A_1942 = arith.constant 1 : i32
      %shift_right_arithmetic3A_1943 = vector.broadcast %shift_right_arithmetic3A_1942 : i32 to vector<16xi32>
      %shift_right_arithmetic3A_1944 = arith.shrsi %bitcast_convert_type3A_1941, %shift_right_arithmetic3A_1943 : vector<16xi32>
      %sub3A_1945 = arith.constant 1597463007 : i32
      %sub3A_1946 = vector.broadcast %sub3A_1945 : i32 to vector<16xi32>
      %sub3A_1947 = arith.subi %sub3A_1946, %shift_right_arithmetic3A_1944 : vector<16xi32>
      %bitcast_convert_type3A_1948 = tpu.bitcast %sub3A_1947 : vector<16xi32> -> vector<16xf32>
      %mul3A_1949 = arith.constant 5.000000e-01 : f32
      %mul3A_1950 = vector.broadcast %mul3A_1949 : f32 to vector<16xf32>
      %mul3A_1951 = arith.mulf %mul3A_1950, %add3A_1940 : vector<16xf32>
      %mul3A_1952 = arith.mulf %mul3A_1951, %bitcast_convert_type3A_1948 : vector<16xf32>
      %mul3A_1953 = arith.mulf %mul3A_1952, %bitcast_convert_type3A_1948 : vector<16xf32>
      %sub3A_1954 = arith.constant 1.500000e+00 : f32
      %sub3A_1955 = vector.broadcast %sub3A_1954 : f32 to vector<16xf32>
      %sub3A_1956 = arith.subf %sub3A_1955, %mul3A_1953 : vector<16xf32>
      %mul3A_1957 = arith.mulf %bitcast_convert_type3A_1948, %sub3A_1956 : vector<16xf32>
      %mul3A_1958 = arith.constant 5.000000e-01 : f32
      %mul3A_1959 = vector.broadcast %mul3A_1958 : f32 to vector<16xf32>
      %mul3A_1960 = arith.mulf %mul3A_1959, %add3A_1940 : vector<16xf32>
      %mul3A_1961 = arith.mulf %mul3A_1960, %mul3A_1957 : vector<16xf32>
      %mul3A_1962 = arith.mulf %mul3A_1961, %mul3A_1957 : vector<16xf32>
      %sub3A_1963 = arith.constant 1.500000e+00 : f32
      %sub3A_1964 = vector.broadcast %sub3A_1963 : f32 to vector<16xf32>
      %sub3A_1965 = arith.subf %sub3A_1964, %mul3A_1962 : vector<16xf32>
      %mul3A_1966 = arith.mulf %mul3A_1957, %sub3A_1965 : vector<16xf32>
      %mul3A_1967 = arith.constant 5.000000e-01 : f32
      %mul3A_1968 = vector.broadcast %mul3A_1967 : f32 to vector<16xf32>
      %mul3A_1969 = arith.mulf %mul3A_1968, %add3A_1940 : vector<16xf32>
      %mul3A_1970 = arith.mulf %mul3A_1969, %mul3A_1966 : vector<16xf32>
      %mul3A_1971 = arith.mulf %mul3A_1970, %mul3A_1966 : vector<16xf32>
      %sub3A_1972 = arith.constant 1.500000e+00 : f32
      %sub3A_1973 = vector.broadcast %sub3A_1972 : f32 to vector<16xf32>
      %sub3A_1974 = arith.subf %sub3A_1973, %mul3A_1971 : vector<16xf32>
      %mul3A_1975 = arith.mulf %mul3A_1966, %sub3A_1974 : vector<16xf32>
      %mul3A_1976 = arith.constant 8 : i32
      %mul3A_1977 = arith.muli %add3A_172, %mul3A_1976 : i32
      %add3A_1978 = arith.constant 7 : i32
      %add3A_1979 = arith.addi %mul3A_1977, %add3A_1978 : i32
      %mul3A_1980 = arith.mulf %mul3A_1975, %get3A_74 : vector<16xf32>
      %sub3A_1981 = arith.subf %add3A_1795, %mul3A_1876 : vector<16xf32>
      %mul3A_1982 = arith.mulf %sub3A_1981, %mul3A_1980 : vector<16xf32>
      %add3A_1983 = arith.addf %mul3A_1982, %get3A_94 : vector<16xf32>
      %swap3A_1984 = arith.index_cast %add3A_1979 : i32 to index
      %swap3A_1985 = arith.constant 0 : index
      %swap3A_1986 = tpu.vector_load %arg9[%swap3A_1984, %swap3A_1985] {strides = array<i32>} : memref<512x64xf32, #tpu.memory_space<vmem>>, vector<1x16xf32>,
      %swap3A_1987 = vector.shape_cast %swap3A_1986 : vector<1x16xf32> to vector<16xf32>
      %swap3A_1988 = vector.shape_cast %add3A_1983 : vector<16xf32> to vector<1x16xf32>
      tpu.vector_store %arg9[%swap3A_1984, %swap3A_1985], %swap3A_1988 {strides = array<i32>} : memref<512x64xf32, #tpu.memory_space<vmem>>, vector<1x16xf32>,
      %mul3A_1989 = arith.mulf %mul3A_1975, %get3A_79 : vector<16xf32>
      %sub3A_1990 = arith.subf %add3A_1799, %mul3A_1876 : vector<16xf32>
      %mul3A_1991 = arith.mulf %sub3A_1990, %mul3A_1989 : vector<16xf32>
      %add3A_1992 = arith.addf %mul3A_1991, %get3A_99 : vector<16xf32>
      %swap3A_1993 = arith.index_cast %add3A_1979 : i32 to index
      %swap3A_1994 = arith.constant 16 : index
      %swap3A_1995 = tpu.vector_load %arg9[%swap3A_1993, %swap3A_1994] {strides = array<i32>} : memref<512x64xf32, #tpu.memory_space<vmem>>, vector<1x16xf32>,
      %swap3A_1996 = vector.shape_cast %swap3A_1995 : vector<1x16xf32> to vector<16xf32>
      %swap3A_1997 = vector.shape_cast %add3A_1992 : vector<16xf32> to vector<1x16xf32>
      tpu.vector_store %arg9[%swap3A_1993, %swap3A_1994], %swap3A_1997 {strides = array<i32>} : memref<512x64xf32, #tpu.memory_space<vmem>>, vector<1x16xf32>,
      %mul3A_1998 = arith.mulf %mul3A_1975, %get3A_84 : vector<16xf32>
      %sub3A_1999 = arith.subf %add3A_1803, %mul3A_1876 : vector<16xf32>
      %mul3A_2000 = arith.mulf %sub3A_1999, %mul3A_1998 : vector<16xf32>
      %add3A_2001 = arith.addf %mul3A_2000, %get3A_104 : vector<16xf32>
      %swap3A_2002 = arith.index_cast %add3A_1979 : i32 to index
      %swap3A_2003 = arith.constant 32 : index
      %swap3A_2004 = tpu.vector_load %arg9[%swap3A_2002, %swap3A_2003] {strides = array<i32>} : memref<512x64xf32, #tpu.memory_space<vmem>>, vector<1x16xf32>,
      %swap3A_2005 = vector.shape_cast %swap3A_2004 : vector<1x16xf32> to vector<16xf32>
      %swap3A_2006 = vector.shape_cast %add3A_2001 : vector<16xf32> to vector<1x16xf32>
      tpu.vector_store %arg9[%swap3A_2002, %swap3A_2003], %swap3A_2006 {strides = array<i32>} : memref<512x64xf32, #tpu.memory_space<vmem>>, vector<1x16xf32>,
      %mul3A_2007 = arith.mulf %mul3A_1975, %get3A_89 : vector<16xf32>
      %sub3A_2008 = arith.subf %add3A_1807, %mul3A_1876 : vector<16xf32>
      %mul3A_2009 = arith.mulf %sub3A_2008, %mul3A_2007 : vector<16xf32>
      %add3A_2010 = arith.addf %mul3A_2009, %get3A_109 : vector<16xf32>
      %swap3A_2011 = arith.index_cast %add3A_1979 : i32 to index
      %swap3A_2012 = arith.constant 48 : index
      %swap3A_2013 = tpu.vector_load %arg9[%swap3A_2011, %swap3A_2012] {strides = array<i32>} : memref<512x64xf32, #tpu.memory_space<vmem>>, vector<1x16xf32>,
      %swap3A_2014 = vector.shape_cast %swap3A_2013 : vector<1x16xf32> to vector<16xf32>
      %swap3A_2015 = vector.shape_cast %add3A_2010 : vector<16xf32> to vector<1x16xf32>
      tpu.vector_store %arg9[%swap3A_2011, %swap3A_2012], %swap3A_2015 {strides = array<i32>} : memref<512x64xf32, #tpu.memory_space<vmem>>, vector<1x16xf32>,
      %mul3A_2016 = arith.constant 2 : i32
      %mul3A_2017 = arith.muli %scan3A_168, %mul3A_2016 : i32
      %add3A_2018 = arith.constant 1 : i32
      %add3A_2019 = arith.addi %mul3A_2017, %add3A_2018 : i32
      %add3A_2020 = arith.constant 1 : i32
      %add3A_2021 = arith.addi %add3A_2019, %add3A_2020 : i32
      %lt3A_2022 = arith.constant 64 : i32
      %lt3A_2023 = arith.cmpi slt, %add3A_2021, %lt3A_2022 : i32
      %convert_element_type3A_2024 = arith.extui %lt3A_2023 : i1 to i32
      %cond3A_2025 = arith.constant 0 : i32
      %cond3A_2026 = arith.cmpi ne, %convert_element_type3A_2024, %cond3A_2025 : i32
      scf.if %cond3A_2026 {
        %add3A_3876 = arith.constant 1 : i32
        %add3A_3877 = arith.addi %add3A_2019, %add3A_3876 : i32
        %dma_start3A_3878 = arith.constant 0 : i32
        %dma_start3A_3879 = arith.constant 0 : i32
        %dma_start3A_3880 = arith.constant 0 : i32
        %dma_start3A_3881 = arith.constant 0 : i32
        %dma_start3A_3882 = tpu.memref_slice %arg7[%dma_start3A_3879, %dma_start3A_3880, %dma_start3A_3881] : memref<2x480x64xf32, #tpu.memory_space<vmem>> -> memref<1x120x64xf32, #tpu.memory_space<vmem>>
        %dma_start3A_3883 = tpu.memref_squeeze %dma_start3A_3882 : memref<1x120x64xf32, #tpu.memory_space<vmem>> -> memref<120x64xf32, #tpu.memory_space<vmem>>
        %dma_start3A_3884 = arith.constant 0 : i32
        %dma_start3A_3885 = tpu.memref_slice %arg6[%add3A_3877, %dma_start3A_3878, %dma_start3A_3884] : memref<64x4x120xi32, #tpu.memory_space<vmem>> -> memref<1x1x120xi32, #tpu.memory_space<vmem>>
        %dma_start3A_3886 = tpu.memref_squeeze %dma_start3A_3885 : memref<1x1x120xi32, #tpu.memory_space<vmem>> -> memref<120xi32, #tpu.memory_space<vmem>>
        %dma_start3A_3887 = arith.constant 0 : i32
        %dma_start3A_3888 = arith.constant 0 : i32
        %dma_start3A_3889 = tpu.memref_slice %arg3[%dma_start3A_3887, %dma_start3A_3888] : memref<100000x64xf32, #tpu.memory_space<hbm>> -> memref<100000x64xf32, #tpu.memory_space<hbm>>
        tpu.enqueue_indirect_dma source(%dma_start3A_3889 : memref<100000x64xf32, #tpu.memory_space<hbm>>) target(%dma_start3A_3883 : memref<120x64xf32, #tpu.memory_space<vmem>>) offsets(%dma_start3A_3886 : memref<120xi32, #tpu.memory_space<vmem>>) semaphore(%arg10 : memref<!tpu.dma_semaphore, #tpu.memory_space<semaphore_mem>>)
        %dma_start3A_3890 = arith.constant 1 : i32
        %dma_start3A_3891 = arith.constant 0 : i32
        %dma_start3A_3892 = arith.constant 120 : i32
        %dma_start3A_3893 = arith.constant 0 : i32
        %dma_start3A_3894 = tpu.memref_slice %arg7[%dma_start3A_3891, %dma_start3A_3892, %dma_start3A_3893] : memref<2x480x64xf32, #tpu.memory_space<vmem>> -> memref<1x120x64xf32, #tpu.memory_space<vmem>>
        %dma_start3A_3895 = tpu.memref_squeeze %dma_start3A_3894 : memref<1x120x64xf32, #tpu.memory_space<vmem>> -> memref<120x64xf32, #tpu.memory_space<vmem>>
        %dma_start3A_3896 = arith.constant 0 : i32
        %dma_start3A_3897 = tpu.memref_slice %arg6[%add3A_3877, %dma_start3A_3890, %dma_start3A_3896] : memref<64x4x120xi32, #tpu.memory_space<vmem>> -> memref<1x1x120xi32, #tpu.memory_space<vmem>>
        %dma_start3A_3898 = tpu.memref_squeeze %dma_start3A_3897 : memref<1x1x120xi32, #tpu.memory_space<vmem>> -> memref<120xi32, #tpu.memory_space<vmem>>
        %dma_start3A_3899 = arith.constant 0 : i32
        %dma_start3A_3900 = arith.constant 0 : i32
        %dma_start3A_3901 = tpu.memref_slice %arg3[%dma_start3A_3899, %dma_start3A_3900] : memref<100000x64xf32, #tpu.memory_space<hbm>> -> memref<100000x64xf32, #tpu.memory_space<hbm>>
        tpu.enqueue_indirect_dma source(%dma_start3A_3901 : memref<100000x64xf32, #tpu.memory_space<hbm>>) target(%dma_start3A_3895 : memref<120x64xf32, #tpu.memory_space<vmem>>) offsets(%dma_start3A_3898 : memref<120xi32, #tpu.memory_space<vmem>>) semaphore(%arg10 : memref<!tpu.dma_semaphore, #tpu.memory_space<semaphore_mem>>)
        %dma_start3A_3902 = arith.constant 2 : i32
        %dma_start3A_3903 = arith.constant 0 : i32
        %dma_start3A_3904 = arith.constant 240 : i32
        %dma_start3A_3905 = arith.constant 0 : i32
        %dma_start3A_3906 = tpu.memref_slice %arg7[%dma_start3A_3903, %dma_start3A_3904, %dma_start3A_3905] : memref<2x480x64xf32, #tpu.memory_space<vmem>> -> memref<1x120x64xf32, #tpu.memory_space<vmem>>
        %dma_start3A_3907 = tpu.memref_squeeze %dma_start3A_3906 : memref<1x120x64xf32, #tpu.memory_space<vmem>> -> memref<120x64xf32, #tpu.memory_space<vmem>>
        %dma_start3A_3908 = arith.constant 0 : i32
        %dma_start3A_3909 = tpu.memref_slice %arg6[%add3A_3877, %dma_start3A_3902, %dma_start3A_3908] : memref<64x4x120xi32, #tpu.memory_space<vmem>> -> memref<1x1x120xi32, #tpu.memory_space<vmem>>
        %dma_start3A_3910 = tpu.memref_squeeze %dma_start3A_3909 : memref<1x1x120xi32, #tpu.memory_space<vmem>> -> memref<120xi32, #tpu.memory_space<vmem>>
        %dma_start3A_3911 = arith.constant 0 : i32
        %dma_start3A_3912 = arith.constant 0 : i32
        %dma_start3A_3913 = tpu.memref_slice %arg3[%dma_start3A_3911, %dma_start3A_3912] : memref<100000x64xf32, #tpu.memory_space<hbm>> -> memref<100000x64xf32, #tpu.memory_space<hbm>>
        tpu.enqueue_indirect_dma source(%dma_start3A_3913 : memref<100000x64xf32, #tpu.memory_space<hbm>>) target(%dma_start3A_3907 : memref<120x64xf32, #tpu.memory_space<vmem>>) offsets(%dma_start3A_3910 : memref<120xi32, #tpu.memory_space<vmem>>) semaphore(%arg10 : memref<!tpu.dma_semaphore, #tpu.memory_space<semaphore_mem>>)
        %dma_start3A_3914 = arith.constant 3 : i32
        %dma_start3A_3915 = arith.constant 0 : i32
        %dma_start3A_3916 = arith.constant 360 : i32
        %dma_start3A_3917 = arith.constant 0 : i32
        %dma_start3A_3918 = tpu.memref_slice %arg7[%dma_start3A_3915, %dma_start3A_3916, %dma_start3A_3917] : memref<2x480x64xf32, #tpu.memory_space<vmem>> -> memref<1x120x64xf32, #tpu.memory_space<vmem>>
        %dma_start3A_3919 = tpu.memref_squeeze %dma_start3A_3918 : memref<1x120x64xf32, #tpu.memory_space<vmem>> -> memref<120x64xf32, #tpu.memory_space<vmem>>
        %dma_start3A_3920 = arith.constant 0 : i32
        %dma_start3A_3921 = tpu.memref_slice %arg6[%add3A_3877, %dma_start3A_3914, %dma_start3A_3920] : memref<64x4x120xi32, #tpu.memory_space<vmem>> -> memref<1x1x120xi32, #tpu.memory_space<vmem>>
        %dma_start3A_3922 = tpu.memref_squeeze %dma_start3A_3921 : memref<1x1x120xi32, #tpu.memory_space<vmem>> -> memref<120xi32, #tpu.memory_space<vmem>>
        %dma_start3A_3923 = arith.constant 0 : i32
        %dma_start3A_3924 = arith.constant 0 : i32
        %dma_start3A_3925 = tpu.memref_slice %arg3[%dma_start3A_3923, %dma_start3A_3924] : memref<100000x64xf32, #tpu.memory_space<hbm>> -> memref<100000x64xf32, #tpu.memory_space<hbm>>
        tpu.enqueue_indirect_dma source(%dma_start3A_3925 : memref<100000x64xf32, #tpu.memory_space<hbm>>) target(%dma_start3A_3919 : memref<120x64xf32, #tpu.memory_space<vmem>>) offsets(%dma_start3A_3922 : memref<120xi32, #tpu.memory_space<vmem>>) semaphore(%arg10 : memref<!tpu.dma_semaphore, #tpu.memory_space<semaphore_mem>>)
      } else {
      }
      %dma_wait3A_2027 = arith.constant 0 : i32
      %dma_wait3A_2028 = arith.constant 1 : i32
      %dma_wait3A_2029 = arith.constant 0 : i32
      %dma_wait3A_2030 = arith.constant 0 : i32
      %dma_wait3A_2031 = tpu.memref_slice %arg7[%dma_wait3A_2028, %dma_wait3A_2029, %dma_wait3A_2030] : memref<2x480x64xf32, #tpu.memory_space<vmem>> -> memref<1x120x64xf32, #tpu.memory_space<vmem>>
      %dma_wait3A_2032 = tpu.memref_squeeze %dma_wait3A_2031 : memref<1x120x64xf32, #tpu.memory_space<vmem>> -> memref<120x64xf32, #tpu.memory_space<vmem>>
      %dma_wait3A_2033 = arith.constant 0 : i32
      %dma_wait3A_2034 = tpu.memref_slice %arg6[%add3A_2019, %dma_wait3A_2027, %dma_wait3A_2033] : memref<64x4x120xi32, #tpu.memory_space<vmem>> -> memref<1x1x120xi32, #tpu.memory_space<vmem>>
      %dma_wait3A_2035 = tpu.memref_squeeze %dma_wait3A_2034 : memref<1x1x120xi32, #tpu.memory_space<vmem>> -> memref<120xi32, #tpu.memory_space<vmem>>
      %dma_wait3A_2036 = arith.constant 0 : i32
      %dma_wait3A_2037 = arith.constant 0 : i32
      %dma_wait3A_2038 = tpu.memref_slice %arg3[%dma_wait3A_2036, %dma_wait3A_2037] : memref<100000x64xf32, #tpu.memory_space<hbm>> -> memref<100000x64xf32, #tpu.memory_space<hbm>>
      tpu.wait_indirect_dma semaphore(%arg11 : memref<!tpu.dma_semaphore, #tpu.memory_space<semaphore_mem>>) src(%dma_wait3A_2038 : memref<100000x64xf32, #tpu.memory_space<hbm>>) dst(%dma_wait3A_2032 : memref<120x64xf32, #tpu.memory_space<vmem>>)
      %dma_wait3A_2039 = arith.constant 1 : i32
      %dma_wait3A_2040 = arith.constant 1 : i32
      %dma_wait3A_2041 = arith.constant 120 : i32
      %dma_wait3A_2042 = arith.constant 0 : i32
      %dma_wait3A_2043 = tpu.memref_slice %arg7[%dma_wait3A_2040, %dma_wait3A_2041, %dma_wait3A_2042] : memref<2x480x64xf32, #tpu.memory_space<vmem>> -> memref<1x120x64xf32, #tpu.memory_space<vmem>>
      %dma_wait3A_2044 = tpu.memref_squeeze %dma_wait3A_2043 : memref<1x120x64xf32, #tpu.memory_space<vmem>> -> memref<120x64xf32, #tpu.memory_space<vmem>>
      %dma_wait3A_2045 = arith.constant 0 : i32
      %dma_wait3A_2046 = tpu.memref_slice %arg6[%add3A_2019, %dma_wait3A_2039, %dma_wait3A_2045] : memref<64x4x120xi32, #tpu.memory_space<vmem>> -> memref<1x1x120xi32, #tpu.memory_space<vmem>>
      %dma_wait3A_2047 = tpu.memref_squeeze %dma_wait3A_2046 : memref<1x1x120xi32, #tpu.memory_space<vmem>> -> memref<120xi32, #tpu.memory_space<vmem>>
      %dma_wait3A_2048 = arith.constant 0 : i32
      %dma_wait3A_2049 = arith.constant 0 : i32
      %dma_wait3A_2050 = tpu.memref_slice %arg3[%dma_wait3A_2048, %dma_wait3A_2049] : memref<100000x64xf32, #tpu.memory_space<hbm>> -> memref<100000x64xf32, #tpu.memory_space<hbm>>
      tpu.wait_indirect_dma semaphore(%arg11 : memref<!tpu.dma_semaphore, #tpu.memory_space<semaphore_mem>>) src(%dma_wait3A_2050 : memref<100000x64xf32, #tpu.memory_space<hbm>>) dst(%dma_wait3A_2044 : memref<120x64xf32, #tpu.memory_space<vmem>>)
      %dma_wait3A_2051 = arith.constant 2 : i32
      %dma_wait3A_2052 = arith.constant 1 : i32
      %dma_wait3A_2053 = arith.constant 240 : i32
      %dma_wait3A_2054 = arith.constant 0 : i32
      %dma_wait3A_2055 = tpu.memref_slice %arg7[%dma_wait3A_2052, %dma_wait3A_2053, %dma_wait3A_2054] : memref<2x480x64xf32, #tpu.memory_space<vmem>> -> memref<1x120x64xf32, #tpu.memory_space<vmem>>
      %dma_wait3A_2056 = tpu.memref_squeeze %dma_wait3A_2055 : memref<1x120x64xf32, #tpu.memory_space<vmem>> -> memref<120x64xf32, #tpu.memory_space<vmem>>
      %dma_wait3A_2057 = arith.constant 0 : i32
      %dma_wait3A_2058 = tpu.memref_slice %arg6[%add3A_2019, %dma_wait3A_2051, %dma_wait3A_2057] : memref<64x4x120xi32, #tpu.memory_space<vmem>> -> memref<1x1x120xi32, #tpu.memory_space<vmem>>
      %dma_wait3A_2059 = tpu.memref_squeeze %dma_wait3A_2058 : memref<1x1x120xi32, #tpu.memory_space<vmem>> -> memref<120xi32, #tpu.memory_space<vmem>>
      %dma_wait3A_2060 = arith.constant 0 : i32
      %dma_wait3A_2061 = arith.constant 0 : i32
      %dma_wait3A_2062 = tpu.memref_slice %arg3[%dma_wait3A_2060, %dma_wait3A_2061] : memref<100000x64xf32, #tpu.memory_space<hbm>> -> memref<100000x64xf32, #tpu.memory_space<hbm>>
      tpu.wait_indirect_dma semaphore(%arg11 : memref<!tpu.dma_semaphore, #tpu.memory_space<semaphore_mem>>) src(%dma_wait3A_2062 : memref<100000x64xf32, #tpu.memory_space<hbm>>) dst(%dma_wait3A_2056 : memref<120x64xf32, #tpu.memory_space<vmem>>)
      %dma_wait3A_2063 = arith.constant 3 : i32
      %dma_wait3A_2064 = arith.constant 1 : i32
      %dma_wait3A_2065 = arith.constant 360 : i32
      %dma_wait3A_2066 = arith.constant 0 : i32
      %dma_wait3A_2067 = tpu.memref_slice %arg7[%dma_wait3A_2064, %dma_wait3A_2065, %dma_wait3A_2066] : memref<2x480x64xf32, #tpu.memory_space<vmem>> -> memref<1x120x64xf32, #tpu.memory_space<vmem>>
      %dma_wait3A_2068 = tpu.memref_squeeze %dma_wait3A_2067 : memref<1x120x64xf32, #tpu.memory_space<vmem>> -> memref<120x64xf32, #tpu.memory_space<vmem>>
      %dma_wait3A_2069 = arith.constant 0 : i32
      %dma_wait3A_2070 = tpu.memref_slice %arg6[%add3A_2019, %dma_wait3A_2063, %dma_wait3A_2069] : memref<64x4x120xi32, #tpu.memory_space<vmem>> -> memref<1x1x120xi32, #tpu.memory_space<vmem>>
      %dma_wait3A_2071 = tpu.memref_squeeze %dma_wait3A_2070 : memref<1x1x120xi32, #tpu.memory_space<vmem>> -> memref<120xi32, #tpu.memory_space<vmem>>
      %dma_wait3A_2072 = arith.constant 0 : i32
      %dma_wait3A_2073 = arith.constant 0 : i32
      %dma_wait3A_2074 = tpu.memref_slice %arg3[%dma_wait3A_2072, %dma_wait3A_2073] : memref<100000x64xf32, #tpu.memory_space<hbm>> -> memref<100000x64xf32, #tpu.memory_space<hbm>>
      tpu.wait_indirect_dma semaphore(%arg11 : memref<!tpu.dma_semaphore, #tpu.memory_space<semaphore_mem>>) src(%dma_wait3A_2074 : memref<100000x64xf32, #tpu.memory_space<hbm>>) dst(%dma_wait3A_2068 : memref<120x64xf32, #tpu.memory_space<vmem>>)
      %broadcast_in_dim3A_2075 = arith.constant 0.000000e+00 : f32
      %broadcast_in_dim3A_2076 = vector.broadcast %broadcast_in_dim3A_2075 : f32 to vector<16xf32>
      %scan3A_2077 = arith.constant 0 : i32
      %scan3A_2078 = arith.constant 60 : i32
      %scan3A_2079 = arith.addi %scan3A_2077, %scan3A_2078 : i32
      %scan3A_2080 = arith.constant 2 : i32
      %scan3A_2081:32 = scf.for %scan3A_3876 = %scan3A_2077 to %scan3A_2079 step %scan3A_2080 iter_args(%scan3A_3877 = %broadcast_in_dim3A_2076, %scan3A_3878 = %broadcast_in_dim3A_2076, %scan3A_3879 = %broadcast_in_dim3A_2076, %scan3A_3880 = %broadcast_in_dim3A_2076, %scan3A_3881 = %broadcast_in_dim3A_2076, %scan3A_3882 = %broadcast_in_dim3A_2076, %scan3A_3883 = %broadcast_in_dim3A_2076, %scan3A_3884 = %broadcast_in_dim3A_2076, %scan3A_3885 = %broadcast_in_dim3A_2076, %scan3A_3886 = %broadcast_in_dim3A_2076, %scan3A_3887 = %broadcast_in_dim3A_2076, %scan3A_3888 = %broadcast_in_dim3A_2076, %scan3A_3889 = %broadcast_in_dim3A_2076, %scan3A_3890 = %broadcast_in_dim3A_2076, %scan3A_3891 = %broadcast_in_dim3A_2076, %scan3A_3892 = %broadcast_in_dim3A_2076, %scan3A_3893 = %broadcast_in_dim3A_2076, %scan3A_3894 = %broadcast_in_dim3A_2076, %scan3A_3895 = %broadcast_in_dim3A_2076, %scan3A_3896 = %broadcast_in_dim3A_2076, %scan3A_3897 = %broadcast_in_dim3A_2076, %scan3A_3898 = %broadcast_in_dim3A_2076, %scan3A_3899 = %broadcast_in_dim3A_2076, %scan3A_3900 = %broadcast_in_dim3A_2076, %scan3A_3901 = %broadcast_in_dim3A_2076, %scan3A_3902 = %broadcast_in_dim3A_2076, %scan3A_3903 = %broadcast_in_dim3A_2076, %scan3A_3904 = %broadcast_in_dim3A_2076, %scan3A_3905 = %broadcast_in_dim3A_2076, %scan3A_3906 = %broadcast_in_dim3A_2076, %scan3A_3907 = %broadcast_in_dim3A_2076, %scan3A_3908 = %broadcast_in_dim3A_2076) -> (vector<16xf32>, vector<16xf32>, vector<16xf32>, vector<16xf32>, vector<16xf32>, vector<16xf32>, vector<16xf32>, vector<16xf32>, vector<16xf32>, vector<16xf32>, vector<16xf32>, vector<16xf32>, vector<16xf32>, vector<16xf32>, vector<16xf32>, vector<16xf32>, vector<16xf32>, vector<16xf32>, vector<16xf32>, vector<16xf32>, vector<16xf32>, vector<16xf32>, vector<16xf32>, vector<16xf32>, vector<16xf32>, vector<16xf32>, vector<16xf32>, vector<16xf32>, vector<16xf32>, vector<16xf32>, vector<16xf32>, vector<16xf32>)  : i32 {
        %add3A_3909 = arith.constant 0 : i32
        %add3A_3910 = arith.addi %add3A_3909, %scan3A_3876 : i32
        %get3A_3911 = arith.constant 1 : i32
        %get3A_3912 = arith.index_cast %get3A_3911 : i32 to index
        %get3A_3913 = arith.index_cast %add3A_3910 : i32 to index
        %get3A_3914 = arith.constant 0 : index
        %get3A_3915 = tpu.vector_load %arg7[%get3A_3912, %get3A_3913, %get3A_3914] {strides = array<i32>} : memref<2x480x64xf32, #tpu.memory_space<vmem>>, vector<1x1x16xf32>,
        %get3A_3916 = vector.shape_cast %get3A_3915 : vector<1x1x16xf32> to vector<16xf32>
        %add3A_3917 = arith.addf %scan3A_3877, %get3A_3916 : vector<16xf32>
        %get3A_3918 = arith.constant 1 : i32
        %get3A_3919 = arith.index_cast %get3A_3918 : i32 to index
        %get3A_3920 = arith.index_cast %add3A_3910 : i32 to index
        %get3A_3921 = arith.constant 16 : index
        %get3A_3922 = tpu.vector_load %arg7[%get3A_3919, %get3A_3920, %get3A_3921] {strides = array<i32>} : memref<2x480x64xf32, #tpu.memory_space<vmem>>, vector<1x1x16xf32>,
        %get3A_3923 = vector.shape_cast %get3A_3922 : vector<1x1x16xf32> to vector<16xf32>
        %add3A_3924 = arith.addf %scan3A_3878, %get3A_3923 : vector<16xf32>
        %get3A_3925 = arith.constant 1 : i32
        %get3A_3926 = arith.index_cast %get3A_3925 : i32 to index
        %get3A_3927 = arith.index_cast %add3A_3910 : i32 to index
        %get3A_3928 = arith.constant 32 : index
        %get3A_3929 = tpu.vector_load %arg7[%get3A_3926, %get3A_3927, %get3A_3928] {strides = array<i32>} : memref<2x480x64xf32, #tpu.memory_space<vmem>>, vector<1x1x16xf32>,
        %get3A_3930 = vector.shape_cast %get3A_3929 : vector<1x1x16xf32> to vector<16xf32>
        %add3A_3931 = arith.addf %scan3A_3879, %get3A_3930 : vector<16xf32>
        %get3A_3932 = arith.constant 1 : i32
        %get3A_3933 = arith.index_cast %get3A_3932 : i32 to index
        %get3A_3934 = arith.index_cast %add3A_3910 : i32 to index
        %get3A_3935 = arith.constant 48 : index
        %get3A_3936 = tpu.vector_load %arg7[%get3A_3933, %get3A_3934, %get3A_3935] {strides = array<i32>} : memref<2x480x64xf32, #tpu.memory_space<vmem>>, vector<1x1x16xf32>,
        %get3A_3937 = vector.shape_cast %get3A_3936 : vector<1x1x16xf32> to vector<16xf32>
        %add3A_3938 = arith.addf %scan3A_3880, %get3A_3937 : vector<16xf32>
        %add3A_3939 = arith.constant 60 : i32
        %add3A_3940 = arith.addi %add3A_3939, %scan3A_3876 : i32
        %get3A_3941 = arith.constant 1 : i32
        %get3A_3942 = arith.index_cast %get3A_3941 : i32 to index
        %get3A_3943 = arith.index_cast %add3A_3940 : i32 to index
        %get3A_3944 = arith.constant 0 : index
        %get3A_3945 = tpu.vector_load %arg7[%get3A_3942, %get3A_3943, %get3A_3944] {strides = array<i32>} : memref<2x480x64xf32, #tpu.memory_space<vmem>>, vector<1x1x16xf32>,
        %get3A_3946 = vector.shape_cast %get3A_3945 : vector<1x1x16xf32> to vector<16xf32>
        %add3A_3947 = arith.addf %scan3A_3881, %get3A_3946 : vector<16xf32>
        %get3A_3948 = arith.constant 1 : i32
        %get3A_3949 = arith.index_cast %get3A_3948 : i32 to index
        %get3A_3950 = arith.index_cast %add3A_3940 : i32 to index
        %get3A_3951 = arith.constant 16 : index
        %get3A_3952 = tpu.vector_load %arg7[%get3A_3949, %get3A_3950, %get3A_3951] {strides = array<i32>} : memref<2x480x64xf32, #tpu.memory_space<vmem>>, vector<1x1x16xf32>,
        %get3A_3953 = vector.shape_cast %get3A_3952 : vector<1x1x16xf32> to vector<16xf32>
        %add3A_3954 = arith.addf %scan3A_3882, %get3A_3953 : vector<16xf32>
        %get3A_3955 = arith.constant 1 : i32
        %get3A_3956 = arith.index_cast %get3A_3955 : i32 to index
        %get3A_3957 = arith.index_cast %add3A_3940 : i32 to index
        %get3A_3958 = arith.constant 32 : index
        %get3A_3959 = tpu.vector_load %arg7[%get3A_3956, %get3A_3957, %get3A_3958] {strides = array<i32>} : memref<2x480x64xf32, #tpu.memory_space<vmem>>, vector<1x1x16xf32>,
        %get3A_3960 = vector.shape_cast %get3A_3959 : vector<1x1x16xf32> to vector<16xf32>
        %add3A_3961 = arith.addf %scan3A_3883, %get3A_3960 : vector<16xf32>
        %get3A_3962 = arith.constant 1 : i32
        %get3A_3963 = arith.index_cast %get3A_3962 : i32 to index
        %get3A_3964 = arith.index_cast %add3A_3940 : i32 to index
        %get3A_3965 = arith.constant 48 : index
        %get3A_3966 = tpu.vector_load %arg7[%get3A_3963, %get3A_3964, %get3A_3965] {strides = array<i32>} : memref<2x480x64xf32, #tpu.memory_space<vmem>>, vector<1x1x16xf32>,
        %get3A_3967 = vector.shape_cast %get3A_3966 : vector<1x1x16xf32> to vector<16xf32>
        %add3A_3968 = arith.addf %scan3A_3884, %get3A_3967 : vector<16xf32>
        %add3A_3969 = arith.constant 120 : i32
        %add3A_3970 = arith.addi %add3A_3969, %scan3A_3876 : i32
        %get3A_3971 = arith.constant 1 : i32
        %get3A_3972 = arith.index_cast %get3A_3971 : i32 to index
        %get3A_3973 = arith.index_cast %add3A_3970 : i32 to index
        %get3A_3974 = arith.constant 0 : index
        %get3A_3975 = tpu.vector_load %arg7[%get3A_3972, %get3A_3973, %get3A_3974] {strides = array<i32>} : memref<2x480x64xf32, #tpu.memory_space<vmem>>, vector<1x1x16xf32>,
        %get3A_3976 = vector.shape_cast %get3A_3975 : vector<1x1x16xf32> to vector<16xf32>
        %add3A_3977 = arith.addf %scan3A_3885, %get3A_3976 : vector<16xf32>
        %get3A_3978 = arith.constant 1 : i32
        %get3A_3979 = arith.index_cast %get3A_3978 : i32 to index
        %get3A_3980 = arith.index_cast %add3A_3970 : i32 to index
        %get3A_3981 = arith.constant 16 : index
        %get3A_3982 = tpu.vector_load %arg7[%get3A_3979, %get3A_3980, %get3A_3981] {strides = array<i32>} : memref<2x480x64xf32, #tpu.memory_space<vmem>>, vector<1x1x16xf32>,
        %get3A_3983 = vector.shape_cast %get3A_3982 : vector<1x1x16xf32> to vector<16xf32>
        %add3A_3984 = arith.addf %scan3A_3886, %get3A_3983 : vector<16xf32>
        %get3A_3985 = arith.constant 1 : i32
        %get3A_3986 = arith.index_cast %get3A_3985 : i32 to index
        %get3A_3987 = arith.index_cast %add3A_3970 : i32 to index
        %get3A_3988 = arith.constant 32 : index
        %get3A_3989 = tpu.vector_load %arg7[%get3A_3986, %get3A_3987, %get3A_3988] {strides = array<i32>} : memref<2x480x64xf32, #tpu.memory_space<vmem>>, vector<1x1x16xf32>,
        %get3A_3990 = vector.shape_cast %get3A_3989 : vector<1x1x16xf32> to vector<16xf32>
        %add3A_3991 = arith.addf %scan3A_3887, %get3A_3990 : vector<16xf32>
        %get3A_3992 = arith.constant 1 : i32
        %get3A_3993 = arith.index_cast %get3A_3992 : i32 to index
        %get3A_3994 = arith.index_cast %add3A_3970 : i32 to index
        %get3A_3995 = arith.constant 48 : index
        %get3A_3996 = tpu.vector_load %arg7[%get3A_3993, %get3A_3994, %get3A_3995] {strides = array<i32>} : memref<2x480x64xf32, #tpu.memory_space<vmem>>, vector<1x1x16xf32>,
        %get3A_3997 = vector.shape_cast %get3A_3996 : vector<1x1x16xf32> to vector<16xf32>
        %add3A_3998 = arith.addf %scan3A_3888, %get3A_3997 : vector<16xf32>
        %add3A_3999 = arith.constant 180 : i32
        %add3A_4000 = arith.addi %add3A_3999, %scan3A_3876 : i32
        %get3A_4001 = arith.constant 1 : i32
        %get3A_4002 = arith.index_cast %get3A_4001 : i32 to index
        %get3A_4003 = arith.index_cast %add3A_4000 : i32 to index
        %get3A_4004 = arith.constant 0 : index
        %get3A_4005 = tpu.vector_load %arg7[%get3A_4002, %get3A_4003, %get3A_4004] {strides = array<i32>} : memref<2x480x64xf32, #tpu.memory_space<vmem>>, vector<1x1x16xf32>,
        %get3A_4006 = vector.shape_cast %get3A_4005 : vector<1x1x16xf32> to vector<16xf32>
        %add3A_4007 = arith.addf %scan3A_3889, %get3A_4006 : vector<16xf32>
        %get3A_4008 = arith.constant 1 : i32
        %get3A_4009 = arith.index_cast %get3A_4008 : i32 to index
        %get3A_4010 = arith.index_cast %add3A_4000 : i32 to index
        %get3A_4011 = arith.constant 16 : index
        %get3A_4012 = tpu.vector_load %arg7[%get3A_4009, %get3A_4010, %get3A_4011] {strides = array<i32>} : memref<2x480x64xf32, #tpu.memory_space<vmem>>, vector<1x1x16xf32>,
        %get3A_4013 = vector.shape_cast %get3A_4012 : vector<1x1x16xf32> to vector<16xf32>
        %add3A_4014 = arith.addf %scan3A_3890, %get3A_4013 : vector<16xf32>
        %get3A_4015 = arith.constant 1 : i32
        %get3A_4016 = arith.index_cast %get3A_4015 : i32 to index
        %get3A_4017 = arith.index_cast %add3A_4000 : i32 to index
        %get3A_4018 = arith.constant 32 : index
        %get3A_4019 = tpu.vector_load %arg7[%get3A_4016, %get3A_4017, %get3A_4018] {strides = array<i32>} : memref<2x480x64xf32, #tpu.memory_space<vmem>>, vector<1x1x16xf32>,
        %get3A_4020 = vector.shape_cast %get3A_4019 : vector<1x1x16xf32> to vector<16xf32>
        %add3A_4021 = arith.addf %scan3A_3891, %get3A_4020 : vector<16xf32>
        %get3A_4022 = arith.constant 1 : i32
        %get3A_4023 = arith.index_cast %get3A_4022 : i32 to index
        %get3A_4024 = arith.index_cast %add3A_4000 : i32 to index
        %get3A_4025 = arith.constant 48 : index
        %get3A_4026 = tpu.vector_load %arg7[%get3A_4023, %get3A_4024, %get3A_4025] {strides = array<i32>} : memref<2x480x64xf32, #tpu.memory_space<vmem>>, vector<1x1x16xf32>,
        %get3A_4027 = vector.shape_cast %get3A_4026 : vector<1x1x16xf32> to vector<16xf32>
        %add3A_4028 = arith.addf %scan3A_3892, %get3A_4027 : vector<16xf32>
        %add3A_4029 = arith.constant 240 : i32
        %add3A_4030 = arith.addi %add3A_4029, %scan3A_3876 : i32
        %get3A_4031 = arith.constant 1 : i32
        %get3A_4032 = arith.index_cast %get3A_4031 : i32 to index
        %get3A_4033 = arith.index_cast %add3A_4030 : i32 to index
        %get3A_4034 = arith.constant 0 : index
        %get3A_4035 = tpu.vector_load %arg7[%get3A_4032, %get3A_4033, %get3A_4034] {strides = array<i32>} : memref<2x480x64xf32, #tpu.memory_space<vmem>>, vector<1x1x16xf32>,
        %get3A_4036 = vector.shape_cast %get3A_4035 : vector<1x1x16xf32> to vector<16xf32>
        %add3A_4037 = arith.addf %scan3A_3893, %get3A_4036 : vector<16xf32>
        %get3A_4038 = arith.constant 1 : i32
        %get3A_4039 = arith.index_cast %get3A_4038 : i32 to index
        %get3A_4040 = arith.index_cast %add3A_4030 : i32 to index
        %get3A_4041 = arith.constant 16 : index
        %get3A_4042 = tpu.vector_load %arg7[%get3A_4039, %get3A_4040, %get3A_4041] {strides = array<i32>} : memref<2x480x64xf32, #tpu.memory_space<vmem>>, vector<1x1x16xf32>,
        %get3A_4043 = vector.shape_cast %get3A_4042 : vector<1x1x16xf32> to vector<16xf32>
        %add3A_4044 = arith.addf %scan3A_3894, %get3A_4043 : vector<16xf32>
        %get3A_4045 = arith.constant 1 : i32
        %get3A_4046 = arith.index_cast %get3A_4045 : i32 to index
        %get3A_4047 = arith.index_cast %add3A_4030 : i32 to index
        %get3A_4048 = arith.constant 32 : index
        %get3A_4049 = tpu.vector_load %arg7[%get3A_4046, %get3A_4047, %get3A_4048] {strides = array<i32>} : memref<2x480x64xf32, #tpu.memory_space<vmem>>, vector<1x1x16xf32>,
        %get3A_4050 = vector.shape_cast %get3A_4049 : vector<1x1x16xf32> to vector<16xf32>
        %add3A_4051 = arith.addf %scan3A_3895, %get3A_4050 : vector<16xf32>
        %get3A_4052 = arith.constant 1 : i32
        %get3A_4053 = arith.index_cast %get3A_4052 : i32 to index
        %get3A_4054 = arith.index_cast %add3A_4030 : i32 to index
        %get3A_4055 = arith.constant 48 : index
        %get3A_4056 = tpu.vector_load %arg7[%get3A_4053, %get3A_4054, %get3A_4055] {strides = array<i32>} : memref<2x480x64xf32, #tpu.memory_space<vmem>>, vector<1x1x16xf32>,
        %get3A_4057 = vector.shape_cast %get3A_4056 : vector<1x1x16xf32> to vector<16xf32>
        %add3A_4058 = arith.addf %scan3A_3896, %get3A_4057 : vector<16xf32>
        %add3A_4059 = arith.constant 300 : i32
        %add3A_4060 = arith.addi %add3A_4059, %scan3A_3876 : i32
        %get3A_4061 = arith.constant 1 : i32
        %get3A_4062 = arith.index_cast %get3A_4061 : i32 to index
        %get3A_4063 = arith.index_cast %add3A_4060 : i32 to index
        %get3A_4064 = arith.constant 0 : index
        %get3A_4065 = tpu.vector_load %arg7[%get3A_4062, %get3A_4063, %get3A_4064] {strides = array<i32>} : memref<2x480x64xf32, #tpu.memory_space<vmem>>, vector<1x1x16xf32>,
        %get3A_4066 = vector.shape_cast %get3A_4065 : vector<1x1x16xf32> to vector<16xf32>
        %add3A_4067 = arith.addf %scan3A_3897, %get3A_4066 : vector<16xf32>
        %get3A_4068 = arith.constant 1 : i32
        %get3A_4069 = arith.index_cast %get3A_4068 : i32 to index
        %get3A_4070 = arith.index_cast %add3A_4060 : i32 to index
        %get3A_4071 = arith.constant 16 : index
        %get3A_4072 = tpu.vector_load %arg7[%get3A_4069, %get3A_4070, %get3A_4071] {strides = array<i32>} : memref<2x480x64xf32, #tpu.memory_space<vmem>>, vector<1x1x16xf32>,
        %get3A_4073 = vector.shape_cast %get3A_4072 : vector<1x1x16xf32> to vector<16xf32>
        %add3A_4074 = arith.addf %scan3A_3898, %get3A_4073 : vector<16xf32>
        %get3A_4075 = arith.constant 1 : i32
        %get3A_4076 = arith.index_cast %get3A_4075 : i32 to index
        %get3A_4077 = arith.index_cast %add3A_4060 : i32 to index
        %get3A_4078 = arith.constant 32 : index
        %get3A_4079 = tpu.vector_load %arg7[%get3A_4076, %get3A_4077, %get3A_4078] {strides = array<i32>} : memref<2x480x64xf32, #tpu.memory_space<vmem>>, vector<1x1x16xf32>,
        %get3A_4080 = vector.shape_cast %get3A_4079 : vector<1x1x16xf32> to vector<16xf32>
        %add3A_4081 = arith.addf %scan3A_3899, %get3A_4080 : vector<16xf32>
        %get3A_4082 = arith.constant 1 : i32
        %get3A_4083 = arith.index_cast %get3A_4082 : i32 to index
        %get3A_4084 = arith.index_cast %add3A_4060 : i32 to index
        %get3A_4085 = arith.constant 48 : index
        %get3A_4086 = tpu.vector_load %arg7[%get3A_4083, %get3A_4084, %get3A_4085] {strides = array<i32>} : memref<2x480x64xf32, #tpu.memory_space<vmem>>, vector<1x1x16xf32>,
        %get3A_4087 = vector.shape_cast %get3A_4086 : vector<1x1x16xf32> to vector<16xf32>
        %add3A_4088 = arith.addf %scan3A_3900, %get3A_4087 : vector<16xf32>
        %add3A_4089 = arith.constant 360 : i32
        %add3A_4090 = arith.addi %add3A_4089, %scan3A_3876 : i32
        %get3A_4091 = arith.constant 1 : i32
        %get3A_4092 = arith.index_cast %get3A_4091 : i32 to index
        %get3A_4093 = arith.index_cast %add3A_4090 : i32 to index
        %get3A_4094 = arith.constant 0 : index
        %get3A_4095 = tpu.vector_load %arg7[%get3A_4092, %get3A_4093, %get3A_4094] {strides = array<i32>} : memref<2x480x64xf32, #tpu.memory_space<vmem>>, vector<1x1x16xf32>,
        %get3A_4096 = vector.shape_cast %get3A_4095 : vector<1x1x16xf32> to vector<16xf32>
        %add3A_4097 = arith.addf %scan3A_3901, %get3A_4096 : vector<16xf32>
        %get3A_4098 = arith.constant 1 : i32
        %get3A_4099 = arith.index_cast %get3A_4098 : i32 to index
        %get3A_4100 = arith.index_cast %add3A_4090 : i32 to index
        %get3A_4101 = arith.constant 16 : index
        %get3A_4102 = tpu.vector_load %arg7[%get3A_4099, %get3A_4100, %get3A_4101] {strides = array<i32>} : memref<2x480x64xf32, #tpu.memory_space<vmem>>, vector<1x1x16xf32>,
        %get3A_4103 = vector.shape_cast %get3A_4102 : vector<1x1x16xf32> to vector<16xf32>
        %add3A_4104 = arith.addf %scan3A_3902, %get3A_4103 : vector<16xf32>
        %get3A_4105 = arith.constant 1 : i32
        %get3A_4106 = arith.index_cast %get3A_4105 : i32 to index
        %get3A_4107 = arith.index_cast %add3A_4090 : i32 to index
        %get3A_4108 = arith.constant 32 : index
        %get3A_4109 = tpu.vector_load %arg7[%get3A_4106, %get3A_4107, %get3A_4108] {strides = array<i32>} : memref<2x480x64xf32, #tpu.memory_space<vmem>>, vector<1x1x16xf32>,
        %get3A_4110 = vector.shape_cast %get3A_4109 : vector<1x1x16xf32> to vector<16xf32>
        %add3A_4111 = arith.addf %scan3A_3903, %get3A_4110 : vector<16xf32>
        %get3A_4112 = arith.constant 1 : i32
        %get3A_4113 = arith.index_cast %get3A_4112 : i32 to index
        %get3A_4114 = arith.index_cast %add3A_4090 : i32 to index
        %get3A_4115 = arith.constant 48 : index
        %get3A_4116 = tpu.vector_load %arg7[%get3A_4113, %get3A_4114, %get3A_4115] {strides = array<i32>} : memref<2x480x64xf32, #tpu.memory_space<vmem>>, vector<1x1x16xf32>,
        %get3A_4117 = vector.shape_cast %get3A_4116 : vector<1x1x16xf32> to vector<16xf32>
        %add3A_4118 = arith.addf %scan3A_3904, %get3A_4117 : vector<16xf32>
        %add3A_4119 = arith.constant 420 : i32
        %add3A_4120 = arith.addi %add3A_4119, %scan3A_3876 : i32
        %get3A_4121 = arith.constant 1 : i32
        %get3A_4122 = arith.index_cast %get3A_4121 : i32 to index
        %get3A_4123 = arith.index_cast %add3A_4120 : i32 to index
        %get3A_4124 = arith.constant 0 : index
        %get3A_4125 = tpu.vector_load %arg7[%get3A_4122, %get3A_4123, %get3A_4124] {strides = array<i32>} : memref<2x480x64xf32, #tpu.memory_space<vmem>>, vector<1x1x16xf32>,
        %get3A_4126 = vector.shape_cast %get3A_4125 : vector<1x1x16xf32> to vector<16xf32>
        %add3A_4127 = arith.addf %scan3A_3905, %get3A_4126 : vector<16xf32>
        %get3A_4128 = arith.constant 1 : i32
        %get3A_4129 = arith.index_cast %get3A_4128 : i32 to index
        %get3A_4130 = arith.index_cast %add3A_4120 : i32 to index
        %get3A_4131 = arith.constant 16 : index
        %get3A_4132 = tpu.vector_load %arg7[%get3A_4129, %get3A_4130, %get3A_4131] {strides = array<i32>} : memref<2x480x64xf32, #tpu.memory_space<vmem>>, vector<1x1x16xf32>,
        %get3A_4133 = vector.shape_cast %get3A_4132 : vector<1x1x16xf32> to vector<16xf32>
        %add3A_4134 = arith.addf %scan3A_3906, %get3A_4133 : vector<16xf32>
        %get3A_4135 = arith.constant 1 : i32
        %get3A_4136 = arith.index_cast %get3A_4135 : i32 to index
        %get3A_4137 = arith.index_cast %add3A_4120 : i32 to index
        %get3A_4138 = arith.constant 32 : index
        %get3A_4139 = tpu.vector_load %arg7[%get3A_4136, %get3A_4137, %get3A_4138] {strides = array<i32>} : memref<2x480x64xf32, #tpu.memory_space<vmem>>, vector<1x1x16xf32>,
        %get3A_4140 = vector.shape_cast %get3A_4139 : vector<1x1x16xf32> to vector<16xf32>
        %add3A_4141 = arith.addf %scan3A_3907, %get3A_4140 : vector<16xf32>
        %get3A_4142 = arith.constant 1 : i32
        %get3A_4143 = arith.index_cast %get3A_4142 : i32 to index
        %get3A_4144 = arith.index_cast %add3A_4120 : i32 to index
        %get3A_4145 = arith.constant 48 : index
        %get3A_4146 = tpu.vector_load %arg7[%get3A_4143, %get3A_4144, %get3A_4145] {strides = array<i32>} : memref<2x480x64xf32, #tpu.memory_space<vmem>>, vector<1x1x16xf32>,
        %get3A_4147 = vector.shape_cast %get3A_4146 : vector<1x1x16xf32> to vector<16xf32>
        %add3A_4148 = arith.addf %scan3A_3908, %get3A_4147 : vector<16xf32>
        %scan3A_4149 = arith.constant 1 : i32
        %scan3A_4150 = arith.addi %scan3A_3876, %scan3A_4149 : i32
        %add3A_4151 = arith.constant 0 : i32
        %add3A_4152 = arith.addi %add3A_4151, %scan3A_4150 : i32
        %get3A_4153 = arith.constant 1 : i32
        %get3A_4154 = arith.index_cast %get3A_4153 : i32 to index
        %get3A_4155 = arith.index_cast %add3A_4152 : i32 to index
        %get3A_4156 = arith.constant 0 : index
        %get3A_4157 = tpu.vector_load %arg7[%get3A_4154, %get3A_4155, %get3A_4156] {strides = array<i32>} : memref<2x480x64xf32, #tpu.memory_space<vmem>>, vector<1x1x16xf32>,
        %get3A_4158 = vector.shape_cast %get3A_4157 : vector<1x1x16xf32> to vector<16xf32>
        %add3A_4159 = arith.addf %add3A_3917, %get3A_4158 : vector<16xf32>
        %get3A_4160 = arith.constant 1 : i32
        %get3A_4161 = arith.index_cast %get3A_4160 : i32 to index
        %get3A_4162 = arith.index_cast %add3A_4152 : i32 to index
        %get3A_4163 = arith.constant 16 : index
        %get3A_4164 = tpu.vector_load %arg7[%get3A_4161, %get3A_4162, %get3A_4163] {strides = array<i32>} : memref<2x480x64xf32, #tpu.memory_space<vmem>>, vector<1x1x16xf32>,
        %get3A_4165 = vector.shape_cast %get3A_4164 : vector<1x1x16xf32> to vector<16xf32>
        %add3A_4166 = arith.addf %add3A_3924, %get3A_4165 : vector<16xf32>
        %get3A_4167 = arith.constant 1 : i32
        %get3A_4168 = arith.index_cast %get3A_4167 : i32 to index
        %get3A_4169 = arith.index_cast %add3A_4152 : i32 to index
        %get3A_4170 = arith.constant 32 : index
        %get3A_4171 = tpu.vector_load %arg7[%get3A_4168, %get3A_4169, %get3A_4170] {strides = array<i32>} : memref<2x480x64xf32, #tpu.memory_space<vmem>>, vector<1x1x16xf32>,
        %get3A_4172 = vector.shape_cast %get3A_4171 : vector<1x1x16xf32> to vector<16xf32>
        %add3A_4173 = arith.addf %add3A_3931, %get3A_4172 : vector<16xf32>
        %get3A_4174 = arith.constant 1 : i32
        %get3A_4175 = arith.index_cast %get3A_4174 : i32 to index
        %get3A_4176 = arith.index_cast %add3A_4152 : i32 to index
        %get3A_4177 = arith.constant 48 : index
        %get3A_4178 = tpu.vector_load %arg7[%get3A_4175, %get3A_4176, %get3A_4177] {strides = array<i32>} : memref<2x480x64xf32, #tpu.memory_space<vmem>>, vector<1x1x16xf32>,
        %get3A_4179 = vector.shape_cast %get3A_4178 : vector<1x1x16xf32> to vector<16xf32>
        %add3A_4180 = arith.addf %add3A_3938, %get3A_4179 : vector<16xf32>
        %add3A_4181 = arith.constant 60 : i32
        %add3A_4182 = arith.addi %add3A_4181, %scan3A_4150 : i32
        %get3A_4183 = arith.constant 1 : i32
        %get3A_4184 = arith.index_cast %get3A_4183 : i32 to index
        %get3A_4185 = arith.index_cast %add3A_4182 : i32 to index
        %get3A_4186 = arith.constant 0 : index
        %get3A_4187 = tpu.vector_load %arg7[%get3A_4184, %get3A_4185, %get3A_4186] {strides = array<i32>} : memref<2x480x64xf32, #tpu.memory_space<vmem>>, vector<1x1x16xf32>,
        %get3A_4188 = vector.shape_cast %get3A_4187 : vector<1x1x16xf32> to vector<16xf32>
        %add3A_4189 = arith.addf %add3A_3947, %get3A_4188 : vector<16xf32>
        %get3A_4190 = arith.constant 1 : i32
        %get3A_4191 = arith.index_cast %get3A_4190 : i32 to index
        %get3A_4192 = arith.index_cast %add3A_4182 : i32 to index
        %get3A_4193 = arith.constant 16 : index
        %get3A_4194 = tpu.vector_load %arg7[%get3A_4191, %get3A_4192, %get3A_4193] {strides = array<i32>} : memref<2x480x64xf32, #tpu.memory_space<vmem>>, vector<1x1x16xf32>,
        %get3A_4195 = vector.shape_cast %get3A_4194 : vector<1x1x16xf32> to vector<16xf32>
        %add3A_4196 = arith.addf %add3A_3954, %get3A_4195 : vector<16xf32>
        %get3A_4197 = arith.constant 1 : i32
        %get3A_4198 = arith.index_cast %get3A_4197 : i32 to index
        %get3A_4199 = arith.index_cast %add3A_4182 : i32 to index
        %get3A_4200 = arith.constant 32 : index
        %get3A_4201 = tpu.vector_load %arg7[%get3A_4198, %get3A_4199, %get3A_4200] {strides = array<i32>} : memref<2x480x64xf32, #tpu.memory_space<vmem>>, vector<1x1x16xf32>,
        %get3A_4202 = vector.shape_cast %get3A_4201 : vector<1x1x16xf32> to vector<16xf32>
        %add3A_4203 = arith.addf %add3A_3961, %get3A_4202 : vector<16xf32>
        %get3A_4204 = arith.constant 1 : i32
        %get3A_4205 = arith.index_cast %get3A_4204 : i32 to index
        %get3A_4206 = arith.index_cast %add3A_4182 : i32 to index
        %get3A_4207 = arith.constant 48 : index
        %get3A_4208 = tpu.vector_load %arg7[%get3A_4205, %get3A_4206, %get3A_4207] {strides = array<i32>} : memref<2x480x64xf32, #tpu.memory_space<vmem>>, vector<1x1x16xf32>,
        %get3A_4209 = vector.shape_cast %get3A_4208 : vector<1x1x16xf32> to vector<16xf32>
        %add3A_4210 = arith.addf %add3A_3968, %get3A_4209 : vector<16xf32>
        %add3A_4211 = arith.constant 120 : i32
        %add3A_4212 = arith.addi %add3A_4211, %scan3A_4150 : i32
        %get3A_4213 = arith.constant 1 : i32
        %get3A_4214 = arith.index_cast %get3A_4213 : i32 to index
        %get3A_4215 = arith.index_cast %add3A_4212 : i32 to index
        %get3A_4216 = arith.constant 0 : index
        %get3A_4217 = tpu.vector_load %arg7[%get3A_4214, %get3A_4215, %get3A_4216] {strides = array<i32>} : memref<2x480x64xf32, #tpu.memory_space<vmem>>, vector<1x1x16xf32>,
        %get3A_4218 = vector.shape_cast %get3A_4217 : vector<1x1x16xf32> to vector<16xf32>
        %add3A_4219 = arith.addf %add3A_3977, %get3A_4218 : vector<16xf32>
        %get3A_4220 = arith.constant 1 : i32
        %get3A_4221 = arith.index_cast %get3A_4220 : i32 to index
        %get3A_4222 = arith.index_cast %add3A_4212 : i32 to index
        %get3A_4223 = arith.constant 16 : index
        %get3A_4224 = tpu.vector_load %arg7[%get3A_4221, %get3A_4222, %get3A_4223] {strides = array<i32>} : memref<2x480x64xf32, #tpu.memory_space<vmem>>, vector<1x1x16xf32>,
        %get3A_4225 = vector.shape_cast %get3A_4224 : vector<1x1x16xf32> to vector<16xf32>
        %add3A_4226 = arith.addf %add3A_3984, %get3A_4225 : vector<16xf32>
        %get3A_4227 = arith.constant 1 : i32
        %get3A_4228 = arith.index_cast %get3A_4227 : i32 to index
        %get3A_4229 = arith.index_cast %add3A_4212 : i32 to index
        %get3A_4230 = arith.constant 32 : index
        %get3A_4231 = tpu.vector_load %arg7[%get3A_4228, %get3A_4229, %get3A_4230] {strides = array<i32>} : memref<2x480x64xf32, #tpu.memory_space<vmem>>, vector<1x1x16xf32>,
        %get3A_4232 = vector.shape_cast %get3A_4231 : vector<1x1x16xf32> to vector<16xf32>
        %add3A_4233 = arith.addf %add3A_3991, %get3A_4232 : vector<16xf32>
        %get3A_4234 = arith.constant 1 : i32
        %get3A_4235 = arith.index_cast %get3A_4234 : i32 to index
        %get3A_4236 = arith.index_cast %add3A_4212 : i32 to index
        %get3A_4237 = arith.constant 48 : index
        %get3A_4238 = tpu.vector_load %arg7[%get3A_4235, %get3A_4236, %get3A_4237] {strides = array<i32>} : memref<2x480x64xf32, #tpu.memory_space<vmem>>, vector<1x1x16xf32>,
        %get3A_4239 = vector.shape_cast %get3A_4238 : vector<1x1x16xf32> to vector<16xf32>
        %add3A_4240 = arith.addf %add3A_3998, %get3A_4239 : vector<16xf32>
        %add3A_4241 = arith.constant 180 : i32
        %add3A_4242 = arith.addi %add3A_4241, %scan3A_4150 : i32
        %get3A_4243 = arith.constant 1 : i32
        %get3A_4244 = arith.index_cast %get3A_4243 : i32 to index
        %get3A_4245 = arith.index_cast %add3A_4242 : i32 to index
        %get3A_4246 = arith.constant 0 : index
        %get3A_4247 = tpu.vector_load %arg7[%get3A_4244, %get3A_4245, %get3A_4246] {strides = array<i32>} : memref<2x480x64xf32, #tpu.memory_space<vmem>>, vector<1x1x16xf32>,
        %get3A_4248 = vector.shape_cast %get3A_4247 : vector<1x1x16xf32> to vector<16xf32>
        %add3A_4249 = arith.addf %add3A_4007, %get3A_4248 : vector<16xf32>
        %get3A_4250 = arith.constant 1 : i32
        %get3A_4251 = arith.index_cast %get3A_4250 : i32 to index
        %get3A_4252 = arith.index_cast %add3A_4242 : i32 to index
        %get3A_4253 = arith.constant 16 : index
        %get3A_4254 = tpu.vector_load %arg7[%get3A_4251, %get3A_4252, %get3A_4253] {strides = array<i32>} : memref<2x480x64xf32, #tpu.memory_space<vmem>>, vector<1x1x16xf32>,
        %get3A_4255 = vector.shape_cast %get3A_4254 : vector<1x1x16xf32> to vector<16xf32>
        %add3A_4256 = arith.addf %add3A_4014, %get3A_4255 : vector<16xf32>
        %get3A_4257 = arith.constant 1 : i32
        %get3A_4258 = arith.index_cast %get3A_4257 : i32 to index
        %get3A_4259 = arith.index_cast %add3A_4242 : i32 to index
        %get3A_4260 = arith.constant 32 : index
        %get3A_4261 = tpu.vector_load %arg7[%get3A_4258, %get3A_4259, %get3A_4260] {strides = array<i32>} : memref<2x480x64xf32, #tpu.memory_space<vmem>>, vector<1x1x16xf32>,
        %get3A_4262 = vector.shape_cast %get3A_4261 : vector<1x1x16xf32> to vector<16xf32>
        %add3A_4263 = arith.addf %add3A_4021, %get3A_4262 : vector<16xf32>
        %get3A_4264 = arith.constant 1 : i32
        %get3A_4265 = arith.index_cast %get3A_4264 : i32 to index
        %get3A_4266 = arith.index_cast %add3A_4242 : i32 to index
        %get3A_4267 = arith.constant 48 : index
        %get3A_4268 = tpu.vector_load %arg7[%get3A_4265, %get3A_4266, %get3A_4267] {strides = array<i32>} : memref<2x480x64xf32, #tpu.memory_space<vmem>>, vector<1x1x16xf32>,
        %get3A_4269 = vector.shape_cast %get3A_4268 : vector<1x1x16xf32> to vector<16xf32>
        %add3A_4270 = arith.addf %add3A_4028, %get3A_4269 : vector<16xf32>
        %add3A_4271 = arith.constant 240 : i32
        %add3A_4272 = arith.addi %add3A_4271, %scan3A_4150 : i32
        %get3A_4273 = arith.constant 1 : i32
        %get3A_4274 = arith.index_cast %get3A_4273 : i32 to index
        %get3A_4275 = arith.index_cast %add3A_4272 : i32 to index
        %get3A_4276 = arith.constant 0 : index
        %get3A_4277 = tpu.vector_load %arg7[%get3A_4274, %get3A_4275, %get3A_4276] {strides = array<i32>} : memref<2x480x64xf32, #tpu.memory_space<vmem>>, vector<1x1x16xf32>,
        %get3A_4278 = vector.shape_cast %get3A_4277 : vector<1x1x16xf32> to vector<16xf32>
        %add3A_4279 = arith.addf %add3A_4037, %get3A_4278 : vector<16xf32>
        %get3A_4280 = arith.constant 1 : i32
        %get3A_4281 = arith.index_cast %get3A_4280 : i32 to index
        %get3A_4282 = arith.index_cast %add3A_4272 : i32 to index
        %get3A_4283 = arith.constant 16 : index
        %get3A_4284 = tpu.vector_load %arg7[%get3A_4281, %get3A_4282, %get3A_4283] {strides = array<i32>} : memref<2x480x64xf32, #tpu.memory_space<vmem>>, vector<1x1x16xf32>,
        %get3A_4285 = vector.shape_cast %get3A_4284 : vector<1x1x16xf32> to vector<16xf32>
        %add3A_4286 = arith.addf %add3A_4044, %get3A_4285 : vector<16xf32>
        %get3A_4287 = arith.constant 1 : i32
        %get3A_4288 = arith.index_cast %get3A_4287 : i32 to index
        %get3A_4289 = arith.index_cast %add3A_4272 : i32 to index
        %get3A_4290 = arith.constant 32 : index
        %get3A_4291 = tpu.vector_load %arg7[%get3A_4288, %get3A_4289, %get3A_4290] {strides = array<i32>} : memref<2x480x64xf32, #tpu.memory_space<vmem>>, vector<1x1x16xf32>,
        %get3A_4292 = vector.shape_cast %get3A_4291 : vector<1x1x16xf32> to vector<16xf32>
        %add3A_4293 = arith.addf %add3A_4051, %get3A_4292 : vector<16xf32>
        %get3A_4294 = arith.constant 1 : i32
        %get3A_4295 = arith.index_cast %get3A_4294 : i32 to index
        %get3A_4296 = arith.index_cast %add3A_4272 : i32 to index
        %get3A_4297 = arith.constant 48 : index
        %get3A_4298 = tpu.vector_load %arg7[%get3A_4295, %get3A_4296, %get3A_4297] {strides = array<i32>} : memref<2x480x64xf32, #tpu.memory_space<vmem>>, vector<1x1x16xf32>,
        %get3A_4299 = vector.shape_cast %get3A_4298 : vector<1x1x16xf32> to vector<16xf32>
        %add3A_4300 = arith.addf %add3A_4058, %get3A_4299 : vector<16xf32>
        %add3A_4301 = arith.constant 300 : i32
        %add3A_4302 = arith.addi %add3A_4301, %scan3A_4150 : i32
        %get3A_4303 = arith.constant 1 : i32
        %get3A_4304 = arith.index_cast %get3A_4303 : i32 to index
        %get3A_4305 = arith.index_cast %add3A_4302 : i32 to index
        %get3A_4306 = arith.constant 0 : index
        %get3A_4307 = tpu.vector_load %arg7[%get3A_4304, %get3A_4305, %get3A_4306] {strides = array<i32>} : memref<2x480x64xf32, #tpu.memory_space<vmem>>, vector<1x1x16xf32>,
        %get3A_4308 = vector.shape_cast %get3A_4307 : vector<1x1x16xf32> to vector<16xf32>
        %add3A_4309 = arith.addf %add3A_4067, %get3A_4308 : vector<16xf32>
        %get3A_4310 = arith.constant 1 : i32
        %get3A_4311 = arith.index_cast %get3A_4310 : i32 to index
        %get3A_4312 = arith.index_cast %add3A_4302 : i32 to index
        %get3A_4313 = arith.constant 16 : index
        %get3A_4314 = tpu.vector_load %arg7[%get3A_4311, %get3A_4312, %get3A_4313] {strides = array<i32>} : memref<2x480x64xf32, #tpu.memory_space<vmem>>, vector<1x1x16xf32>,
        %get3A_4315 = vector.shape_cast %get3A_4314 : vector<1x1x16xf32> to vector<16xf32>
        %add3A_4316 = arith.addf %add3A_4074, %get3A_4315 : vector<16xf32>
        %get3A_4317 = arith.constant 1 : i32
        %get3A_4318 = arith.index_cast %get3A_4317 : i32 to index
        %get3A_4319 = arith.index_cast %add3A_4302 : i32 to index
        %get3A_4320 = arith.constant 32 : index
        %get3A_4321 = tpu.vector_load %arg7[%get3A_4318, %get3A_4319, %get3A_4320] {strides = array<i32>} : memref<2x480x64xf32, #tpu.memory_space<vmem>>, vector<1x1x16xf32>,
        %get3A_4322 = vector.shape_cast %get3A_4321 : vector<1x1x16xf32> to vector<16xf32>
        %add3A_4323 = arith.addf %add3A_4081, %get3A_4322 : vector<16xf32>
        %get3A_4324 = arith.constant 1 : i32
        %get3A_4325 = arith.index_cast %get3A_4324 : i32 to index
        %get3A_4326 = arith.index_cast %add3A_4302 : i32 to index
        %get3A_4327 = arith.constant 48 : index
        %get3A_4328 = tpu.vector_load %arg7[%get3A_4325, %get3A_4326, %get3A_4327] {strides = array<i32>} : memref<2x480x64xf32, #tpu.memory_space<vmem>>, vector<1x1x16xf32>,
        %get3A_4329 = vector.shape_cast %get3A_4328 : vector<1x1x16xf32> to vector<16xf32>
        %add3A_4330 = arith.addf %add3A_4088, %get3A_4329 : vector<16xf32>
        %add3A_4331 = arith.constant 360 : i32
        %add3A_4332 = arith.addi %add3A_4331, %scan3A_4150 : i32
        %get3A_4333 = arith.constant 1 : i32
        %get3A_4334 = arith.index_cast %get3A_4333 : i32 to index
        %get3A_4335 = arith.index_cast %add3A_4332 : i32 to index
        %get3A_4336 = arith.constant 0 : index
        %get3A_4337 = tpu.vector_load %arg7[%get3A_4334, %get3A_4335, %get3A_4336] {strides = array<i32>} : memref<2x480x64xf32, #tpu.memory_space<vmem>>, vector<1x1x16xf32>,
        %get3A_4338 = vector.shape_cast %get3A_4337 : vector<1x1x16xf32> to vector<16xf32>
        %add3A_4339 = arith.addf %add3A_4097, %get3A_4338 : vector<16xf32>
        %get3A_4340 = arith.constant 1 : i32
        %get3A_4341 = arith.index_cast %get3A_4340 : i32 to index
        %get3A_4342 = arith.index_cast %add3A_4332 : i32 to index
        %get3A_4343 = arith.constant 16 : index
        %get3A_4344 = tpu.vector_load %arg7[%get3A_4341, %get3A_4342, %get3A_4343] {strides = array<i32>} : memref<2x480x64xf32, #tpu.memory_space<vmem>>, vector<1x1x16xf32>,
        %get3A_4345 = vector.shape_cast %get3A_4344 : vector<1x1x16xf32> to vector<16xf32>
        %add3A_4346 = arith.addf %add3A_4104, %get3A_4345 : vector<16xf32>
        %get3A_4347 = arith.constant 1 : i32
        %get3A_4348 = arith.index_cast %get3A_4347 : i32 to index
        %get3A_4349 = arith.index_cast %add3A_4332 : i32 to index
        %get3A_4350 = arith.constant 32 : index
        %get3A_4351 = tpu.vector_load %arg7[%get3A_4348, %get3A_4349, %get3A_4350] {strides = array<i32>} : memref<2x480x64xf32, #tpu.memory_space<vmem>>, vector<1x1x16xf32>,
        %get3A_4352 = vector.shape_cast %get3A_4351 : vector<1x1x16xf32> to vector<16xf32>
        %add3A_4353 = arith.addf %add3A_4111, %get3A_4352 : vector<16xf32>
        %get3A_4354 = arith.constant 1 : i32
        %get3A_4355 = arith.index_cast %get3A_4354 : i32 to index
        %get3A_4356 = arith.index_cast %add3A_4332 : i32 to index
        %get3A_4357 = arith.constant 48 : index
        %get3A_4358 = tpu.vector_load %arg7[%get3A_4355, %get3A_4356, %get3A_4357] {strides = array<i32>} : memref<2x480x64xf32, #tpu.memory_space<vmem>>, vector<1x1x16xf32>,
        %get3A_4359 = vector.shape_cast %get3A_4358 : vector<1x1x16xf32> to vector<16xf32>
        %add3A_4360 = arith.addf %add3A_4118, %get3A_4359 : vector<16xf32>
        %add3A_4361 = arith.constant 420 : i32
        %add3A_4362 = arith.addi %add3A_4361, %scan3A_4150 : i32
        %get3A_4363 = arith.constant 1 : i32
        %get3A_4364 = arith.index_cast %get3A_4363 : i32 to index
        %get3A_4365 = arith.index_cast %add3A_4362 : i32 to index
        %get3A_4366 = arith.constant 0 : index
        %get3A_4367 = tpu.vector_load %arg7[%get3A_4364, %get3A_4365, %get3A_4366] {strides = array<i32>} : memref<2x480x64xf32, #tpu.memory_space<vmem>>, vector<1x1x16xf32>,
        %get3A_4368 = vector.shape_cast %get3A_4367 : vector<1x1x16xf32> to vector<16xf32>
        %add3A_4369 = arith.addf %add3A_4127, %get3A_4368 : vector<16xf32>
        %get3A_4370 = arith.constant 1 : i32
        %get3A_4371 = arith.index_cast %get3A_4370 : i32 to index
        %get3A_4372 = arith.index_cast %add3A_4362 : i32 to index
        %get3A_4373 = arith.constant 16 : index
        %get3A_4374 = tpu.vector_load %arg7[%get3A_4371, %get3A_4372, %get3A_4373] {strides = array<i32>} : memref<2x480x64xf32, #tpu.memory_space<vmem>>, vector<1x1x16xf32>,
        %get3A_4375 = vector.shape_cast %get3A_4374 : vector<1x1x16xf32> to vector<16xf32>
        %add3A_4376 = arith.addf %add3A_4134, %get3A_4375 : vector<16xf32>
        %get3A_4377 = arith.constant 1 : i32
        %get3A_4378 = arith.index_cast %get3A_4377 : i32 to index
        %get3A_4379 = arith.index_cast %add3A_4362 : i32 to index
        %get3A_4380 = arith.constant 32 : index
        %get3A_4381 = tpu.vector_load %arg7[%get3A_4378, %get3A_4379, %get3A_4380] {strides = array<i32>} : memref<2x480x64xf32, #tpu.memory_space<vmem>>, vector<1x1x16xf32>,
        %get3A_4382 = vector.shape_cast %get3A_4381 : vector<1x1x16xf32> to vector<16xf32>
        %add3A_4383 = arith.addf %add3A_4141, %get3A_4382 : vector<16xf32>
        %get3A_4384 = arith.constant 1 : i32
        %get3A_4385 = arith.index_cast %get3A_4384 : i32 to index
        %get3A_4386 = arith.index_cast %add3A_4362 : i32 to index
        %get3A_4387 = arith.constant 48 : index
        %get3A_4388 = tpu.vector_load %arg7[%get3A_4385, %get3A_4386, %get3A_4387] {strides = array<i32>} : memref<2x480x64xf32, #tpu.memory_space<vmem>>, vector<1x1x16xf32>,
        %get3A_4389 = vector.shape_cast %get3A_4388 : vector<1x1x16xf32> to vector<16xf32>
        %add3A_4390 = arith.addf %add3A_4148, %get3A_4389 : vector<16xf32>
        scf.yield %add3A_4159, %add3A_4166, %add3A_4173, %add3A_4180, %add3A_4189, %add3A_4196, %add3A_4203, %add3A_4210, %add3A_4219, %add3A_4226, %add3A_4233, %add3A_4240, %add3A_4249, %add3A_4256, %add3A_4263, %add3A_4270, %add3A_4279, %add3A_4286, %add3A_4293, %add3A_4300, %add3A_4309, %add3A_4316, %add3A_4323, %add3A_4330, %add3A_4339, %add3A_4346, %add3A_4353, %add3A_4360, %add3A_4369, %add3A_4376, %add3A_4383, %add3A_4390 : vector<16xf32>, vector<16xf32>, vector<16xf32>, vector<16xf32>, vector<16xf32>, vector<16xf32>, vector<16xf32>, vector<16xf32>, vector<16xf32>, vector<16xf32>, vector<16xf32>, vector<16xf32>, vector<16xf32>, vector<16xf32>, vector<16xf32>, vector<16xf32>, vector<16xf32>, vector<16xf32>, vector<16xf32>, vector<16xf32>, vector<16xf32>, vector<16xf32>, vector<16xf32>, vector<16xf32>, vector<16xf32>, vector<16xf32>, vector<16xf32>, vector<16xf32>, vector<16xf32>, vector<16xf32>, vector<16xf32>, vector<16xf32>
      }
      %scan3A_2082 = arith.constant 60 : i32
      %iota3A_2083 = tpu.iota {dimensions = array<i32: 0>} : vector<16xi32>
      %mul3A_2084 = arith.constant 5.000000e-02 : f32
      %mul3A_2085 = vector.broadcast %mul3A_2084 : f32 to vector<16xf32>
      %mul3A_2086 = arith.mulf %scan3A_2081#0, %mul3A_2085 : vector<16xf32>
      %add3A_2087 = arith.addf %mul3A_2086, %add3A_18 : vector<16xf32>
      %mul3A_2088 = arith.constant 5.000000e-02 : f32
      %mul3A_2089 = vector.broadcast %mul3A_2088 : f32 to vector<16xf32>
      %mul3A_2090 = arith.mulf %scan3A_2081#1, %mul3A_2089 : vector<16xf32>
      %add3A_2091 = arith.addf %mul3A_2090, %add3A_35 : vector<16xf32>
      %mul3A_2092 = arith.constant 5.000000e-02 : f32
      %mul3A_2093 = vector.broadcast %mul3A_2092 : f32 to vector<16xf32>
      %mul3A_2094 = arith.mulf %scan3A_2081#2, %mul3A_2093 : vector<16xf32>
      %add3A_2095 = arith.addf %mul3A_2094, %add3A_52 : vector<16xf32>
      %mul3A_2096 = arith.constant 5.000000e-02 : f32
      %mul3A_2097 = vector.broadcast %mul3A_2096 : f32 to vector<16xf32>
      %mul3A_2098 = arith.mulf %scan3A_2081#3, %mul3A_2097 : vector<16xf32>
      %add3A_2099 = arith.addf %mul3A_2098, %add3A_69 : vector<16xf32>
      %add3A_2100 = arith.addf %add3A_2087, %add3A_2091 : vector<16xf32>
      %add3A_2101 = arith.addf %add3A_2095, %add3A_2099 : vector<16xf32>
      %add3A_2102 = arith.addf %add3A_2100, %add3A_2101 : vector<16xf32>
      %mul3A_2103 = arith.mulf %add3A_2087, %add3A_2087 : vector<16xf32>
      %mul3A_2104 = arith.mulf %add3A_2091, %add3A_2091 : vector<16xf32>
      %add3A_2105 = arith.addf %mul3A_2103, %mul3A_2104 : vector<16xf32>
      %mul3A_2106 = arith.mulf %add3A_2095, %add3A_2095 : vector<16xf32>
      %mul3A_2107 = arith.mulf %add3A_2099, %add3A_2099 : vector<16xf32>
      %add3A_2108 = arith.addf %mul3A_2106, %mul3A_2107 : vector<16xf32>
      %add3A_2109 = arith.addf %add3A_2105, %add3A_2108 : vector<16xf32>
      %xor3A_2110 = arith.constant 1 : i32
      %xor3A_2111 = vector.broadcast %xor3A_2110 : i32 to vector<16xi32>
      %xor3A_2112 = arith.xori %iota3A_2083, %xor3A_2111 : vector<16xi32>
      %lt3A_2113 = arith.constant 0 : i32
      %lt3A_2114 = vector.broadcast %lt3A_2113 : i32 to vector<16xi32>
      %lt3A_2115 = arith.cmpi slt, %xor3A_2112, %lt3A_2114 : vector<16xi32>
      %add3A_2116 = arith.constant 16 : i32
      %add3A_2117 = vector.broadcast %add3A_2116 : i32 to vector<16xi32>
      %add3A_2118 = arith.addi %xor3A_2112, %add3A_2117 : vector<16xi32>
      %select_n3A_2119 = arith.select %lt3A_2115, %add3A_2118, %xor3A_2112 : vector<16xi1>, vector<16xi32>
      %broadcast_in_dim3A_2120 = vector.shape_cast %select_n3A_2119 : vector<16xi32> to vector<16x1xi32>
      %gather3A_2121 = vector.shape_cast %broadcast_in_dim3A_2120 : vector<16x1xi32> to vector<16xi32>
      %gather3A_2122 = tpu.dynamic_gather %add3A_2102[%gather3A_2121] in [0] : vector<16xf32>, vector<16xi32> -> vector<16xf32>
      %add3A_2123 = arith.addf %add3A_2102, %gather3A_2122 : vector<16xf32>
      %xor3A_2124 = arith.constant 2 : i32
      %xor3A_2125 = vector.broadcast %xor3A_2124 : i32 to vector<16xi32>
      %xor3A_2126 = arith.xori %iota3A_2083, %xor3A_2125 : vector<16xi32>
      %lt3A_2127 = arith.constant 0 : i32
      %lt3A_2128 = vector.broadcast %lt3A_2127 : i32 to vector<16xi32>
      %lt3A_2129 = arith.cmpi slt, %xor3A_2126, %lt3A_2128 : vector<16xi32>
      %add3A_2130 = arith.constant 16 : i32
      %add3A_2131 = vector.broadcast %add3A_2130 : i32 to vector<16xi32>
      %add3A_2132 = arith.addi %xor3A_2126, %add3A_2131 : vector<16xi32>
      %select_n3A_2133 = arith.select %lt3A_2129, %add3A_2132, %xor3A_2126 : vector<16xi1>, vector<16xi32>
      %broadcast_in_dim3A_2134 = vector.shape_cast %select_n3A_2133 : vector<16xi32> to vector<16x1xi32>
      %gather3A_2135 = vector.shape_cast %broadcast_in_dim3A_2134 : vector<16x1xi32> to vector<16xi32>
      %gather3A_2136 = tpu.dynamic_gather %add3A_2123[%gather3A_2135] in [0] : vector<16xf32>, vector<16xi32> -> vector<16xf32>
      %add3A_2137 = arith.addf %add3A_2123, %gather3A_2136 : vector<16xf32>
      %xor3A_2138 = arith.constant 4 : i32
      %xor3A_2139 = vector.broadcast %xor3A_2138 : i32 to vector<16xi32>
      %xor3A_2140 = arith.xori %iota3A_2083, %xor3A_2139 : vector<16xi32>
      %lt3A_2141 = arith.constant 0 : i32
      %lt3A_2142 = vector.broadcast %lt3A_2141 : i32 to vector<16xi32>
      %lt3A_2143 = arith.cmpi slt, %xor3A_2140, %lt3A_2142 : vector<16xi32>
      %add3A_2144 = arith.constant 16 : i32
      %add3A_2145 = vector.broadcast %add3A_2144 : i32 to vector<16xi32>
      %add3A_2146 = arith.addi %xor3A_2140, %add3A_2145 : vector<16xi32>
      %select_n3A_2147 = arith.select %lt3A_2143, %add3A_2146, %xor3A_2140 : vector<16xi1>, vector<16xi32>
      %broadcast_in_dim3A_2148 = vector.shape_cast %select_n3A_2147 : vector<16xi32> to vector<16x1xi32>
      %gather3A_2149 = vector.shape_cast %broadcast_in_dim3A_2148 : vector<16x1xi32> to vector<16xi32>
      %gather3A_2150 = tpu.dynamic_gather %add3A_2137[%gather3A_2149] in [0] : vector<16xf32>, vector<16xi32> -> vector<16xf32>
      %add3A_2151 = arith.addf %add3A_2137, %gather3A_2150 : vector<16xf32>
      %xor3A_2152 = arith.constant 8 : i32
      %xor3A_2153 = vector.broadcast %xor3A_2152 : i32 to vector<16xi32>
      %xor3A_2154 = arith.xori %iota3A_2083, %xor3A_2153 : vector<16xi32>
      %lt3A_2155 = arith.constant 0 : i32
      %lt3A_2156 = vector.broadcast %lt3A_2155 : i32 to vector<16xi32>
      %lt3A_2157 = arith.cmpi slt, %xor3A_2154, %lt3A_2156 : vector<16xi32>
      %add3A_2158 = arith.constant 16 : i32
      %add3A_2159 = vector.broadcast %add3A_2158 : i32 to vector<16xi32>
      %add3A_2160 = arith.addi %xor3A_2154, %add3A_2159 : vector<16xi32>
      %select_n3A_2161 = arith.select %lt3A_2157, %add3A_2160, %xor3A_2154 : vector<16xi1>, vector<16xi32>
      %broadcast_in_dim3A_2162 = vector.shape_cast %select_n3A_2161 : vector<16xi32> to vector<16x1xi32>
      %gather3A_2163 = vector.shape_cast %broadcast_in_dim3A_2162 : vector<16x1xi32> to vector<16xi32>
      %gather3A_2164 = tpu.dynamic_gather %add3A_2151[%gather3A_2163] in [0] : vector<16xf32>, vector<16xi32> -> vector<16xf32>
      %add3A_2165 = arith.addf %add3A_2151, %gather3A_2164 : vector<16xf32>
      %mul3A_2166 = arith.constant 1.562500e-02 : f32
      %mul3A_2167 = vector.broadcast %mul3A_2166 : f32 to vector<16xf32>
      %mul3A_2168 = arith.mulf %add3A_2165, %mul3A_2167 : vector<16xf32>
      %xor3A_2169 = arith.constant 1 : i32
      %xor3A_2170 = vector.broadcast %xor3A_2169 : i32 to vector<16xi32>
      %xor3A_2171 = arith.xori %iota3A_2083, %xor3A_2170 : vector<16xi32>
      %lt3A_2172 = arith.constant 0 : i32
      %lt3A_2173 = vector.broadcast %lt3A_2172 : i32 to vector<16xi32>
      %lt3A_2174 = arith.cmpi slt, %xor3A_2171, %lt3A_2173 : vector<16xi32>
      %add3A_2175 = arith.constant 16 : i32
      %add3A_2176 = vector.broadcast %add3A_2175 : i32 to vector<16xi32>
      %add3A_2177 = arith.addi %xor3A_2171, %add3A_2176 : vector<16xi32>
      %select_n3A_2178 = arith.select %lt3A_2174, %add3A_2177, %xor3A_2171 : vector<16xi1>, vector<16xi32>
      %broadcast_in_dim3A_2179 = vector.shape_cast %select_n3A_2178 : vector<16xi32> to vector<16x1xi32>
      %gather3A_2180 = vector.shape_cast %broadcast_in_dim3A_2179 : vector<16x1xi32> to vector<16xi32>
      %gather3A_2181 = tpu.dynamic_gather %add3A_2109[%gather3A_2180] in [0] : vector<16xf32>, vector<16xi32> -> vector<16xf32>
      %add3A_2182 = arith.addf %add3A_2109, %gather3A_2181 : vector<16xf32>
      %xor3A_2183 = arith.constant 2 : i32
      %xor3A_2184 = vector.broadcast %xor3A_2183 : i32 to vector<16xi32>
      %xor3A_2185 = arith.xori %iota3A_2083, %xor3A_2184 : vector<16xi32>
      %lt3A_2186 = arith.constant 0 : i32
      %lt3A_2187 = vector.broadcast %lt3A_2186 : i32 to vector<16xi32>
      %lt3A_2188 = arith.cmpi slt, %xor3A_2185, %lt3A_2187 : vector<16xi32>
      %add3A_2189 = arith.constant 16 : i32
      %add3A_2190 = vector.broadcast %add3A_2189 : i32 to vector<16xi32>
      %add3A_2191 = arith.addi %xor3A_2185, %add3A_2190 : vector<16xi32>
      %select_n3A_2192 = arith.select %lt3A_2188, %add3A_2191, %xor3A_2185 : vector<16xi1>, vector<16xi32>
      %broadcast_in_dim3A_2193 = vector.shape_cast %select_n3A_2192 : vector<16xi32> to vector<16x1xi32>
      %gather3A_2194 = vector.shape_cast %broadcast_in_dim3A_2193 : vector<16x1xi32> to vector<16xi32>
      %gather3A_2195 = tpu.dynamic_gather %add3A_2182[%gather3A_2194] in [0] : vector<16xf32>, vector<16xi32> -> vector<16xf32>
      %add3A_2196 = arith.addf %add3A_2182, %gather3A_2195 : vector<16xf32>
      %xor3A_2197 = arith.constant 4 : i32
      %xor3A_2198 = vector.broadcast %xor3A_2197 : i32 to vector<16xi32>
      %xor3A_2199 = arith.xori %iota3A_2083, %xor3A_2198 : vector<16xi32>
      %lt3A_2200 = arith.constant 0 : i32
      %lt3A_2201 = vector.broadcast %lt3A_2200 : i32 to vector<16xi32>
      %lt3A_2202 = arith.cmpi slt, %xor3A_2199, %lt3A_2201 : vector<16xi32>
      %add3A_2203 = arith.constant 16 : i32
      %add3A_2204 = vector.broadcast %add3A_2203 : i32 to vector<16xi32>
      %add3A_2205 = arith.addi %xor3A_2199, %add3A_2204 : vector<16xi32>
      %select_n3A_2206 = arith.select %lt3A_2202, %add3A_2205, %xor3A_2199 : vector<16xi1>, vector<16xi32>
      %broadcast_in_dim3A_2207 = vector.shape_cast %select_n3A_2206 : vector<16xi32> to vector<16x1xi32>
      %gather3A_2208 = vector.shape_cast %broadcast_in_dim3A_2207 : vector<16x1xi32> to vector<16xi32>
      %gather3A_2209 = tpu.dynamic_gather %add3A_2196[%gather3A_2208] in [0] : vector<16xf32>, vector<16xi32> -> vector<16xf32>
      %add3A_2210 = arith.addf %add3A_2196, %gather3A_2209 : vector<16xf32>
      %xor3A_2211 = arith.constant 8 : i32
      %xor3A_2212 = vector.broadcast %xor3A_2211 : i32 to vector<16xi32>
      %xor3A_2213 = arith.xori %iota3A_2083, %xor3A_2212 : vector<16xi32>
      %lt3A_2214 = arith.constant 0 : i32
      %lt3A_2215 = vector.broadcast %lt3A_2214 : i32 to vector<16xi32>
      %lt3A_2216 = arith.cmpi slt, %xor3A_2213, %lt3A_2215 : vector<16xi32>
      %add3A_2217 = arith.constant 16 : i32
      %add3A_2218 = vector.broadcast %add3A_2217 : i32 to vector<16xi32>
      %add3A_2219 = arith.addi %xor3A_2213, %add3A_2218 : vector<16xi32>
      %select_n3A_2220 = arith.select %lt3A_2216, %add3A_2219, %xor3A_2213 : vector<16xi1>, vector<16xi32>
      %broadcast_in_dim3A_2221 = vector.shape_cast %select_n3A_2220 : vector<16xi32> to vector<16x1xi32>
      %gather3A_2222 = vector.shape_cast %broadcast_in_dim3A_2221 : vector<16x1xi32> to vector<16xi32>
      %gather3A_2223 = tpu.dynamic_gather %add3A_2210[%gather3A_2222] in [0] : vector<16xf32>, vector<16xi32> -> vector<16xf32>
      %add3A_2224 = arith.addf %add3A_2210, %gather3A_2223 : vector<16xf32>
      %mul3A_2225 = arith.constant 1.562500e-02 : f32
      %mul3A_2226 = vector.broadcast %mul3A_2225 : f32 to vector<16xf32>
      %mul3A_2227 = arith.mulf %add3A_2224, %mul3A_2226 : vector<16xf32>
      %mul3A_2228 = arith.mulf %mul3A_2168, %mul3A_2168 : vector<16xf32>
      %sub3A_2229 = arith.subf %mul3A_2227, %mul3A_2228 : vector<16xf32>
      %add3A_2230 = arith.constant 9.99999974E-6 : f32
      %add3A_2231 = vector.broadcast %add3A_2230 : f32 to vector<16xf32>
      %add3A_2232 = arith.addf %sub3A_2229, %add3A_2231 : vector<16xf32>
      %bitcast_convert_type3A_2233 = tpu.bitcast %add3A_2232 : vector<16xf32> -> vector<16xi32>
      %shift_right_arithmetic3A_2234 = arith.constant 1 : i32
      %shift_right_arithmetic3A_2235 = vector.broadcast %shift_right_arithmetic3A_2234 : i32 to vector<16xi32>
      %shift_right_arithmetic3A_2236 = arith.shrsi %bitcast_convert_type3A_2233, %shift_right_arithmetic3A_2235 : vector<16xi32>
      %sub3A_2237 = arith.constant 1597463007 : i32
      %sub3A_2238 = vector.broadcast %sub3A_2237 : i32 to vector<16xi32>
      %sub3A_2239 = arith.subi %sub3A_2238, %shift_right_arithmetic3A_2236 : vector<16xi32>
      %bitcast_convert_type3A_2240 = tpu.bitcast %sub3A_2239 : vector<16xi32> -> vector<16xf32>
      %mul3A_2241 = arith.constant 5.000000e-01 : f32
      %mul3A_2242 = vector.broadcast %mul3A_2241 : f32 to vector<16xf32>
      %mul3A_2243 = arith.mulf %mul3A_2242, %add3A_2232 : vector<16xf32>
      %mul3A_2244 = arith.mulf %mul3A_2243, %bitcast_convert_type3A_2240 : vector<16xf32>
      %mul3A_2245 = arith.mulf %mul3A_2244, %bitcast_convert_type3A_2240 : vector<16xf32>
      %sub3A_2246 = arith.constant 1.500000e+00 : f32
      %sub3A_2247 = vector.broadcast %sub3A_2246 : f32 to vector<16xf32>
      %sub3A_2248 = arith.subf %sub3A_2247, %mul3A_2245 : vector<16xf32>
      %mul3A_2249 = arith.mulf %bitcast_convert_type3A_2240, %sub3A_2248 : vector<16xf32>
      %mul3A_2250 = arith.constant 5.000000e-01 : f32
      %mul3A_2251 = vector.broadcast %mul3A_2250 : f32 to vector<16xf32>
      %mul3A_2252 = arith.mulf %mul3A_2251, %add3A_2232 : vector<16xf32>
      %mul3A_2253 = arith.mulf %mul3A_2252, %mul3A_2249 : vector<16xf32>
      %mul3A_2254 = arith.mulf %mul3A_2253, %mul3A_2249 : vector<16xf32>
      %sub3A_2255 = arith.constant 1.500000e+00 : f32
      %sub3A_2256 = vector.broadcast %sub3A_2255 : f32 to vector<16xf32>
      %sub3A_2257 = arith.subf %sub3A_2256, %mul3A_2254 : vector<16xf32>
      %mul3A_2258 = arith.mulf %mul3A_2249, %sub3A_2257 : vector<16xf32>
      %mul3A_2259 = arith.constant 5.000000e-01 : f32
      %mul3A_2260 = vector.broadcast %mul3A_2259 : f32 to vector<16xf32>
      %mul3A_2261 = arith.mulf %mul3A_2260, %add3A_2232 : vector<16xf32>
      %mul3A_2262 = arith.mulf %mul3A_2261, %mul3A_2258 : vector<16xf32>
      %mul3A_2263 = arith.mulf %mul3A_2262, %mul3A_2258 : vector<16xf32>
      %sub3A_2264 = arith.constant 1.500000e+00 : f32
      %sub3A_2265 = vector.broadcast %sub3A_2264 : f32 to vector<16xf32>
      %sub3A_2266 = arith.subf %sub3A_2265, %mul3A_2263 : vector<16xf32>
      %mul3A_2267 = arith.mulf %mul3A_2258, %sub3A_2266 : vector<16xf32>
      %mul3A_2268 = arith.constant 8 : i32
      %mul3A_2269 = arith.muli %add3A_2019, %mul3A_2268 : i32
      %add3A_2270 = arith.constant 0 : i32
      %add3A_2271 = arith.addi %mul3A_2269, %add3A_2270 : i32
      %mul3A_2272 = arith.mulf %mul3A_2267, %get3A_74 : vector<16xf32>
      %sub3A_2273 = arith.subf %add3A_2087, %mul3A_2168 : vector<16xf32>
      %mul3A_2274 = arith.mulf %sub3A_2273, %mul3A_2272 : vector<16xf32>
      %add3A_2275 = arith.addf %mul3A_2274, %get3A_94 : vector<16xf32>
      %swap3A_2276 = arith.index_cast %add3A_2271 : i32 to index
      %swap3A_2277 = arith.constant 0 : index
      %swap3A_2278 = tpu.vector_load %arg9[%swap3A_2276, %swap3A_2277] {strides = array<i32>} : memref<512x64xf32, #tpu.memory_space<vmem>>, vector<1x16xf32>,
      %swap3A_2279 = vector.shape_cast %swap3A_2278 : vector<1x16xf32> to vector<16xf32>
      %swap3A_2280 = vector.shape_cast %add3A_2275 : vector<16xf32> to vector<1x16xf32>
      tpu.vector_store %arg9[%swap3A_2276, %swap3A_2277], %swap3A_2280 {strides = array<i32>} : memref<512x64xf32, #tpu.memory_space<vmem>>, vector<1x16xf32>,
      %mul3A_2281 = arith.mulf %mul3A_2267, %get3A_79 : vector<16xf32>
      %sub3A_2282 = arith.subf %add3A_2091, %mul3A_2168 : vector<16xf32>
      %mul3A_2283 = arith.mulf %sub3A_2282, %mul3A_2281 : vector<16xf32>
      %add3A_2284 = arith.addf %mul3A_2283, %get3A_99 : vector<16xf32>
      %swap3A_2285 = arith.index_cast %add3A_2271 : i32 to index
      %swap3A_2286 = arith.constant 16 : index
      %swap3A_2287 = tpu.vector_load %arg9[%swap3A_2285, %swap3A_2286] {strides = array<i32>} : memref<512x64xf32, #tpu.memory_space<vmem>>, vector<1x16xf32>,
      %swap3A_2288 = vector.shape_cast %swap3A_2287 : vector<1x16xf32> to vector<16xf32>
      %swap3A_2289 = vector.shape_cast %add3A_2284 : vector<16xf32> to vector<1x16xf32>
      tpu.vector_store %arg9[%swap3A_2285, %swap3A_2286], %swap3A_2289 {strides = array<i32>} : memref<512x64xf32, #tpu.memory_space<vmem>>, vector<1x16xf32>,
      %mul3A_2290 = arith.mulf %mul3A_2267, %get3A_84 : vector<16xf32>
      %sub3A_2291 = arith.subf %add3A_2095, %mul3A_2168 : vector<16xf32>
      %mul3A_2292 = arith.mulf %sub3A_2291, %mul3A_2290 : vector<16xf32>
      %add3A_2293 = arith.addf %mul3A_2292, %get3A_104 : vector<16xf32>
      %swap3A_2294 = arith.index_cast %add3A_2271 : i32 to index
      %swap3A_2295 = arith.constant 32 : index
      %swap3A_2296 = tpu.vector_load %arg9[%swap3A_2294, %swap3A_2295] {strides = array<i32>} : memref<512x64xf32, #tpu.memory_space<vmem>>, vector<1x16xf32>,
      %swap3A_2297 = vector.shape_cast %swap3A_2296 : vector<1x16xf32> to vector<16xf32>
      %swap3A_2298 = vector.shape_cast %add3A_2293 : vector<16xf32> to vector<1x16xf32>
      tpu.vector_store %arg9[%swap3A_2294, %swap3A_2295], %swap3A_2298 {strides = array<i32>} : memref<512x64xf32, #tpu.memory_space<vmem>>, vector<1x16xf32>,
      %mul3A_2299 = arith.mulf %mul3A_2267, %get3A_89 : vector<16xf32>
      %sub3A_2300 = arith.subf %add3A_2099, %mul3A_2168 : vector<16xf32>
      %mul3A_2301 = arith.mulf %sub3A_2300, %mul3A_2299 : vector<16xf32>
      %add3A_2302 = arith.addf %mul3A_2301, %get3A_109 : vector<16xf32>
      %swap3A_2303 = arith.index_cast %add3A_2271 : i32 to index
      %swap3A_2304 = arith.constant 48 : index
      %swap3A_2305 = tpu.vector_load %arg9[%swap3A_2303, %swap3A_2304] {strides = array<i32>} : memref<512x64xf32, #tpu.memory_space<vmem>>, vector<1x16xf32>,
      %swap3A_2306 = vector.shape_cast %swap3A_2305 : vector<1x16xf32> to vector<16xf32>
      %swap3A_2307 = vector.shape_cast %add3A_2302 : vector<16xf32> to vector<1x16xf32>
      tpu.vector_store %arg9[%swap3A_2303, %swap3A_2304], %swap3A_2307 {strides = array<i32>} : memref<512x64xf32, #tpu.memory_space<vmem>>, vector<1x16xf32>,
      %mul3A_2308 = arith.constant 5.000000e-02 : f32
      %mul3A_2309 = vector.broadcast %mul3A_2308 : f32 to vector<16xf32>
      %mul3A_2310 = arith.mulf %scan3A_2081#4, %mul3A_2309 : vector<16xf32>
      %add3A_2311 = arith.addf %mul3A_2310, %add3A_18 : vector<16xf32>
      %mul3A_2312 = arith.constant 5.000000e-02 : f32
      %mul3A_2313 = vector.broadcast %mul3A_2312 : f32 to vector<16xf32>
      %mul3A_2314 = arith.mulf %scan3A_2081#5, %mul3A_2313 : vector<16xf32>
      %add3A_2315 = arith.addf %mul3A_2314, %add3A_35 : vector<16xf32>
      %mul3A_2316 = arith.constant 5.000000e-02 : f32
      %mul3A_2317 = vector.broadcast %mul3A_2316 : f32 to vector<16xf32>
      %mul3A_2318 = arith.mulf %scan3A_2081#6, %mul3A_2317 : vector<16xf32>
      %add3A_2319 = arith.addf %mul3A_2318, %add3A_52 : vector<16xf32>
      %mul3A_2320 = arith.constant 5.000000e-02 : f32
      %mul3A_2321 = vector.broadcast %mul3A_2320 : f32 to vector<16xf32>
      %mul3A_2322 = arith.mulf %scan3A_2081#7, %mul3A_2321 : vector<16xf32>
      %add3A_2323 = arith.addf %mul3A_2322, %add3A_69 : vector<16xf32>
      %add3A_2324 = arith.addf %add3A_2311, %add3A_2315 : vector<16xf32>
      %add3A_2325 = arith.addf %add3A_2319, %add3A_2323 : vector<16xf32>
      %add3A_2326 = arith.addf %add3A_2324, %add3A_2325 : vector<16xf32>
      %mul3A_2327 = arith.mulf %add3A_2311, %add3A_2311 : vector<16xf32>
      %mul3A_2328 = arith.mulf %add3A_2315, %add3A_2315 : vector<16xf32>
      %add3A_2329 = arith.addf %mul3A_2327, %mul3A_2328 : vector<16xf32>
      %mul3A_2330 = arith.mulf %add3A_2319, %add3A_2319 : vector<16xf32>
      %mul3A_2331 = arith.mulf %add3A_2323, %add3A_2323 : vector<16xf32>
      %add3A_2332 = arith.addf %mul3A_2330, %mul3A_2331 : vector<16xf32>
      %add3A_2333 = arith.addf %add3A_2329, %add3A_2332 : vector<16xf32>
      %xor3A_2334 = arith.constant 1 : i32
      %xor3A_2335 = vector.broadcast %xor3A_2334 : i32 to vector<16xi32>
      %xor3A_2336 = arith.xori %iota3A_2083, %xor3A_2335 : vector<16xi32>
      %lt3A_2337 = arith.constant 0 : i32
      %lt3A_2338 = vector.broadcast %lt3A_2337 : i32 to vector<16xi32>
      %lt3A_2339 = arith.cmpi slt, %xor3A_2336, %lt3A_2338 : vector<16xi32>
      %add3A_2340 = arith.constant 16 : i32
      %add3A_2341 = vector.broadcast %add3A_2340 : i32 to vector<16xi32>
      %add3A_2342 = arith.addi %xor3A_2336, %add3A_2341 : vector<16xi32>
      %select_n3A_2343 = arith.select %lt3A_2339, %add3A_2342, %xor3A_2336 : vector<16xi1>, vector<16xi32>
      %broadcast_in_dim3A_2344 = vector.shape_cast %select_n3A_2343 : vector<16xi32> to vector<16x1xi32>
      %gather3A_2345 = vector.shape_cast %broadcast_in_dim3A_2344 : vector<16x1xi32> to vector<16xi32>
      %gather3A_2346 = tpu.dynamic_gather %add3A_2326[%gather3A_2345] in [0] : vector<16xf32>, vector<16xi32> -> vector<16xf32>
      %add3A_2347 = arith.addf %add3A_2326, %gather3A_2346 : vector<16xf32>
      %xor3A_2348 = arith.constant 2 : i32
      %xor3A_2349 = vector.broadcast %xor3A_2348 : i32 to vector<16xi32>
      %xor3A_2350 = arith.xori %iota3A_2083, %xor3A_2349 : vector<16xi32>
      %lt3A_2351 = arith.constant 0 : i32
      %lt3A_2352 = vector.broadcast %lt3A_2351 : i32 to vector<16xi32>
      %lt3A_2353 = arith.cmpi slt, %xor3A_2350, %lt3A_2352 : vector<16xi32>
      %add3A_2354 = arith.constant 16 : i32
      %add3A_2355 = vector.broadcast %add3A_2354 : i32 to vector<16xi32>
      %add3A_2356 = arith.addi %xor3A_2350, %add3A_2355 : vector<16xi32>
      %select_n3A_2357 = arith.select %lt3A_2353, %add3A_2356, %xor3A_2350 : vector<16xi1>, vector<16xi32>
      %broadcast_in_dim3A_2358 = vector.shape_cast %select_n3A_2357 : vector<16xi32> to vector<16x1xi32>
      %gather3A_2359 = vector.shape_cast %broadcast_in_dim3A_2358 : vector<16x1xi32> to vector<16xi32>
      %gather3A_2360 = tpu.dynamic_gather %add3A_2347[%gather3A_2359] in [0] : vector<16xf32>, vector<16xi32> -> vector<16xf32>
      %add3A_2361 = arith.addf %add3A_2347, %gather3A_2360 : vector<16xf32>
      %xor3A_2362 = arith.constant 4 : i32
      %xor3A_2363 = vector.broadcast %xor3A_2362 : i32 to vector<16xi32>
      %xor3A_2364 = arith.xori %iota3A_2083, %xor3A_2363 : vector<16xi32>
      %lt3A_2365 = arith.constant 0 : i32
      %lt3A_2366 = vector.broadcast %lt3A_2365 : i32 to vector<16xi32>
      %lt3A_2367 = arith.cmpi slt, %xor3A_2364, %lt3A_2366 : vector<16xi32>
      %add3A_2368 = arith.constant 16 : i32
      %add3A_2369 = vector.broadcast %add3A_2368 : i32 to vector<16xi32>
      %add3A_2370 = arith.addi %xor3A_2364, %add3A_2369 : vector<16xi32>
      %select_n3A_2371 = arith.select %lt3A_2367, %add3A_2370, %xor3A_2364 : vector<16xi1>, vector<16xi32>
      %broadcast_in_dim3A_2372 = vector.shape_cast %select_n3A_2371 : vector<16xi32> to vector<16x1xi32>
      %gather3A_2373 = vector.shape_cast %broadcast_in_dim3A_2372 : vector<16x1xi32> to vector<16xi32>
      %gather3A_2374 = tpu.dynamic_gather %add3A_2361[%gather3A_2373] in [0] : vector<16xf32>, vector<16xi32> -> vector<16xf32>
      %add3A_2375 = arith.addf %add3A_2361, %gather3A_2374 : vector<16xf32>
      %xor3A_2376 = arith.constant 8 : i32
      %xor3A_2377 = vector.broadcast %xor3A_2376 : i32 to vector<16xi32>
      %xor3A_2378 = arith.xori %iota3A_2083, %xor3A_2377 : vector<16xi32>
      %lt3A_2379 = arith.constant 0 : i32
      %lt3A_2380 = vector.broadcast %lt3A_2379 : i32 to vector<16xi32>
      %lt3A_2381 = arith.cmpi slt, %xor3A_2378, %lt3A_2380 : vector<16xi32>
      %add3A_2382 = arith.constant 16 : i32
      %add3A_2383 = vector.broadcast %add3A_2382 : i32 to vector<16xi32>
      %add3A_2384 = arith.addi %xor3A_2378, %add3A_2383 : vector<16xi32>
      %select_n3A_2385 = arith.select %lt3A_2381, %add3A_2384, %xor3A_2378 : vector<16xi1>, vector<16xi32>
      %broadcast_in_dim3A_2386 = vector.shape_cast %select_n3A_2385 : vector<16xi32> to vector<16x1xi32>
      %gather3A_2387 = vector.shape_cast %broadcast_in_dim3A_2386 : vector<16x1xi32> to vector<16xi32>
      %gather3A_2388 = tpu.dynamic_gather %add3A_2375[%gather3A_2387] in [0] : vector<16xf32>, vector<16xi32> -> vector<16xf32>
      %add3A_2389 = arith.addf %add3A_2375, %gather3A_2388 : vector<16xf32>
      %mul3A_2390 = arith.constant 1.562500e-02 : f32
      %mul3A_2391 = vector.broadcast %mul3A_2390 : f32 to vector<16xf32>
      %mul3A_2392 = arith.mulf %add3A_2389, %mul3A_2391 : vector<16xf32>
      %xor3A_2393 = arith.constant 1 : i32
      %xor3A_2394 = vector.broadcast %xor3A_2393 : i32 to vector<16xi32>
      %xor3A_2395 = arith.xori %iota3A_2083, %xor3A_2394 : vector<16xi32>
      %lt3A_2396 = arith.constant 0 : i32
      %lt3A_2397 = vector.broadcast %lt3A_2396 : i32 to vector<16xi32>
      %lt3A_2398 = arith.cmpi slt, %xor3A_2395, %lt3A_2397 : vector<16xi32>
      %add3A_2399 = arith.constant 16 : i32
      %add3A_2400 = vector.broadcast %add3A_2399 : i32 to vector<16xi32>
      %add3A_2401 = arith.addi %xor3A_2395, %add3A_2400 : vector<16xi32>
      %select_n3A_2402 = arith.select %lt3A_2398, %add3A_2401, %xor3A_2395 : vector<16xi1>, vector<16xi32>
      %broadcast_in_dim3A_2403 = vector.shape_cast %select_n3A_2402 : vector<16xi32> to vector<16x1xi32>
      %gather3A_2404 = vector.shape_cast %broadcast_in_dim3A_2403 : vector<16x1xi32> to vector<16xi32>
      %gather3A_2405 = tpu.dynamic_gather %add3A_2333[%gather3A_2404] in [0] : vector<16xf32>, vector<16xi32> -> vector<16xf32>
      %add3A_2406 = arith.addf %add3A_2333, %gather3A_2405 : vector<16xf32>
      %xor3A_2407 = arith.constant 2 : i32
      %xor3A_2408 = vector.broadcast %xor3A_2407 : i32 to vector<16xi32>
      %xor3A_2409 = arith.xori %iota3A_2083, %xor3A_2408 : vector<16xi32>
      %lt3A_2410 = arith.constant 0 : i32
      %lt3A_2411 = vector.broadcast %lt3A_2410 : i32 to vector<16xi32>
      %lt3A_2412 = arith.cmpi slt, %xor3A_2409, %lt3A_2411 : vector<16xi32>
      %add3A_2413 = arith.constant 16 : i32
      %add3A_2414 = vector.broadcast %add3A_2413 : i32 to vector<16xi32>
      %add3A_2415 = arith.addi %xor3A_2409, %add3A_2414 : vector<16xi32>
      %select_n3A_2416 = arith.select %lt3A_2412, %add3A_2415, %xor3A_2409 : vector<16xi1>, vector<16xi32>
      %broadcast_in_dim3A_2417 = vector.shape_cast %select_n3A_2416 : vector<16xi32> to vector<16x1xi32>
      %gather3A_2418 = vector.shape_cast %broadcast_in_dim3A_2417 : vector<16x1xi32> to vector<16xi32>
      %gather3A_2419 = tpu.dynamic_gather %add3A_2406[%gather3A_2418] in [0] : vector<16xf32>, vector<16xi32> -> vector<16xf32>
      %add3A_2420 = arith.addf %add3A_2406, %gather3A_2419 : vector<16xf32>
      %xor3A_2421 = arith.constant 4 : i32
      %xor3A_2422 = vector.broadcast %xor3A_2421 : i32 to vector<16xi32>
      %xor3A_2423 = arith.xori %iota3A_2083, %xor3A_2422 : vector<16xi32>
      %lt3A_2424 = arith.constant 0 : i32
      %lt3A_2425 = vector.broadcast %lt3A_2424 : i32 to vector<16xi32>
      %lt3A_2426 = arith.cmpi slt, %xor3A_2423, %lt3A_2425 : vector<16xi32>
      %add3A_2427 = arith.constant 16 : i32
      %add3A_2428 = vector.broadcast %add3A_2427 : i32 to vector<16xi32>
      %add3A_2429 = arith.addi %xor3A_2423, %add3A_2428 : vector<16xi32>
      %select_n3A_2430 = arith.select %lt3A_2426, %add3A_2429, %xor3A_2423 : vector<16xi1>, vector<16xi32>
      %broadcast_in_dim3A_2431 = vector.shape_cast %select_n3A_2430 : vector<16xi32> to vector<16x1xi32>
      %gather3A_2432 = vector.shape_cast %broadcast_in_dim3A_2431 : vector<16x1xi32> to vector<16xi32>
      %gather3A_2433 = tpu.dynamic_gather %add3A_2420[%gather3A_2432] in [0] : vector<16xf32>, vector<16xi32> -> vector<16xf32>
      %add3A_2434 = arith.addf %add3A_2420, %gather3A_2433 : vector<16xf32>
      %xor3A_2435 = arith.constant 8 : i32
      %xor3A_2436 = vector.broadcast %xor3A_2435 : i32 to vector<16xi32>
      %xor3A_2437 = arith.xori %iota3A_2083, %xor3A_2436 : vector<16xi32>
      %lt3A_2438 = arith.constant 0 : i32
      %lt3A_2439 = vector.broadcast %lt3A_2438 : i32 to vector<16xi32>
      %lt3A_2440 = arith.cmpi slt, %xor3A_2437, %lt3A_2439 : vector<16xi32>
      %add3A_2441 = arith.constant 16 : i32
      %add3A_2442 = vector.broadcast %add3A_2441 : i32 to vector<16xi32>
      %add3A_2443 = arith.addi %xor3A_2437, %add3A_2442 : vector<16xi32>
      %select_n3A_2444 = arith.select %lt3A_2440, %add3A_2443, %xor3A_2437 : vector<16xi1>, vector<16xi32>
      %broadcast_in_dim3A_2445 = vector.shape_cast %select_n3A_2444 : vector<16xi32> to vector<16x1xi32>
      %gather3A_2446 = vector.shape_cast %broadcast_in_dim3A_2445 : vector<16x1xi32> to vector<16xi32>
      %gather3A_2447 = tpu.dynamic_gather %add3A_2434[%gather3A_2446] in [0] : vector<16xf32>, vector<16xi32> -> vector<16xf32>
      %add3A_2448 = arith.addf %add3A_2434, %gather3A_2447 : vector<16xf32>
      %mul3A_2449 = arith.constant 1.562500e-02 : f32
      %mul3A_2450 = vector.broadcast %mul3A_2449 : f32 to vector<16xf32>
      %mul3A_2451 = arith.mulf %add3A_2448, %mul3A_2450 : vector<16xf32>
      %mul3A_2452 = arith.mulf %mul3A_2392, %mul3A_2392 : vector<16xf32>
      %sub3A_2453 = arith.subf %mul3A_2451, %mul3A_2452 : vector<16xf32>
      %add3A_2454 = arith.constant 9.99999974E-6 : f32
      %add3A_2455 = vector.broadcast %add3A_2454 : f32 to vector<16xf32>
      %add3A_2456 = arith.addf %sub3A_2453, %add3A_2455 : vector<16xf32>
      %bitcast_convert_type3A_2457 = tpu.bitcast %add3A_2456 : vector<16xf32> -> vector<16xi32>
      %shift_right_arithmetic3A_2458 = arith.constant 1 : i32
      %shift_right_arithmetic3A_2459 = vector.broadcast %shift_right_arithmetic3A_2458 : i32 to vector<16xi32>
      %shift_right_arithmetic3A_2460 = arith.shrsi %bitcast_convert_type3A_2457, %shift_right_arithmetic3A_2459 : vector<16xi32>
      %sub3A_2461 = arith.constant 1597463007 : i32
      %sub3A_2462 = vector.broadcast %sub3A_2461 : i32 to vector<16xi32>
      %sub3A_2463 = arith.subi %sub3A_2462, %shift_right_arithmetic3A_2460 : vector<16xi32>
      %bitcast_convert_type3A_2464 = tpu.bitcast %sub3A_2463 : vector<16xi32> -> vector<16xf32>
      %mul3A_2465 = arith.constant 5.000000e-01 : f32
      %mul3A_2466 = vector.broadcast %mul3A_2465 : f32 to vector<16xf32>
      %mul3A_2467 = arith.mulf %mul3A_2466, %add3A_2456 : vector<16xf32>
      %mul3A_2468 = arith.mulf %mul3A_2467, %bitcast_convert_type3A_2464 : vector<16xf32>
      %mul3A_2469 = arith.mulf %mul3A_2468, %bitcast_convert_type3A_2464 : vector<16xf32>
      %sub3A_2470 = arith.constant 1.500000e+00 : f32
      %sub3A_2471 = vector.broadcast %sub3A_2470 : f32 to vector<16xf32>
      %sub3A_2472 = arith.subf %sub3A_2471, %mul3A_2469 : vector<16xf32>
      %mul3A_2473 = arith.mulf %bitcast_convert_type3A_2464, %sub3A_2472 : vector<16xf32>
      %mul3A_2474 = arith.constant 5.000000e-01 : f32
      %mul3A_2475 = vector.broadcast %mul3A_2474 : f32 to vector<16xf32>
      %mul3A_2476 = arith.mulf %mul3A_2475, %add3A_2456 : vector<16xf32>
      %mul3A_2477 = arith.mulf %mul3A_2476, %mul3A_2473 : vector<16xf32>
      %mul3A_2478 = arith.mulf %mul3A_2477, %mul3A_2473 : vector<16xf32>
      %sub3A_2479 = arith.constant 1.500000e+00 : f32
      %sub3A_2480 = vector.broadcast %sub3A_2479 : f32 to vector<16xf32>
      %sub3A_2481 = arith.subf %sub3A_2480, %mul3A_2478 : vector<16xf32>
      %mul3A_2482 = arith.mulf %mul3A_2473, %sub3A_2481 : vector<16xf32>
      %mul3A_2483 = arith.constant 5.000000e-01 : f32
      %mul3A_2484 = vector.broadcast %mul3A_2483 : f32 to vector<16xf32>
      %mul3A_2485 = arith.mulf %mul3A_2484, %add3A_2456 : vector<16xf32>
      %mul3A_2486 = arith.mulf %mul3A_2485, %mul3A_2482 : vector<16xf32>
      %mul3A_2487 = arith.mulf %mul3A_2486, %mul3A_2482 : vector<16xf32>
      %sub3A_2488 = arith.constant 1.500000e+00 : f32
      %sub3A_2489 = vector.broadcast %sub3A_2488 : f32 to vector<16xf32>
      %sub3A_2490 = arith.subf %sub3A_2489, %mul3A_2487 : vector<16xf32>
      %mul3A_2491 = arith.mulf %mul3A_2482, %sub3A_2490 : vector<16xf32>
      %mul3A_2492 = arith.constant 8 : i32
      %mul3A_2493 = arith.muli %add3A_2019, %mul3A_2492 : i32
      %add3A_2494 = arith.constant 1 : i32
      %add3A_2495 = arith.addi %mul3A_2493, %add3A_2494 : i32
      %mul3A_2496 = arith.mulf %mul3A_2491, %get3A_74 : vector<16xf32>
      %sub3A_2497 = arith.subf %add3A_2311, %mul3A_2392 : vector<16xf32>
      %mul3A_2498 = arith.mulf %sub3A_2497, %mul3A_2496 : vector<16xf32>
      %add3A_2499 = arith.addf %mul3A_2498, %get3A_94 : vector<16xf32>
      %swap3A_2500 = arith.index_cast %add3A_2495 : i32 to index
      %swap3A_2501 = arith.constant 0 : index
      %swap3A_2502 = tpu.vector_load %arg9[%swap3A_2500, %swap3A_2501] {strides = array<i32>} : memref<512x64xf32, #tpu.memory_space<vmem>>, vector<1x16xf32>,
      %swap3A_2503 = vector.shape_cast %swap3A_2502 : vector<1x16xf32> to vector<16xf32>
      %swap3A_2504 = vector.shape_cast %add3A_2499 : vector<16xf32> to vector<1x16xf32>
      tpu.vector_store %arg9[%swap3A_2500, %swap3A_2501], %swap3A_2504 {strides = array<i32>} : memref<512x64xf32, #tpu.memory_space<vmem>>, vector<1x16xf32>,
      %mul3A_2505 = arith.mulf %mul3A_2491, %get3A_79 : vector<16xf32>
      %sub3A_2506 = arith.subf %add3A_2315, %mul3A_2392 : vector<16xf32>
      %mul3A_2507 = arith.mulf %sub3A_2506, %mul3A_2505 : vector<16xf32>
      %add3A_2508 = arith.addf %mul3A_2507, %get3A_99 : vector<16xf32>
      %swap3A_2509 = arith.index_cast %add3A_2495 : i32 to index
      %swap3A_2510 = arith.constant 16 : index
      %swap3A_2511 = tpu.vector_load %arg9[%swap3A_2509, %swap3A_2510] {strides = array<i32>} : memref<512x64xf32, #tpu.memory_space<vmem>>, vector<1x16xf32>,
      %swap3A_2512 = vector.shape_cast %swap3A_2511 : vector<1x16xf32> to vector<16xf32>
      %swap3A_2513 = vector.shape_cast %add3A_2508 : vector<16xf32> to vector<1x16xf32>
      tpu.vector_store %arg9[%swap3A_2509, %swap3A_2510], %swap3A_2513 {strides = array<i32>} : memref<512x64xf32, #tpu.memory_space<vmem>>, vector<1x16xf32>,
      %mul3A_2514 = arith.mulf %mul3A_2491, %get3A_84 : vector<16xf32>
      %sub3A_2515 = arith.subf %add3A_2319, %mul3A_2392 : vector<16xf32>
      %mul3A_2516 = arith.mulf %sub3A_2515, %mul3A_2514 : vector<16xf32>
      %add3A_2517 = arith.addf %mul3A_2516, %get3A_104 : vector<16xf32>
      %swap3A_2518 = arith.index_cast %add3A_2495 : i32 to index
      %swap3A_2519 = arith.constant 32 : index
      %swap3A_2520 = tpu.vector_load %arg9[%swap3A_2518, %swap3A_2519] {strides = array<i32>} : memref<512x64xf32, #tpu.memory_space<vmem>>, vector<1x16xf32>,
      %swap3A_2521 = vector.shape_cast %swap3A_2520 : vector<1x16xf32> to vector<16xf32>
      %swap3A_2522 = vector.shape_cast %add3A_2517 : vector<16xf32> to vector<1x16xf32>
      tpu.vector_store %arg9[%swap3A_2518, %swap3A_2519], %swap3A_2522 {strides = array<i32>} : memref<512x64xf32, #tpu.memory_space<vmem>>, vector<1x16xf32>,
      %mul3A_2523 = arith.mulf %mul3A_2491, %get3A_89 : vector<16xf32>
      %sub3A_2524 = arith.subf %add3A_2323, %mul3A_2392 : vector<16xf32>
      %mul3A_2525 = arith.mulf %sub3A_2524, %mul3A_2523 : vector<16xf32>
      %add3A_2526 = arith.addf %mul3A_2525, %get3A_109 : vector<16xf32>
      %swap3A_2527 = arith.index_cast %add3A_2495 : i32 to index
      %swap3A_2528 = arith.constant 48 : index
      %swap3A_2529 = tpu.vector_load %arg9[%swap3A_2527, %swap3A_2528] {strides = array<i32>} : memref<512x64xf32, #tpu.memory_space<vmem>>, vector<1x16xf32>,
      %swap3A_2530 = vector.shape_cast %swap3A_2529 : vector<1x16xf32> to vector<16xf32>
      %swap3A_2531 = vector.shape_cast %add3A_2526 : vector<16xf32> to vector<1x16xf32>
      tpu.vector_store %arg9[%swap3A_2527, %swap3A_2528], %swap3A_2531 {strides = array<i32>} : memref<512x64xf32, #tpu.memory_space<vmem>>, vector<1x16xf32>,
      %mul3A_2532 = arith.constant 5.000000e-02 : f32
      %mul3A_2533 = vector.broadcast %mul3A_2532 : f32 to vector<16xf32>
      %mul3A_2534 = arith.mulf %scan3A_2081#8, %mul3A_2533 : vector<16xf32>
      %add3A_2535 = arith.addf %mul3A_2534, %add3A_18 : vector<16xf32>
      %mul3A_2536 = arith.constant 5.000000e-02 : f32
      %mul3A_2537 = vector.broadcast %mul3A_2536 : f32 to vector<16xf32>
      %mul3A_2538 = arith.mulf %scan3A_2081#9, %mul3A_2537 : vector<16xf32>
      %add3A_2539 = arith.addf %mul3A_2538, %add3A_35 : vector<16xf32>
      %mul3A_2540 = arith.constant 5.000000e-02 : f32
      %mul3A_2541 = vector.broadcast %mul3A_2540 : f32 to vector<16xf32>
      %mul3A_2542 = arith.mulf %scan3A_2081#10, %mul3A_2541 : vector<16xf32>
      %add3A_2543 = arith.addf %mul3A_2542, %add3A_52 : vector<16xf32>
      %mul3A_2544 = arith.constant 5.000000e-02 : f32
      %mul3A_2545 = vector.broadcast %mul3A_2544 : f32 to vector<16xf32>
      %mul3A_2546 = arith.mulf %scan3A_2081#11, %mul3A_2545 : vector<16xf32>
      %add3A_2547 = arith.addf %mul3A_2546, %add3A_69 : vector<16xf32>
      %add3A_2548 = arith.addf %add3A_2535, %add3A_2539 : vector<16xf32>
      %add3A_2549 = arith.addf %add3A_2543, %add3A_2547 : vector<16xf32>
      %add3A_2550 = arith.addf %add3A_2548, %add3A_2549 : vector<16xf32>
      %mul3A_2551 = arith.mulf %add3A_2535, %add3A_2535 : vector<16xf32>
      %mul3A_2552 = arith.mulf %add3A_2539, %add3A_2539 : vector<16xf32>
      %add3A_2553 = arith.addf %mul3A_2551, %mul3A_2552 : vector<16xf32>
      %mul3A_2554 = arith.mulf %add3A_2543, %add3A_2543 : vector<16xf32>
      %mul3A_2555 = arith.mulf %add3A_2547, %add3A_2547 : vector<16xf32>
      %add3A_2556 = arith.addf %mul3A_2554, %mul3A_2555 : vector<16xf32>
      %add3A_2557 = arith.addf %add3A_2553, %add3A_2556 : vector<16xf32>
      %xor3A_2558 = arith.constant 1 : i32
      %xor3A_2559 = vector.broadcast %xor3A_2558 : i32 to vector<16xi32>
      %xor3A_2560 = arith.xori %iota3A_2083, %xor3A_2559 : vector<16xi32>
      %lt3A_2561 = arith.constant 0 : i32
      %lt3A_2562 = vector.broadcast %lt3A_2561 : i32 to vector<16xi32>
      %lt3A_2563 = arith.cmpi slt, %xor3A_2560, %lt3A_2562 : vector<16xi32>
      %add3A_2564 = arith.constant 16 : i32
      %add3A_2565 = vector.broadcast %add3A_2564 : i32 to vector<16xi32>
      %add3A_2566 = arith.addi %xor3A_2560, %add3A_2565 : vector<16xi32>
      %select_n3A_2567 = arith.select %lt3A_2563, %add3A_2566, %xor3A_2560 : vector<16xi1>, vector<16xi32>
      %broadcast_in_dim3A_2568 = vector.shape_cast %select_n3A_2567 : vector<16xi32> to vector<16x1xi32>
      %gather3A_2569 = vector.shape_cast %broadcast_in_dim3A_2568 : vector<16x1xi32> to vector<16xi32>
      %gather3A_2570 = tpu.dynamic_gather %add3A_2550[%gather3A_2569] in [0] : vector<16xf32>, vector<16xi32> -> vector<16xf32>
      %add3A_2571 = arith.addf %add3A_2550, %gather3A_2570 : vector<16xf32>
      %xor3A_2572 = arith.constant 2 : i32
      %xor3A_2573 = vector.broadcast %xor3A_2572 : i32 to vector<16xi32>
      %xor3A_2574 = arith.xori %iota3A_2083, %xor3A_2573 : vector<16xi32>
      %lt3A_2575 = arith.constant 0 : i32
      %lt3A_2576 = vector.broadcast %lt3A_2575 : i32 to vector<16xi32>
      %lt3A_2577 = arith.cmpi slt, %xor3A_2574, %lt3A_2576 : vector<16xi32>
      %add3A_2578 = arith.constant 16 : i32
      %add3A_2579 = vector.broadcast %add3A_2578 : i32 to vector<16xi32>
      %add3A_2580 = arith.addi %xor3A_2574, %add3A_2579 : vector<16xi32>
      %select_n3A_2581 = arith.select %lt3A_2577, %add3A_2580, %xor3A_2574 : vector<16xi1>, vector<16xi32>
      %broadcast_in_dim3A_2582 = vector.shape_cast %select_n3A_2581 : vector<16xi32> to vector<16x1xi32>
      %gather3A_2583 = vector.shape_cast %broadcast_in_dim3A_2582 : vector<16x1xi32> to vector<16xi32>
      %gather3A_2584 = tpu.dynamic_gather %add3A_2571[%gather3A_2583] in [0] : vector<16xf32>, vector<16xi32> -> vector<16xf32>
      %add3A_2585 = arith.addf %add3A_2571, %gather3A_2584 : vector<16xf32>
      %xor3A_2586 = arith.constant 4 : i32
      %xor3A_2587 = vector.broadcast %xor3A_2586 : i32 to vector<16xi32>
      %xor3A_2588 = arith.xori %iota3A_2083, %xor3A_2587 : vector<16xi32>
      %lt3A_2589 = arith.constant 0 : i32
      %lt3A_2590 = vector.broadcast %lt3A_2589 : i32 to vector<16xi32>
      %lt3A_2591 = arith.cmpi slt, %xor3A_2588, %lt3A_2590 : vector<16xi32>
      %add3A_2592 = arith.constant 16 : i32
      %add3A_2593 = vector.broadcast %add3A_2592 : i32 to vector<16xi32>
      %add3A_2594 = arith.addi %xor3A_2588, %add3A_2593 : vector<16xi32>
      %select_n3A_2595 = arith.select %lt3A_2591, %add3A_2594, %xor3A_2588 : vector<16xi1>, vector<16xi32>
      %broadcast_in_dim3A_2596 = vector.shape_cast %select_n3A_2595 : vector<16xi32> to vector<16x1xi32>
      %gather3A_2597 = vector.shape_cast %broadcast_in_dim3A_2596 : vector<16x1xi32> to vector<16xi32>
      %gather3A_2598 = tpu.dynamic_gather %add3A_2585[%gather3A_2597] in [0] : vector<16xf32>, vector<16xi32> -> vector<16xf32>
      %add3A_2599 = arith.addf %add3A_2585, %gather3A_2598 : vector<16xf32>
      %xor3A_2600 = arith.constant 8 : i32
      %xor3A_2601 = vector.broadcast %xor3A_2600 : i32 to vector<16xi32>
      %xor3A_2602 = arith.xori %iota3A_2083, %xor3A_2601 : vector<16xi32>
      %lt3A_2603 = arith.constant 0 : i32
      %lt3A_2604 = vector.broadcast %lt3A_2603 : i32 to vector<16xi32>
      %lt3A_2605 = arith.cmpi slt, %xor3A_2602, %lt3A_2604 : vector<16xi32>
      %add3A_2606 = arith.constant 16 : i32
      %add3A_2607 = vector.broadcast %add3A_2606 : i32 to vector<16xi32>
      %add3A_2608 = arith.addi %xor3A_2602, %add3A_2607 : vector<16xi32>
      %select_n3A_2609 = arith.select %lt3A_2605, %add3A_2608, %xor3A_2602 : vector<16xi1>, vector<16xi32>
      %broadcast_in_dim3A_2610 = vector.shape_cast %select_n3A_2609 : vector<16xi32> to vector<16x1xi32>
      %gather3A_2611 = vector.shape_cast %broadcast_in_dim3A_2610 : vector<16x1xi32> to vector<16xi32>
      %gather3A_2612 = tpu.dynamic_gather %add3A_2599[%gather3A_2611] in [0] : vector<16xf32>, vector<16xi32> -> vector<16xf32>
      %add3A_2613 = arith.addf %add3A_2599, %gather3A_2612 : vector<16xf32>
      %mul3A_2614 = arith.constant 1.562500e-02 : f32
      %mul3A_2615 = vector.broadcast %mul3A_2614 : f32 to vector<16xf32>
      %mul3A_2616 = arith.mulf %add3A_2613, %mul3A_2615 : vector<16xf32>
      %xor3A_2617 = arith.constant 1 : i32
      %xor3A_2618 = vector.broadcast %xor3A_2617 : i32 to vector<16xi32>
      %xor3A_2619 = arith.xori %iota3A_2083, %xor3A_2618 : vector<16xi32>
      %lt3A_2620 = arith.constant 0 : i32
      %lt3A_2621 = vector.broadcast %lt3A_2620 : i32 to vector<16xi32>
      %lt3A_2622 = arith.cmpi slt, %xor3A_2619, %lt3A_2621 : vector<16xi32>
      %add3A_2623 = arith.constant 16 : i32
      %add3A_2624 = vector.broadcast %add3A_2623 : i32 to vector<16xi32>
      %add3A_2625 = arith.addi %xor3A_2619, %add3A_2624 : vector<16xi32>
      %select_n3A_2626 = arith.select %lt3A_2622, %add3A_2625, %xor3A_2619 : vector<16xi1>, vector<16xi32>
      %broadcast_in_dim3A_2627 = vector.shape_cast %select_n3A_2626 : vector<16xi32> to vector<16x1xi32>
      %gather3A_2628 = vector.shape_cast %broadcast_in_dim3A_2627 : vector<16x1xi32> to vector<16xi32>
      %gather3A_2629 = tpu.dynamic_gather %add3A_2557[%gather3A_2628] in [0] : vector<16xf32>, vector<16xi32> -> vector<16xf32>
      %add3A_2630 = arith.addf %add3A_2557, %gather3A_2629 : vector<16xf32>
      %xor3A_2631 = arith.constant 2 : i32
      %xor3A_2632 = vector.broadcast %xor3A_2631 : i32 to vector<16xi32>
      %xor3A_2633 = arith.xori %iota3A_2083, %xor3A_2632 : vector<16xi32>
      %lt3A_2634 = arith.constant 0 : i32
      %lt3A_2635 = vector.broadcast %lt3A_2634 : i32 to vector<16xi32>
      %lt3A_2636 = arith.cmpi slt, %xor3A_2633, %lt3A_2635 : vector<16xi32>
      %add3A_2637 = arith.constant 16 : i32
      %add3A_2638 = vector.broadcast %add3A_2637 : i32 to vector<16xi32>
      %add3A_2639 = arith.addi %xor3A_2633, %add3A_2638 : vector<16xi32>
      %select_n3A_2640 = arith.select %lt3A_2636, %add3A_2639, %xor3A_2633 : vector<16xi1>, vector<16xi32>
      %broadcast_in_dim3A_2641 = vector.shape_cast %select_n3A_2640 : vector<16xi32> to vector<16x1xi32>
      %gather3A_2642 = vector.shape_cast %broadcast_in_dim3A_2641 : vector<16x1xi32> to vector<16xi32>
      %gather3A_2643 = tpu.dynamic_gather %add3A_2630[%gather3A_2642] in [0] : vector<16xf32>, vector<16xi32> -> vector<16xf32>
      %add3A_2644 = arith.addf %add3A_2630, %gather3A_2643 : vector<16xf32>
      %xor3A_2645 = arith.constant 4 : i32
      %xor3A_2646 = vector.broadcast %xor3A_2645 : i32 to vector<16xi32>
      %xor3A_2647 = arith.xori %iota3A_2083, %xor3A_2646 : vector<16xi32>
      %lt3A_2648 = arith.constant 0 : i32
      %lt3A_2649 = vector.broadcast %lt3A_2648 : i32 to vector<16xi32>
      %lt3A_2650 = arith.cmpi slt, %xor3A_2647, %lt3A_2649 : vector<16xi32>
      %add3A_2651 = arith.constant 16 : i32
      %add3A_2652 = vector.broadcast %add3A_2651 : i32 to vector<16xi32>
      %add3A_2653 = arith.addi %xor3A_2647, %add3A_2652 : vector<16xi32>
      %select_n3A_2654 = arith.select %lt3A_2650, %add3A_2653, %xor3A_2647 : vector<16xi1>, vector<16xi32>
      %broadcast_in_dim3A_2655 = vector.shape_cast %select_n3A_2654 : vector<16xi32> to vector<16x1xi32>
      %gather3A_2656 = vector.shape_cast %broadcast_in_dim3A_2655 : vector<16x1xi32> to vector<16xi32>
      %gather3A_2657 = tpu.dynamic_gather %add3A_2644[%gather3A_2656] in [0] : vector<16xf32>, vector<16xi32> -> vector<16xf32>
      %add3A_2658 = arith.addf %add3A_2644, %gather3A_2657 : vector<16xf32>
      %xor3A_2659 = arith.constant 8 : i32
      %xor3A_2660 = vector.broadcast %xor3A_2659 : i32 to vector<16xi32>
      %xor3A_2661 = arith.xori %iota3A_2083, %xor3A_2660 : vector<16xi32>
      %lt3A_2662 = arith.constant 0 : i32
      %lt3A_2663 = vector.broadcast %lt3A_2662 : i32 to vector<16xi32>
      %lt3A_2664 = arith.cmpi slt, %xor3A_2661, %lt3A_2663 : vector<16xi32>
      %add3A_2665 = arith.constant 16 : i32
      %add3A_2666 = vector.broadcast %add3A_2665 : i32 to vector<16xi32>
      %add3A_2667 = arith.addi %xor3A_2661, %add3A_2666 : vector<16xi32>
      %select_n3A_2668 = arith.select %lt3A_2664, %add3A_2667, %xor3A_2661 : vector<16xi1>, vector<16xi32>
      %broadcast_in_dim3A_2669 = vector.shape_cast %select_n3A_2668 : vector<16xi32> to vector<16x1xi32>
      %gather3A_2670 = vector.shape_cast %broadcast_in_dim3A_2669 : vector<16x1xi32> to vector<16xi32>
      %gather3A_2671 = tpu.dynamic_gather %add3A_2658[%gather3A_2670] in [0] : vector<16xf32>, vector<16xi32> -> vector<16xf32>
      %add3A_2672 = arith.addf %add3A_2658, %gather3A_2671 : vector<16xf32>
      %mul3A_2673 = arith.constant 1.562500e-02 : f32
      %mul3A_2674 = vector.broadcast %mul3A_2673 : f32 to vector<16xf32>
      %mul3A_2675 = arith.mulf %add3A_2672, %mul3A_2674 : vector<16xf32>
      %mul3A_2676 = arith.mulf %mul3A_2616, %mul3A_2616 : vector<16xf32>
      %sub3A_2677 = arith.subf %mul3A_2675, %mul3A_2676 : vector<16xf32>
      %add3A_2678 = arith.constant 9.99999974E-6 : f32
      %add3A_2679 = vector.broadcast %add3A_2678 : f32 to vector<16xf32>
      %add3A_2680 = arith.addf %sub3A_2677, %add3A_2679 : vector<16xf32>
      %bitcast_convert_type3A_2681 = tpu.bitcast %add3A_2680 : vector<16xf32> -> vector<16xi32>
      %shift_right_arithmetic3A_2682 = arith.constant 1 : i32
      %shift_right_arithmetic3A_2683 = vector.broadcast %shift_right_arithmetic3A_2682 : i32 to vector<16xi32>
      %shift_right_arithmetic3A_2684 = arith.shrsi %bitcast_convert_type3A_2681, %shift_right_arithmetic3A_2683 : vector<16xi32>
      %sub3A_2685 = arith.constant 1597463007 : i32
      %sub3A_2686 = vector.broadcast %sub3A_2685 : i32 to vector<16xi32>
      %sub3A_2687 = arith.subi %sub3A_2686, %shift_right_arithmetic3A_2684 : vector<16xi32>
      %bitcast_convert_type3A_2688 = tpu.bitcast %sub3A_2687 : vector<16xi32> -> vector<16xf32>
      %mul3A_2689 = arith.constant 5.000000e-01 : f32
      %mul3A_2690 = vector.broadcast %mul3A_2689 : f32 to vector<16xf32>
      %mul3A_2691 = arith.mulf %mul3A_2690, %add3A_2680 : vector<16xf32>
      %mul3A_2692 = arith.mulf %mul3A_2691, %bitcast_convert_type3A_2688 : vector<16xf32>
      %mul3A_2693 = arith.mulf %mul3A_2692, %bitcast_convert_type3A_2688 : vector<16xf32>
      %sub3A_2694 = arith.constant 1.500000e+00 : f32
      %sub3A_2695 = vector.broadcast %sub3A_2694 : f32 to vector<16xf32>
      %sub3A_2696 = arith.subf %sub3A_2695, %mul3A_2693 : vector<16xf32>
      %mul3A_2697 = arith.mulf %bitcast_convert_type3A_2688, %sub3A_2696 : vector<16xf32>
      %mul3A_2698 = arith.constant 5.000000e-01 : f32
      %mul3A_2699 = vector.broadcast %mul3A_2698 : f32 to vector<16xf32>
      %mul3A_2700 = arith.mulf %mul3A_2699, %add3A_2680 : vector<16xf32>
      %mul3A_2701 = arith.mulf %mul3A_2700, %mul3A_2697 : vector<16xf32>
      %mul3A_2702 = arith.mulf %mul3A_2701, %mul3A_2697 : vector<16xf32>
      %sub3A_2703 = arith.constant 1.500000e+00 : f32
      %sub3A_2704 = vector.broadcast %sub3A_2703 : f32 to vector<16xf32>
      %sub3A_2705 = arith.subf %sub3A_2704, %mul3A_2702 : vector<16xf32>
      %mul3A_2706 = arith.mulf %mul3A_2697, %sub3A_2705 : vector<16xf32>
      %mul3A_2707 = arith.constant 5.000000e-01 : f32
      %mul3A_2708 = vector.broadcast %mul3A_2707 : f32 to vector<16xf32>
      %mul3A_2709 = arith.mulf %mul3A_2708, %add3A_2680 : vector<16xf32>
      %mul3A_2710 = arith.mulf %mul3A_2709, %mul3A_2706 : vector<16xf32>
      %mul3A_2711 = arith.mulf %mul3A_2710, %mul3A_2706 : vector<16xf32>
      %sub3A_2712 = arith.constant 1.500000e+00 : f32
      %sub3A_2713 = vector.broadcast %sub3A_2712 : f32 to vector<16xf32>
      %sub3A_2714 = arith.subf %sub3A_2713, %mul3A_2711 : vector<16xf32>
      %mul3A_2715 = arith.mulf %mul3A_2706, %sub3A_2714 : vector<16xf32>
      %mul3A_2716 = arith.constant 8 : i32
      %mul3A_2717 = arith.muli %add3A_2019, %mul3A_2716 : i32
      %add3A_2718 = arith.constant 2 : i32
      %add3A_2719 = arith.addi %mul3A_2717, %add3A_2718 : i32
      %mul3A_2720 = arith.mulf %mul3A_2715, %get3A_74 : vector<16xf32>
      %sub3A_2721 = arith.subf %add3A_2535, %mul3A_2616 : vector<16xf32>
      %mul3A_2722 = arith.mulf %sub3A_2721, %mul3A_2720 : vector<16xf32>
      %add3A_2723 = arith.addf %mul3A_2722, %get3A_94 : vector<16xf32>
      %swap3A_2724 = arith.index_cast %add3A_2719 : i32 to index
      %swap3A_2725 = arith.constant 0 : index
      %swap3A_2726 = tpu.vector_load %arg9[%swap3A_2724, %swap3A_2725] {strides = array<i32>} : memref<512x64xf32, #tpu.memory_space<vmem>>, vector<1x16xf32>,
      %swap3A_2727 = vector.shape_cast %swap3A_2726 : vector<1x16xf32> to vector<16xf32>
      %swap3A_2728 = vector.shape_cast %add3A_2723 : vector<16xf32> to vector<1x16xf32>
      tpu.vector_store %arg9[%swap3A_2724, %swap3A_2725], %swap3A_2728 {strides = array<i32>} : memref<512x64xf32, #tpu.memory_space<vmem>>, vector<1x16xf32>,
      %mul3A_2729 = arith.mulf %mul3A_2715, %get3A_79 : vector<16xf32>
      %sub3A_2730 = arith.subf %add3A_2539, %mul3A_2616 : vector<16xf32>
      %mul3A_2731 = arith.mulf %sub3A_2730, %mul3A_2729 : vector<16xf32>
      %add3A_2732 = arith.addf %mul3A_2731, %get3A_99 : vector<16xf32>
      %swap3A_2733 = arith.index_cast %add3A_2719 : i32 to index
      %swap3A_2734 = arith.constant 16 : index
      %swap3A_2735 = tpu.vector_load %arg9[%swap3A_2733, %swap3A_2734] {strides = array<i32>} : memref<512x64xf32, #tpu.memory_space<vmem>>, vector<1x16xf32>,
      %swap3A_2736 = vector.shape_cast %swap3A_2735 : vector<1x16xf32> to vector<16xf32>
      %swap3A_2737 = vector.shape_cast %add3A_2732 : vector<16xf32> to vector<1x16xf32>
      tpu.vector_store %arg9[%swap3A_2733, %swap3A_2734], %swap3A_2737 {strides = array<i32>} : memref<512x64xf32, #tpu.memory_space<vmem>>, vector<1x16xf32>,
      %mul3A_2738 = arith.mulf %mul3A_2715, %get3A_84 : vector<16xf32>
      %sub3A_2739 = arith.subf %add3A_2543, %mul3A_2616 : vector<16xf32>
      %mul3A_2740 = arith.mulf %sub3A_2739, %mul3A_2738 : vector<16xf32>
      %add3A_2741 = arith.addf %mul3A_2740, %get3A_104 : vector<16xf32>
      %swap3A_2742 = arith.index_cast %add3A_2719 : i32 to index
      %swap3A_2743 = arith.constant 32 : index
      %swap3A_2744 = tpu.vector_load %arg9[%swap3A_2742, %swap3A_2743] {strides = array<i32>} : memref<512x64xf32, #tpu.memory_space<vmem>>, vector<1x16xf32>,
      %swap3A_2745 = vector.shape_cast %swap3A_2744 : vector<1x16xf32> to vector<16xf32>
      %swap3A_2746 = vector.shape_cast %add3A_2741 : vector<16xf32> to vector<1x16xf32>
      tpu.vector_store %arg9[%swap3A_2742, %swap3A_2743], %swap3A_2746 {strides = array<i32>} : memref<512x64xf32, #tpu.memory_space<vmem>>, vector<1x16xf32>,
      %mul3A_2747 = arith.mulf %mul3A_2715, %get3A_89 : vector<16xf32>
      %sub3A_2748 = arith.subf %add3A_2547, %mul3A_2616 : vector<16xf32>
      %mul3A_2749 = arith.mulf %sub3A_2748, %mul3A_2747 : vector<16xf32>
      %add3A_2750 = arith.addf %mul3A_2749, %get3A_109 : vector<16xf32>
      %swap3A_2751 = arith.index_cast %add3A_2719 : i32 to index
      %swap3A_2752 = arith.constant 48 : index
      %swap3A_2753 = tpu.vector_load %arg9[%swap3A_2751, %swap3A_2752] {strides = array<i32>} : memref<512x64xf32, #tpu.memory_space<vmem>>, vector<1x16xf32>,
      %swap3A_2754 = vector.shape_cast %swap3A_2753 : vector<1x16xf32> to vector<16xf32>
      %swap3A_2755 = vector.shape_cast %add3A_2750 : vector<16xf32> to vector<1x16xf32>
      tpu.vector_store %arg9[%swap3A_2751, %swap3A_2752], %swap3A_2755 {strides = array<i32>} : memref<512x64xf32, #tpu.memory_space<vmem>>, vector<1x16xf32>,
      %mul3A_2756 = arith.constant 5.000000e-02 : f32
      %mul3A_2757 = vector.broadcast %mul3A_2756 : f32 to vector<16xf32>
      %mul3A_2758 = arith.mulf %scan3A_2081#12, %mul3A_2757 : vector<16xf32>
      %add3A_2759 = arith.addf %mul3A_2758, %add3A_18 : vector<16xf32>
      %mul3A_2760 = arith.constant 5.000000e-02 : f32
      %mul3A_2761 = vector.broadcast %mul3A_2760 : f32 to vector<16xf32>
      %mul3A_2762 = arith.mulf %scan3A_2081#13, %mul3A_2761 : vector<16xf32>
      %add3A_2763 = arith.addf %mul3A_2762, %add3A_35 : vector<16xf32>
      %mul3A_2764 = arith.constant 5.000000e-02 : f32
      %mul3A_2765 = vector.broadcast %mul3A_2764 : f32 to vector<16xf32>
      %mul3A_2766 = arith.mulf %scan3A_2081#14, %mul3A_2765 : vector<16xf32>
      %add3A_2767 = arith.addf %mul3A_2766, %add3A_52 : vector<16xf32>
      %mul3A_2768 = arith.constant 5.000000e-02 : f32
      %mul3A_2769 = vector.broadcast %mul3A_2768 : f32 to vector<16xf32>
      %mul3A_2770 = arith.mulf %scan3A_2081#15, %mul3A_2769 : vector<16xf32>
      %add3A_2771 = arith.addf %mul3A_2770, %add3A_69 : vector<16xf32>
      %add3A_2772 = arith.addf %add3A_2759, %add3A_2763 : vector<16xf32>
      %add3A_2773 = arith.addf %add3A_2767, %add3A_2771 : vector<16xf32>
      %add3A_2774 = arith.addf %add3A_2772, %add3A_2773 : vector<16xf32>
      %mul3A_2775 = arith.mulf %add3A_2759, %add3A_2759 : vector<16xf32>
      %mul3A_2776 = arith.mulf %add3A_2763, %add3A_2763 : vector<16xf32>
      %add3A_2777 = arith.addf %mul3A_2775, %mul3A_2776 : vector<16xf32>
      %mul3A_2778 = arith.mulf %add3A_2767, %add3A_2767 : vector<16xf32>
      %mul3A_2779 = arith.mulf %add3A_2771, %add3A_2771 : vector<16xf32>
      %add3A_2780 = arith.addf %mul3A_2778, %mul3A_2779 : vector<16xf32>
      %add3A_2781 = arith.addf %add3A_2777, %add3A_2780 : vector<16xf32>
      %xor3A_2782 = arith.constant 1 : i32
      %xor3A_2783 = vector.broadcast %xor3A_2782 : i32 to vector<16xi32>
      %xor3A_2784 = arith.xori %iota3A_2083, %xor3A_2783 : vector<16xi32>
      %lt3A_2785 = arith.constant 0 : i32
      %lt3A_2786 = vector.broadcast %lt3A_2785 : i32 to vector<16xi32>
      %lt3A_2787 = arith.cmpi slt, %xor3A_2784, %lt3A_2786 : vector<16xi32>
      %add3A_2788 = arith.constant 16 : i32
      %add3A_2789 = vector.broadcast %add3A_2788 : i32 to vector<16xi32>
      %add3A_2790 = arith.addi %xor3A_2784, %add3A_2789 : vector<16xi32>
      %select_n3A_2791 = arith.select %lt3A_2787, %add3A_2790, %xor3A_2784 : vector<16xi1>, vector<16xi32>
      %broadcast_in_dim3A_2792 = vector.shape_cast %select_n3A_2791 : vector<16xi32> to vector<16x1xi32>
      %gather3A_2793 = vector.shape_cast %broadcast_in_dim3A_2792 : vector<16x1xi32> to vector<16xi32>
      %gather3A_2794 = tpu.dynamic_gather %add3A_2774[%gather3A_2793] in [0] : vector<16xf32>, vector<16xi32> -> vector<16xf32>
      %add3A_2795 = arith.addf %add3A_2774, %gather3A_2794 : vector<16xf32>
      %xor3A_2796 = arith.constant 2 : i32
      %xor3A_2797 = vector.broadcast %xor3A_2796 : i32 to vector<16xi32>
      %xor3A_2798 = arith.xori %iota3A_2083, %xor3A_2797 : vector<16xi32>
      %lt3A_2799 = arith.constant 0 : i32
      %lt3A_2800 = vector.broadcast %lt3A_2799 : i32 to vector<16xi32>
      %lt3A_2801 = arith.cmpi slt, %xor3A_2798, %lt3A_2800 : vector<16xi32>
      %add3A_2802 = arith.constant 16 : i32
      %add3A_2803 = vector.broadcast %add3A_2802 : i32 to vector<16xi32>
      %add3A_2804 = arith.addi %xor3A_2798, %add3A_2803 : vector<16xi32>
      %select_n3A_2805 = arith.select %lt3A_2801, %add3A_2804, %xor3A_2798 : vector<16xi1>, vector<16xi32>
      %broadcast_in_dim3A_2806 = vector.shape_cast %select_n3A_2805 : vector<16xi32> to vector<16x1xi32>
      %gather3A_2807 = vector.shape_cast %broadcast_in_dim3A_2806 : vector<16x1xi32> to vector<16xi32>
      %gather3A_2808 = tpu.dynamic_gather %add3A_2795[%gather3A_2807] in [0] : vector<16xf32>, vector<16xi32> -> vector<16xf32>
      %add3A_2809 = arith.addf %add3A_2795, %gather3A_2808 : vector<16xf32>
      %xor3A_2810 = arith.constant 4 : i32
      %xor3A_2811 = vector.broadcast %xor3A_2810 : i32 to vector<16xi32>
      %xor3A_2812 = arith.xori %iota3A_2083, %xor3A_2811 : vector<16xi32>
      %lt3A_2813 = arith.constant 0 : i32
      %lt3A_2814 = vector.broadcast %lt3A_2813 : i32 to vector<16xi32>
      %lt3A_2815 = arith.cmpi slt, %xor3A_2812, %lt3A_2814 : vector<16xi32>
      %add3A_2816 = arith.constant 16 : i32
      %add3A_2817 = vector.broadcast %add3A_2816 : i32 to vector<16xi32>
      %add3A_2818 = arith.addi %xor3A_2812, %add3A_2817 : vector<16xi32>
      %select_n3A_2819 = arith.select %lt3A_2815, %add3A_2818, %xor3A_2812 : vector<16xi1>, vector<16xi32>
      %broadcast_in_dim3A_2820 = vector.shape_cast %select_n3A_2819 : vector<16xi32> to vector<16x1xi32>
      %gather3A_2821 = vector.shape_cast %broadcast_in_dim3A_2820 : vector<16x1xi32> to vector<16xi32>
      %gather3A_2822 = tpu.dynamic_gather %add3A_2809[%gather3A_2821] in [0] : vector<16xf32>, vector<16xi32> -> vector<16xf32>
      %add3A_2823 = arith.addf %add3A_2809, %gather3A_2822 : vector<16xf32>
      %xor3A_2824 = arith.constant 8 : i32
      %xor3A_2825 = vector.broadcast %xor3A_2824 : i32 to vector<16xi32>
      %xor3A_2826 = arith.xori %iota3A_2083, %xor3A_2825 : vector<16xi32>
      %lt3A_2827 = arith.constant 0 : i32
      %lt3A_2828 = vector.broadcast %lt3A_2827 : i32 to vector<16xi32>
      %lt3A_2829 = arith.cmpi slt, %xor3A_2826, %lt3A_2828 : vector<16xi32>
      %add3A_2830 = arith.constant 16 : i32
      %add3A_2831 = vector.broadcast %add3A_2830 : i32 to vector<16xi32>
      %add3A_2832 = arith.addi %xor3A_2826, %add3A_2831 : vector<16xi32>
      %select_n3A_2833 = arith.select %lt3A_2829, %add3A_2832, %xor3A_2826 : vector<16xi1>, vector<16xi32>
      %broadcast_in_dim3A_2834 = vector.shape_cast %select_n3A_2833 : vector<16xi32> to vector<16x1xi32>
      %gather3A_2835 = vector.shape_cast %broadcast_in_dim3A_2834 : vector<16x1xi32> to vector<16xi32>
      %gather3A_2836 = tpu.dynamic_gather %add3A_2823[%gather3A_2835] in [0] : vector<16xf32>, vector<16xi32> -> vector<16xf32>
      %add3A_2837 = arith.addf %add3A_2823, %gather3A_2836 : vector<16xf32>
      %mul3A_2838 = arith.constant 1.562500e-02 : f32
      %mul3A_2839 = vector.broadcast %mul3A_2838 : f32 to vector<16xf32>
      %mul3A_2840 = arith.mulf %add3A_2837, %mul3A_2839 : vector<16xf32>
      %xor3A_2841 = arith.constant 1 : i32
      %xor3A_2842 = vector.broadcast %xor3A_2841 : i32 to vector<16xi32>
      %xor3A_2843 = arith.xori %iota3A_2083, %xor3A_2842 : vector<16xi32>
      %lt3A_2844 = arith.constant 0 : i32
      %lt3A_2845 = vector.broadcast %lt3A_2844 : i32 to vector<16xi32>
      %lt3A_2846 = arith.cmpi slt, %xor3A_2843, %lt3A_2845 : vector<16xi32>
      %add3A_2847 = arith.constant 16 : i32
      %add3A_2848 = vector.broadcast %add3A_2847 : i32 to vector<16xi32>
      %add3A_2849 = arith.addi %xor3A_2843, %add3A_2848 : vector<16xi32>
      %select_n3A_2850 = arith.select %lt3A_2846, %add3A_2849, %xor3A_2843 : vector<16xi1>, vector<16xi32>
      %broadcast_in_dim3A_2851 = vector.shape_cast %select_n3A_2850 : vector<16xi32> to vector<16x1xi32>
      %gather3A_2852 = vector.shape_cast %broadcast_in_dim3A_2851 : vector<16x1xi32> to vector<16xi32>
      %gather3A_2853 = tpu.dynamic_gather %add3A_2781[%gather3A_2852] in [0] : vector<16xf32>, vector<16xi32> -> vector<16xf32>
      %add3A_2854 = arith.addf %add3A_2781, %gather3A_2853 : vector<16xf32>
      %xor3A_2855 = arith.constant 2 : i32
      %xor3A_2856 = vector.broadcast %xor3A_2855 : i32 to vector<16xi32>
      %xor3A_2857 = arith.xori %iota3A_2083, %xor3A_2856 : vector<16xi32>
      %lt3A_2858 = arith.constant 0 : i32
      %lt3A_2859 = vector.broadcast %lt3A_2858 : i32 to vector<16xi32>
      %lt3A_2860 = arith.cmpi slt, %xor3A_2857, %lt3A_2859 : vector<16xi32>
      %add3A_2861 = arith.constant 16 : i32
      %add3A_2862 = vector.broadcast %add3A_2861 : i32 to vector<16xi32>
      %add3A_2863 = arith.addi %xor3A_2857, %add3A_2862 : vector<16xi32>
      %select_n3A_2864 = arith.select %lt3A_2860, %add3A_2863, %xor3A_2857 : vector<16xi1>, vector<16xi32>
      %broadcast_in_dim3A_2865 = vector.shape_cast %select_n3A_2864 : vector<16xi32> to vector<16x1xi32>
      %gather3A_2866 = vector.shape_cast %broadcast_in_dim3A_2865 : vector<16x1xi32> to vector<16xi32>
      %gather3A_2867 = tpu.dynamic_gather %add3A_2854[%gather3A_2866] in [0] : vector<16xf32>, vector<16xi32> -> vector<16xf32>
      %add3A_2868 = arith.addf %add3A_2854, %gather3A_2867 : vector<16xf32>
      %xor3A_2869 = arith.constant 4 : i32
      %xor3A_2870 = vector.broadcast %xor3A_2869 : i32 to vector<16xi32>
      %xor3A_2871 = arith.xori %iota3A_2083, %xor3A_2870 : vector<16xi32>
      %lt3A_2872 = arith.constant 0 : i32
      %lt3A_2873 = vector.broadcast %lt3A_2872 : i32 to vector<16xi32>
      %lt3A_2874 = arith.cmpi slt, %xor3A_2871, %lt3A_2873 : vector<16xi32>
      %add3A_2875 = arith.constant 16 : i32
      %add3A_2876 = vector.broadcast %add3A_2875 : i32 to vector<16xi32>
      %add3A_2877 = arith.addi %xor3A_2871, %add3A_2876 : vector<16xi32>
      %select_n3A_2878 = arith.select %lt3A_2874, %add3A_2877, %xor3A_2871 : vector<16xi1>, vector<16xi32>
      %broadcast_in_dim3A_2879 = vector.shape_cast %select_n3A_2878 : vector<16xi32> to vector<16x1xi32>
      %gather3A_2880 = vector.shape_cast %broadcast_in_dim3A_2879 : vector<16x1xi32> to vector<16xi32>
      %gather3A_2881 = tpu.dynamic_gather %add3A_2868[%gather3A_2880] in [0] : vector<16xf32>, vector<16xi32> -> vector<16xf32>
      %add3A_2882 = arith.addf %add3A_2868, %gather3A_2881 : vector<16xf32>
      %xor3A_2883 = arith.constant 8 : i32
      %xor3A_2884 = vector.broadcast %xor3A_2883 : i32 to vector<16xi32>
      %xor3A_2885 = arith.xori %iota3A_2083, %xor3A_2884 : vector<16xi32>
      %lt3A_2886 = arith.constant 0 : i32
      %lt3A_2887 = vector.broadcast %lt3A_2886 : i32 to vector<16xi32>
      %lt3A_2888 = arith.cmpi slt, %xor3A_2885, %lt3A_2887 : vector<16xi32>
      %add3A_2889 = arith.constant 16 : i32
      %add3A_2890 = vector.broadcast %add3A_2889 : i32 to vector<16xi32>
      %add3A_2891 = arith.addi %xor3A_2885, %add3A_2890 : vector<16xi32>
      %select_n3A_2892 = arith.select %lt3A_2888, %add3A_2891, %xor3A_2885 : vector<16xi1>, vector<16xi32>
      %broadcast_in_dim3A_2893 = vector.shape_cast %select_n3A_2892 : vector<16xi32> to vector<16x1xi32>
      %gather3A_2894 = vector.shape_cast %broadcast_in_dim3A_2893 : vector<16x1xi32> to vector<16xi32>
      %gather3A_2895 = tpu.dynamic_gather %add3A_2882[%gather3A_2894] in [0] : vector<16xf32>, vector<16xi32> -> vector<16xf32>
      %add3A_2896 = arith.addf %add3A_2882, %gather3A_2895 : vector<16xf32>
      %mul3A_2897 = arith.constant 1.562500e-02 : f32
      %mul3A_2898 = vector.broadcast %mul3A_2897 : f32 to vector<16xf32>
      %mul3A_2899 = arith.mulf %add3A_2896, %mul3A_2898 : vector<16xf32>
      %mul3A_2900 = arith.mulf %mul3A_2840, %mul3A_2840 : vector<16xf32>
      %sub3A_2901 = arith.subf %mul3A_2899, %mul3A_2900 : vector<16xf32>
      %add3A_2902 = arith.constant 9.99999974E-6 : f32
      %add3A_2903 = vector.broadcast %add3A_2902 : f32 to vector<16xf32>
      %add3A_2904 = arith.addf %sub3A_2901, %add3A_2903 : vector<16xf32>
      %bitcast_convert_type3A_2905 = tpu.bitcast %add3A_2904 : vector<16xf32> -> vector<16xi32>
      %shift_right_arithmetic3A_2906 = arith.constant 1 : i32
      %shift_right_arithmetic3A_2907 = vector.broadcast %shift_right_arithmetic3A_2906 : i32 to vector<16xi32>
      %shift_right_arithmetic3A_2908 = arith.shrsi %bitcast_convert_type3A_2905, %shift_right_arithmetic3A_2907 : vector<16xi32>
      %sub3A_2909 = arith.constant 1597463007 : i32
      %sub3A_2910 = vector.broadcast %sub3A_2909 : i32 to vector<16xi32>
      %sub3A_2911 = arith.subi %sub3A_2910, %shift_right_arithmetic3A_2908 : vector<16xi32>
      %bitcast_convert_type3A_2912 = tpu.bitcast %sub3A_2911 : vector<16xi32> -> vector<16xf32>
      %mul3A_2913 = arith.constant 5.000000e-01 : f32
      %mul3A_2914 = vector.broadcast %mul3A_2913 : f32 to vector<16xf32>
      %mul3A_2915 = arith.mulf %mul3A_2914, %add3A_2904 : vector<16xf32>
      %mul3A_2916 = arith.mulf %mul3A_2915, %bitcast_convert_type3A_2912 : vector<16xf32>
      %mul3A_2917 = arith.mulf %mul3A_2916, %bitcast_convert_type3A_2912 : vector<16xf32>
      %sub3A_2918 = arith.constant 1.500000e+00 : f32
      %sub3A_2919 = vector.broadcast %sub3A_2918 : f32 to vector<16xf32>
      %sub3A_2920 = arith.subf %sub3A_2919, %mul3A_2917 : vector<16xf32>
      %mul3A_2921 = arith.mulf %bitcast_convert_type3A_2912, %sub3A_2920 : vector<16xf32>
      %mul3A_2922 = arith.constant 5.000000e-01 : f32
      %mul3A_2923 = vector.broadcast %mul3A_2922 : f32 to vector<16xf32>
      %mul3A_2924 = arith.mulf %mul3A_2923, %add3A_2904 : vector<16xf32>
      %mul3A_2925 = arith.mulf %mul3A_2924, %mul3A_2921 : vector<16xf32>
      %mul3A_2926 = arith.mulf %mul3A_2925, %mul3A_2921 : vector<16xf32>
      %sub3A_2927 = arith.constant 1.500000e+00 : f32
      %sub3A_2928 = vector.broadcast %sub3A_2927 : f32 to vector<16xf32>
      %sub3A_2929 = arith.subf %sub3A_2928, %mul3A_2926 : vector<16xf32>
      %mul3A_2930 = arith.mulf %mul3A_2921, %sub3A_2929 : vector<16xf32>
      %mul3A_2931 = arith.constant 5.000000e-01 : f32
      %mul3A_2932 = vector.broadcast %mul3A_2931 : f32 to vector<16xf32>
      %mul3A_2933 = arith.mulf %mul3A_2932, %add3A_2904 : vector<16xf32>
      %mul3A_2934 = arith.mulf %mul3A_2933, %mul3A_2930 : vector<16xf32>
      %mul3A_2935 = arith.mulf %mul3A_2934, %mul3A_2930 : vector<16xf32>
      %sub3A_2936 = arith.constant 1.500000e+00 : f32
      %sub3A_2937 = vector.broadcast %sub3A_2936 : f32 to vector<16xf32>
      %sub3A_2938 = arith.subf %sub3A_2937, %mul3A_2935 : vector<16xf32>
      %mul3A_2939 = arith.mulf %mul3A_2930, %sub3A_2938 : vector<16xf32>
      %mul3A_2940 = arith.constant 8 : i32
      %mul3A_2941 = arith.muli %add3A_2019, %mul3A_2940 : i32
      %add3A_2942 = arith.constant 3 : i32
      %add3A_2943 = arith.addi %mul3A_2941, %add3A_2942 : i32
      %mul3A_2944 = arith.mulf %mul3A_2939, %get3A_74 : vector<16xf32>
      %sub3A_2945 = arith.subf %add3A_2759, %mul3A_2840 : vector<16xf32>
      %mul3A_2946 = arith.mulf %sub3A_2945, %mul3A_2944 : vector<16xf32>
      %add3A_2947 = arith.addf %mul3A_2946, %get3A_94 : vector<16xf32>
      %swap3A_2948 = arith.index_cast %add3A_2943 : i32 to index
      %swap3A_2949 = arith.constant 0 : index
      %swap3A_2950 = tpu.vector_load %arg9[%swap3A_2948, %swap3A_2949] {strides = array<i32>} : memref<512x64xf32, #tpu.memory_space<vmem>>, vector<1x16xf32>,
      %swap3A_2951 = vector.shape_cast %swap3A_2950 : vector<1x16xf32> to vector<16xf32>
      %swap3A_2952 = vector.shape_cast %add3A_2947 : vector<16xf32> to vector<1x16xf32>
      tpu.vector_store %arg9[%swap3A_2948, %swap3A_2949], %swap3A_2952 {strides = array<i32>} : memref<512x64xf32, #tpu.memory_space<vmem>>, vector<1x16xf32>,
      %mul3A_2953 = arith.mulf %mul3A_2939, %get3A_79 : vector<16xf32>
      %sub3A_2954 = arith.subf %add3A_2763, %mul3A_2840 : vector<16xf32>
      %mul3A_2955 = arith.mulf %sub3A_2954, %mul3A_2953 : vector<16xf32>
      %add3A_2956 = arith.addf %mul3A_2955, %get3A_99 : vector<16xf32>
      %swap3A_2957 = arith.index_cast %add3A_2943 : i32 to index
      %swap3A_2958 = arith.constant 16 : index
      %swap3A_2959 = tpu.vector_load %arg9[%swap3A_2957, %swap3A_2958] {strides = array<i32>} : memref<512x64xf32, #tpu.memory_space<vmem>>, vector<1x16xf32>,
      %swap3A_2960 = vector.shape_cast %swap3A_2959 : vector<1x16xf32> to vector<16xf32>
      %swap3A_2961 = vector.shape_cast %add3A_2956 : vector<16xf32> to vector<1x16xf32>
      tpu.vector_store %arg9[%swap3A_2957, %swap3A_2958], %swap3A_2961 {strides = array<i32>} : memref<512x64xf32, #tpu.memory_space<vmem>>, vector<1x16xf32>,
      %mul3A_2962 = arith.mulf %mul3A_2939, %get3A_84 : vector<16xf32>
      %sub3A_2963 = arith.subf %add3A_2767, %mul3A_2840 : vector<16xf32>
      %mul3A_2964 = arith.mulf %sub3A_2963, %mul3A_2962 : vector<16xf32>
      %add3A_2965 = arith.addf %mul3A_2964, %get3A_104 : vector<16xf32>
      %swap3A_2966 = arith.index_cast %add3A_2943 : i32 to index
      %swap3A_2967 = arith.constant 32 : index
      %swap3A_2968 = tpu.vector_load %arg9[%swap3A_2966, %swap3A_2967] {strides = array<i32>} : memref<512x64xf32, #tpu.memory_space<vmem>>, vector<1x16xf32>,
      %swap3A_2969 = vector.shape_cast %swap3A_2968 : vector<1x16xf32> to vector<16xf32>
      %swap3A_2970 = vector.shape_cast %add3A_2965 : vector<16xf32> to vector<1x16xf32>
      tpu.vector_store %arg9[%swap3A_2966, %swap3A_2967], %swap3A_2970 {strides = array<i32>} : memref<512x64xf32, #tpu.memory_space<vmem>>, vector<1x16xf32>,
      %mul3A_2971 = arith.mulf %mul3A_2939, %get3A_89 : vector<16xf32>
      %sub3A_2972 = arith.subf %add3A_2771, %mul3A_2840 : vector<16xf32>
      %mul3A_2973 = arith.mulf %sub3A_2972, %mul3A_2971 : vector<16xf32>
      %add3A_2974 = arith.addf %mul3A_2973, %get3A_109 : vector<16xf32>
      %swap3A_2975 = arith.index_cast %add3A_2943 : i32 to index
      %swap3A_2976 = arith.constant 48 : index
      %swap3A_2977 = tpu.vector_load %arg9[%swap3A_2975, %swap3A_2976] {strides = array<i32>} : memref<512x64xf32, #tpu.memory_space<vmem>>, vector<1x16xf32>,
      %swap3A_2978 = vector.shape_cast %swap3A_2977 : vector<1x16xf32> to vector<16xf32>
      %swap3A_2979 = vector.shape_cast %add3A_2974 : vector<16xf32> to vector<1x16xf32>
      tpu.vector_store %arg9[%swap3A_2975, %swap3A_2976], %swap3A_2979 {strides = array<i32>} : memref<512x64xf32, #tpu.memory_space<vmem>>, vector<1x16xf32>,
      %mul3A_2980 = arith.constant 5.000000e-02 : f32
      %mul3A_2981 = vector.broadcast %mul3A_2980 : f32 to vector<16xf32>
      %mul3A_2982 = arith.mulf %scan3A_2081#16, %mul3A_2981 : vector<16xf32>
      %add3A_2983 = arith.addf %mul3A_2982, %add3A_18 : vector<16xf32>
      %mul3A_2984 = arith.constant 5.000000e-02 : f32
      %mul3A_2985 = vector.broadcast %mul3A_2984 : f32 to vector<16xf32>
      %mul3A_2986 = arith.mulf %scan3A_2081#17, %mul3A_2985 : vector<16xf32>
      %add3A_2987 = arith.addf %mul3A_2986, %add3A_35 : vector<16xf32>
      %mul3A_2988 = arith.constant 5.000000e-02 : f32
      %mul3A_2989 = vector.broadcast %mul3A_2988 : f32 to vector<16xf32>
      %mul3A_2990 = arith.mulf %scan3A_2081#18, %mul3A_2989 : vector<16xf32>
      %add3A_2991 = arith.addf %mul3A_2990, %add3A_52 : vector<16xf32>
      %mul3A_2992 = arith.constant 5.000000e-02 : f32
      %mul3A_2993 = vector.broadcast %mul3A_2992 : f32 to vector<16xf32>
      %mul3A_2994 = arith.mulf %scan3A_2081#19, %mul3A_2993 : vector<16xf32>
      %add3A_2995 = arith.addf %mul3A_2994, %add3A_69 : vector<16xf32>
      %add3A_2996 = arith.addf %add3A_2983, %add3A_2987 : vector<16xf32>
      %add3A_2997 = arith.addf %add3A_2991, %add3A_2995 : vector<16xf32>
      %add3A_2998 = arith.addf %add3A_2996, %add3A_2997 : vector<16xf32>
      %mul3A_2999 = arith.mulf %add3A_2983, %add3A_2983 : vector<16xf32>
      %mul3A_3000 = arith.mulf %add3A_2987, %add3A_2987 : vector<16xf32>
      %add3A_3001 = arith.addf %mul3A_2999, %mul3A_3000 : vector<16xf32>
      %mul3A_3002 = arith.mulf %add3A_2991, %add3A_2991 : vector<16xf32>
      %mul3A_3003 = arith.mulf %add3A_2995, %add3A_2995 : vector<16xf32>
      %add3A_3004 = arith.addf %mul3A_3002, %mul3A_3003 : vector<16xf32>
      %add3A_3005 = arith.addf %add3A_3001, %add3A_3004 : vector<16xf32>
      %xor3A_3006 = arith.constant 1 : i32
      %xor3A_3007 = vector.broadcast %xor3A_3006 : i32 to vector<16xi32>
      %xor3A_3008 = arith.xori %iota3A_2083, %xor3A_3007 : vector<16xi32>
      %lt3A_3009 = arith.constant 0 : i32
      %lt3A_3010 = vector.broadcast %lt3A_3009 : i32 to vector<16xi32>
      %lt3A_3011 = arith.cmpi slt, %xor3A_3008, %lt3A_3010 : vector<16xi32>
      %add3A_3012 = arith.constant 16 : i32
      %add3A_3013 = vector.broadcast %add3A_3012 : i32 to vector<16xi32>
      %add3A_3014 = arith.addi %xor3A_3008, %add3A_3013 : vector<16xi32>
      %select_n3A_3015 = arith.select %lt3A_3011, %add3A_3014, %xor3A_3008 : vector<16xi1>, vector<16xi32>
      %broadcast_in_dim3A_3016 = vector.shape_cast %select_n3A_3015 : vector<16xi32> to vector<16x1xi32>
      %gather3A_3017 = vector.shape_cast %broadcast_in_dim3A_3016 : vector<16x1xi32> to vector<16xi32>
      %gather3A_3018 = tpu.dynamic_gather %add3A_2998[%gather3A_3017] in [0] : vector<16xf32>, vector<16xi32> -> vector<16xf32>
      %add3A_3019 = arith.addf %add3A_2998, %gather3A_3018 : vector<16xf32>
      %xor3A_3020 = arith.constant 2 : i32
      %xor3A_3021 = vector.broadcast %xor3A_3020 : i32 to vector<16xi32>
      %xor3A_3022 = arith.xori %iota3A_2083, %xor3A_3021 : vector<16xi32>
      %lt3A_3023 = arith.constant 0 : i32
      %lt3A_3024 = vector.broadcast %lt3A_3023 : i32 to vector<16xi32>
      %lt3A_3025 = arith.cmpi slt, %xor3A_3022, %lt3A_3024 : vector<16xi32>
      %add3A_3026 = arith.constant 16 : i32
      %add3A_3027 = vector.broadcast %add3A_3026 : i32 to vector<16xi32>
      %add3A_3028 = arith.addi %xor3A_3022, %add3A_3027 : vector<16xi32>
      %select_n3A_3029 = arith.select %lt3A_3025, %add3A_3028, %xor3A_3022 : vector<16xi1>, vector<16xi32>
      %broadcast_in_dim3A_3030 = vector.shape_cast %select_n3A_3029 : vector<16xi32> to vector<16x1xi32>
      %gather3A_3031 = vector.shape_cast %broadcast_in_dim3A_3030 : vector<16x1xi32> to vector<16xi32>
      %gather3A_3032 = tpu.dynamic_gather %add3A_3019[%gather3A_3031] in [0] : vector<16xf32>, vector<16xi32> -> vector<16xf32>
      %add3A_3033 = arith.addf %add3A_3019, %gather3A_3032 : vector<16xf32>
      %xor3A_3034 = arith.constant 4 : i32
      %xor3A_3035 = vector.broadcast %xor3A_3034 : i32 to vector<16xi32>
      %xor3A_3036 = arith.xori %iota3A_2083, %xor3A_3035 : vector<16xi32>
      %lt3A_3037 = arith.constant 0 : i32
      %lt3A_3038 = vector.broadcast %lt3A_3037 : i32 to vector<16xi32>
      %lt3A_3039 = arith.cmpi slt, %xor3A_3036, %lt3A_3038 : vector<16xi32>
      %add3A_3040 = arith.constant 16 : i32
      %add3A_3041 = vector.broadcast %add3A_3040 : i32 to vector<16xi32>
      %add3A_3042 = arith.addi %xor3A_3036, %add3A_3041 : vector<16xi32>
      %select_n3A_3043 = arith.select %lt3A_3039, %add3A_3042, %xor3A_3036 : vector<16xi1>, vector<16xi32>
      %broadcast_in_dim3A_3044 = vector.shape_cast %select_n3A_3043 : vector<16xi32> to vector<16x1xi32>
      %gather3A_3045 = vector.shape_cast %broadcast_in_dim3A_3044 : vector<16x1xi32> to vector<16xi32>
      %gather3A_3046 = tpu.dynamic_gather %add3A_3033[%gather3A_3045] in [0] : vector<16xf32>, vector<16xi32> -> vector<16xf32>
      %add3A_3047 = arith.addf %add3A_3033, %gather3A_3046 : vector<16xf32>
      %xor3A_3048 = arith.constant 8 : i32
      %xor3A_3049 = vector.broadcast %xor3A_3048 : i32 to vector<16xi32>
      %xor3A_3050 = arith.xori %iota3A_2083, %xor3A_3049 : vector<16xi32>
      %lt3A_3051 = arith.constant 0 : i32
      %lt3A_3052 = vector.broadcast %lt3A_3051 : i32 to vector<16xi32>
      %lt3A_3053 = arith.cmpi slt, %xor3A_3050, %lt3A_3052 : vector<16xi32>
      %add3A_3054 = arith.constant 16 : i32
      %add3A_3055 = vector.broadcast %add3A_3054 : i32 to vector<16xi32>
      %add3A_3056 = arith.addi %xor3A_3050, %add3A_3055 : vector<16xi32>
      %select_n3A_3057 = arith.select %lt3A_3053, %add3A_3056, %xor3A_3050 : vector<16xi1>, vector<16xi32>
      %broadcast_in_dim3A_3058 = vector.shape_cast %select_n3A_3057 : vector<16xi32> to vector<16x1xi32>
      %gather3A_3059 = vector.shape_cast %broadcast_in_dim3A_3058 : vector<16x1xi32> to vector<16xi32>
      %gather3A_3060 = tpu.dynamic_gather %add3A_3047[%gather3A_3059] in [0] : vector<16xf32>, vector<16xi32> -> vector<16xf32>
      %add3A_3061 = arith.addf %add3A_3047, %gather3A_3060 : vector<16xf32>
      %mul3A_3062 = arith.constant 1.562500e-02 : f32
      %mul3A_3063 = vector.broadcast %mul3A_3062 : f32 to vector<16xf32>
      %mul3A_3064 = arith.mulf %add3A_3061, %mul3A_3063 : vector<16xf32>
      %xor3A_3065 = arith.constant 1 : i32
      %xor3A_3066 = vector.broadcast %xor3A_3065 : i32 to vector<16xi32>
      %xor3A_3067 = arith.xori %iota3A_2083, %xor3A_3066 : vector<16xi32>
      %lt3A_3068 = arith.constant 0 : i32
      %lt3A_3069 = vector.broadcast %lt3A_3068 : i32 to vector<16xi32>
      %lt3A_3070 = arith.cmpi slt, %xor3A_3067, %lt3A_3069 : vector<16xi32>
      %add3A_3071 = arith.constant 16 : i32
      %add3A_3072 = vector.broadcast %add3A_3071 : i32 to vector<16xi32>
      %add3A_3073 = arith.addi %xor3A_3067, %add3A_3072 : vector<16xi32>
      %select_n3A_3074 = arith.select %lt3A_3070, %add3A_3073, %xor3A_3067 : vector<16xi1>, vector<16xi32>
      %broadcast_in_dim3A_3075 = vector.shape_cast %select_n3A_3074 : vector<16xi32> to vector<16x1xi32>
      %gather3A_3076 = vector.shape_cast %broadcast_in_dim3A_3075 : vector<16x1xi32> to vector<16xi32>
      %gather3A_3077 = tpu.dynamic_gather %add3A_3005[%gather3A_3076] in [0] : vector<16xf32>, vector<16xi32> -> vector<16xf32>
      %add3A_3078 = arith.addf %add3A_3005, %gather3A_3077 : vector<16xf32>
      %xor3A_3079 = arith.constant 2 : i32
      %xor3A_3080 = vector.broadcast %xor3A_3079 : i32 to vector<16xi32>
      %xor3A_3081 = arith.xori %iota3A_2083, %xor3A_3080 : vector<16xi32>
      %lt3A_3082 = arith.constant 0 : i32
      %lt3A_3083 = vector.broadcast %lt3A_3082 : i32 to vector<16xi32>
      %lt3A_3084 = arith.cmpi slt, %xor3A_3081, %lt3A_3083 : vector<16xi32>
      %add3A_3085 = arith.constant 16 : i32
      %add3A_3086 = vector.broadcast %add3A_3085 : i32 to vector<16xi32>
      %add3A_3087 = arith.addi %xor3A_3081, %add3A_3086 : vector<16xi32>
      %select_n3A_3088 = arith.select %lt3A_3084, %add3A_3087, %xor3A_3081 : vector<16xi1>, vector<16xi32>
      %broadcast_in_dim3A_3089 = vector.shape_cast %select_n3A_3088 : vector<16xi32> to vector<16x1xi32>
      %gather3A_3090 = vector.shape_cast %broadcast_in_dim3A_3089 : vector<16x1xi32> to vector<16xi32>
      %gather3A_3091 = tpu.dynamic_gather %add3A_3078[%gather3A_3090] in [0] : vector<16xf32>, vector<16xi32> -> vector<16xf32>
      %add3A_3092 = arith.addf %add3A_3078, %gather3A_3091 : vector<16xf32>
      %xor3A_3093 = arith.constant 4 : i32
      %xor3A_3094 = vector.broadcast %xor3A_3093 : i32 to vector<16xi32>
      %xor3A_3095 = arith.xori %iota3A_2083, %xor3A_3094 : vector<16xi32>
      %lt3A_3096 = arith.constant 0 : i32
      %lt3A_3097 = vector.broadcast %lt3A_3096 : i32 to vector<16xi32>
      %lt3A_3098 = arith.cmpi slt, %xor3A_3095, %lt3A_3097 : vector<16xi32>
      %add3A_3099 = arith.constant 16 : i32
      %add3A_3100 = vector.broadcast %add3A_3099 : i32 to vector<16xi32>
      %add3A_3101 = arith.addi %xor3A_3095, %add3A_3100 : vector<16xi32>
      %select_n3A_3102 = arith.select %lt3A_3098, %add3A_3101, %xor3A_3095 : vector<16xi1>, vector<16xi32>
      %broadcast_in_dim3A_3103 = vector.shape_cast %select_n3A_3102 : vector<16xi32> to vector<16x1xi32>
      %gather3A_3104 = vector.shape_cast %broadcast_in_dim3A_3103 : vector<16x1xi32> to vector<16xi32>
      %gather3A_3105 = tpu.dynamic_gather %add3A_3092[%gather3A_3104] in [0] : vector<16xf32>, vector<16xi32> -> vector<16xf32>
      %add3A_3106 = arith.addf %add3A_3092, %gather3A_3105 : vector<16xf32>
      %xor3A_3107 = arith.constant 8 : i32
      %xor3A_3108 = vector.broadcast %xor3A_3107 : i32 to vector<16xi32>
      %xor3A_3109 = arith.xori %iota3A_2083, %xor3A_3108 : vector<16xi32>
      %lt3A_3110 = arith.constant 0 : i32
      %lt3A_3111 = vector.broadcast %lt3A_3110 : i32 to vector<16xi32>
      %lt3A_3112 = arith.cmpi slt, %xor3A_3109, %lt3A_3111 : vector<16xi32>
      %add3A_3113 = arith.constant 16 : i32
      %add3A_3114 = vector.broadcast %add3A_3113 : i32 to vector<16xi32>
      %add3A_3115 = arith.addi %xor3A_3109, %add3A_3114 : vector<16xi32>
      %select_n3A_3116 = arith.select %lt3A_3112, %add3A_3115, %xor3A_3109 : vector<16xi1>, vector<16xi32>
      %broadcast_in_dim3A_3117 = vector.shape_cast %select_n3A_3116 : vector<16xi32> to vector<16x1xi32>
      %gather3A_3118 = vector.shape_cast %broadcast_in_dim3A_3117 : vector<16x1xi32> to vector<16xi32>
      %gather3A_3119 = tpu.dynamic_gather %add3A_3106[%gather3A_3118] in [0] : vector<16xf32>, vector<16xi32> -> vector<16xf32>
      %add3A_3120 = arith.addf %add3A_3106, %gather3A_3119 : vector<16xf32>
      %mul3A_3121 = arith.constant 1.562500e-02 : f32
      %mul3A_3122 = vector.broadcast %mul3A_3121 : f32 to vector<16xf32>
      %mul3A_3123 = arith.mulf %add3A_3120, %mul3A_3122 : vector<16xf32>
      %mul3A_3124 = arith.mulf %mul3A_3064, %mul3A_3064 : vector<16xf32>
      %sub3A_3125 = arith.subf %mul3A_3123, %mul3A_3124 : vector<16xf32>
      %add3A_3126 = arith.constant 9.99999974E-6 : f32
      %add3A_3127 = vector.broadcast %add3A_3126 : f32 to vector<16xf32>
      %add3A_3128 = arith.addf %sub3A_3125, %add3A_3127 : vector<16xf32>
      %bitcast_convert_type3A_3129 = tpu.bitcast %add3A_3128 : vector<16xf32> -> vector<16xi32>
      %shift_right_arithmetic3A_3130 = arith.constant 1 : i32
      %shift_right_arithmetic3A_3131 = vector.broadcast %shift_right_arithmetic3A_3130 : i32 to vector<16xi32>
      %shift_right_arithmetic3A_3132 = arith.shrsi %bitcast_convert_type3A_3129, %shift_right_arithmetic3A_3131 : vector<16xi32>
      %sub3A_3133 = arith.constant 1597463007 : i32
      %sub3A_3134 = vector.broadcast %sub3A_3133 : i32 to vector<16xi32>
      %sub3A_3135 = arith.subi %sub3A_3134, %shift_right_arithmetic3A_3132 : vector<16xi32>
      %bitcast_convert_type3A_3136 = tpu.bitcast %sub3A_3135 : vector<16xi32> -> vector<16xf32>
      %mul3A_3137 = arith.constant 5.000000e-01 : f32
      %mul3A_3138 = vector.broadcast %mul3A_3137 : f32 to vector<16xf32>
      %mul3A_3139 = arith.mulf %mul3A_3138, %add3A_3128 : vector<16xf32>
      %mul3A_3140 = arith.mulf %mul3A_3139, %bitcast_convert_type3A_3136 : vector<16xf32>
      %mul3A_3141 = arith.mulf %mul3A_3140, %bitcast_convert_type3A_3136 : vector<16xf32>
      %sub3A_3142 = arith.constant 1.500000e+00 : f32
      %sub3A_3143 = vector.broadcast %sub3A_3142 : f32 to vector<16xf32>
      %sub3A_3144 = arith.subf %sub3A_3143, %mul3A_3141 : vector<16xf32>
      %mul3A_3145 = arith.mulf %bitcast_convert_type3A_3136, %sub3A_3144 : vector<16xf32>
      %mul3A_3146 = arith.constant 5.000000e-01 : f32
      %mul3A_3147 = vector.broadcast %mul3A_3146 : f32 to vector<16xf32>
      %mul3A_3148 = arith.mulf %mul3A_3147, %add3A_3128 : vector<16xf32>
      %mul3A_3149 = arith.mulf %mul3A_3148, %mul3A_3145 : vector<16xf32>
      %mul3A_3150 = arith.mulf %mul3A_3149, %mul3A_3145 : vector<16xf32>
      %sub3A_3151 = arith.constant 1.500000e+00 : f32
      %sub3A_3152 = vector.broadcast %sub3A_3151 : f32 to vector<16xf32>
      %sub3A_3153 = arith.subf %sub3A_3152, %mul3A_3150 : vector<16xf32>
      %mul3A_3154 = arith.mulf %mul3A_3145, %sub3A_3153 : vector<16xf32>
      %mul3A_3155 = arith.constant 5.000000e-01 : f32
      %mul3A_3156 = vector.broadcast %mul3A_3155 : f32 to vector<16xf32>
      %mul3A_3157 = arith.mulf %mul3A_3156, %add3A_3128 : vector<16xf32>
      %mul3A_3158 = arith.mulf %mul3A_3157, %mul3A_3154 : vector<16xf32>
      %mul3A_3159 = arith.mulf %mul3A_3158, %mul3A_3154 : vector<16xf32>
      %sub3A_3160 = arith.constant 1.500000e+00 : f32
      %sub3A_3161 = vector.broadcast %sub3A_3160 : f32 to vector<16xf32>
      %sub3A_3162 = arith.subf %sub3A_3161, %mul3A_3159 : vector<16xf32>
      %mul3A_3163 = arith.mulf %mul3A_3154, %sub3A_3162 : vector<16xf32>
      %mul3A_3164 = arith.constant 8 : i32
      %mul3A_3165 = arith.muli %add3A_2019, %mul3A_3164 : i32
      %add3A_3166 = arith.constant 4 : i32
      %add3A_3167 = arith.addi %mul3A_3165, %add3A_3166 : i32
      %mul3A_3168 = arith.mulf %mul3A_3163, %get3A_74 : vector<16xf32>
      %sub3A_3169 = arith.subf %add3A_2983, %mul3A_3064 : vector<16xf32>
      %mul3A_3170 = arith.mulf %sub3A_3169, %mul3A_3168 : vector<16xf32>
      %add3A_3171 = arith.addf %mul3A_3170, %get3A_94 : vector<16xf32>
      %swap3A_3172 = arith.index_cast %add3A_3167 : i32 to index
      %swap3A_3173 = arith.constant 0 : index
      %swap3A_3174 = tpu.vector_load %arg9[%swap3A_3172, %swap3A_3173] {strides = array<i32>} : memref<512x64xf32, #tpu.memory_space<vmem>>, vector<1x16xf32>,
      %swap3A_3175 = vector.shape_cast %swap3A_3174 : vector<1x16xf32> to vector<16xf32>
      %swap3A_3176 = vector.shape_cast %add3A_3171 : vector<16xf32> to vector<1x16xf32>
      tpu.vector_store %arg9[%swap3A_3172, %swap3A_3173], %swap3A_3176 {strides = array<i32>} : memref<512x64xf32, #tpu.memory_space<vmem>>, vector<1x16xf32>,
      %mul3A_3177 = arith.mulf %mul3A_3163, %get3A_79 : vector<16xf32>
      %sub3A_3178 = arith.subf %add3A_2987, %mul3A_3064 : vector<16xf32>
      %mul3A_3179 = arith.mulf %sub3A_3178, %mul3A_3177 : vector<16xf32>
      %add3A_3180 = arith.addf %mul3A_3179, %get3A_99 : vector<16xf32>
      %swap3A_3181 = arith.index_cast %add3A_3167 : i32 to index
      %swap3A_3182 = arith.constant 16 : index
      %swap3A_3183 = tpu.vector_load %arg9[%swap3A_3181, %swap3A_3182] {strides = array<i32>} : memref<512x64xf32, #tpu.memory_space<vmem>>, vector<1x16xf32>,
      %swap3A_3184 = vector.shape_cast %swap3A_3183 : vector<1x16xf32> to vector<16xf32>
      %swap3A_3185 = vector.shape_cast %add3A_3180 : vector<16xf32> to vector<1x16xf32>
      tpu.vector_store %arg9[%swap3A_3181, %swap3A_3182], %swap3A_3185 {strides = array<i32>} : memref<512x64xf32, #tpu.memory_space<vmem>>, vector<1x16xf32>,
      %mul3A_3186 = arith.mulf %mul3A_3163, %get3A_84 : vector<16xf32>
      %sub3A_3187 = arith.subf %add3A_2991, %mul3A_3064 : vector<16xf32>
      %mul3A_3188 = arith.mulf %sub3A_3187, %mul3A_3186 : vector<16xf32>
      %add3A_3189 = arith.addf %mul3A_3188, %get3A_104 : vector<16xf32>
      %swap3A_3190 = arith.index_cast %add3A_3167 : i32 to index
      %swap3A_3191 = arith.constant 32 : index
      %swap3A_3192 = tpu.vector_load %arg9[%swap3A_3190, %swap3A_3191] {strides = array<i32>} : memref<512x64xf32, #tpu.memory_space<vmem>>, vector<1x16xf32>,
      %swap3A_3193 = vector.shape_cast %swap3A_3192 : vector<1x16xf32> to vector<16xf32>
      %swap3A_3194 = vector.shape_cast %add3A_3189 : vector<16xf32> to vector<1x16xf32>
      tpu.vector_store %arg9[%swap3A_3190, %swap3A_3191], %swap3A_3194 {strides = array<i32>} : memref<512x64xf32, #tpu.memory_space<vmem>>, vector<1x16xf32>,
      %mul3A_3195 = arith.mulf %mul3A_3163, %get3A_89 : vector<16xf32>
      %sub3A_3196 = arith.subf %add3A_2995, %mul3A_3064 : vector<16xf32>
      %mul3A_3197 = arith.mulf %sub3A_3196, %mul3A_3195 : vector<16xf32>
      %add3A_3198 = arith.addf %mul3A_3197, %get3A_109 : vector<16xf32>
      %swap3A_3199 = arith.index_cast %add3A_3167 : i32 to index
      %swap3A_3200 = arith.constant 48 : index
      %swap3A_3201 = tpu.vector_load %arg9[%swap3A_3199, %swap3A_3200] {strides = array<i32>} : memref<512x64xf32, #tpu.memory_space<vmem>>, vector<1x16xf32>,
      %swap3A_3202 = vector.shape_cast %swap3A_3201 : vector<1x16xf32> to vector<16xf32>
      %swap3A_3203 = vector.shape_cast %add3A_3198 : vector<16xf32> to vector<1x16xf32>
      tpu.vector_store %arg9[%swap3A_3199, %swap3A_3200], %swap3A_3203 {strides = array<i32>} : memref<512x64xf32, #tpu.memory_space<vmem>>, vector<1x16xf32>,
      %mul3A_3204 = arith.constant 5.000000e-02 : f32
      %mul3A_3205 = vector.broadcast %mul3A_3204 : f32 to vector<16xf32>
      %mul3A_3206 = arith.mulf %scan3A_2081#20, %mul3A_3205 : vector<16xf32>
      %add3A_3207 = arith.addf %mul3A_3206, %add3A_18 : vector<16xf32>
      %mul3A_3208 = arith.constant 5.000000e-02 : f32
      %mul3A_3209 = vector.broadcast %mul3A_3208 : f32 to vector<16xf32>
      %mul3A_3210 = arith.mulf %scan3A_2081#21, %mul3A_3209 : vector<16xf32>
      %add3A_3211 = arith.addf %mul3A_3210, %add3A_35 : vector<16xf32>
      %mul3A_3212 = arith.constant 5.000000e-02 : f32
      %mul3A_3213 = vector.broadcast %mul3A_3212 : f32 to vector<16xf32>
      %mul3A_3214 = arith.mulf %scan3A_2081#22, %mul3A_3213 : vector<16xf32>
      %add3A_3215 = arith.addf %mul3A_3214, %add3A_52 : vector<16xf32>
      %mul3A_3216 = arith.constant 5.000000e-02 : f32
      %mul3A_3217 = vector.broadcast %mul3A_3216 : f32 to vector<16xf32>
      %mul3A_3218 = arith.mulf %scan3A_2081#23, %mul3A_3217 : vector<16xf32>
      %add3A_3219 = arith.addf %mul3A_3218, %add3A_69 : vector<16xf32>
      %add3A_3220 = arith.addf %add3A_3207, %add3A_3211 : vector<16xf32>
      %add3A_3221 = arith.addf %add3A_3215, %add3A_3219 : vector<16xf32>
      %add3A_3222 = arith.addf %add3A_3220, %add3A_3221 : vector<16xf32>
      %mul3A_3223 = arith.mulf %add3A_3207, %add3A_3207 : vector<16xf32>
      %mul3A_3224 = arith.mulf %add3A_3211, %add3A_3211 : vector<16xf32>
      %add3A_3225 = arith.addf %mul3A_3223, %mul3A_3224 : vector<16xf32>
      %mul3A_3226 = arith.mulf %add3A_3215, %add3A_3215 : vector<16xf32>
      %mul3A_3227 = arith.mulf %add3A_3219, %add3A_3219 : vector<16xf32>
      %add3A_3228 = arith.addf %mul3A_3226, %mul3A_3227 : vector<16xf32>
      %add3A_3229 = arith.addf %add3A_3225, %add3A_3228 : vector<16xf32>
      %xor3A_3230 = arith.constant 1 : i32
      %xor3A_3231 = vector.broadcast %xor3A_3230 : i32 to vector<16xi32>
      %xor3A_3232 = arith.xori %iota3A_2083, %xor3A_3231 : vector<16xi32>
      %lt3A_3233 = arith.constant 0 : i32
      %lt3A_3234 = vector.broadcast %lt3A_3233 : i32 to vector<16xi32>
      %lt3A_3235 = arith.cmpi slt, %xor3A_3232, %lt3A_3234 : vector<16xi32>
      %add3A_3236 = arith.constant 16 : i32
      %add3A_3237 = vector.broadcast %add3A_3236 : i32 to vector<16xi32>
      %add3A_3238 = arith.addi %xor3A_3232, %add3A_3237 : vector<16xi32>
      %select_n3A_3239 = arith.select %lt3A_3235, %add3A_3238, %xor3A_3232 : vector<16xi1>, vector<16xi32>
      %broadcast_in_dim3A_3240 = vector.shape_cast %select_n3A_3239 : vector<16xi32> to vector<16x1xi32>
      %gather3A_3241 = vector.shape_cast %broadcast_in_dim3A_3240 : vector<16x1xi32> to vector<16xi32>
      %gather3A_3242 = tpu.dynamic_gather %add3A_3222[%gather3A_3241] in [0] : vector<16xf32>, vector<16xi32> -> vector<16xf32>
      %add3A_3243 = arith.addf %add3A_3222, %gather3A_3242 : vector<16xf32>
      %xor3A_3244 = arith.constant 2 : i32
      %xor3A_3245 = vector.broadcast %xor3A_3244 : i32 to vector<16xi32>
      %xor3A_3246 = arith.xori %iota3A_2083, %xor3A_3245 : vector<16xi32>
      %lt3A_3247 = arith.constant 0 : i32
      %lt3A_3248 = vector.broadcast %lt3A_3247 : i32 to vector<16xi32>
      %lt3A_3249 = arith.cmpi slt, %xor3A_3246, %lt3A_3248 : vector<16xi32>
      %add3A_3250 = arith.constant 16 : i32
      %add3A_3251 = vector.broadcast %add3A_3250 : i32 to vector<16xi32>
      %add3A_3252 = arith.addi %xor3A_3246, %add3A_3251 : vector<16xi32>
      %select_n3A_3253 = arith.select %lt3A_3249, %add3A_3252, %xor3A_3246 : vector<16xi1>, vector<16xi32>
      %broadcast_in_dim3A_3254 = vector.shape_cast %select_n3A_3253 : vector<16xi32> to vector<16x1xi32>
      %gather3A_3255 = vector.shape_cast %broadcast_in_dim3A_3254 : vector<16x1xi32> to vector<16xi32>
      %gather3A_3256 = tpu.dynamic_gather %add3A_3243[%gather3A_3255] in [0] : vector<16xf32>, vector<16xi32> -> vector<16xf32>
      %add3A_3257 = arith.addf %add3A_3243, %gather3A_3256 : vector<16xf32>
      %xor3A_3258 = arith.constant 4 : i32
      %xor3A_3259 = vector.broadcast %xor3A_3258 : i32 to vector<16xi32>
      %xor3A_3260 = arith.xori %iota3A_2083, %xor3A_3259 : vector<16xi32>
      %lt3A_3261 = arith.constant 0 : i32
      %lt3A_3262 = vector.broadcast %lt3A_3261 : i32 to vector<16xi32>
      %lt3A_3263 = arith.cmpi slt, %xor3A_3260, %lt3A_3262 : vector<16xi32>
      %add3A_3264 = arith.constant 16 : i32
      %add3A_3265 = vector.broadcast %add3A_3264 : i32 to vector<16xi32>
      %add3A_3266 = arith.addi %xor3A_3260, %add3A_3265 : vector<16xi32>
      %select_n3A_3267 = arith.select %lt3A_3263, %add3A_3266, %xor3A_3260 : vector<16xi1>, vector<16xi32>
      %broadcast_in_dim3A_3268 = vector.shape_cast %select_n3A_3267 : vector<16xi32> to vector<16x1xi32>
      %gather3A_3269 = vector.shape_cast %broadcast_in_dim3A_3268 : vector<16x1xi32> to vector<16xi32>
      %gather3A_3270 = tpu.dynamic_gather %add3A_3257[%gather3A_3269] in [0] : vector<16xf32>, vector<16xi32> -> vector<16xf32>
      %add3A_3271 = arith.addf %add3A_3257, %gather3A_3270 : vector<16xf32>
      %xor3A_3272 = arith.constant 8 : i32
      %xor3A_3273 = vector.broadcast %xor3A_3272 : i32 to vector<16xi32>
      %xor3A_3274 = arith.xori %iota3A_2083, %xor3A_3273 : vector<16xi32>
      %lt3A_3275 = arith.constant 0 : i32
      %lt3A_3276 = vector.broadcast %lt3A_3275 : i32 to vector<16xi32>
      %lt3A_3277 = arith.cmpi slt, %xor3A_3274, %lt3A_3276 : vector<16xi32>
      %add3A_3278 = arith.constant 16 : i32
      %add3A_3279 = vector.broadcast %add3A_3278 : i32 to vector<16xi32>
      %add3A_3280 = arith.addi %xor3A_3274, %add3A_3279 : vector<16xi32>
      %select_n3A_3281 = arith.select %lt3A_3277, %add3A_3280, %xor3A_3274 : vector<16xi1>, vector<16xi32>
      %broadcast_in_dim3A_3282 = vector.shape_cast %select_n3A_3281 : vector<16xi32> to vector<16x1xi32>
      %gather3A_3283 = vector.shape_cast %broadcast_in_dim3A_3282 : vector<16x1xi32> to vector<16xi32>
      %gather3A_3284 = tpu.dynamic_gather %add3A_3271[%gather3A_3283] in [0] : vector<16xf32>, vector<16xi32> -> vector<16xf32>
      %add3A_3285 = arith.addf %add3A_3271, %gather3A_3284 : vector<16xf32>
      %mul3A_3286 = arith.constant 1.562500e-02 : f32
      %mul3A_3287 = vector.broadcast %mul3A_3286 : f32 to vector<16xf32>
      %mul3A_3288 = arith.mulf %add3A_3285, %mul3A_3287 : vector<16xf32>
      %xor3A_3289 = arith.constant 1 : i32
      %xor3A_3290 = vector.broadcast %xor3A_3289 : i32 to vector<16xi32>
      %xor3A_3291 = arith.xori %iota3A_2083, %xor3A_3290 : vector<16xi32>
      %lt3A_3292 = arith.constant 0 : i32
      %lt3A_3293 = vector.broadcast %lt3A_3292 : i32 to vector<16xi32>
      %lt3A_3294 = arith.cmpi slt, %xor3A_3291, %lt3A_3293 : vector<16xi32>
      %add3A_3295 = arith.constant 16 : i32
      %add3A_3296 = vector.broadcast %add3A_3295 : i32 to vector<16xi32>
      %add3A_3297 = arith.addi %xor3A_3291, %add3A_3296 : vector<16xi32>
      %select_n3A_3298 = arith.select %lt3A_3294, %add3A_3297, %xor3A_3291 : vector<16xi1>, vector<16xi32>
      %broadcast_in_dim3A_3299 = vector.shape_cast %select_n3A_3298 : vector<16xi32> to vector<16x1xi32>
      %gather3A_3300 = vector.shape_cast %broadcast_in_dim3A_3299 : vector<16x1xi32> to vector<16xi32>
      %gather3A_3301 = tpu.dynamic_gather %add3A_3229[%gather3A_3300] in [0] : vector<16xf32>, vector<16xi32> -> vector<16xf32>
      %add3A_3302 = arith.addf %add3A_3229, %gather3A_3301 : vector<16xf32>
      %xor3A_3303 = arith.constant 2 : i32
      %xor3A_3304 = vector.broadcast %xor3A_3303 : i32 to vector<16xi32>
      %xor3A_3305 = arith.xori %iota3A_2083, %xor3A_3304 : vector<16xi32>
      %lt3A_3306 = arith.constant 0 : i32
      %lt3A_3307 = vector.broadcast %lt3A_3306 : i32 to vector<16xi32>
      %lt3A_3308 = arith.cmpi slt, %xor3A_3305, %lt3A_3307 : vector<16xi32>
      %add3A_3309 = arith.constant 16 : i32
      %add3A_3310 = vector.broadcast %add3A_3309 : i32 to vector<16xi32>
      %add3A_3311 = arith.addi %xor3A_3305, %add3A_3310 : vector<16xi32>
      %select_n3A_3312 = arith.select %lt3A_3308, %add3A_3311, %xor3A_3305 : vector<16xi1>, vector<16xi32>
      %broadcast_in_dim3A_3313 = vector.shape_cast %select_n3A_3312 : vector<16xi32> to vector<16x1xi32>
      %gather3A_3314 = vector.shape_cast %broadcast_in_dim3A_3313 : vector<16x1xi32> to vector<16xi32>
      %gather3A_3315 = tpu.dynamic_gather %add3A_3302[%gather3A_3314] in [0] : vector<16xf32>, vector<16xi32> -> vector<16xf32>
      %add3A_3316 = arith.addf %add3A_3302, %gather3A_3315 : vector<16xf32>
      %xor3A_3317 = arith.constant 4 : i32
      %xor3A_3318 = vector.broadcast %xor3A_3317 : i32 to vector<16xi32>
      %xor3A_3319 = arith.xori %iota3A_2083, %xor3A_3318 : vector<16xi32>
      %lt3A_3320 = arith.constant 0 : i32
      %lt3A_3321 = vector.broadcast %lt3A_3320 : i32 to vector<16xi32>
      %lt3A_3322 = arith.cmpi slt, %xor3A_3319, %lt3A_3321 : vector<16xi32>
      %add3A_3323 = arith.constant 16 : i32
      %add3A_3324 = vector.broadcast %add3A_3323 : i32 to vector<16xi32>
      %add3A_3325 = arith.addi %xor3A_3319, %add3A_3324 : vector<16xi32>
      %select_n3A_3326 = arith.select %lt3A_3322, %add3A_3325, %xor3A_3319 : vector<16xi1>, vector<16xi32>
      %broadcast_in_dim3A_3327 = vector.shape_cast %select_n3A_3326 : vector<16xi32> to vector<16x1xi32>
      %gather3A_3328 = vector.shape_cast %broadcast_in_dim3A_3327 : vector<16x1xi32> to vector<16xi32>
      %gather3A_3329 = tpu.dynamic_gather %add3A_3316[%gather3A_3328] in [0] : vector<16xf32>, vector<16xi32> -> vector<16xf32>
      %add3A_3330 = arith.addf %add3A_3316, %gather3A_3329 : vector<16xf32>
      %xor3A_3331 = arith.constant 8 : i32
      %xor3A_3332 = vector.broadcast %xor3A_3331 : i32 to vector<16xi32>
      %xor3A_3333 = arith.xori %iota3A_2083, %xor3A_3332 : vector<16xi32>
      %lt3A_3334 = arith.constant 0 : i32
      %lt3A_3335 = vector.broadcast %lt3A_3334 : i32 to vector<16xi32>
      %lt3A_3336 = arith.cmpi slt, %xor3A_3333, %lt3A_3335 : vector<16xi32>
      %add3A_3337 = arith.constant 16 : i32
      %add3A_3338 = vector.broadcast %add3A_3337 : i32 to vector<16xi32>
      %add3A_3339 = arith.addi %xor3A_3333, %add3A_3338 : vector<16xi32>
      %select_n3A_3340 = arith.select %lt3A_3336, %add3A_3339, %xor3A_3333 : vector<16xi1>, vector<16xi32>
      %broadcast_in_dim3A_3341 = vector.shape_cast %select_n3A_3340 : vector<16xi32> to vector<16x1xi32>
      %gather3A_3342 = vector.shape_cast %broadcast_in_dim3A_3341 : vector<16x1xi32> to vector<16xi32>
      %gather3A_3343 = tpu.dynamic_gather %add3A_3330[%gather3A_3342] in [0] : vector<16xf32>, vector<16xi32> -> vector<16xf32>
      %add3A_3344 = arith.addf %add3A_3330, %gather3A_3343 : vector<16xf32>
      %mul3A_3345 = arith.constant 1.562500e-02 : f32
      %mul3A_3346 = vector.broadcast %mul3A_3345 : f32 to vector<16xf32>
      %mul3A_3347 = arith.mulf %add3A_3344, %mul3A_3346 : vector<16xf32>
      %mul3A_3348 = arith.mulf %mul3A_3288, %mul3A_3288 : vector<16xf32>
      %sub3A_3349 = arith.subf %mul3A_3347, %mul3A_3348 : vector<16xf32>
      %add3A_3350 = arith.constant 9.99999974E-6 : f32
      %add3A_3351 = vector.broadcast %add3A_3350 : f32 to vector<16xf32>
      %add3A_3352 = arith.addf %sub3A_3349, %add3A_3351 : vector<16xf32>
      %bitcast_convert_type3A_3353 = tpu.bitcast %add3A_3352 : vector<16xf32> -> vector<16xi32>
      %shift_right_arithmetic3A_3354 = arith.constant 1 : i32
      %shift_right_arithmetic3A_3355 = vector.broadcast %shift_right_arithmetic3A_3354 : i32 to vector<16xi32>
      %shift_right_arithmetic3A_3356 = arith.shrsi %bitcast_convert_type3A_3353, %shift_right_arithmetic3A_3355 : vector<16xi32>
      %sub3A_3357 = arith.constant 1597463007 : i32
      %sub3A_3358 = vector.broadcast %sub3A_3357 : i32 to vector<16xi32>
      %sub3A_3359 = arith.subi %sub3A_3358, %shift_right_arithmetic3A_3356 : vector<16xi32>
      %bitcast_convert_type3A_3360 = tpu.bitcast %sub3A_3359 : vector<16xi32> -> vector<16xf32>
      %mul3A_3361 = arith.constant 5.000000e-01 : f32
      %mul3A_3362 = vector.broadcast %mul3A_3361 : f32 to vector<16xf32>
      %mul3A_3363 = arith.mulf %mul3A_3362, %add3A_3352 : vector<16xf32>
      %mul3A_3364 = arith.mulf %mul3A_3363, %bitcast_convert_type3A_3360 : vector<16xf32>
      %mul3A_3365 = arith.mulf %mul3A_3364, %bitcast_convert_type3A_3360 : vector<16xf32>
      %sub3A_3366 = arith.constant 1.500000e+00 : f32
      %sub3A_3367 = vector.broadcast %sub3A_3366 : f32 to vector<16xf32>
      %sub3A_3368 = arith.subf %sub3A_3367, %mul3A_3365 : vector<16xf32>
      %mul3A_3369 = arith.mulf %bitcast_convert_type3A_3360, %sub3A_3368 : vector<16xf32>
      %mul3A_3370 = arith.constant 5.000000e-01 : f32
      %mul3A_3371 = vector.broadcast %mul3A_3370 : f32 to vector<16xf32>
      %mul3A_3372 = arith.mulf %mul3A_3371, %add3A_3352 : vector<16xf32>
      %mul3A_3373 = arith.mulf %mul3A_3372, %mul3A_3369 : vector<16xf32>
      %mul3A_3374 = arith.mulf %mul3A_3373, %mul3A_3369 : vector<16xf32>
      %sub3A_3375 = arith.constant 1.500000e+00 : f32
      %sub3A_3376 = vector.broadcast %sub3A_3375 : f32 to vector<16xf32>
      %sub3A_3377 = arith.subf %sub3A_3376, %mul3A_3374 : vector<16xf32>
      %mul3A_3378 = arith.mulf %mul3A_3369, %sub3A_3377 : vector<16xf32>
      %mul3A_3379 = arith.constant 5.000000e-01 : f32
      %mul3A_3380 = vector.broadcast %mul3A_3379 : f32 to vector<16xf32>
      %mul3A_3381 = arith.mulf %mul3A_3380, %add3A_3352 : vector<16xf32>
      %mul3A_3382 = arith.mulf %mul3A_3381, %mul3A_3378 : vector<16xf32>
      %mul3A_3383 = arith.mulf %mul3A_3382, %mul3A_3378 : vector<16xf32>
      %sub3A_3384 = arith.constant 1.500000e+00 : f32
      %sub3A_3385 = vector.broadcast %sub3A_3384 : f32 to vector<16xf32>
      %sub3A_3386 = arith.subf %sub3A_3385, %mul3A_3383 : vector<16xf32>
      %mul3A_3387 = arith.mulf %mul3A_3378, %sub3A_3386 : vector<16xf32>
      %mul3A_3388 = arith.constant 8 : i32
      %mul3A_3389 = arith.muli %add3A_2019, %mul3A_3388 : i32
      %add3A_3390 = arith.constant 5 : i32
      %add3A_3391 = arith.addi %mul3A_3389, %add3A_3390 : i32
      %mul3A_3392 = arith.mulf %mul3A_3387, %get3A_74 : vector<16xf32>
      %sub3A_3393 = arith.subf %add3A_3207, %mul3A_3288 : vector<16xf32>
      %mul3A_3394 = arith.mulf %sub3A_3393, %mul3A_3392 : vector<16xf32>
      %add3A_3395 = arith.addf %mul3A_3394, %get3A_94 : vector<16xf32>
      %swap3A_3396 = arith.index_cast %add3A_3391 : i32 to index
      %swap3A_3397 = arith.constant 0 : index
      %swap3A_3398 = tpu.vector_load %arg9[%swap3A_3396, %swap3A_3397] {strides = array<i32>} : memref<512x64xf32, #tpu.memory_space<vmem>>, vector<1x16xf32>,
      %swap3A_3399 = vector.shape_cast %swap3A_3398 : vector<1x16xf32> to vector<16xf32>
      %swap3A_3400 = vector.shape_cast %add3A_3395 : vector<16xf32> to vector<1x16xf32>
      tpu.vector_store %arg9[%swap3A_3396, %swap3A_3397], %swap3A_3400 {strides = array<i32>} : memref<512x64xf32, #tpu.memory_space<vmem>>, vector<1x16xf32>,
      %mul3A_3401 = arith.mulf %mul3A_3387, %get3A_79 : vector<16xf32>
      %sub3A_3402 = arith.subf %add3A_3211, %mul3A_3288 : vector<16xf32>
      %mul3A_3403 = arith.mulf %sub3A_3402, %mul3A_3401 : vector<16xf32>
      %add3A_3404 = arith.addf %mul3A_3403, %get3A_99 : vector<16xf32>
      %swap3A_3405 = arith.index_cast %add3A_3391 : i32 to index
      %swap3A_3406 = arith.constant 16 : index
      %swap3A_3407 = tpu.vector_load %arg9[%swap3A_3405, %swap3A_3406] {strides = array<i32>} : memref<512x64xf32, #tpu.memory_space<vmem>>, vector<1x16xf32>,
      %swap3A_3408 = vector.shape_cast %swap3A_3407 : vector<1x16xf32> to vector<16xf32>
      %swap3A_3409 = vector.shape_cast %add3A_3404 : vector<16xf32> to vector<1x16xf32>
      tpu.vector_store %arg9[%swap3A_3405, %swap3A_3406], %swap3A_3409 {strides = array<i32>} : memref<512x64xf32, #tpu.memory_space<vmem>>, vector<1x16xf32>,
      %mul3A_3410 = arith.mulf %mul3A_3387, %get3A_84 : vector<16xf32>
      %sub3A_3411 = arith.subf %add3A_3215, %mul3A_3288 : vector<16xf32>
      %mul3A_3412 = arith.mulf %sub3A_3411, %mul3A_3410 : vector<16xf32>
      %add3A_3413 = arith.addf %mul3A_3412, %get3A_104 : vector<16xf32>
      %swap3A_3414 = arith.index_cast %add3A_3391 : i32 to index
      %swap3A_3415 = arith.constant 32 : index
      %swap3A_3416 = tpu.vector_load %arg9[%swap3A_3414, %swap3A_3415] {strides = array<i32>} : memref<512x64xf32, #tpu.memory_space<vmem>>, vector<1x16xf32>,
      %swap3A_3417 = vector.shape_cast %swap3A_3416 : vector<1x16xf32> to vector<16xf32>
      %swap3A_3418 = vector.shape_cast %add3A_3413 : vector<16xf32> to vector<1x16xf32>
      tpu.vector_store %arg9[%swap3A_3414, %swap3A_3415], %swap3A_3418 {strides = array<i32>} : memref<512x64xf32, #tpu.memory_space<vmem>>, vector<1x16xf32>,
      %mul3A_3419 = arith.mulf %mul3A_3387, %get3A_89 : vector<16xf32>
      %sub3A_3420 = arith.subf %add3A_3219, %mul3A_3288 : vector<16xf32>
      %mul3A_3421 = arith.mulf %sub3A_3420, %mul3A_3419 : vector<16xf32>
      %add3A_3422 = arith.addf %mul3A_3421, %get3A_109 : vector<16xf32>
      %swap3A_3423 = arith.index_cast %add3A_3391 : i32 to index
      %swap3A_3424 = arith.constant 48 : index
      %swap3A_3425 = tpu.vector_load %arg9[%swap3A_3423, %swap3A_3424] {strides = array<i32>} : memref<512x64xf32, #tpu.memory_space<vmem>>, vector<1x16xf32>,
      %swap3A_3426 = vector.shape_cast %swap3A_3425 : vector<1x16xf32> to vector<16xf32>
      %swap3A_3427 = vector.shape_cast %add3A_3422 : vector<16xf32> to vector<1x16xf32>
      tpu.vector_store %arg9[%swap3A_3423, %swap3A_3424], %swap3A_3427 {strides = array<i32>} : memref<512x64xf32, #tpu.memory_space<vmem>>, vector<1x16xf32>,
      %mul3A_3428 = arith.constant 5.000000e-02 : f32
      %mul3A_3429 = vector.broadcast %mul3A_3428 : f32 to vector<16xf32>
      %mul3A_3430 = arith.mulf %scan3A_2081#24, %mul3A_3429 : vector<16xf32>
      %add3A_3431 = arith.addf %mul3A_3430, %add3A_18 : vector<16xf32>
      %mul3A_3432 = arith.constant 5.000000e-02 : f32
      %mul3A_3433 = vector.broadcast %mul3A_3432 : f32 to vector<16xf32>
      %mul3A_3434 = arith.mulf %scan3A_2081#25, %mul3A_3433 : vector<16xf32>
      %add3A_3435 = arith.addf %mul3A_3434, %add3A_35 : vector<16xf32>
      %mul3A_3436 = arith.constant 5.000000e-02 : f32
      %mul3A_3437 = vector.broadcast %mul3A_3436 : f32 to vector<16xf32>
      %mul3A_3438 = arith.mulf %scan3A_2081#26, %mul3A_3437 : vector<16xf32>
      %add3A_3439 = arith.addf %mul3A_3438, %add3A_52 : vector<16xf32>
      %mul3A_3440 = arith.constant 5.000000e-02 : f32
      %mul3A_3441 = vector.broadcast %mul3A_3440 : f32 to vector<16xf32>
      %mul3A_3442 = arith.mulf %scan3A_2081#27, %mul3A_3441 : vector<16xf32>
      %add3A_3443 = arith.addf %mul3A_3442, %add3A_69 : vector<16xf32>
      %add3A_3444 = arith.addf %add3A_3431, %add3A_3435 : vector<16xf32>
      %add3A_3445 = arith.addf %add3A_3439, %add3A_3443 : vector<16xf32>
      %add3A_3446 = arith.addf %add3A_3444, %add3A_3445 : vector<16xf32>
      %mul3A_3447 = arith.mulf %add3A_3431, %add3A_3431 : vector<16xf32>
      %mul3A_3448 = arith.mulf %add3A_3435, %add3A_3435 : vector<16xf32>
      %add3A_3449 = arith.addf %mul3A_3447, %mul3A_3448 : vector<16xf32>
      %mul3A_3450 = arith.mulf %add3A_3439, %add3A_3439 : vector<16xf32>
      %mul3A_3451 = arith.mulf %add3A_3443, %add3A_3443 : vector<16xf32>
      %add3A_3452 = arith.addf %mul3A_3450, %mul3A_3451 : vector<16xf32>
      %add3A_3453 = arith.addf %add3A_3449, %add3A_3452 : vector<16xf32>
      %xor3A_3454 = arith.constant 1 : i32
      %xor3A_3455 = vector.broadcast %xor3A_3454 : i32 to vector<16xi32>
      %xor3A_3456 = arith.xori %iota3A_2083, %xor3A_3455 : vector<16xi32>
      %lt3A_3457 = arith.constant 0 : i32
      %lt3A_3458 = vector.broadcast %lt3A_3457 : i32 to vector<16xi32>
      %lt3A_3459 = arith.cmpi slt, %xor3A_3456, %lt3A_3458 : vector<16xi32>
      %add3A_3460 = arith.constant 16 : i32
      %add3A_3461 = vector.broadcast %add3A_3460 : i32 to vector<16xi32>
      %add3A_3462 = arith.addi %xor3A_3456, %add3A_3461 : vector<16xi32>
      %select_n3A_3463 = arith.select %lt3A_3459, %add3A_3462, %xor3A_3456 : vector<16xi1>, vector<16xi32>
      %broadcast_in_dim3A_3464 = vector.shape_cast %select_n3A_3463 : vector<16xi32> to vector<16x1xi32>
      %gather3A_3465 = vector.shape_cast %broadcast_in_dim3A_3464 : vector<16x1xi32> to vector<16xi32>
      %gather3A_3466 = tpu.dynamic_gather %add3A_3446[%gather3A_3465] in [0] : vector<16xf32>, vector<16xi32> -> vector<16xf32>
      %add3A_3467 = arith.addf %add3A_3446, %gather3A_3466 : vector<16xf32>
      %xor3A_3468 = arith.constant 2 : i32
      %xor3A_3469 = vector.broadcast %xor3A_3468 : i32 to vector<16xi32>
      %xor3A_3470 = arith.xori %iota3A_2083, %xor3A_3469 : vector<16xi32>
      %lt3A_3471 = arith.constant 0 : i32
      %lt3A_3472 = vector.broadcast %lt3A_3471 : i32 to vector<16xi32>
      %lt3A_3473 = arith.cmpi slt, %xor3A_3470, %lt3A_3472 : vector<16xi32>
      %add3A_3474 = arith.constant 16 : i32
      %add3A_3475 = vector.broadcast %add3A_3474 : i32 to vector<16xi32>
      %add3A_3476 = arith.addi %xor3A_3470, %add3A_3475 : vector<16xi32>
      %select_n3A_3477 = arith.select %lt3A_3473, %add3A_3476, %xor3A_3470 : vector<16xi1>, vector<16xi32>
      %broadcast_in_dim3A_3478 = vector.shape_cast %select_n3A_3477 : vector<16xi32> to vector<16x1xi32>
      %gather3A_3479 = vector.shape_cast %broadcast_in_dim3A_3478 : vector<16x1xi32> to vector<16xi32>
      %gather3A_3480 = tpu.dynamic_gather %add3A_3467[%gather3A_3479] in [0] : vector<16xf32>, vector<16xi32> -> vector<16xf32>
      %add3A_3481 = arith.addf %add3A_3467, %gather3A_3480 : vector<16xf32>
      %xor3A_3482 = arith.constant 4 : i32
      %xor3A_3483 = vector.broadcast %xor3A_3482 : i32 to vector<16xi32>
      %xor3A_3484 = arith.xori %iota3A_2083, %xor3A_3483 : vector<16xi32>
      %lt3A_3485 = arith.constant 0 : i32
      %lt3A_3486 = vector.broadcast %lt3A_3485 : i32 to vector<16xi32>
      %lt3A_3487 = arith.cmpi slt, %xor3A_3484, %lt3A_3486 : vector<16xi32>
      %add3A_3488 = arith.constant 16 : i32
      %add3A_3489 = vector.broadcast %add3A_3488 : i32 to vector<16xi32>
      %add3A_3490 = arith.addi %xor3A_3484, %add3A_3489 : vector<16xi32>
      %select_n3A_3491 = arith.select %lt3A_3487, %add3A_3490, %xor3A_3484 : vector<16xi1>, vector<16xi32>
      %broadcast_in_dim3A_3492 = vector.shape_cast %select_n3A_3491 : vector<16xi32> to vector<16x1xi32>
      %gather3A_3493 = vector.shape_cast %broadcast_in_dim3A_3492 : vector<16x1xi32> to vector<16xi32>
      %gather3A_3494 = tpu.dynamic_gather %add3A_3481[%gather3A_3493] in [0] : vector<16xf32>, vector<16xi32> -> vector<16xf32>
      %add3A_3495 = arith.addf %add3A_3481, %gather3A_3494 : vector<16xf32>
      %xor3A_3496 = arith.constant 8 : i32
      %xor3A_3497 = vector.broadcast %xor3A_3496 : i32 to vector<16xi32>
      %xor3A_3498 = arith.xori %iota3A_2083, %xor3A_3497 : vector<16xi32>
      %lt3A_3499 = arith.constant 0 : i32
      %lt3A_3500 = vector.broadcast %lt3A_3499 : i32 to vector<16xi32>
      %lt3A_3501 = arith.cmpi slt, %xor3A_3498, %lt3A_3500 : vector<16xi32>
      %add3A_3502 = arith.constant 16 : i32
      %add3A_3503 = vector.broadcast %add3A_3502 : i32 to vector<16xi32>
      %add3A_3504 = arith.addi %xor3A_3498, %add3A_3503 : vector<16xi32>
      %select_n3A_3505 = arith.select %lt3A_3501, %add3A_3504, %xor3A_3498 : vector<16xi1>, vector<16xi32>
      %broadcast_in_dim3A_3506 = vector.shape_cast %select_n3A_3505 : vector<16xi32> to vector<16x1xi32>
      %gather3A_3507 = vector.shape_cast %broadcast_in_dim3A_3506 : vector<16x1xi32> to vector<16xi32>
      %gather3A_3508 = tpu.dynamic_gather %add3A_3495[%gather3A_3507] in [0] : vector<16xf32>, vector<16xi32> -> vector<16xf32>
      %add3A_3509 = arith.addf %add3A_3495, %gather3A_3508 : vector<16xf32>
      %mul3A_3510 = arith.constant 1.562500e-02 : f32
      %mul3A_3511 = vector.broadcast %mul3A_3510 : f32 to vector<16xf32>
      %mul3A_3512 = arith.mulf %add3A_3509, %mul3A_3511 : vector<16xf32>
      %xor3A_3513 = arith.constant 1 : i32
      %xor3A_3514 = vector.broadcast %xor3A_3513 : i32 to vector<16xi32>
      %xor3A_3515 = arith.xori %iota3A_2083, %xor3A_3514 : vector<16xi32>
      %lt3A_3516 = arith.constant 0 : i32
      %lt3A_3517 = vector.broadcast %lt3A_3516 : i32 to vector<16xi32>
      %lt3A_3518 = arith.cmpi slt, %xor3A_3515, %lt3A_3517 : vector<16xi32>
      %add3A_3519 = arith.constant 16 : i32
      %add3A_3520 = vector.broadcast %add3A_3519 : i32 to vector<16xi32>
      %add3A_3521 = arith.addi %xor3A_3515, %add3A_3520 : vector<16xi32>
      %select_n3A_3522 = arith.select %lt3A_3518, %add3A_3521, %xor3A_3515 : vector<16xi1>, vector<16xi32>
      %broadcast_in_dim3A_3523 = vector.shape_cast %select_n3A_3522 : vector<16xi32> to vector<16x1xi32>
      %gather3A_3524 = vector.shape_cast %broadcast_in_dim3A_3523 : vector<16x1xi32> to vector<16xi32>
      %gather3A_3525 = tpu.dynamic_gather %add3A_3453[%gather3A_3524] in [0] : vector<16xf32>, vector<16xi32> -> vector<16xf32>
      %add3A_3526 = arith.addf %add3A_3453, %gather3A_3525 : vector<16xf32>
      %xor3A_3527 = arith.constant 2 : i32
      %xor3A_3528 = vector.broadcast %xor3A_3527 : i32 to vector<16xi32>
      %xor3A_3529 = arith.xori %iota3A_2083, %xor3A_3528 : vector<16xi32>
      %lt3A_3530 = arith.constant 0 : i32
      %lt3A_3531 = vector.broadcast %lt3A_3530 : i32 to vector<16xi32>
      %lt3A_3532 = arith.cmpi slt, %xor3A_3529, %lt3A_3531 : vector<16xi32>
      %add3A_3533 = arith.constant 16 : i32
      %add3A_3534 = vector.broadcast %add3A_3533 : i32 to vector<16xi32>
      %add3A_3535 = arith.addi %xor3A_3529, %add3A_3534 : vector<16xi32>
      %select_n3A_3536 = arith.select %lt3A_3532, %add3A_3535, %xor3A_3529 : vector<16xi1>, vector<16xi32>
      %broadcast_in_dim3A_3537 = vector.shape_cast %select_n3A_3536 : vector<16xi32> to vector<16x1xi32>
      %gather3A_3538 = vector.shape_cast %broadcast_in_dim3A_3537 : vector<16x1xi32> to vector<16xi32>
      %gather3A_3539 = tpu.dynamic_gather %add3A_3526[%gather3A_3538] in [0] : vector<16xf32>, vector<16xi32> -> vector<16xf32>
      %add3A_3540 = arith.addf %add3A_3526, %gather3A_3539 : vector<16xf32>
      %xor3A_3541 = arith.constant 4 : i32
      %xor3A_3542 = vector.broadcast %xor3A_3541 : i32 to vector<16xi32>
      %xor3A_3543 = arith.xori %iota3A_2083, %xor3A_3542 : vector<16xi32>
      %lt3A_3544 = arith.constant 0 : i32
      %lt3A_3545 = vector.broadcast %lt3A_3544 : i32 to vector<16xi32>
      %lt3A_3546 = arith.cmpi slt, %xor3A_3543, %lt3A_3545 : vector<16xi32>
      %add3A_3547 = arith.constant 16 : i32
      %add3A_3548 = vector.broadcast %add3A_3547 : i32 to vector<16xi32>
      %add3A_3549 = arith.addi %xor3A_3543, %add3A_3548 : vector<16xi32>
      %select_n3A_3550 = arith.select %lt3A_3546, %add3A_3549, %xor3A_3543 : vector<16xi1>, vector<16xi32>
      %broadcast_in_dim3A_3551 = vector.shape_cast %select_n3A_3550 : vector<16xi32> to vector<16x1xi32>
      %gather3A_3552 = vector.shape_cast %broadcast_in_dim3A_3551 : vector<16x1xi32> to vector<16xi32>
      %gather3A_3553 = tpu.dynamic_gather %add3A_3540[%gather3A_3552] in [0] : vector<16xf32>, vector<16xi32> -> vector<16xf32>
      %add3A_3554 = arith.addf %add3A_3540, %gather3A_3553 : vector<16xf32>
      %xor3A_3555 = arith.constant 8 : i32
      %xor3A_3556 = vector.broadcast %xor3A_3555 : i32 to vector<16xi32>
      %xor3A_3557 = arith.xori %iota3A_2083, %xor3A_3556 : vector<16xi32>
      %lt3A_3558 = arith.constant 0 : i32
      %lt3A_3559 = vector.broadcast %lt3A_3558 : i32 to vector<16xi32>
      %lt3A_3560 = arith.cmpi slt, %xor3A_3557, %lt3A_3559 : vector<16xi32>
      %add3A_3561 = arith.constant 16 : i32
      %add3A_3562 = vector.broadcast %add3A_3561 : i32 to vector<16xi32>
      %add3A_3563 = arith.addi %xor3A_3557, %add3A_3562 : vector<16xi32>
      %select_n3A_3564 = arith.select %lt3A_3560, %add3A_3563, %xor3A_3557 : vector<16xi1>, vector<16xi32>
      %broadcast_in_dim3A_3565 = vector.shape_cast %select_n3A_3564 : vector<16xi32> to vector<16x1xi32>
      %gather3A_3566 = vector.shape_cast %broadcast_in_dim3A_3565 : vector<16x1xi32> to vector<16xi32>
      %gather3A_3567 = tpu.dynamic_gather %add3A_3554[%gather3A_3566] in [0] : vector<16xf32>, vector<16xi32> -> vector<16xf32>
      %add3A_3568 = arith.addf %add3A_3554, %gather3A_3567 : vector<16xf32>
      %mul3A_3569 = arith.constant 1.562500e-02 : f32
      %mul3A_3570 = vector.broadcast %mul3A_3569 : f32 to vector<16xf32>
      %mul3A_3571 = arith.mulf %add3A_3568, %mul3A_3570 : vector<16xf32>
      %mul3A_3572 = arith.mulf %mul3A_3512, %mul3A_3512 : vector<16xf32>
      %sub3A_3573 = arith.subf %mul3A_3571, %mul3A_3572 : vector<16xf32>
      %add3A_3574 = arith.constant 9.99999974E-6 : f32
      %add3A_3575 = vector.broadcast %add3A_3574 : f32 to vector<16xf32>
      %add3A_3576 = arith.addf %sub3A_3573, %add3A_3575 : vector<16xf32>
      %bitcast_convert_type3A_3577 = tpu.bitcast %add3A_3576 : vector<16xf32> -> vector<16xi32>
      %shift_right_arithmetic3A_3578 = arith.constant 1 : i32
      %shift_right_arithmetic3A_3579 = vector.broadcast %shift_right_arithmetic3A_3578 : i32 to vector<16xi32>
      %shift_right_arithmetic3A_3580 = arith.shrsi %bitcast_convert_type3A_3577, %shift_right_arithmetic3A_3579 : vector<16xi32>
      %sub3A_3581 = arith.constant 1597463007 : i32
      %sub3A_3582 = vector.broadcast %sub3A_3581 : i32 to vector<16xi32>
      %sub3A_3583 = arith.subi %sub3A_3582, %shift_right_arithmetic3A_3580 : vector<16xi32>
      %bitcast_convert_type3A_3584 = tpu.bitcast %sub3A_3583 : vector<16xi32> -> vector<16xf32>
      %mul3A_3585 = arith.constant 5.000000e-01 : f32
      %mul3A_3586 = vector.broadcast %mul3A_3585 : f32 to vector<16xf32>
      %mul3A_3587 = arith.mulf %mul3A_3586, %add3A_3576 : vector<16xf32>
      %mul3A_3588 = arith.mulf %mul3A_3587, %bitcast_convert_type3A_3584 : vector<16xf32>
      %mul3A_3589 = arith.mulf %mul3A_3588, %bitcast_convert_type3A_3584 : vector<16xf32>
      %sub3A_3590 = arith.constant 1.500000e+00 : f32
      %sub3A_3591 = vector.broadcast %sub3A_3590 : f32 to vector<16xf32>
      %sub3A_3592 = arith.subf %sub3A_3591, %mul3A_3589 : vector<16xf32>
      %mul3A_3593 = arith.mulf %bitcast_convert_type3A_3584, %sub3A_3592 : vector<16xf32>
      %mul3A_3594 = arith.constant 5.000000e-01 : f32
      %mul3A_3595 = vector.broadcast %mul3A_3594 : f32 to vector<16xf32>
      %mul3A_3596 = arith.mulf %mul3A_3595, %add3A_3576 : vector<16xf32>
      %mul3A_3597 = arith.mulf %mul3A_3596, %mul3A_3593 : vector<16xf32>
      %mul3A_3598 = arith.mulf %mul3A_3597, %mul3A_3593 : vector<16xf32>
      %sub3A_3599 = arith.constant 1.500000e+00 : f32
      %sub3A_3600 = vector.broadcast %sub3A_3599 : f32 to vector<16xf32>
      %sub3A_3601 = arith.subf %sub3A_3600, %mul3A_3598 : vector<16xf32>
      %mul3A_3602 = arith.mulf %mul3A_3593, %sub3A_3601 : vector<16xf32>
      %mul3A_3603 = arith.constant 5.000000e-01 : f32
      %mul3A_3604 = vector.broadcast %mul3A_3603 : f32 to vector<16xf32>
      %mul3A_3605 = arith.mulf %mul3A_3604, %add3A_3576 : vector<16xf32>
      %mul3A_3606 = arith.mulf %mul3A_3605, %mul3A_3602 : vector<16xf32>
      %mul3A_3607 = arith.mulf %mul3A_3606, %mul3A_3602 : vector<16xf32>
      %sub3A_3608 = arith.constant 1.500000e+00 : f32
      %sub3A_3609 = vector.broadcast %sub3A_3608 : f32 to vector<16xf32>
      %sub3A_3610 = arith.subf %sub3A_3609, %mul3A_3607 : vector<16xf32>
      %mul3A_3611 = arith.mulf %mul3A_3602, %sub3A_3610 : vector<16xf32>
      %mul3A_3612 = arith.constant 8 : i32
      %mul3A_3613 = arith.muli %add3A_2019, %mul3A_3612 : i32
      %add3A_3614 = arith.constant 6 : i32
      %add3A_3615 = arith.addi %mul3A_3613, %add3A_3614 : i32
      %mul3A_3616 = arith.mulf %mul3A_3611, %get3A_74 : vector<16xf32>
      %sub3A_3617 = arith.subf %add3A_3431, %mul3A_3512 : vector<16xf32>
      %mul3A_3618 = arith.mulf %sub3A_3617, %mul3A_3616 : vector<16xf32>
      %add3A_3619 = arith.addf %mul3A_3618, %get3A_94 : vector<16xf32>
      %swap3A_3620 = arith.index_cast %add3A_3615 : i32 to index
      %swap3A_3621 = arith.constant 0 : index
      %swap3A_3622 = tpu.vector_load %arg9[%swap3A_3620, %swap3A_3621] {strides = array<i32>} : memref<512x64xf32, #tpu.memory_space<vmem>>, vector<1x16xf32>,
      %swap3A_3623 = vector.shape_cast %swap3A_3622 : vector<1x16xf32> to vector<16xf32>
      %swap3A_3624 = vector.shape_cast %add3A_3619 : vector<16xf32> to vector<1x16xf32>
      tpu.vector_store %arg9[%swap3A_3620, %swap3A_3621], %swap3A_3624 {strides = array<i32>} : memref<512x64xf32, #tpu.memory_space<vmem>>, vector<1x16xf32>,
      %mul3A_3625 = arith.mulf %mul3A_3611, %get3A_79 : vector<16xf32>
      %sub3A_3626 = arith.subf %add3A_3435, %mul3A_3512 : vector<16xf32>
      %mul3A_3627 = arith.mulf %sub3A_3626, %mul3A_3625 : vector<16xf32>
      %add3A_3628 = arith.addf %mul3A_3627, %get3A_99 : vector<16xf32>
      %swap3A_3629 = arith.index_cast %add3A_3615 : i32 to index
      %swap3A_3630 = arith.constant 16 : index
      %swap3A_3631 = tpu.vector_load %arg9[%swap3A_3629, %swap3A_3630] {strides = array<i32>} : memref<512x64xf32, #tpu.memory_space<vmem>>, vector<1x16xf32>,
      %swap3A_3632 = vector.shape_cast %swap3A_3631 : vector<1x16xf32> to vector<16xf32>
      %swap3A_3633 = vector.shape_cast %add3A_3628 : vector<16xf32> to vector<1x16xf32>
      tpu.vector_store %arg9[%swap3A_3629, %swap3A_3630], %swap3A_3633 {strides = array<i32>} : memref<512x64xf32, #tpu.memory_space<vmem>>, vector<1x16xf32>,
      %mul3A_3634 = arith.mulf %mul3A_3611, %get3A_84 : vector<16xf32>
      %sub3A_3635 = arith.subf %add3A_3439, %mul3A_3512 : vector<16xf32>
      %mul3A_3636 = arith.mulf %sub3A_3635, %mul3A_3634 : vector<16xf32>
      %add3A_3637 = arith.addf %mul3A_3636, %get3A_104 : vector<16xf32>
      %swap3A_3638 = arith.index_cast %add3A_3615 : i32 to index
      %swap3A_3639 = arith.constant 32 : index
      %swap3A_3640 = tpu.vector_load %arg9[%swap3A_3638, %swap3A_3639] {strides = array<i32>} : memref<512x64xf32, #tpu.memory_space<vmem>>, vector<1x16xf32>,
      %swap3A_3641 = vector.shape_cast %swap3A_3640 : vector<1x16xf32> to vector<16xf32>
      %swap3A_3642 = vector.shape_cast %add3A_3637 : vector<16xf32> to vector<1x16xf32>
      tpu.vector_store %arg9[%swap3A_3638, %swap3A_3639], %swap3A_3642 {strides = array<i32>} : memref<512x64xf32, #tpu.memory_space<vmem>>, vector<1x16xf32>,
      %mul3A_3643 = arith.mulf %mul3A_3611, %get3A_89 : vector<16xf32>
      %sub3A_3644 = arith.subf %add3A_3443, %mul3A_3512 : vector<16xf32>
      %mul3A_3645 = arith.mulf %sub3A_3644, %mul3A_3643 : vector<16xf32>
      %add3A_3646 = arith.addf %mul3A_3645, %get3A_109 : vector<16xf32>
      %swap3A_3647 = arith.index_cast %add3A_3615 : i32 to index
      %swap3A_3648 = arith.constant 48 : index
      %swap3A_3649 = tpu.vector_load %arg9[%swap3A_3647, %swap3A_3648] {strides = array<i32>} : memref<512x64xf32, #tpu.memory_space<vmem>>, vector<1x16xf32>,
      %swap3A_3650 = vector.shape_cast %swap3A_3649 : vector<1x16xf32> to vector<16xf32>
      %swap3A_3651 = vector.shape_cast %add3A_3646 : vector<16xf32> to vector<1x16xf32>
      tpu.vector_store %arg9[%swap3A_3647, %swap3A_3648], %swap3A_3651 {strides = array<i32>} : memref<512x64xf32, #tpu.memory_space<vmem>>, vector<1x16xf32>,
      %mul3A_3652 = arith.constant 5.000000e-02 : f32
      %mul3A_3653 = vector.broadcast %mul3A_3652 : f32 to vector<16xf32>
      %mul3A_3654 = arith.mulf %scan3A_2081#28, %mul3A_3653 : vector<16xf32>
      %add3A_3655 = arith.addf %mul3A_3654, %add3A_18 : vector<16xf32>
      %mul3A_3656 = arith.constant 5.000000e-02 : f32
      %mul3A_3657 = vector.broadcast %mul3A_3656 : f32 to vector<16xf32>
      %mul3A_3658 = arith.mulf %scan3A_2081#29, %mul3A_3657 : vector<16xf32>
      %add3A_3659 = arith.addf %mul3A_3658, %add3A_35 : vector<16xf32>
      %mul3A_3660 = arith.constant 5.000000e-02 : f32
      %mul3A_3661 = vector.broadcast %mul3A_3660 : f32 to vector<16xf32>
      %mul3A_3662 = arith.mulf %scan3A_2081#30, %mul3A_3661 : vector<16xf32>
      %add3A_3663 = arith.addf %mul3A_3662, %add3A_52 : vector<16xf32>
      %mul3A_3664 = arith.constant 5.000000e-02 : f32
      %mul3A_3665 = vector.broadcast %mul3A_3664 : f32 to vector<16xf32>
      %mul3A_3666 = arith.mulf %scan3A_2081#31, %mul3A_3665 : vector<16xf32>
      %add3A_3667 = arith.addf %mul3A_3666, %add3A_69 : vector<16xf32>
      %add3A_3668 = arith.addf %add3A_3655, %add3A_3659 : vector<16xf32>
      %add3A_3669 = arith.addf %add3A_3663, %add3A_3667 : vector<16xf32>
      %add3A_3670 = arith.addf %add3A_3668, %add3A_3669 : vector<16xf32>
      %mul3A_3671 = arith.mulf %add3A_3655, %add3A_3655 : vector<16xf32>
      %mul3A_3672 = arith.mulf %add3A_3659, %add3A_3659 : vector<16xf32>
      %add3A_3673 = arith.addf %mul3A_3671, %mul3A_3672 : vector<16xf32>
      %mul3A_3674 = arith.mulf %add3A_3663, %add3A_3663 : vector<16xf32>
      %mul3A_3675 = arith.mulf %add3A_3667, %add3A_3667 : vector<16xf32>
      %add3A_3676 = arith.addf %mul3A_3674, %mul3A_3675 : vector<16xf32>
      %add3A_3677 = arith.addf %add3A_3673, %add3A_3676 : vector<16xf32>
      %xor3A_3678 = arith.constant 1 : i32
      %xor3A_3679 = vector.broadcast %xor3A_3678 : i32 to vector<16xi32>
      %xor3A_3680 = arith.xori %iota3A_2083, %xor3A_3679 : vector<16xi32>
      %lt3A_3681 = arith.constant 0 : i32
      %lt3A_3682 = vector.broadcast %lt3A_3681 : i32 to vector<16xi32>
      %lt3A_3683 = arith.cmpi slt, %xor3A_3680, %lt3A_3682 : vector<16xi32>
      %add3A_3684 = arith.constant 16 : i32
      %add3A_3685 = vector.broadcast %add3A_3684 : i32 to vector<16xi32>
      %add3A_3686 = arith.addi %xor3A_3680, %add3A_3685 : vector<16xi32>
      %select_n3A_3687 = arith.select %lt3A_3683, %add3A_3686, %xor3A_3680 : vector<16xi1>, vector<16xi32>
      %broadcast_in_dim3A_3688 = vector.shape_cast %select_n3A_3687 : vector<16xi32> to vector<16x1xi32>
      %gather3A_3689 = vector.shape_cast %broadcast_in_dim3A_3688 : vector<16x1xi32> to vector<16xi32>
      %gather3A_3690 = tpu.dynamic_gather %add3A_3670[%gather3A_3689] in [0] : vector<16xf32>, vector<16xi32> -> vector<16xf32>
      %add3A_3691 = arith.addf %add3A_3670, %gather3A_3690 : vector<16xf32>
      %xor3A_3692 = arith.constant 2 : i32
      %xor3A_3693 = vector.broadcast %xor3A_3692 : i32 to vector<16xi32>
      %xor3A_3694 = arith.xori %iota3A_2083, %xor3A_3693 : vector<16xi32>
      %lt3A_3695 = arith.constant 0 : i32
      %lt3A_3696 = vector.broadcast %lt3A_3695 : i32 to vector<16xi32>
      %lt3A_3697 = arith.cmpi slt, %xor3A_3694, %lt3A_3696 : vector<16xi32>
      %add3A_3698 = arith.constant 16 : i32
      %add3A_3699 = vector.broadcast %add3A_3698 : i32 to vector<16xi32>
      %add3A_3700 = arith.addi %xor3A_3694, %add3A_3699 : vector<16xi32>
      %select_n3A_3701 = arith.select %lt3A_3697, %add3A_3700, %xor3A_3694 : vector<16xi1>, vector<16xi32>
      %broadcast_in_dim3A_3702 = vector.shape_cast %select_n3A_3701 : vector<16xi32> to vector<16x1xi32>
      %gather3A_3703 = vector.shape_cast %broadcast_in_dim3A_3702 : vector<16x1xi32> to vector<16xi32>
      %gather3A_3704 = tpu.dynamic_gather %add3A_3691[%gather3A_3703] in [0] : vector<16xf32>, vector<16xi32> -> vector<16xf32>
      %add3A_3705 = arith.addf %add3A_3691, %gather3A_3704 : vector<16xf32>
      %xor3A_3706 = arith.constant 4 : i32
      %xor3A_3707 = vector.broadcast %xor3A_3706 : i32 to vector<16xi32>
      %xor3A_3708 = arith.xori %iota3A_2083, %xor3A_3707 : vector<16xi32>
      %lt3A_3709 = arith.constant 0 : i32
      %lt3A_3710 = vector.broadcast %lt3A_3709 : i32 to vector<16xi32>
      %lt3A_3711 = arith.cmpi slt, %xor3A_3708, %lt3A_3710 : vector<16xi32>
      %add3A_3712 = arith.constant 16 : i32
      %add3A_3713 = vector.broadcast %add3A_3712 : i32 to vector<16xi32>
      %add3A_3714 = arith.addi %xor3A_3708, %add3A_3713 : vector<16xi32>
      %select_n3A_3715 = arith.select %lt3A_3711, %add3A_3714, %xor3A_3708 : vector<16xi1>, vector<16xi32>
      %broadcast_in_dim3A_3716 = vector.shape_cast %select_n3A_3715 : vector<16xi32> to vector<16x1xi32>
      %gather3A_3717 = vector.shape_cast %broadcast_in_dim3A_3716 : vector<16x1xi32> to vector<16xi32>
      %gather3A_3718 = tpu.dynamic_gather %add3A_3705[%gather3A_3717] in [0] : vector<16xf32>, vector<16xi32> -> vector<16xf32>
      %add3A_3719 = arith.addf %add3A_3705, %gather3A_3718 : vector<16xf32>
      %xor3A_3720 = arith.constant 8 : i32
      %xor3A_3721 = vector.broadcast %xor3A_3720 : i32 to vector<16xi32>
      %xor3A_3722 = arith.xori %iota3A_2083, %xor3A_3721 : vector<16xi32>
      %lt3A_3723 = arith.constant 0 : i32
      %lt3A_3724 = vector.broadcast %lt3A_3723 : i32 to vector<16xi32>
      %lt3A_3725 = arith.cmpi slt, %xor3A_3722, %lt3A_3724 : vector<16xi32>
      %add3A_3726 = arith.constant 16 : i32
      %add3A_3727 = vector.broadcast %add3A_3726 : i32 to vector<16xi32>
      %add3A_3728 = arith.addi %xor3A_3722, %add3A_3727 : vector<16xi32>
      %select_n3A_3729 = arith.select %lt3A_3725, %add3A_3728, %xor3A_3722 : vector<16xi1>, vector<16xi32>
      %broadcast_in_dim3A_3730 = vector.shape_cast %select_n3A_3729 : vector<16xi32> to vector<16x1xi32>
      %gather3A_3731 = vector.shape_cast %broadcast_in_dim3A_3730 : vector<16x1xi32> to vector<16xi32>
      %gather3A_3732 = tpu.dynamic_gather %add3A_3719[%gather3A_3731] in [0] : vector<16xf32>, vector<16xi32> -> vector<16xf32>
      %add3A_3733 = arith.addf %add3A_3719, %gather3A_3732 : vector<16xf32>
      %mul3A_3734 = arith.constant 1.562500e-02 : f32
      %mul3A_3735 = vector.broadcast %mul3A_3734 : f32 to vector<16xf32>
      %mul3A_3736 = arith.mulf %add3A_3733, %mul3A_3735 : vector<16xf32>
      %xor3A_3737 = arith.constant 1 : i32
      %xor3A_3738 = vector.broadcast %xor3A_3737 : i32 to vector<16xi32>
      %xor3A_3739 = arith.xori %iota3A_2083, %xor3A_3738 : vector<16xi32>
      %lt3A_3740 = arith.constant 0 : i32
      %lt3A_3741 = vector.broadcast %lt3A_3740 : i32 to vector<16xi32>
      %lt3A_3742 = arith.cmpi slt, %xor3A_3739, %lt3A_3741 : vector<16xi32>
      %add3A_3743 = arith.constant 16 : i32
      %add3A_3744 = vector.broadcast %add3A_3743 : i32 to vector<16xi32>
      %add3A_3745 = arith.addi %xor3A_3739, %add3A_3744 : vector<16xi32>
      %select_n3A_3746 = arith.select %lt3A_3742, %add3A_3745, %xor3A_3739 : vector<16xi1>, vector<16xi32>
      %broadcast_in_dim3A_3747 = vector.shape_cast %select_n3A_3746 : vector<16xi32> to vector<16x1xi32>
      %gather3A_3748 = vector.shape_cast %broadcast_in_dim3A_3747 : vector<16x1xi32> to vector<16xi32>
      %gather3A_3749 = tpu.dynamic_gather %add3A_3677[%gather3A_3748] in [0] : vector<16xf32>, vector<16xi32> -> vector<16xf32>
      %add3A_3750 = arith.addf %add3A_3677, %gather3A_3749 : vector<16xf32>
      %xor3A_3751 = arith.constant 2 : i32
      %xor3A_3752 = vector.broadcast %xor3A_3751 : i32 to vector<16xi32>
      %xor3A_3753 = arith.xori %iota3A_2083, %xor3A_3752 : vector<16xi32>
      %lt3A_3754 = arith.constant 0 : i32
      %lt3A_3755 = vector.broadcast %lt3A_3754 : i32 to vector<16xi32>
      %lt3A_3756 = arith.cmpi slt, %xor3A_3753, %lt3A_3755 : vector<16xi32>
      %add3A_3757 = arith.constant 16 : i32
      %add3A_3758 = vector.broadcast %add3A_3757 : i32 to vector<16xi32>
      %add3A_3759 = arith.addi %xor3A_3753, %add3A_3758 : vector<16xi32>
      %select_n3A_3760 = arith.select %lt3A_3756, %add3A_3759, %xor3A_3753 : vector<16xi1>, vector<16xi32>
      %broadcast_in_dim3A_3761 = vector.shape_cast %select_n3A_3760 : vector<16xi32> to vector<16x1xi32>
      %gather3A_3762 = vector.shape_cast %broadcast_in_dim3A_3761 : vector<16x1xi32> to vector<16xi32>
      %gather3A_3763 = tpu.dynamic_gather %add3A_3750[%gather3A_3762] in [0] : vector<16xf32>, vector<16xi32> -> vector<16xf32>
      %add3A_3764 = arith.addf %add3A_3750, %gather3A_3763 : vector<16xf32>
      %xor3A_3765 = arith.constant 4 : i32
      %xor3A_3766 = vector.broadcast %xor3A_3765 : i32 to vector<16xi32>
      %xor3A_3767 = arith.xori %iota3A_2083, %xor3A_3766 : vector<16xi32>
      %lt3A_3768 = arith.constant 0 : i32
      %lt3A_3769 = vector.broadcast %lt3A_3768 : i32 to vector<16xi32>
      %lt3A_3770 = arith.cmpi slt, %xor3A_3767, %lt3A_3769 : vector<16xi32>
      %add3A_3771 = arith.constant 16 : i32
      %add3A_3772 = vector.broadcast %add3A_3771 : i32 to vector<16xi32>
      %add3A_3773 = arith.addi %xor3A_3767, %add3A_3772 : vector<16xi32>
      %select_n3A_3774 = arith.select %lt3A_3770, %add3A_3773, %xor3A_3767 : vector<16xi1>, vector<16xi32>
      %broadcast_in_dim3A_3775 = vector.shape_cast %select_n3A_3774 : vector<16xi32> to vector<16x1xi32>
      %gather3A_3776 = vector.shape_cast %broadcast_in_dim3A_3775 : vector<16x1xi32> to vector<16xi32>
      %gather3A_3777 = tpu.dynamic_gather %add3A_3764[%gather3A_3776] in [0] : vector<16xf32>, vector<16xi32> -> vector<16xf32>
      %add3A_3778 = arith.addf %add3A_3764, %gather3A_3777 : vector<16xf32>
      %xor3A_3779 = arith.constant 8 : i32
      %xor3A_3780 = vector.broadcast %xor3A_3779 : i32 to vector<16xi32>
      %xor3A_3781 = arith.xori %iota3A_2083, %xor3A_3780 : vector<16xi32>
      %lt3A_3782 = arith.constant 0 : i32
      %lt3A_3783 = vector.broadcast %lt3A_3782 : i32 to vector<16xi32>
      %lt3A_3784 = arith.cmpi slt, %xor3A_3781, %lt3A_3783 : vector<16xi32>
      %add3A_3785 = arith.constant 16 : i32
      %add3A_3786 = vector.broadcast %add3A_3785 : i32 to vector<16xi32>
      %add3A_3787 = arith.addi %xor3A_3781, %add3A_3786 : vector<16xi32>
      %select_n3A_3788 = arith.select %lt3A_3784, %add3A_3787, %xor3A_3781 : vector<16xi1>, vector<16xi32>
      %broadcast_in_dim3A_3789 = vector.shape_cast %select_n3A_3788 : vector<16xi32> to vector<16x1xi32>
      %gather3A_3790 = vector.shape_cast %broadcast_in_dim3A_3789 : vector<16x1xi32> to vector<16xi32>
      %gather3A_3791 = tpu.dynamic_gather %add3A_3778[%gather3A_3790] in [0] : vector<16xf32>, vector<16xi32> -> vector<16xf32>
      %add3A_3792 = arith.addf %add3A_3778, %gather3A_3791 : vector<16xf32>
      %mul3A_3793 = arith.constant 1.562500e-02 : f32
      %mul3A_3794 = vector.broadcast %mul3A_3793 : f32 to vector<16xf32>
      %mul3A_3795 = arith.mulf %add3A_3792, %mul3A_3794 : vector<16xf32>
      %mul3A_3796 = arith.mulf %mul3A_3736, %mul3A_3736 : vector<16xf32>
      %sub3A_3797 = arith.subf %mul3A_3795, %mul3A_3796 : vector<16xf32>
      %add3A_3798 = arith.constant 9.99999974E-6 : f32
      %add3A_3799 = vector.broadcast %add3A_3798 : f32 to vector<16xf32>
      %add3A_3800 = arith.addf %sub3A_3797, %add3A_3799 : vector<16xf32>
      %bitcast_convert_type3A_3801 = tpu.bitcast %add3A_3800 : vector<16xf32> -> vector<16xi32>
      %shift_right_arithmetic3A_3802 = arith.constant 1 : i32
      %shift_right_arithmetic3A_3803 = vector.broadcast %shift_right_arithmetic3A_3802 : i32 to vector<16xi32>
      %shift_right_arithmetic3A_3804 = arith.shrsi %bitcast_convert_type3A_3801, %shift_right_arithmetic3A_3803 : vector<16xi32>
      %sub3A_3805 = arith.constant 1597463007 : i32
      %sub3A_3806 = vector.broadcast %sub3A_3805 : i32 to vector<16xi32>
      %sub3A_3807 = arith.subi %sub3A_3806, %shift_right_arithmetic3A_3804 : vector<16xi32>
      %bitcast_convert_type3A_3808 = tpu.bitcast %sub3A_3807 : vector<16xi32> -> vector<16xf32>
      %mul3A_3809 = arith.constant 5.000000e-01 : f32
      %mul3A_3810 = vector.broadcast %mul3A_3809 : f32 to vector<16xf32>
      %mul3A_3811 = arith.mulf %mul3A_3810, %add3A_3800 : vector<16xf32>
      %mul3A_3812 = arith.mulf %mul3A_3811, %bitcast_convert_type3A_3808 : vector<16xf32>
      %mul3A_3813 = arith.mulf %mul3A_3812, %bitcast_convert_type3A_3808 : vector<16xf32>
      %sub3A_3814 = arith.constant 1.500000e+00 : f32
      %sub3A_3815 = vector.broadcast %sub3A_3814 : f32 to vector<16xf32>
      %sub3A_3816 = arith.subf %sub3A_3815, %mul3A_3813 : vector<16xf32>
      %mul3A_3817 = arith.mulf %bitcast_convert_type3A_3808, %sub3A_3816 : vector<16xf32>
      %mul3A_3818 = arith.constant 5.000000e-01 : f32
      %mul3A_3819 = vector.broadcast %mul3A_3818 : f32 to vector<16xf32>
      %mul3A_3820 = arith.mulf %mul3A_3819, %add3A_3800 : vector<16xf32>
      %mul3A_3821 = arith.mulf %mul3A_3820, %mul3A_3817 : vector<16xf32>
      %mul3A_3822 = arith.mulf %mul3A_3821, %mul3A_3817 : vector<16xf32>
      %sub3A_3823 = arith.constant 1.500000e+00 : f32
      %sub3A_3824 = vector.broadcast %sub3A_3823 : f32 to vector<16xf32>
      %sub3A_3825 = arith.subf %sub3A_3824, %mul3A_3822 : vector<16xf32>
      %mul3A_3826 = arith.mulf %mul3A_3817, %sub3A_3825 : vector<16xf32>
      %mul3A_3827 = arith.constant 5.000000e-01 : f32
      %mul3A_3828 = vector.broadcast %mul3A_3827 : f32 to vector<16xf32>
      %mul3A_3829 = arith.mulf %mul3A_3828, %add3A_3800 : vector<16xf32>
      %mul3A_3830 = arith.mulf %mul3A_3829, %mul3A_3826 : vector<16xf32>
      %mul3A_3831 = arith.mulf %mul3A_3830, %mul3A_3826 : vector<16xf32>
      %sub3A_3832 = arith.constant 1.500000e+00 : f32
      %sub3A_3833 = vector.broadcast %sub3A_3832 : f32 to vector<16xf32>
      %sub3A_3834 = arith.subf %sub3A_3833, %mul3A_3831 : vector<16xf32>
      %mul3A_3835 = arith.mulf %mul3A_3826, %sub3A_3834 : vector<16xf32>
      %mul3A_3836 = arith.constant 8 : i32
      %mul3A_3837 = arith.muli %add3A_2019, %mul3A_3836 : i32
      %add3A_3838 = arith.constant 7 : i32
      %add3A_3839 = arith.addi %mul3A_3837, %add3A_3838 : i32
      %mul3A_3840 = arith.mulf %mul3A_3835, %get3A_74 : vector<16xf32>
      %sub3A_3841 = arith.subf %add3A_3655, %mul3A_3736 : vector<16xf32>
      %mul3A_3842 = arith.mulf %sub3A_3841, %mul3A_3840 : vector<16xf32>
      %add3A_3843 = arith.addf %mul3A_3842, %get3A_94 : vector<16xf32>
      %swap3A_3844 = arith.index_cast %add3A_3839 : i32 to index
      %swap3A_3845 = arith.constant 0 : index
      %swap3A_3846 = tpu.vector_load %arg9[%swap3A_3844, %swap3A_3845] {strides = array<i32>} : memref<512x64xf32, #tpu.memory_space<vmem>>, vector<1x16xf32>,
      %swap3A_3847 = vector.shape_cast %swap3A_3846 : vector<1x16xf32> to vector<16xf32>
      %swap3A_3848 = vector.shape_cast %add3A_3843 : vector<16xf32> to vector<1x16xf32>
      tpu.vector_store %arg9[%swap3A_3844, %swap3A_3845], %swap3A_3848 {strides = array<i32>} : memref<512x64xf32, #tpu.memory_space<vmem>>, vector<1x16xf32>,
      %mul3A_3849 = arith.mulf %mul3A_3835, %get3A_79 : vector<16xf32>
      %sub3A_3850 = arith.subf %add3A_3659, %mul3A_3736 : vector<16xf32>
      %mul3A_3851 = arith.mulf %sub3A_3850, %mul3A_3849 : vector<16xf32>
      %add3A_3852 = arith.addf %mul3A_3851, %get3A_99 : vector<16xf32>
      %swap3A_3853 = arith.index_cast %add3A_3839 : i32 to index
      %swap3A_3854 = arith.constant 16 : index
      %swap3A_3855 = tpu.vector_load %arg9[%swap3A_3853, %swap3A_3854] {strides = array<i32>} : memref<512x64xf32, #tpu.memory_space<vmem>>, vector<1x16xf32>,
      %swap3A_3856 = vector.shape_cast %swap3A_3855 : vector<1x16xf32> to vector<16xf32>
      %swap3A_3857 = vector.shape_cast %add3A_3852 : vector<16xf32> to vector<1x16xf32>
      tpu.vector_store %arg9[%swap3A_3853, %swap3A_3854], %swap3A_3857 {strides = array<i32>} : memref<512x64xf32, #tpu.memory_space<vmem>>, vector<1x16xf32>,
      %mul3A_3858 = arith.mulf %mul3A_3835, %get3A_84 : vector<16xf32>
      %sub3A_3859 = arith.subf %add3A_3663, %mul3A_3736 : vector<16xf32>
      %mul3A_3860 = arith.mulf %sub3A_3859, %mul3A_3858 : vector<16xf32>
      %add3A_3861 = arith.addf %mul3A_3860, %get3A_104 : vector<16xf32>
      %swap3A_3862 = arith.index_cast %add3A_3839 : i32 to index
      %swap3A_3863 = arith.constant 32 : index
      %swap3A_3864 = tpu.vector_load %arg9[%swap3A_3862, %swap3A_3863] {strides = array<i32>} : memref<512x64xf32, #tpu.memory_space<vmem>>, vector<1x16xf32>,
      %swap3A_3865 = vector.shape_cast %swap3A_3864 : vector<1x16xf32> to vector<16xf32>
      %swap3A_3866 = vector.shape_cast %add3A_3861 : vector<16xf32> to vector<1x16xf32>
      tpu.vector_store %arg9[%swap3A_3862, %swap3A_3863], %swap3A_3866 {strides = array<i32>} : memref<512x64xf32, #tpu.memory_space<vmem>>, vector<1x16xf32>,
      %mul3A_3867 = arith.mulf %mul3A_3835, %get3A_89 : vector<16xf32>
      %sub3A_3868 = arith.subf %add3A_3667, %mul3A_3736 : vector<16xf32>
      %mul3A_3869 = arith.mulf %sub3A_3868, %mul3A_3867 : vector<16xf32>
      %add3A_3870 = arith.addf %mul3A_3869, %get3A_109 : vector<16xf32>
      %swap3A_3871 = arith.index_cast %add3A_3839 : i32 to index
      %swap3A_3872 = arith.constant 48 : index
      %swap3A_3873 = tpu.vector_load %arg9[%swap3A_3871, %swap3A_3872] {strides = array<i32>} : memref<512x64xf32, #tpu.memory_space<vmem>>, vector<1x16xf32>,
      %swap3A_3874 = vector.shape_cast %swap3A_3873 : vector<1x16xf32> to vector<16xf32>
      %swap3A_3875 = vector.shape_cast %add3A_3870 : vector<16xf32> to vector<1x16xf32>
      tpu.vector_store %arg9[%swap3A_3871, %swap3A_3872], %swap3A_3875 {strides = array<i32>} : memref<512x64xf32, #tpu.memory_space<vmem>>, vector<1x16xf32>,
    }
    %scan3A_165 = arith.constant 32 : i32
    %mul3A_166 = arith.constant 512 : i32
    %mul3A_167 = arith.muli %add3A, %mul3A_166 : i32
    "tpu.region"() ({
      %run_scoped3A = tpu.sem_alloc : memref<!tpu.dma_semaphore, #tpu.memory_space<semaphore_mem>>
      %dma_start3A_168 = arith.constant 0 : i32
      %dma_start3A_169 = tpu.memref_slice %arg5[%mul3A_167, %dma_start3A_168] : memref<16384x64xf32, #tpu.memory_space<hbm>> -> memref<512x64xf32, #tpu.memory_space<hbm>>
      %dma_start3A_170 = arith.constant 0 : i32
      %dma_start3A_171 = tpu.memref_slice %arg5[%mul3A_167, %dma_start3A_170] : memref<16384x64xf32, #tpu.memory_space<hbm>> -> memref<512x64xf32, #tpu.memory_space<hbm>>
      tpu.enqueue_dma source(%arg9 : memref<512x64xf32, #tpu.memory_space<vmem>>) target(%dma_start3A_171 : memref<512x64xf32, #tpu.memory_space<hbm>>) target_semaphore(%run_scoped3A : memref<!tpu.dma_semaphore, #tpu.memory_space<semaphore_mem>>)
      %dma_wait3A = arith.constant 0 : i32
      %dma_wait3A_172 = tpu.memref_slice %arg5[%mul3A_167, %dma_wait3A] : memref<16384x64xf32, #tpu.memory_space<hbm>> -> memref<512x64xf32, #tpu.memory_space<hbm>>
      %dma_wait3A_173 = arith.constant 0 : i32
      %dma_wait3A_174 = tpu.memref_slice %arg5[%mul3A_167, %dma_wait3A_173] : memref<16384x64xf32, #tpu.memory_space<hbm>> -> memref<512x64xf32, #tpu.memory_space<hbm>>
      tpu.wait_dma2 semaphore(%run_scoped3A : memref<!tpu.dma_semaphore, #tpu.memory_space<semaphore_mem>>) src(%arg9 : memref<512x64xf32, #tpu.memory_space<vmem>>) dst(%dma_wait3A_174 : memref<512x64xf32, #tpu.memory_space<hbm>>)
      tpu.yield
    }) : () -> ()
    return
  }
}

</mosaic_0001>

<sc_bundles>
// kernel: kernel.3.cloned.1.call-start
scs
__scs_entry_jumppad:
0x0: {  	(pc) =	sbr.rel $0x88, $3  }
0x1: {  	(tag) =	ssettag $0x0;
	lr =	simm.s32 $0x1  }
0x2: {  	[smem:$0x3F9A] =	sst lr;
	_ =	strace $0xD0000000  }
0x3: {  	_ = 	snop  }
0x4: {  	_ = 	snop  }
0x5: {  	_ = 	snop  }
0x6: {  	_ = 	snop  }
0x7: {  	_ = 	snop  }
__scs_overlays_trampoline_lowered:
0x8: {  	[smem:$0x3FA9] =	sst s0  }
0x9: {  	[smem:$0x3FAA] =	sst s1  }
0xa: {  	[smem:$0x3FAB] =	sst s2  }
0xb: {  	[smem:$0x3FAC] =	sst s3  }
0xc: {  	[smem:$0x3FAD] =	sst s4  }
0xd: {  	[smem:$0x3FAE] =	sst s5  }
0xe: {  	[smem:$0x3FAF] =	sst s6  }
0xf: {  	[smem:$0x3FB0] =	sst s7  }
0x10: {  	[smem:$0x3FB1] =	sst s8  }
0x11: {  	[smem:$0x3FB2] =	sst s9;
	s0 =	simm.s32 @!p0 $0x0  }
0x12: {  	s1 =	sld [smem:$0x3F98];
	s0 =	simm.s32 @p0 $0x1  }
0x13: {  	[smem:$0x3FB3] =	sst s0;
	s0 =	simm.s32 @!p1 $0x0  }
0x14: {  	s2 =	sld [smem:$0x3F97];
	s0 =	simm.s32 @p1 $0x1  }
0x15: {  	[smem:$0x3FB4] =	sst s0;
	s0 =	simm.s32 @!p2 $0x0  }
0x16: {  	s3 =	sld [smem:$0x3FDB];
	s0 =	simm.s32 @p2 $0x1  }
0x17: {  	s4 =	simm.s32 $0x1BF5;
	[smem:$0x3FB6] =	sst s0  }
0x18: {  	s0 =	sld [smem:$0x3F99];
	_ =	swait.ge [sflag:s4], $0x0  }
0x19: {  	s7 =	sld [smem:$0x3F9A]  }
0x1a: {  	s8 =	sadd.s32 $0xFFFFE003, lr  }
0x1b: {  	s9 =	sadd.s32 $0xFFFFFEF7, lr;
	s5 =	simm.s32 $0xFFFFFFFF;
	p2 =	slt.u32 s8, $0xFFFFF086  }
0x1c: {  	p1 =	slt.u32 s9, $0xF7A;
	s5 =	simm.s32 @!p2 $0x0  }
0x1d: {  	s5 =	simm.s32 @p1 $0x1;
	p0 =	seq.s32 s7, s2  }
0x1e: {  	s7 =	smul.u32 @!p0 $0xF7A, s2;
	p2 =	seq.s32 @!p0 s5, $0x0  }
0x1f: {  	s9 =	smul.u32 $0xF7A, s1;
	s8 =	simm.s32 @!p0 $0x1BF5;
	p2 =	por !p2, p0  }
0x20: {  	[sflag:s8] =	ssyncset.s32 @!p0 $0xFFFFF086;
	s6 =	sadd.s32 @!p0 s3, s7;
	s7 =	simm.s32 @!p0 $0x108  }
0x21: {  	s3 =	sadd.s32 s3, s9;
	s6 =	sadd.s32 @!p0 $0x88, s6;
	s7 =	simm.s32 @p2 $0x1082  }
0x22: {  	[simem:s7], [sflag:s8] =	dma.local @!p0 [hbm:s6], $0xF7A  }
0x23: {  	s9 =	sor.u32 $0xD0000000, s2;
	s6 =	simm.s32 $0x108;
	_ =	swait.ge @!p0 [sflag:s8], $0x0  }
0x24: {  	s3 =	sadd.s32 $0x88, s3;
	s6 =	simm.s32 @!p1 $0x1082;
	[sflag:s4] =	ssyncset.s32 $0xFFFFF086  }
0x25: {  	[simem:s6], [sflag:s4] =	dma.local [hbm:s3], $0xF7A  }
0x26: {  	[smem:$0x3F9A] =	sst s1;
	(tag) =	ssettag s2;
	_ =	strace s9  }
0x27: {  	s1 =	sld [smem:$0x3FAA]  }
0x28: {  	s2 =	sld [smem:$0x3FAB]  }
0x29: {  	s4 =	sld [smem:$0x3FAD]  }
0x2a: {  	p0 =	seq.s32 s5, $0x0;
	s5 =	sld [smem:$0x3FAE]  }
0x2b: {  	s6 =	sld [smem:$0x3FAF]  }
0x2c: {  	s7 =	sld [smem:$0x3FB0]  }
0x2d: {  	s3 =	simm.s32 $0x108;
	s8 =	sld [smem:$0x3FB1]  }
0x2e: {  	s3 =	simm.s32 @!p0 $0x1082;
	s9 =	sld [smem:$0x3FB2]  }
0x2f: {  	lr =	sadd.s32 s0, s3;
	s0 =	sld [smem:$0x3FA9]  }
0x30: {  	s3 =	sld [smem:$0x3FAC]  }
0x31: {  	[smem:$0x3FB5] =	sst s10  }
0x32: {  	s10 =	sld [smem:$0x3FB3];
	_ =	sdelay $0x3  }
0x33: {  	p0 =	seq.s32 s10, $0x1;
	s10 =	sld [smem:$0x3FB5];
	_ =	sdelay $0x3  }
0x34: {  	[smem:$0x3FB5] =	sst s10  }
0x35: {  	s10 =	sld [smem:$0x3FB4];
	_ =	sdelay $0x3  }
0x36: {  	p1 =	seq.s32 s10, $0x1;
	s10 =	sld [smem:$0x3FB5];
	_ =	sdelay $0x3  }
0x37: {  	[smem:$0x3FB5] =	sst s10  }
0x38: {  	s10 =	sld [smem:$0x3FB6]  }
0x39: {  	_ = 	snop;
	(pc) =	sbr.ind lr, $3  }
0x3a: {  	_ = 	snop  }
0x3b: {  	_ = 	snop  }
0x3c: {  	p2 =	seq.s32 s10, $0x1;
	s10 =	sld [smem:$0x3FB5]  }
0x3d: {  	_ =	shalt  }
0x3e: {  	_ =	shalt  }
0x3f: {  	_ =	shalt  }
0x40: {  	_ =	shalt  }
0x41: {  	_ =	shalt  }
0x42: {  	_ =	shalt  }
0x43: {  	_ =	shalt  }
0x44: {  	_ =	shalt  }
0x45: {  	_ =	shalt  }
0x46: {  	_ =	shalt  }
0x47: {  	_ =	shalt  }
0x48: {  	_ =	shalt  }
0x49: {  	_ =	shalt  }
0x4a: {  	_ =	shalt  }
0x4b: {  	_ =	shalt  }
0x4c: {  	_ =	shalt  }
0x4d: {  	_ =	shalt  }
0x4e: {  	_ =	shalt  }
0x4f: {  	_ =	shalt  }
0x50: {  	_ =	shalt  }
0x51: {  	_ =	shalt  }
0x52: {  	_ =	shalt  }
0x53: {  	_ =	shalt  }
0x54: {  	_ =	shalt  }
0x55: {  	_ =	shalt  }
0x56: {  	_ =	shalt  }
0x57: {  	_ =	shalt  }
0x58: {  	_ =	shalt  }
0x59: {  	_ =	shalt  }
0x5a: {  	_ =	shalt  }
0x5b: {  	_ =	shalt  }
0x5c: {  	_ =	shalt  }
0x5d: {  	_ =	shalt  }
0x5e: {  	_ =	shalt  }
0x5f: {  	_ =	shalt  }
0x60: {  	_ =	shalt  }
0x61: {  	_ =	shalt  }
0x62: {  	_ =	shalt  }
0x63: {  	_ =	shalt  }
0x64: {  	_ =	shalt  }
0x65: {  	_ =	shalt  }
0x66: {  	_ =	shalt  }
0x67: {  	_ =	shalt  }
0x68: {  	_ =	shalt  }
0x69: {  	_ =	shalt  }
0x6a: {  	_ =	shalt  }
0x6b: {  	_ =	shalt  }
0x6c: {  	_ =	shalt  }
0x6d: {  	_ =	shalt  }
0x6e: {  	_ =	shalt  }
0x6f: {  	_ =	shalt  }
0x70: {  	_ =	shalt  }
0x71: {  	_ =	shalt  }
0x72: {  	_ =	shalt  }
0x73: {  	_ =	shalt  }
0x74: {  	_ =	shalt  }
0x75: {  	_ =	shalt  }
0x76: {  	_ =	shalt  }
0x77: {  	_ =	shalt  }
0x78: {  	_ =	shalt  }
0x79: {  	_ =	shalt  }
0x7a: {  	_ =	shalt  }
0x7b: {  	_ =	shalt  }
0x7c: {  	_ =	shalt  }
0x7d: {  	_ =	shalt  }
0x7e: {  	_ =	shalt  }
0x7f: {  	_ =	shalt  }
0x80: {  	_ =	shalt  }
0x81: {  	_ =	shalt  }
0x82: {  	_ =	shalt  }
0x83: {  	_ =	shalt  }
0x84: {  	_ =	shalt  }
0x85: {  	_ =	shalt  }
0x86: {  	_ =	shalt  }
0x87: {  	_ =	shalt  }
.Lfunc_end0:
.L_simem_size_0:
called_computation_lowered:
.L_overlay_start_0:
0x88: {  	s2 =	sld [smem:$0x3FD9]  }
0x89: {  	s3 =	sld [smem:$0x3FFE];
	_ =	sdelay $0x1  }
0x8a: {  	s1 =	srdreg.scid  }
0x8b: {  	s0 =	sand.u32 $0x1, s1  }
0x8c: {  	s17 =	sshll.u32 s0, $0xA;
	s2 =	sadd.s32 s3, s2  }
0x8d: {  	s2 =	sadd.s32 s2, s17  }
0x8e: {  	[smem:$0x3FC1] =	sst s2  }
0x8f: {  	_ = 	snop  }
0x90: {  	s2 =	sld [smem:$0x3FD0];
	(tm) =	ssettm $0x1  }
0x91: {  	s18 =	sld [smem:$0x3FFB];
	_ =	sdelay $0x3  }
0x92: {  	_ =	strace s18  }
0x93: {  	s3 =	sld [smem:$0x3FFC];
	_ =	sdelay $0x3  }
0x94: {  	_ =	strace s3  }
0x95: {  	s3 =	sld [smem:$0x3FFD];
	_ =	sdelay $0x3  }
0x96: {  	_ =	strace s3  }
0x97: {  	_ =	strace $0x8FFFFFFF  }
0x98: {  	s19 =	sld [smem:$0x3FDB];
	_ =	sdelay $0x1  }
0x99: {  	s4 =	simm.s32 $_scs_section_size  }
0x9a: {  	s5 =	simm.s32 $_size__tile_overlayer_lowered;
	s6 =	simm.s32 $_tile_overlayer_lowered  }
0x9b: {  	s22 =	simm.s32 $0x1BFF;
	s21 =	sshll.u32 s6, $0x1;
	s3 =	sadd.s32 s4, s19  }
0x9c: {  	s7 =	simm.s32 $0x0;
	s20 =	sshll.u32 s5, $0x1;
	s5 =	sadd.s32 s21, s3  }
0x9d: {  	[timem:s7], [sflag:s22] =	dma.local [hbm:s5], s20  }
0x9e: {  	_ =	swait.ge [sflag:s22], s20  }
0x9f: {  	s4 =	ssub.s32 $0x0, s20;
	[sflag:s22] =	ssyncset.done $0x0  }
0xa0: {  	[sflag:s22] =	ssyncadd.s32 s4;
	_ =	sdelay $0x1  }
0xa1: {  	s23 =	simm.s32 $0x1B8B  }
0xa2: {  	_ =	swait.ge [sflag:s23], $0x1  }
0xa3: {  	[sflag:s23] =	ssyncset.done $0x0  }
0xa4: {  	s25 =	simm.s32 $0x1B8E;
	s24 =	sld [smem:$0x3FFE];
	[sflag:s23] =	ssyncadd.s32 $0xFFFFFFFF  }
0xa5: {  	s26 =	simm.s32 $execute0_lowered;
	[smem:$0x3FD2] =	sst s25  }
0xa6: {  	s5 =	sshll.u32 s26, $0x1;
	_ =	strace $0x80000046;
	[dreg:$0x1] =	wrdreg $0xFFFFFFFF  }
0xa7: {  	s28 =	simm.s32 $_size_execute0_lowered;
	s3 =	sadd.s32 s3, s5;
	[dreg:$0x0] =	wrdreg $0x0  }
0xa8: {  	s5 =	sshll.u32 s28, $0x1;
	[dreg:$0x2] =	wrdreg s3  }
0xa9: {  	[dreg:$0x3] =	wrdreg s5  }
0xaa: {  	[dreg:$0x4] =	wrdreg $0xC0  }
0xab: {  	_ =	task [dreg:s7], $0x5FFFF  }
0xac: {  	[dreg:$0x1] =	wrdreg $0xFFFFFFFF  }
0xad: {  	[dreg:$0x0] =	wrdreg $0x60  }
0xae: {  	[dreg:$0x2] =	wrdreg s24  }
0xaf: {  	[dreg:$0x3] =	wrdreg s2  }
0xb0: {  	[dreg:$0x4] =	wrdreg $0x9  }
0xb1: {  	_ =	task.clear_ibuf [dreg:s7], $0x5FFFF;
	_ =	strace $0x90000046  }
0xb2: {  	s29 =	simm.s32 $0x9;
	_ =	strace $0x80000048  }
0xb3: {  	_ =	swait.ge [sflag:s29], $0x1  }
0xb4: {  	[sflag:s29] =	ssyncadd.s32 $0xFFFFFFFF  }
0xb5: {  	_ =	strace $0x90000048  }
0xb6: {  	_ =	sfence  }
0xb7: {  	s30 =	sld [smem:$0x0];
	_ =	sdelay $0x2  }
0xb8: {  	s31 =	sshll.u32 s1, $0xD;
	s1 =	sshrl.u32 s1, $0x2  }
0xb9: {  	s3 =	sand.u32 $0x4000, s31;
	s1 =	sadd.s32 s1, s30  }
0xba: {  	s0 =	sor.u32 s3, s0;
	s1 =	sshll.u32 s1, $0x11  }
0xbb: {  	s0 =	sor.u32 s1, s0  }
0xbc: {  	s0 =	sadd.s32 $0x8F2B, s0  }
0xbd: {  	[sflag:s0] =	ssyncadd.remote.s32 $0x1  }
0xbe: {  	_ =	sfence.sel $0xFFFF  }
0xbf: {  	[dreg:$0x0] =	wrdreg $0xFFFFFFFF;
	(pc) =	sbr.abs _section_cstart, $3  }
0xc0: {  	[dreg:$0x1] =	wrdreg $0xFFFFFFFF  }
0xc1: {  	_ =	task.clear_ibuf [dreg:s7], $0x2FFFF;
	_ =	strace $0x9FFFFFFF  }
0xc2: {  	(tm) =	ssettm $0x7FFFFFFF  }
0xc3: {  	_ =	shalt  }
tec
execute0_lowered:
.L_overlay_start_1:
0x0: {  	(tag) =	ssettag $0x1  }
0x1: {  	s4 =	rddreg [dreg:$0x0];
	v0 =	vimm.s32 $0xEFCDAB89;
	v1 =	vimm.s32 $0x67452301;
	v2 =	vimm.s32 $0xDCFE98BA  }
0x2: {  	s1 =	srdreg.scid;
	s0 =	stileid.u32;
	v3 =	vimm.s32 $0x54761032;
	v4 =	vimm.s32 $0xBA98FEDC;
	v5 =	vimm.s32 $0x32107654  }
0x3: {  	s6 =	rddreg [dreg:$0x1];
	s2 =	simm.s32 $0x0;
	v6 =	vimm.s32 $0xFEDCBA98;
	v7 =	vimm.s32 $0x76543210;
	s10 =	simm.s32 $0x78  }
0x4: {  	s11 =	simm.s32 $0x7800;
	s12 =	simm.s32 $0x9600;
	s13 =	simm.s32 $0xF0;
	v0 =	vunpack.c.l.s4.s8 v0;
	v1 =	vunpack.c.l.s4.s8 v1;
	v2 =	vunpack.c.l.s4.s8 v2  }
0x5: {  	s14 =	simm.s32 $0xB400;
	s15 =	simm.s32 $0x168;
	s16 =	simm.s32 $0xD200;
	v3 =	vunpack.c.l.s4.s8 v3;
	v4 =	vunpack.c.l.s4.s8 v4;
	v5 =	vunpack.c.l.s4.s8 v5  }
0x6: {  	s17 =	simm.s32 $0xF000;
	s18 =	simm.s32 $0x10E00;
	s19 =	simm.s32 $0x12C00;
	v6 =	vunpack.c.l.s4.s8 v6;
	v0 =	vunpack.c.0.s8.s32 v0;
	v1 =	vunpack.c.0.s8.s32 v1  }
0x7: {  	s20 =	simm.s32 $0x14A00;
	s21 =	simm.s32 $0x1;
	s22 =	simm.s32 $0x2;
	v7 =	vunpack.c.l.s4.s8 v7;
	v2 =	vunpack.c.0.s8.s32 v2;
	v3 =	vunpack.c.0.s8.s32 v3  }
0x8: {  	s23 =	simm.s32 $0x16940;
	s5 =	sand.u32 $0x1, s1;
	s3 =	sshll.u32 s0, $0x1;
	v4 =	vunpack.c.0.s8.s32 v4;
	v5 =	vunpack.c.0.s8.s32 v5;
	v0 =	vcombine.low v1, v0  }
0x9: {  	s24 =	simm.s32 $0x0;
	s1 =	rddreg [dreg:$0x2];
	s7 =	sor.u32 s5, s3;
	v57 =	vunpack.c.0.s8.s32 v6;
	v2 =	vcombine.low v3, v2  }
0xa: {  	[smem:$0x7FF] =	sst s2;
	s5 =	ssub.s32 $0x2, s5;
	s3 =	smul.u32 $0xF00, s7;
	v59 =	vunpack.c.0.s8.s32 v7;
	v58 =	vcombine.low v5, v4;
	v0 =	vand.u32 $0xF, v0  }
0xb: {  	_ =	strace $0x80000047;
	s9 =	sshrl.u32 s5, $0x1;
	s7 =	sshll.u32 s7, $0xC;
	v60 =	vand.u32 $0xF, v57;
	v61 =	vand.u32 $0xF, v2;
	[tilespmem:$0x1FFC0] =	vst v0  }
0xc: {  	s9 =	ssub.s32 s5, s9;
	s6 =	sadd.s32 s6, s7;
	s8 =	sadd.s32 s3, s4;
	v63 =	vcombine.low v60, v59;
	v62 =	vand.u32 $0xF, v58;
	[tilespmem:$0x1FFD0] =	vst v61  }
0xd: {  	s3 =	sadd.s32 $0x187A00, s4;
	s4 =	sadd.s32 $0x1F000, s4;
	s7 =	smax.u32 s9, $0x1;
	[tilespmem:$0x1FFE0] =	vst v62  }
0xe: {  	s9 =	simm.s32 $0x16800;
	s5 =	sadd.s32 $0x1000, s8;
	s8 =	simm.s32 $0x3;
	[tilespmem:$0x1FFF0] =	vst v63  }
.LBB2_1:
0xf: {  	[tilespmem:s2], [sflag:$0x3] =	stream.linear.gather [hbm4b:s5+s2], $0x7800, $0x38;
	[tilespmem:$0x1E940] =	vst v63  }
0x10: {  	_ =	swait.ge [sflag:s8], $0x7800  }
0x11: {  	[sflag:s8] =	ssyncset.done $0x0  }
0x12: {  	[sflag:s8] =	ssyncadd.s32 $0xFFFF8800  }
0x13: {  	[tilespmem:s9], [sflag:$0x3] =	stream.linear.gather [hbm4b:s4+s2], $0x140, $0x38;
	[tilespmem:$0x1E940] =	vst v63  }
0x14: {  	_ =	swait.ge [sflag:s8], $0x140  }
0x15: {  	[sflag:s8] =	ssyncset.done $0x0  }
0x16: {  	[sflag:s8] =	ssyncadd.s32 $0xFFFFFEC0  }
0x17: {  	v4 =	vld [tilespmem:$0x16800]  }
0x18: {  	v12 =	vld [tilespmem:$0x16840]  }
0x19: {  	v13 =	vld [tilespmem:$0x16880]  }
0x1a: {  	v14 =	vld [tilespmem:$0x16810]  }
0x1b: {  	v15 =	vld [tilespmem:$0x16850]  }
0x1c: {  	v16 =	vld [tilespmem:$0x16890]  }
0x1d: {  	v17 =	vld [tilespmem:$0x16820]  }
0x1e: {  	v18 =	vld [tilespmem:$0x16860]  }
0x1f: {  	v19 =	vld [tilespmem:$0x168A0]  }
0x20: {  	v20 =	vld [tilespmem:$0x16830]  }
0x21: {  	v21 =	vld [tilespmem:$0x16870]  }
0x22: {  	v22 =	vld [tilespmem:$0x168B0]  }
0x23: {  	v0 =	vld [tilespmem:$0x168C0]  }
0x24: {  	v51 =	vld [tilespmem:$0x168D0]  }
0x25: {  	v52 =	vld [tilespmem:$0x168E0]  }
0x26: {  	v53 =	vld [tilespmem:$0x168F0]  }
0x27: {  	v54 =	vld [tilespmem:$0x16900]  }
0x28: {  	v55 =	vld [tilespmem:$0x16910]  }
0x29: {  	v56 =	vld [tilespmem:$0x16920]  }
0x2a: {  	v57 =	vld [tilespmem:$0x16930];
	[tilespmem:s11], [sflag:$0x1] =	stream.indirect.gather [hbm4b:s3+s10], $0x40, s2, s10, $0xb8  }
0x2b: {  	_ = 	snop  }
0x2c: {  	[tilespmem:s12], [sflag:$0x1] =	stream.indirect.gather [hbm4b:s3+s10], $0x40, s10, s10, $0xb8;
	[tilespmem:$0x1E940] =	vst v63  }
0x2d: {  	_ = 	snop  }
0x2e: {  	[tilespmem:s14], [sflag:$0x1] =	stream.indirect.gather [hbm4b:s3+s10], $0x40, s13, s10, $0xb8;
	[tilespmem:$0x1E940] =	vst v63  }
0x2f: {  	[tilespmem:$0x1FF00] =	vst v0  }
0x30: {  	[tilespmem:$0x1FF10] =	vst v51  }
0x31: {  	[tilespmem:$0x1FF20] =	vst v52  }
0x32: {  	[tilespmem:$0x1FF30] =	vst v53  }
0x33: {  	[tilespmem:$0x1FF40] =	vst v54  }
0x34: {  	[tilespmem:$0x1FF50] =	vst v55;
	v4 =	vadd.f32 v12, v4  }
0x35: {  	[tilespmem:$0x1FF60] =	vst v56;
	v14 =	vadd.f32 v15, v14  }
0x36: {  	[tilespmem:$0x1FF70] =	vst v57;
	v58 =	vadd.f32 v18, v17;
	v60 =	vadd.f32 v13, v4  }
0x37: {  	v59 =	vadd.f32 v21, v20;
	[tilespmem:s16], [sflag:$0x1] =	stream.indirect.gather [hbm4b:s3+s10], $0x40, s15, s10, $0xb8;
	v61 =	vadd.f32 v16, v14;
	[tilespmem:$0x1E940] =	vst v63  }
0x38: {  	v62 =	vadd.f32 v19, v58;
	[tilespmem:$0x1FF80] =	vst v60  }
0x39: {  	v63 =	vadd.f32 v22, v59;
	[tilespmem:$0x1FF90] =	vst v61  }
0x3a: {  	[tilespmem:$0x1FFA0] =	vst v62  }
0x3b: {  	s25 =	simm.s32 $0x0;
	[tilespmem:$0x1FFB0] =	vst v63  }
.LBB2_2:
0x3c: {  	s26 =	sshllo.u32 s25, $0x1  }
0x3d: {  	s28 =	smul.u32 $0x780, s26;
	_ =	sdelay $0x1  }
0x3e: {  	s28 =	sshra.s32 s28, $0x2  }
0x3f: {  	[tilespmem:s17], [sflag:$0x2] =	stream.indirect.gather [hbm4b:s3+s10], $0x40, s28, s10, $0xb8;
	[tilespmem:$0x1E940] =	vst v63  }
0x40: {  	s29 =	sadd.s32 $0x78, s28  }
0x41: {  	[tilespmem:s18], [sflag:$0x2] =	stream.indirect.gather [hbm4b:s3+s10], $0x40, s29, s10, $0xb8;
	[tilespmem:$0x1E940] =	vst v63  }
0x42: {  	s29 =	sadd.s32 $0xF0, s28  }
0x43: {  	[tilespmem:s19], [sflag:$0x2] =	stream.indirect.gather [hbm4b:s3+s10], $0x40, s29, s10, $0xb8;
	[tilespmem:$0x1E940] =	vst v63  }
0x44: {  	s28 =	sadd.s32 $0x168, s28  }
0x45: {  	[tilespmem:s20], [sflag:$0x2] =	stream.indirect.gather [hbm4b:s3+s10], $0x40, s28, s10, $0xb8;
	[tilespmem:$0x1E940] =	vst v63  }
0x46: {  	_ =	swait.ge [sflag:s21], $0x1E00  }
0x47: {  	[sflag:s21] =	ssyncset.done $0x0  }
0x48: {  	[sflag:s21] =	ssyncadd.s32 $0xFFFFE200  }
0x49: {  	_ =	swait.ge [sflag:s21], $0x1E00  }
0x4a: {  	[sflag:s21] =	ssyncset.done $0x0  }
0x4b: {  	[sflag:s21] =	ssyncadd.s32 $0xFFFFE200  }
0x4c: {  	_ =	swait.ge [sflag:s21], $0x1E00  }
0x4d: {  	[sflag:s21] =	ssyncset.done $0x0  }
0x4e: {  	[sflag:s21] =	ssyncadd.s32 $0xFFFFE200  }
0x4f: {  	_ =	swait.ge [sflag:s21], $0x1E00  }
0x50: {  	[sflag:s21] =	ssyncset.done $0x0  }
0x51: {  	s29 =	simm.s32 $0x7800;
	[sflag:s21] =	ssyncadd.s32 $0xFFFFE200  }
0x52: {  	v4 =	vld [tilespmem:s29+$0x40]  }
0x53: {  	v16 =	vld [tilespmem:s29+$0x50]  }
0x54: {  	v17 =	vld [tilespmem:s29+$0x60]  }
0x55: {  	v18 =	vld [tilespmem:s29+$0x70]  }
0x56: {  	v19 =	vld [tilespmem:s29+$0xF40]  }
0x57: {  	v20 =	vld [tilespmem:s29+$0xF50]  }
0x58: {  	v21 =	vld [tilespmem:s29+$0xF60]  }
0x59: {  	v24 =	vld [tilespmem:s29+$0xF70]  }
0x5a: {  	v25 =	vld [tilespmem:s29+$0x1E40]  }
0x5b: {  	v26 =	vld [tilespmem:s29+$0x1E50]  }
0x5c: {  	v27 =	vld [tilespmem:s29+$0x1E60]  }
0x5d: {  	v30 =	vld [tilespmem:s29+$0x1E70]  }
0x5e: {  	v31 =	vld [tilespmem:s29+$0x2D40]  }
0x5f: {  	v32 =	vld [tilespmem:s29+$0x2D50]  }
0x60: {  	v33 =	vld [tilespmem:s29+$0x2D60]  }
0x61: {  	v37 =	vld [tilespmem:s29+$0x2D70]  }
0x62: {  	v42 =	vld [tilespmem:s29+$0x3C40]  }
0x63: {  	v49 =	vld [tilespmem:s29+$0x3C50]  }
0x64: {  	v52 =	vld [tilespmem:s29+$0x3C60]  }
0x65: {  	v53 =	vld [tilespmem:s29+$0x3C70]  }
0x66: {  	v54 =	vld [tilespmem:s29+$0x4B40]  }
0x67: {  	v56 =	vld [tilespmem:s29+$0x4B50]  }
0x68: {  	v57 =	vld [tilespmem:s29+$0x4B60]  }
0x69: {  	v58 =	vld [tilespmem:s29+$0x4B70]  }
0x6a: {  	v59 =	vld [tilespmem:s29+$0x5A40]  }
0x6b: {  	v0 =	vld [tilespmem:s29+$0x6940]  }
0x6c: {  	v34 =	vld [tilespmem:s29+$0x0]  }
0x6d: {  	v35 =	vld [tilespmem:s29+$0x10]  }
0x6e: {  	v36 =	vld [tilespmem:s29+$0x20]  }
0x6f: {  	v38 =	vld [tilespmem:s29+$0x30]  }
0x70: {  	v39 =	vld [tilespmem:s29+$0xF00]  }
0x71: {  	v40 =	vld [tilespmem:s29+$0xF10]  }
0x72: {  	v41 =	vld [tilespmem:s29+$0xF20]  }
0x73: {  	v43 =	vld [tilespmem:s29+$0xF30]  }
0x74: {  	v55 =	vld [tilespmem:s29+$0x1E00]  }
0x75: {  	v12 =	vimm.f32 $0.0e+00;
	v61 =	vld [tilespmem:s29+$0x1E10]  }
0x76: {  	v60 =	vld [tilespmem:s29+$0x5A50];
	v34 =	vadd.f32 v34, v12;
	v35 =	vadd.f32 v35, v12  }
0x77: {  	v29 =	vld [tilespmem:s29+$0x5A60];
	v36 =	vadd.f32 v36, v12;
	v38 =	vadd.f32 v38, v12  }
0x78: {  	v2 =	vld [tilespmem:s29+$0x1E30];
	[tilespmem:$0x1FE80] =	vst v0;
	v0 =	vadd.f32 v39, v12;
	v1 =	vadd.f32 v40, v12  }
0x79: {  	v10 =	vld [tilespmem:s29+$0x2D00];
	v8 =	vadd.f32 v41, v12;
	v9 =	vadd.f32 v43, v12  }
0x7a: {  	v62 =	vld [tilespmem:s29+$0x2D10];
	v55 =	vadd.f32 v55, v12;
	v61 =	vadd.f32 v61, v12  }
0x7b: {  	v11 =	vld [tilespmem:s29+$0x2D20];
	v47 =	vadd.f32 v4, v34;
	v48 =	vadd.f32 v16, v35  }
0x7c: {  	v63 =	vld [tilespmem:s29+$0x2D30];
	v50 =	vadd.f32 v17, v36;
	v51 =	vadd.f32 v18, v38  }
0x7d: {  	v4 =	vld [tilespmem:s29+$0x1E20];
	v43 =	vadd.f32 v19, v0;
	v44 =	vadd.f32 v20, v1  }
0x7e: {  	v45 =	vadd.f32 v21, v8;
	v46 =	vadd.f32 v24, v9;
	v0 =	vld [tilespmem:s29+$0x3C00]  }
0x7f: {  	v18 =	vadd.f32 v2, v12;
	v24 =	vld [tilespmem:s29+$0x3C10];
	v38 =	vadd.f32 v25, v55  }
0x80: {  	v39 =	vadd.f32 v26, v61;
	v1 =	vld [tilespmem:s29+$0x3C20];
	v2 =	vadd.f32 v10, v12  }
0x81: {  	v8 =	vadd.f32 v62, v12;
	v9 =	vld [tilespmem:s29+$0x3C30];
	v16 =	vadd.f32 v11, v12  }
0x82: {  	v20 =	vadd.f32 v63, v12;
	v10 =	vld [tilespmem:s29+$0x4B10];
	v41 =	vadd.f32 v30, v18  }
0x83: {  	v28 =	vld [tilespmem:s29+$0x5A70];
	v34 =	vadd.f32 v31, v2;
	v35 =	vadd.f32 v32, v8  }
0x84: {  	v30 =	vld [tilespmem:s29+$0x4B00];
	v37 =	vadd.f32 v37, v20;
	v4 =	vadd.f32 v4, v12  }
0x85: {  	v62 =	vld [tilespmem:s29+$0x4B30];
	v11 =	vadd.f32 v0, v12;
	v61 =	vadd.f32 v24, v12  }
0x86: {  	v31 =	vld [tilespmem:s29+$0x5A00];
	v17 =	vadd.f32 v1, v12;
	v19 =	vadd.f32 v9, v12  }
0x87: {  	v63 =	vld [tilespmem:s29+$0x5A10];
	v10 =	vadd.f32 v10, v12;
	v40 =	vadd.f32 v27, v4  }
0x88: {  	v4 =	vld [tilespmem:s29+$0x4B20];
	v7 =	vadd.f32 v42, v11;
	v25 =	vadd.f32 v49, v61  }
0x89: {  	v55 =	vld [tilespmem:s29+$0x6900];
	v26 =	vadd.f32 v52, v17;
	v9 =	vadd.f32 v30, v12  }
0x8a: {  	v8 =	vld [tilespmem:s29+$0x5A20];
	v11 =	vadd.f32 v62, v12;
	v20 =	vadd.f32 v56, v10  }
0x8b: {  	v32 =	vld [tilespmem:s29+$0x6950];
	v42 =	vadd.f32 v31, v12;
	[tilespmem:$0x1FE90] =	vst v7;
	v18 =	vadd.f32 v54, v9  }
0x8c: {  	v30 =	vld [tilespmem:s29+$0x5A30];
	v61 =	vadd.f32 v63, v12;
	[tilespmem:$0x1FEB0] =	vst v20;
	v23 =	vadd.f32 v58, v11  }
0x8d: {  	v52 =	vld [tilespmem:s29+$0x6920];
	v62 =	vadd.f32 v59, v42;
	[tilespmem:$0x1FEA0] =	vst v18;
	v4 =	vadd.f32 v4, v12  }
0x8e: {  	v27 =	vadd.f32 v53, v19;
	v53 =	vld [tilespmem:s29+$0x6930];
	v63 =	vadd.f32 v60, v61;
	[tilespmem:$0x1FED0] =	vst v23  }
0x8f: {  	v49 =	vld [tilespmem:s29+$0x6960];
	[tilespmem:$0x1FEE0] =	vst v62;
	v22 =	vadd.f32 v57, v4  }
0x90: {  	v36 =	vadd.f32 v33, v16;
	v33 =	vimm.f32 $0.0e+00;
	v31 =	vimm.f32 $0.0e+00;
	v54 =	vld [tilespmem:s29+$0x6910];
	[tilespmem:$0x1FEF0] =	vst v63  }
0x91: {  	s28 =	simm.s32 $0x0;
	v42 =	vld [tilespmem:s29+$0x6970];
	s29 =	simm.s32 $0x7880;
	v56 =	vadd.f32 v30, v12;
	v30 =	vimm.f32 $0.0e+00;
	v57 =	vadd.f32 v8, v12;
	[tilespmem:$0x1FEC0] =	vst v22  }
.LBB2_3:
0x92: {  	v58 =	vld [tilespmem:s29+$0x40]  }
0x93: {  	v59 =	vld [tilespmem:s29+$0x50]  }
0x94: {  	v0 =	vld [tilespmem:$0x1FE80]  }
0x95: {  	v60 =	vld [tilespmem:s29+$0xF70]  }
0x96: {  	v61 =	vld [tilespmem:s29+$0x1E40]  }
0x97: {  	v62 =	vld [tilespmem:s29+$0x1E50]  }
0x98: {  	v63 =	vld [tilespmem:s29+$0x1E60]  }
0x99: {  	v5 =	vld [tilespmem:s29+$0x1E70]  }
0x9a: {  	v6 =	vld [tilespmem:s29+$0x2D40]  }
0x9b: {  	v7 =	vld [tilespmem:s29+$0x2D50]  }
0x9c: {  	v8 =	vld [tilespmem:s29+$0x2D60]  }
0x9d: {  	v9 =	vld [tilespmem:s29+$0x2D70]  }
0x9e: {  	v10 =	vld [tilespmem:s29+$0x3C40]  }
0x9f: {  	v11 =	vld [tilespmem:s29+$0x3C50]  }
0xa0: {  	v13 =	vld [tilespmem:s29+$0x3C70]  }
0xa1: {  	v14 =	vld [tilespmem:s29+$0x4B40]  }
0xa2: {  	v15 =	vld [tilespmem:s29+$0x4B50]  }
0xa3: {  	v1 =	vld [tilespmem:s29+$0x4B70]  }
0xa4: {  	v2 =	vld [tilespmem:s29+$0x6940]  }
0xa5: {  	v3 =	vld [tilespmem:s29+$0x10]  }
0xa6: {  	v16 =	vld [tilespmem:s29+$0x20]  }
0xa7: {  	v17 =	vld [tilespmem:s29+$0x30]  }
0xa8: {  	v18 =	vld [tilespmem:s29+$0xF00]  }
0xa9: {  	v19 =	vld [tilespmem:s29+$0xF10]  }
0xaa: {  	v20 =	vld [tilespmem:s29+$0xF20]  }
0xab: {  	v21 =	vld [tilespmem:s29+$0xF30]  }
0xac: {  	v23 =	vld [tilespmem:s29+$0x1E00]  }
0xad: {  	v22 =	vld [tilespmem:s29+$0x1E10]  }
0xae: {  	v56 =	vadd.f32 v28, v56;
	v28 =	vadd.f32 v54, v33;
	v54 =	vld [tilespmem:s29+$0x60]  }
0xaf: {  	v57 =	vadd.f32 v29, v57;
	v29 =	vadd.f32 v52, v31;
	v52 =	vld [tilespmem:s29+$0x70]  }
0xb0: {  	v30 =	vadd.f32 v53, v30;
	v53 =	vld [tilespmem:s29+$0xF40]  }
0xb1: {  	v4 =	vadd.f32 v55, v12;
	v55 =	vld [tilespmem:s29+$0xF60]  }
0xb2: {  	v12 =	vld [tilespmem:s29+$0x3C60]  }
0xb3: {  	[tilespmem:$0x1FE80] =	vst v2;
	v2 =	vld [tilespmem:s29+$0x0]  }
0xb4: {  	v31 =	vadd.f32 v49, v29;
	v49 =	vld [tilespmem:s29+$0xF50]  }
0xb5: {  	v24 =	vadd.f32 v0, v4;
	v0 =	vld [tilespmem:s29+$0x4B60]  }
0xb6: {  	v4 =	vld [tilespmem:s29+$0x5A40]  }
0xb7: {  	v3 =	vadd.f32 v3, v48;
	v30 =	vadd.f32 v42, v30;
	v42 =	vld [tilespmem:s29+$0x5A50]  }
0xb8: {  	v17 =	vadd.f32 v17, v51;
	v33 =	vadd.f32 v32, v28;
	v29 =	vld [tilespmem:s29+$0x5A60]  }
0xb9: {  	v28 =	vld [tilespmem:s29+$0x5A70];
	v48 =	vadd.f32 v59, v3;
	v2 =	vadd.f32 v2, v47  }
0xba: {  	v59 =	vadd.f32 v21, v46;
	v21 =	vld [tilespmem:s29+$0x2D10];
	v51 =	vadd.f32 v52, v17  }
0xbb: {  	v17 =	vld [tilespmem:s29+$0x1E30];
	v47 =	vadd.f32 v58, v2;
	v58 =	vadd.f32 v20, v45  }
0xbc: {  	v16 =	vadd.f32 v16, v50;
	v2 =	vld [tilespmem:s29+$0x1E20]  }
0xbd: {  	v52 =	vadd.f32 v18, v43;
	v45 =	vadd.f32 v55, v58;
	v55 =	vld [tilespmem:s29+$0x2D30]  }
0xbe: {  	v50 =	vadd.f32 v54, v16;
	v46 =	vadd.f32 v60, v59;
	v59 =	vld [tilespmem:s29+$0x3C10]  }
0xbf: {  	v54 =	vadd.f32 v19, v44;
	v43 =	vadd.f32 v53, v52;
	v52 =	vld [tilespmem:s29+$0x2D20]  }
0xc0: {  	v20 =	vld [tilespmem:s29+$0x2D00]  }
0xc1: {  	v44 =	vadd.f32 v49, v54;
	v53 =	vadd.f32 v23, v38;
	v58 =	vld [tilespmem:s29+$0x3C00]  }
0xc2: {  	v2 =	vadd.f32 v2, v40;
	v49 =	vadd.f32 v55, v37;
	v55 =	vld [tilespmem:$0x1FE90]  }
0xc3: {  	v60 =	vld [tilespmem:s29+$0x3C20];
	v54 =	vadd.f32 v22, v39  }
0xc4: {  	v38 =	vadd.f32 v61, v53;
	v40 =	vadd.f32 v63, v2;
	v63 =	vld [tilespmem:s29+$0x3C30]  }
0xc5: {  	v22 =	vld [tilespmem:$0x1FEA0];
	v39 =	vadd.f32 v62, v54;
	v3 =	vadd.f32 v52, v36  }
0xc6: {  	v62 =	vadd.f32 v21, v35;
	v54 =	vld [tilespmem:s29+$0x4B20];
	v61 =	vadd.f32 v20, v34  }
0xc7: {  	v36 =	vadd.f32 v8, v3;
	v3 =	vadd.f32 v58, v55;
	v55 =	vld [tilespmem:$0x1FEC0]  }
0xc8: {  	v23 =	vld [tilespmem:$0x1FEB0];
	v35 =	vadd.f32 v7, v62  }
0xc9: {  	v62 =	vld [tilespmem:s29+$0x5A00];
	v34 =	vadd.f32 v6, v61;
	v61 =	vadd.f32 v63, v27  }
0xca: {  	v52 =	vld [tilespmem:s29+$0x4B00]  }
0xcb: {  	v27 =	vadd.f32 v13, v61;
	v61 =	vld [tilespmem:$0x1FEE0]  }
0xcc: {  	v53 =	vld [tilespmem:s29+$0x4B10];
	v58 =	vadd.f32 v59, v25;
	v2 =	vadd.f32 v54, v55  }
0xcd: {  	v17 =	vadd.f32 v17, v41;
	v59 =	vld [tilespmem:s29+$0x4B30]  }
0xce: {  	v25 =	vadd.f32 v11, v58;
	v58 =	vld [tilespmem:$0x1FED0];
	v0 =	vadd.f32 v0, v2  }
0xcf: {  	v41 =	vadd.f32 v5, v17;
	v63 =	vld [tilespmem:s29+$0x5A10]  }
0xd0: {  	v5 =	vadd.f32 v52, v22;
	[tilespmem:$0x1FEC0] =	vst v0;
	v0 =	vadd.f32 v62, v61;
	v62 =	vld [tilespmem:$0x1FEF0]  }
0xd1: {  	v60 =	vadd.f32 v60, v26;
	v37 =	vadd.f32 v9, v49;
	v49 =	vld [tilespmem:s29+$0x5A30]  }
0xd2: {  	v32 =	vld [tilespmem:s29+$0x6950];
	v7 =	vadd.f32 v53, v23;
	v5 =	vadd.f32 v14, v5  }
0xd3: {  	s28 =	sadd.s32 $0x2, s28;
	v21 =	vld [tilespmem:s29+$0x5A20];
	v3 =	vadd.f32 v10, v3;
	v6 =	vadd.f32 v59, v58  }
0xd4: {  	p0 =	slt.u32 s28, $0x3A;
	v26 =	vadd.f32 v12, v60;
	v53 =	vld [tilespmem:s29+$0x6930];
	[tilespmem:$0x1FEA0] =	vst v5;
	v59 =	vadd.f32 v15, v7  }
.Ltmp0:
0xd5: {  	v52 =	vld [tilespmem:s29+$0x6920];
	[tilespmem:$0x1FE90] =	vst v3;
	v60 =	vadd.f32 v1, v6;
	v1 =	vadd.f32 v63, v62;
	(pc) =	sbr.rel @p0 .LBB2_3-.Ltmp0, $4  }
0xd6: {  	v56 =	vadd.f32 v49, v56;
	v49 =	vld [tilespmem:s29+$0x6960];
	[tilespmem:$0x1FEB0] =	vst v59;
	v0 =	vadd.f32 v4, v0  }
0xd7: {  	v55 =	vld [tilespmem:s29+$0x6900];
	[tilespmem:$0x1FED0] =	vst v60;
	v63 =	vadd.f32 v42, v1  }
0xd8: {  	v54 =	vld [tilespmem:s29+$0x6910];
	[tilespmem:$0x1FEE0] =	vst v0  }
0xd9: {  	v12 =	vmov v24;
	v57 =	vadd.f32 v21, v57;
	v42 =	vld [tilespmem:s29+$0x6970];
	s29 =	sadd.s32 $0x80, s29;
	[tilespmem:$0x1FEF0] =	vst v63  }
0xda: {  	v20 =	vld [tilespmem:$0x1FF80]  }
0xdb: {  	v21 =	vld [tilespmem:$0x1FF90]  }
0xdc: {  	v17 =	vld [tilespmem:$0x1FFA0]  }
0xdd: {  	v1 =	vmul.f32 $5.000000070e-02, v48;
	v48 =	vld [tilespmem:$0x1FFB0];
	_ =	sdelay $0x1  }
0xde: {  	v0 =	vmul.f32 $5.000000070e-02, v47  }
0xdf: {  	v2 =	vmul.f32 $5.000000070e-02, v50;
	v3 =	vmul.f32 $5.000000070e-02, v51  }
0xe0: {  	v60 =	vadd.f32 v0, v20;
	v50 =	vadd.f32 v1, v21  }
0xe1: {  	v15 =	vadd.f32 v2, v17;
	v47 =	vadd.f32 v3, v48  }
0xe2: {  	v0 =	vadd.f32 v50, v60  }
0xe3: {  	v22 =	vld [tilespmem:$0x1FFC0];
	v61 =	vadd.f32 v47, v15;
	v62 =	vmul.f32 v60, v60;
	v63 =	vmul.f32 v50, v50  }
0xe4: {  	v4 =	vmul.f32 v15, v15;
	v5 =	vmul.f32 v47, v47  }
0xe5: {  	v0 =	vadd.f32 v61, v0  }
0xe6: {  	v7 =	vadd.f32 v63, v62;
	v8 =	vadd.f32 v5, v4  }
0xe7: {  	v18 =	vld [tilespmem:$0x1FFD0]  }
0xe8: {  	v9 =	vperm.xlane v0, v22;
	v1 =	vadd.f32 v8, v7;
	_ =	sdelay $0x1  }
0xe9: {  	v0 =	vadd.f32 v9, v0;
	v2 =	vperm.xlane v1, v22  }
0xea: {  	v23 =	vld [tilespmem:$0x1FFE0]  }
0xeb: {  	v3 =	vperm.xlane v0, v18;
	v1 =	vadd.f32 v2, v1;
	_ =	sdelay $0x1  }
0xec: {  	v0 =	vadd.f32 v3, v0;
	v2 =	vperm.xlane v1, v18  }
0xed: {  	v19 =	vld [tilespmem:$0x1FFF0];
	v10 =	vmul.f32 $5.000000070e-02, v43  }
0xee: {  	v11 =	vmul.f32 $5.000000070e-02, v44;
	v3 =	vperm.xlane v0, v23;
	v1 =	vadd.f32 v2, v1  }
0xef: {  	v13 =	vmul.f32 $5.000000070e-02, v45;
	v6 =	vmul.f32 $5.000000070e-02, v46;
	v58 =	vadd.f32 v10, v20  }
0xf0: {  	v46 =	vadd.f32 v11, v21;
	v0 =	vadd.f32 v3, v0;
	v2 =	vperm.xlane v1, v23  }
0xf1: {  	v45 =	vadd.f32 v13, v17;
	v43 =	vadd.f32 v6, v48  }
0xf2: {  	v3 =	vperm.xlane v0, v19;
	v1 =	vadd.f32 v2, v1  }
0xf3: {  	v14 =	vadd.f32 v43, v45;
	v59 =	vmul.f32 v58, v58;
	v2 =	vadd.f32 v46, v58  }
0xf4: {  	v4 =	vmul.f32 v46, v46;
	v7 =	vperm.xlane v1, v19;
	v0 =	vadd.f32 v3, v0  }
0xf5: {  	v63 =	vmul.f32 v45, v45;
	v9 =	vmul.f32 v43, v43;
	v44 =	vadd.f32 v14, v2  }
0xf6: {  	v1 =	vadd.f32 v7, v1;
	v61 =	vmul.f32 $1.562500000e-02, v0  }
0xf7: {  	v10 =	vadd.f32 v4, v59;
	v11 =	vadd.f32 v9, v63;
	v62 =	vperm.xlane v44, v22  }
0xf8: {  	v16 =	vmul.f32 $1.562500000e-02, v1;
	v51 =	vmul.f32 v61, v61  }
0xf9: {  	v63 =	vmul.f32 $5.000000070e-02, v38;
	v2 =	vadd.f32 v11, v10;
	v1 =	vadd.f32 v62, v44  }
0xfa: {  	v0 =	vsub.f32 v16, v51  }
0xfb: {  	v59 =	vadd.f32 v63, v20;
	v13 =	vperm.xlane v1, v18;
	v16 =	vperm.xlane v2, v22  }
0xfc: {  	v8 =	vmul.f32 $5.000000070e-02, v41;
	v0 =	vadd.f32 $9.999999740e-06, v0  }
0xfd: {  	v63 =	vmul.f32 v59, v59;
	v1 =	vadd.f32 v13, v1;
	v2 =	vadd.f32 v16, v2  }
0xfe: {  	v13 =	vmul.f32 $5.000000070e-02, v39;
	v14 =	vshra.s32 v0, $0x1;
	v0 =	vmul.f32 $5.000000000e-01, v0  }
0xff: {  	v38 =	vadd.f32 v8, v48;
	v62 =	vperm.xlane v1, v23;
	v9 =	vperm.xlane v2, v18  }
0x100: {  	v51 =	vadd.f32 v13, v21;
	v3 =	vsub.s32 $0x5F3759DF, v14;
	v14 =	vmul.f32 $5.000000070e-02, v40  }
0x101: {  	v11 =	vmul.f32 v38, v38;
	v44 =	vmul.f32 v3, v0;
	v1 =	vadd.f32 v62, v1  }
0x102: {  	v2 =	vadd.f32 v9, v2;
	v13 =	vmul.f32 v51, v51;
	v41 =	vadd.f32 v14, v17  }
0x103: {  	v16 =	vmul.f32 v3, v44;
	v40 =	vperm.xlane v1, v19  }
0x104: {  	v44 =	vadd.f32 v51, v59;
	v14 =	vperm.xlane v2, v23;
	v62 =	vadd.f32 v38, v41  }
0x105: {  	v10 =	vmul.f32 v41, v41;
	v4 =	vsub.f32 $1.500000000e+00, v16;
	v1 =	vadd.f32 v40, v1  }
0x106: {  	v16 =	vadd.f32 v13, v63;
	v63 =	vmul.f32 $5.000000070e-02, v35;
	v13 =	vmul.f32 $5.000000070e-02, v36  }
0x107: {  	v6 =	vadd.f32 v62, v44;
	v39 =	vadd.f32 v11, v10;
	v44 =	vmul.f32 $5.000000070e-02, v34  }
0x108: {  	v3 =	vmul.f32 v3, v4;
	v62 =	vmul.f32 $1.562500000e-02, v1;
	v1 =	vadd.f32 v14, v2  }
0x109: {  	v14 =	vmul.f32 $5.000000070e-02, v37;
	v35 =	vadd.f32 v13, v17;
	v40 =	vperm.xlane v6, v22  }
0x10a: {  	v4 =	vadd.f32 v39, v16;
	v44 =	vadd.f32 v44, v20;
	v36 =	vperm.xlane v1, v19  }
0x10b: {  	v34 =	vadd.f32 v14, v48;
	v13 =	vmul.f32 v35, v35;
	v2 =	vadd.f32 v40, v6  }
0x10c: {  	v16 =	vperm.xlane v4, v22;
	v40 =	vadd.f32 v63, v21;
	v39 =	vmul.f32 v44, v44  }
0x10d: {  	v8 =	vadd.f32 v34, v35;
	v1 =	vadd.f32 v36, v1;
	v14 =	vmul.f32 v34, v34  }
0x10e: {  	v37 =	vperm.xlane v2, v18;
	v4 =	vadd.f32 v16, v4;
	v7 =	vadd.f32 v40, v44  }
0x10f: {  	v63 =	vmul.f32 v40, v40;
	v1 =	vmul.f32 $1.562500000e-02, v1;
	v5 =	vadd.f32 v14, v13  }
0x110: {  	v2 =	vadd.f32 v37, v2;
	v16 =	vperm.xlane v4, v18;
	v7 =	vadd.f32 v8, v7  }
0x111: {  	v36 =	vadd.f32 v63, v39;
	v37 =	vmul.f32 v62, v62;
	v63 =	vmul.f32 v3, v0  }
0x112: {  	v39 =	vperm.xlane v2, v23;
	v4 =	vadd.f32 v16, v4;
	v13 =	vperm.xlane v7, v22  }
0x113: {  	v5 =	vadd.f32 v5, v36;
	v1 =	vsub.f32 v1, v37;
	v6 =	vmul.f32 v63, v3  }
0x114: {  	v2 =	vadd.f32 v39, v2;
	v14 =	vperm.xlane v4, v23;
	v7 =	vadd.f32 v13, v7  }
0x115: {  	v16 =	vperm.xlane v5, v22;
	v1 =	vadd.f32 $9.999999740e-06, v1;
	v6 =	vsub.f32 $1.500000000e+00, v6  }
0x116: {  	v10 =	vperm.xlane v2, v19;
	v9 =	vadd.f32 v14, v4;
	v36 =	vperm.xlane v7, v18  }
0x117: {  	v5 =	vadd.f32 v16, v5;
	v37 =	vshra.s32 v1, $0x1;
	v1 =	vmul.f32 $5.000000000e-01, v1  }
0x118: {  	v3 =	vmul.f32 v6, v3;
	v8 =	vsub.s32 $0x5F3759DF, v37;
	v2 =	vadd.f32 v10, v2  }
0x119: {  	v39 =	vperm.xlane v9, v19;
	v7 =	vadd.f32 v36, v7;
	v63 =	vperm.xlane v5, v18  }
0x11a: {  	v14 =	vmul.f32 v8, v1;
	v0 =	vmul.f32 v3, v0  }
0x11b: {  	v4 =	vmul.f32 $1.562500000e-02, v2;
	v13 =	vadd.f32 v39, v9;
	v16 =	vperm.xlane v7, v23  }
0x11c: {  	v5 =	vadd.f32 v63, v5;
	v9 =	vmul.f32 v8, v14;
	v0 =	vmul.f32 v0, v3  }
0x11d: {  	v2 =	vmul.f32 $1.562500000e-02, v13;
	v36 =	vmul.f32 v4, v4;
	v37 =	vadd.f32 v16, v7  }
0x11e: {  	v29 =	vadd.f32 v29, v57;
	v39 =	vperm.xlane v5, v23;
	v63 =	vsub.f32 $1.500000000e+00, v9  }
0x11f: {  	v57 =	vld [tilespmem:$0x1FF00];
	v0 =	vsub.f32 $1.500000000e+00, v0;
	v2 =	vsub.f32 v2, v36;
	v10 =	vperm.xlane v37, v19  }
0x120: {  	v5 =	vadd.f32 v39, v5;
	v7 =	vmul.f32 v8, v63  }
0x121: {  	v0 =	vmul.f32 v0, v3;
	v2 =	vadd.f32 $9.999999740e-06, v2;
	v6 =	vadd.f32 v10, v37  }
0x122: {  	v60 =	vsub.f32 v60, v61;
	v13 =	vperm.xlane v5, v19;
	v16 =	vmul.f32 v7, v1  }
0x123: {  	v14 =	vshra.s32 v2, $0x1;
	v2 =	vmul.f32 $5.000000000e-01, v2;
	v63 =	vmul.f32 $1.562500000e-02, v6  }
0x124: {  	v39 =	vmul.f32 v16, v7;
	v6 =	vadd.f32 v55, v12;
	v55 =	vmul.f32 v0, v57  }
0x125: {  	v5 =	vadd.f32 v13, v5;
	v12 =	vadd.f32 v54, v33;
	v8 =	vsub.s32 $0x5F3759DF, v14  }
0x126: {  	v36 =	vmul.f32 v8, v2;
	v3 =	vsub.f32 $1.500000000e+00, v39;
	v33 =	vmul.f32 v55, v60;
	v60 =	vld [tilespmem:$0x1FF10]  }
0x127: {  	v5 =	vmul.f32 $1.562500000e-02, v5;
	v37 =	vmul.f32 v63, v63  }
0x128: {  	v14 =	vsub.f32 v50, v61;
	v50 =	vld [tilespmem:$0x1FF20];
	v9 =	vmul.f32 v8, v36;
	v3 =	vmul.f32 v3, v7  }
0x129: {  	v5 =	vsub.f32 v5, v37  }
0x12a: {  	v9 =	vsub.f32 $1.500000000e+00, v9;
	v1 =	vmul.f32 v3, v1  }
0x12b: {  	v5 =	vadd.f32 $9.999999740e-06, v5;
	v13 =	vmul.f32 v0, v60  }
0x12c: {  	v15 =	vsub.f32 v15, v61;
	v8 =	vmul.f32 v8, v9;
	v1 =	vmul.f32 v1, v3  }
0x12d: {  	v16 =	vshra.s32 v5, $0x1;
	v36 =	vmul.f32 v13, v14;
	v14 =	vmul.f32 v0, v50  }
0x12e: {  	v5 =	vmul.f32 $5.000000000e-01, v5;
	v9 =	vsub.s32 $0x5F3759DF, v16;
	v16 =	vsub.f32 v47, v61;
	v61 =	vld [tilespmem:$0x1FF30]  }
0x12f: {  	v54 =	vadd.f32 v52, v31;
	v1 =	vsub.f32 $1.500000000e+00, v1;
	v14 =	vmul.f32 v14, v15;
	v15 =	vld [tilespmem:$0x1FE80]  }
0x130: {  	v39 =	vmul.f32 v8, v2;
	v55 =	vmul.f32 v9, v5  }
0x131: {  	v52 =	vadd.f32 v49, v54;
	v49 =	vmul.f32 $5.000000070e-02, v27;
	v1 =	vmul.f32 v1, v3  }
0x132: {  	v56 =	vadd.f32 v28, v56;
	v7 =	vmul.f32 v39, v8;
	v11 =	vmul.f32 v9, v55  }
0x133: {  	v39 =	vsub.f32 v58, v62;
	v58 =	vsub.f32 v46, v62;
	v37 =	vmul.f32 v1, v57  }
0x134: {  	[tilespmem:$0x1FE00] =	vst v14;
	v0 =	vmul.f32 v0, v61;
	v14 =	vsub.f32 $1.500000000e+00, v11;
	v31 =	vadd.f32 v15, v6  }
0x135: {  	v15 =	vadd.f32 v32, v12;
	v32 =	vmul.f32 v37, v39;
	v39 =	vsub.f32 v45, v62;
	v45 =	vld [tilespmem:$0x1FE90]  }
0x136: {  	v7 =	vsub.f32 $1.500000000e+00, v7;
	v47 =	vmul.f32 v1, v60;
	v0 =	vmul.f32 v0, v16  }
0x137: {  	v13 =	vadd.f32 v53, v30;
	v46 =	vmul.f32 $5.000000070e-02, v25;
	v3 =	vmul.f32 v9, v14  }
0x138: {  	v53 =	vadd.f32 v49, v48;
	v37 =	vmul.f32 v47, v58;
	[tilespmem:$0x1FE10] =	vst v0;
	v0 =	vmul.f32 v7, v8  }
0x139: {  	v49 =	vsub.f32 v59, v4;
	v47 =	vmul.f32 $5.000000070e-02, v26;
	v14 =	vmul.f32 v3, v5  }
0x13a: {  	v24 =	vadd.f32 v46, v21;
	v2 =	vmul.f32 v0, v2;
	v9 =	vmul.f32 $5.000000070e-02, v45  }
0x13b: {  	v16 =	vmul.f32 v1, v50;
	v54 =	vadd.f32 v47, v17;
	v6 =	vmul.f32 v14, v3  }
0x13c: {  	v46 =	vmul.f32 v24, v24;
	v2 =	vmul.f32 v2, v0;
	v25 =	vadd.f32 v9, v20  }
0x13d: {  	v28 =	vmul.f32 v16, v39;
	v58 =	vadd.f32 v53, v54;
	v6 =	vsub.f32 $1.500000000e+00, v6  }
0x13e: {  	v39 =	vmul.f32 v53, v53;
	v2 =	vsub.f32 $1.500000000e+00, v2;
	v55 =	vadd.f32 v24, v25  }
0x13f: {  	v59 =	vsub.f32 v51, v4;
	v16 =	vmul.f32 v54, v54;
	v45 =	vmul.f32 v25, v25  }
0x140: {  	v0 =	vmul.f32 v2, v0;
	v2 =	vmul.f32 v6, v3;
	v3 =	vadd.f32 v58, v55  }
0x141: {  	v1 =	vmul.f32 v1, v61;
	v7 =	vadd.f32 v46, v45;
	v58 =	vadd.f32 v39, v16  }
0x142: {  	v51 =	vld [tilespmem:$0x1FEA0];
	v47 =	vsub.f32 v43, v62;
	v43 =	vmul.f32 v0, v57;
	v55 =	vmul.f32 v0, v60  }
0x143: {  	v5 =	vmul.f32 v2, v5;
	v62 =	vperm.xlane v3, v22;
	v16 =	vadd.f32 v58, v7;
	v58 =	vld [tilespmem:$0x1FEC0]  }
0x144: {  	v45 =	vmul.f32 v43, v49;
	v43 =	vmul.f32 v55, v59;
	v55 =	vld [tilespmem:$0x1FEB0]  }
0x145: {  	v6 =	vadd.f32 v42, v13;
	v42 =	vsub.f32 v41, v4;
	v59 =	vld [tilespmem:$0x1FED0]  }
0x146: {  	v46 =	vmul.f32 v1, v47;
	v5 =	vmul.f32 v5, v2;
	v3 =	vadd.f32 v62, v3  }
0x147: {  	v4 =	vsub.f32 v38, v4;
	v39 =	vmul.f32 v0, v50;
	v8 =	vperm.xlane v16, v22  }
0x148: {  	v0 =	vmul.f32 v0, v61;
	v5 =	vsub.f32 $1.500000000e+00, v5;
	v49 =	vperm.xlane v3, v18  }
0x149: {  	v1 =	vadd.f32 v8, v16;
	v8 =	vmul.f32 $5.000000070e-02, v51;
	v10 =	vmul.f32 $5.000000070e-02, v58  }
0x14a: {  	v11 =	vmul.f32 $5.000000070e-02, v55;
	v3 =	vadd.f32 v49, v3;
	v12 =	vmul.f32 $5.000000070e-02, v59  }
0x14b: {  	v62 =	vperm.xlane v1, v18;
	v59 =	vadd.f32 v8, v20;
	v55 =	vadd.f32 v10, v17  }
0x14c: {  	v39 =	vmul.f32 v39, v42;
	v58 =	vadd.f32 v11, v21;
	v51 =	vadd.f32 v12, v48  }
0x14d: {  	v41 =	vmul.f32 v0, v4;
	v12 =	vperm.xlane v3, v23;
	v1 =	vadd.f32 v62, v1  }
0x14e: {  	v47 =	vmul.f32 v5, v2;
	v14 =	vadd.f32 v58, v59;
	v16 =	vadd.f32 v51, v55  }
0x14f: {  	v5 =	vsub.f32 v44, v63;
	v0 =	vadd.f32 v12, v3;
	v42 =	vperm.xlane v1, v23  }
0x150: {  	v38 =	vmul.f32 v59, v59;
	v44 =	vmul.f32 v55, v55;
	v2 =	vadd.f32 v16, v14  }
0x151: {  	v12 =	vmul.f32 v51, v51;
	v49 =	vperm.xlane v0, v19;
	v1 =	vadd.f32 v42, v1  }
0x152: {  	v42 =	vmul.f32 v58, v58;
	v16 =	vsub.f32 v40, v63;
	v62 =	vperm.xlane v2, v22  }
0x153: {  	v12 =	vadd.f32 v12, v44;
	v0 =	vadd.f32 v49, v0;
	v49 =	vperm.xlane v1, v19  }
0x154: {  	v4 =	vadd.f32 v42, v38;
	v2 =	vadd.f32 v62, v2;
	v62 =	vmul.f32 v47, v60  }
0x155: {  	v3 =	vmul.f32 v47, v57;
	v13 =	vadd.f32 v49, v1  }
0x156: {  	v38 =	vmul.f32 $1.562500000e-02, v0;
	v44 =	vmul.f32 v62, v16;
	v16 =	vadd.f32 v12, v4  }
0x157: {  	v42 =	vmul.f32 v3, v5;
	v0 =	vmul.f32 $1.562500000e-02, v13  }
0x158: {  	v40 =	vmul.f32 v38, v38;
	v8 =	vperm.xlane v16, v22  }
0x159: {  	v14 =	vperm.xlane v2, v18;
	v62 =	vsub.f32 v35, v63;
	v4 =	vsub.f32 v34, v63;
	v34 =	vld [tilespmem:$0x1FEF0]  }
0x15a: {  	v49 =	vmul.f32 v47, v50;
	v0 =	vsub.f32 v0, v40;
	v3 =	vadd.f32 v8, v16;
	v16 =	vld [tilespmem:$0x1FEE0]  }
0x15b: {  	v6 =	vmul.f32 $5.000000070e-02, v6;
	v35 =	vmul.f32 $5.000000070e-02, v29;
	v1 =	vadd.f32 v14, v2  }
0x15c: {  	v40 =	vmul.f32 $5.000000070e-02, v56;
	v49 =	vmul.f32 v49, v62;
	v0 =	vadd.f32 $9.999999740e-06, v0  }
0x15d: {  	v5 =	vperm.xlane v1, v23;
	v56 =	vperm.xlane v3, v18  }
0x15e: {  	v62 =	vadd.f32 v35, v17;
	v9 =	vmul.f32 $5.000000070e-02, v34;
	v13 =	vshra.s32 v0, $0x1  }
0x15f: {  	v1 =	vadd.f32 v5, v1;
	v3 =	vadd.f32 v56, v3;
	v8 =	vmul.f32 $5.000000070e-02, v16  }
0x160: {  	v0 =	vmul.f32 $5.000000000e-01, v0;
	v26 =	vadd.f32 v9, v21;
	v16 =	vadd.f32 v40, v48  }
0x161: {  	v2 =	vsub.s32 $0x5F3759DF, v13;
	v40 =	vperm.xlane v3, v23;
	v30 =	vadd.f32 v8, v20  }
0x162: {  	v35 =	vperm.xlane v1, v19;
	v12 =	vmul.f32 v2, v0;
	v34 =	vadd.f32 v16, v62  }
0x163: {  	v63 =	vmul.f32 v26, v26;
	v3 =	vadd.f32 v40, v3;
	v14 =	vadd.f32 v26, v30  }
0x164: {  	v27 =	vadd.f32 v6, v48;
	v11 =	vmul.f32 v16, v16;
	v56 =	vmul.f32 v30, v30  }
0x165: {  	v40 =	vmul.f32 $5.000000070e-02, v31;
	v13 =	vperm.xlane v3, v19;
	v5 =	vadd.f32 v34, v14  }
0x166: {  	v34 =	vmul.f32 v62, v62;
	v7 =	vadd.f32 v63, v56;
	v56 =	vmul.f32 $5.000000070e-02, v15  }
0x167: {  	v1 =	vadd.f32 v35, v1;
	v63 =	vmul.f32 $5.000000070e-02, v52;
	v15 =	vmul.f32 v2, v12  }
0x168: {  	v3 =	vadd.f32 v13, v3;
	v35 =	vperm.xlane v5, v22;
	v9 =	vadd.f32 v11, v34  }
0x169: {  	v34 =	vadd.f32 v56, v21;
	v31 =	vadd.f32 v63, v17;
	v63 =	vmul.f32 v27, v27  }
0x16a: {  	v8 =	vsub.f32 $1.500000000e+00, v15;
	v3 =	vmul.f32 $1.562500000e-02, v3;
	v5 =	vadd.f32 v35, v5  }
0x16b: {  	v7 =	vadd.f32 v9, v7;
	v35 =	vadd.f32 v40, v20;
	v40 =	vmul.f32 $1.562500000e-02, v1  }
0x16c: {  	v9 =	vadd.f32 v27, v31;
	v10 =	vmul.f32 v34, v34;
	v14 =	vperm.xlane v5, v18  }
0x16d: {  	v56 =	vmul.f32 v31, v31;
	v17 =	vperm.xlane v7, v22;
	v48 =	vadd.f32 v34, v35  }
0x16e: {  	v2 =	vmul.f32 v2, v8;
	v52 =	vmul.f32 v35, v35;
	v5 =	vadd.f32 v14, v5  }
0x16f: {  	v13 =	vmul.f32 v40, v40;
	v6 =	vadd.f32 v17, v7;
	v1 =	vadd.f32 v9, v48  }
0x170: {  	v7 =	vadd.f32 v10, v52;
	v9 =	vadd.f32 v63, v56  }
0x171: {  	v25 =	vsub.f32 v25, v38;
	v3 =	vsub.f32 v3, v13;
	v17 =	vmul.f32 v2, v0;
	v52 =	vld [tilespmem:$0x1FF40]  }
0x172: {  	v12 =	vperm.xlane v6, v18;
	v14 =	vperm.xlane v5, v23;
	v7 =	vadd.f32 v9, v7  }
0x173: {  	v15 =	vperm.xlane v1, v22;
	v10 =	vmul.f32 v17, v2;
	v3 =	vadd.f32 $9.999999740e-06, v3  }
0x174: {  	v6 =	vadd.f32 v12, v6;
	v5 =	vadd.f32 v14, v5  }
0x175: {  	v1 =	vadd.f32 v15, v1;
	v56 =	vperm.xlane v7, v22;
	v22 =	vld [tilespmem:$0x1FF50];
	v10 =	vsub.f32 $1.500000000e+00, v10  }
0x176: {  	v11 =	vadd.f32 v33, v52;
	v48 =	vperm.xlane v6, v23;
	v63 =	vperm.xlane v5, v19  }
0x177: {  	v7 =	vadd.f32 v56, v7;
	v13 =	vperm.xlane v1, v18;
	v2 =	vmul.f32 v10, v2  }
0x178: {  	v6 =	vadd.f32 v48, v6;
	v5 =	vadd.f32 v63, v5  }
0x179: {  	v1 =	vadd.f32 v13, v1;
	v15 =	vperm.xlane v7, v18;
	v0 =	vmul.f32 v2, v0  }
0x17a: {  	v12 =	vadd.f32 v36, v22;
	v14 =	vperm.xlane v6, v19;
	v33 =	vmul.f32 $1.562500000e-02, v5  }
0x17b: {  	v18 =	vperm.xlane v1, v23;
	v7 =	vadd.f32 v15, v7;
	v15 =	vadd.f32 v37, v22  }
0x17c: {  	v56 =	vld [tilespmem:$0x1FE00];
	v0 =	vmul.f32 v0, v2;
	v17 =	vadd.f32 v14, v6;
	v6 =	vmul.f32 $5.000000000e-01, v3  }
0x17d: {  	v3 =	vshra.s32 v3, $0x1;
	v36 =	vmul.f32 v33, v33;
	v1 =	vadd.f32 v18, v1;
	v18 =	vld [tilespmem:$0x1FF60]  }
0x17e: {  	v48 =	vperm.xlane v7, v23;
	v3 =	vsub.s32 $0x5F3759DF, v3;
	v5 =	vmul.f32 $1.562500000e-02, v17  }
0x17f: {  	v14 =	vadd.f32 v32, v52;
	v0 =	vsub.f32 $1.500000000e+00, v0;
	v63 =	vmul.f32 v3, v6  }
0x180: {  	v7 =	vadd.f32 v48, v7;
	v5 =	vsub.f32 v5, v36;
	v36 =	vperm.xlane v1, v19  }
0x181: {  	v32 =	vadd.f32 v45, v52;
	v23 =	vsub.f32 v54, v38;
	v17 =	vld [tilespmem:$0x1FE10];
	v9 =	vmul.f32 v3, v63  }
0x182: {  	v37 =	vperm.xlane v7, v19;
	v10 =	vadd.f32 v56, v18;
	v56 =	vld [tilespmem:$0x1FF70];
	v1 =	vadd.f32 v36, v1  }
0x183: {  	v54 =	vsub.f32 v53, v38;
	v9 =	vsub.f32 $1.500000000e+00, v9  }
0x184: {  	v29 =	vadd.f32 v28, v18;
	v48 =	vadd.f32 v37, v7;
	v28 =	vmul.f32 $1.562500000e-02, v1  }
0x185: {  	v53 =	vsub.f32 v30, v33;
	v0 =	vmul.f32 v0, v2;
	v3 =	vmul.f32 v3, v9  }
0x186: {  	v5 =	vadd.f32 $9.999999740e-06, v5;
	v1 =	vmul.f32 $1.562500000e-02, v48;
	v63 =	vmul.f32 v28, v28  }
0x187: {  	s28 =	sshll.u32 s25, $0xA;
	v39 =	vadd.f32 v39, v18;
	v13 =	vadd.f32 v17, v56;
	v17 =	vmul.f32 v3, v6  }
0x188: {  	s28 =	sand.u32 $0x3FFFFC00, s28;
	v7 =	vmul.f32 $5.000000000e-01, v5;
	v5 =	vshra.s32 v5, $0x1;
	v1 =	vsub.f32 v1, v63  }
0x189: {  	[tilespmem:s28+$0x16940] =	vst v11;
	v11 =	vadd.f32 v49, v18;
	v5 =	vsub.s32 $0x5F3759DF, v5;
	v2 =	vmul.f32 v17, v3  }
0x18a: {  	v37 =	vadd.f32 v43, v22;
	v19 =	vmul.f32 v5, v7;
	v1 =	vadd.f32 $9.999999740e-06, v1  }
0x18b: {  	v9 =	vadd.f32 v46, v56;
	v46 =	vmul.f32 v47, v61;
	v2 =	vsub.f32 $1.500000000e+00, v2  }
0x18c: {  	v8 =	vmul.f32 v5, v19;
	v48 =	vshra.s32 v1, $0x1;
	v1 =	vmul.f32 $5.000000000e-01, v1  }
0x18d: {  	v47 =	vmul.f32 v0, v57;
	v2 =	vmul.f32 v2, v3;
	v3 =	vsub.s32 $0x5F3759DF, v48  }
0x18e: {  	v43 =	vsub.f32 v58, v40;
	v8 =	vsub.f32 $1.500000000e+00, v8;
	v63 =	vmul.f32 v3, v1  }
0x18f: {  	v41 =	vadd.f32 v41, v56;
	v25 =	vmul.f32 v47, v25;
	v19 =	vmul.f32 v0, v60  }
0x190: {  	v47 =	vsub.f32 v24, v38;
	v5 =	vmul.f32 v5, v8;
	v36 =	vmul.f32 v3, v63  }
0x191: {  	v58 =	vsub.f32 v26, v33;
	v4 =	vmul.f32 v46, v4;
	[tilespmem:s28+$0x169F0] =	vst v41;
	v41 =	vsub.f32 v34, v28  }
0x192: {  	[tilespmem:s28+$0x16950] =	vst v12;
	v12 =	vmul.f32 v19, v47;
	v17 =	vmul.f32 v5, v7;
	v36 =	vsub.f32 $1.500000000e+00, v36  }
0x193: {  	[tilespmem:s28+$0x16980] =	vst v14;
	v4 =	vadd.f32 v4, v56;
	v14 =	vadd.f32 v25, v52;
	v6 =	vmul.f32 v2, v6  }
0x194: {  	[tilespmem:s28+$0x16990] =	vst v15;
	v8 =	vadd.f32 v42, v52;
	v24 =	vmul.f32 v17, v5;
	v3 =	vmul.f32 v3, v36  }
0x195: {  	[tilespmem:s28+$0x169C0] =	vst v32;
	v42 =	vadd.f32 v44, v22;
	v48 =	vmul.f32 v0, v50;
	v6 =	vmul.f32 v6, v2  }
0x196: {  	[tilespmem:s28+$0x16960] =	vst v10;
	v12 =	vadd.f32 v12, v22;
	v49 =	vsub.f32 $1.500000000e+00, v24;
	v63 =	vmul.f32 v3, v1  }
0x197: {  	[tilespmem:s28+$0x169A0] =	vst v29;
	v0 =	vmul.f32 v0, v61;
	v10 =	vmul.f32 v48, v23;
	v6 =	vsub.f32 $1.500000000e+00, v6  }
0x198: {  	[tilespmem:s28+$0x169E0] =	vst v39;
	v44 =	vsub.f32 v55, v40;
	v5 =	vmul.f32 v49, v5;
	v38 =	vmul.f32 v63, v3  }
0x199: {  	[tilespmem:s28+$0x16A20] =	vst v11;
	v0 =	vmul.f32 v0, v54;
	v48 =	vsub.f32 v51, v40;
	v2 =	vmul.f32 v6, v2  }
0x19a: {  	[tilespmem:s28+$0x169D0] =	vst v37;
	v17 =	vsub.f32 v16, v33;
	v7 =	vmul.f32 v5, v7;
	v6 =	vsub.f32 $1.500000000e+00, v38  }
0x19b: {  	[tilespmem:s28+$0x16970] =	vst v13;
	v10 =	vadd.f32 v10, v18;
	v19 =	vmul.f32 v2, v57;
	v39 =	vmul.f32 v2, v60  }
0x19c: {  	[tilespmem:s28+$0x169B0] =	vst v9;
	v36 =	vsub.f32 v59, v40;
	v7 =	vmul.f32 v7, v5;
	v3 =	vmul.f32 v6, v3  }
0x19d: {  	[tilespmem:s28+$0x16A30] =	vst v4;
	v0 =	vadd.f32 v0, v56;
	v20 =	vmul.f32 v2, v50;
	v2 =	vmul.f32 v2, v61  }
0x19e: {  	[tilespmem:s28+$0x16A40] =	vst v14;
	v9 =	vmul.f32 v19, v36;
	v7 =	vsub.f32 $1.500000000e+00, v7;
	v1 =	vmul.f32 v3, v1  }
0x19f: {  	[tilespmem:s28+$0x16A00] =	vst v8;
	v45 =	vmul.f32 v39, v43;
	v47 =	vmul.f32 v20, v44;
	v63 =	vsub.f32 v62, v33  }
0x1a0: {  	[tilespmem:s28+$0x16A10] =	vst v42;
	v44 =	vsub.f32 v31, v28;
	v5 =	vmul.f32 v7, v5;
	v1 =	vmul.f32 v1, v3  }
0x1a1: {  	[tilespmem:s28+$0x16A50] =	vst v12;
	v2 =	vmul.f32 v2, v48;
	v46 =	vadd.f32 v9, v52;
	v49 =	vadd.f32 v45, v22  }
0x1a2: {  	[tilespmem:s28+$0x16A60] =	vst v10;
	v9 =	vadd.f32 v47, v18;
	v51 =	vmul.f32 v5, v57;
	v1 =	vsub.f32 $1.500000000e+00, v1  }
0x1a3: {  	[tilespmem:s28+$0x16A70] =	vst v0;
	v2 =	vadd.f32 v2, v56;
	v55 =	vmul.f32 v5, v60;
	v59 =	vmul.f32 v5, v50  }
0x1a4: {  	v38 =	vsub.f32 v35, v28;
	[tilespmem:s28+$0x16A80] =	vst v46;
	v54 =	vmul.f32 v51, v53;
	v1 =	vmul.f32 v1, v3  }
0x1a5: {  	[tilespmem:s28+$0x16A90] =	vst v49;
	v46 =	vsub.f32 v27, v28;
	v5 =	vmul.f32 v5, v61;
	v15 =	vmul.f32 v55, v58  }
0x1a6: {  	[tilespmem:s28+$0x16AA0] =	vst v9;
	v19 =	vmul.f32 v59, v63;
	v32 =	vadd.f32 v54, v52;
	v37 =	vmul.f32 v1, v57  }
0x1a7: {  	[tilespmem:s28+$0x16AB0] =	vst v2;
	v33 =	vmul.f32 v5, v17;
	v0 =	vadd.f32 v15, v22;
	v40 =	vmul.f32 v1, v60  }
0x1a8: {  	v36 =	vadd.f32 v19, v18;
	[tilespmem:s28+$0x16AC0] =	vst v32;
	v43 =	vmul.f32 v1, v50;
	v42 =	vmul.f32 v37, v38  }
0x1a9: {  	v39 =	vadd.f32 v33, v56;
	[tilespmem:s28+$0x16AD0] =	vst v0;
	v1 =	vmul.f32 v1, v61;
	v45 =	vmul.f32 v40, v41  }
0x1aa: {  	[tilespmem:s28+$0x16AE0] =	vst v36;
	v47 =	vmul.f32 v43, v44;
	v3 =	vadd.f32 v42, v52  }
0x1ab: {  	p0 =	seq.s32 s25, $0x1F;
	[tilespmem:s28+$0x16AF0] =	vst v39;
	v1 =	vmul.f32 v1, v46;
	v0 =	vadd.f32 v45, v22  }
0x1ac: {  	s29 =	smul.u32 @!p0 $0xF00, s25;
	v48 =	vadd.f32 v47, v18;
	[tilespmem:s28+$0x16B00] =	vst v3  }
0x1ad: {  	v49 =	vadd.f32 v1, v56;
	[tilespmem:s28+$0x16B10] =	vst v0  }
0x1ae: {  	s29 =	sshra.s32 @!p0 s29, $0x2;
	[tilespmem:s28+$0x16B20] =	vst v48  }
0x1af: {  	s30 =	simm.s32 @!p0 $0x78;
	s31 =	simm.s32 @!p0 $0x7800;
	[tilespmem:s28+$0x16B30] =	vst v49;
	s28 =	sadd.s32 @!p0 $0x3C0, s29  }
0x1b0: {  	[tilespmem:s31], [sflag:$0x1] =	stream.indirect.gather @!p0 [hbm4b:s3+s30], $0x40, s28, s30, $0xb8;
	[tilespmem:$0x1E940] =	vst v63  }
0x1b1: {  	s28 =	sadd.s32 @!p0 $0x438, s29;
	s31 =	simm.s32 @!p0 $0x9600  }
0x1b2: {  	[tilespmem:s31], [sflag:$0x1] =	stream.indirect.gather @!p0 [hbm4b:s3+s30], $0x40, s28, s30, $0xb8;
	[tilespmem:$0x1E940] =	vst v63  }
0x1b3: {  	s28 =	sadd.s32 @!p0 $0x4B0, s29;
	s31 =	simm.s32 @!p0 $0xB400  }
0x1b4: {  	[tilespmem:s31], [sflag:$0x1] =	stream.indirect.gather @!p0 [hbm4b:s3+s30], $0x40, s28, s30, $0xb8;
	[tilespmem:$0x1E940] =	vst v63  }
0x1b5: {  	s28 =	sadd.s32 @!p0 $0x528, s29;
	s29 =	simm.s32 @!p0 $0xD200  }
0x1b6: {  	[tilespmem:s29], [sflag:$0x1] =	stream.indirect.gather @!p0 [hbm4b:s3+s30], $0x40, s28, s30, $0xb8;
	[tilespmem:$0x1E940] =	vst v63  }
0x1b7: {  	_ =	swait.ge [sflag:s22], $0x1E00  }
0x1b8: {  	[sflag:s22] =	ssyncset.done $0x0  }
0x1b9: {  	[sflag:s22] =	ssyncadd.s32 $0xFFFFE200  }
0x1ba: {  	_ =	swait.ge [sflag:s22], $0x1E00  }
0x1bb: {  	[sflag:s22] =	ssyncset.done $0x0  }
0x1bc: {  	[sflag:s22] =	ssyncadd.s32 $0xFFFFE200  }
0x1bd: {  	_ =	swait.ge [sflag:s22], $0x1E00  }
0x1be: {  	[sflag:s22] =	ssyncset.done $0x0  }
0x1bf: {  	[sflag:s22] =	ssyncadd.s32 $0xFFFFE200  }
0x1c0: {  	_ =	swait.ge [sflag:s22], $0x1E00  }
0x1c1: {  	[sflag:s22] =	ssyncset.done $0x0  }
0x1c2: {  	s29 =	simm.s32 $0xF000;
	[sflag:s22] =	ssyncadd.s32 $0xFFFFE200  }
0x1c3: {  	v50 =	vld [tilespmem:s29+$0x40]  }
0x1c4: {  	v51 =	vld [tilespmem:s29+$0x50]  }
0x1c5: {  	v52 =	vld [tilespmem:s29+$0x60]  }
0x1c6: {  	v53 =	vld [tilespmem:s29+$0x70]  }
0x1c7: {  	v54 =	vld [tilespmem:s29+$0xF40]  }
0x1c8: {  	v55 =	vld [tilespmem:s29+$0xF50]  }
0x1c9: {  	v56 =	vld [tilespmem:s29+$0xF60]  }
0x1ca: {  	v57 =	vld [tilespmem:s29+$0xF70]  }
0x1cb: {  	v8 =	vld [tilespmem:s29+$0x1E40]  }
0x1cc: {  	v9 =	vld [tilespmem:s29+$0x1E50]  }
0x1cd: {  	v10 =	vld [tilespmem:s29+$0x1E60]  }
0x1ce: {  	v11 =	vld [tilespmem:s29+$0x1E70]  }
0x1cf: {  	v12 =	vld [tilespmem:s29+$0x2D40]  }
0x1d0: {  	v13 =	vld [tilespmem:s29+$0x2D50]  }
0x1d1: {  	v14 =	vld [tilespmem:s29+$0x2D60]  }
0x1d2: {  	v15 =	vld [tilespmem:s29+$0x2D70]  }
0x1d3: {  	v16 =	vld [tilespmem:s29+$0x3C40]  }
0x1d4: {  	v17 =	vld [tilespmem:s29+$0x3C50]  }
0x1d5: {  	v18 =	vld [tilespmem:s29+$0x3C60]  }
0x1d6: {  	v19 =	vld [tilespmem:s29+$0x3C70]  }
0x1d7: {  	v20 =	vld [tilespmem:s29+$0x4B40]  }
0x1d8: {  	v21 =	vld [tilespmem:s29+$0x4B50]  }
0x1d9: {  	v30 =	vld [tilespmem:s29+$0x4B60]  }
0x1da: {  	v31 =	vld [tilespmem:s29+$0x4B70]  }
0x1db: {  	v33 =	vld [tilespmem:s29+$0x5A40]  }
0x1dc: {  	v42 =	vld [tilespmem:s29+$0x5A50]  }
0x1dd: {  	v29 =	vld [tilespmem:s29+$0x5A60]  }
0x1de: {  	v24 =	vld [tilespmem:s29+$0x0]  }
0x1df: {  	v25 =	vld [tilespmem:s29+$0x10]  }
0x1e0: {  	v26 =	vld [tilespmem:s29+$0x20]  }
0x1e1: {  	v27 =	vld [tilespmem:s29+$0x30]  }
0x1e2: {  	v58 =	vld [tilespmem:s29+$0xF00]  }
0x1e3: {  	v59 =	vld [tilespmem:s29+$0xF10]  }
0x1e4: {  	v39 =	vld [tilespmem:s29+$0x1E20]  }
0x1e5: {  	v49 =	vld [tilespmem:s29+$0x1E30]  }
0x1e6: {  	v22 =	vimm.f32 $0.0e+00;
	v28 =	vld [tilespmem:s29+$0x5A70]  }
0x1e7: {  	v60 =	vld [tilespmem:s29+$0xF20];
	v24 =	vadd.f32 v24, v22;
	v25 =	vadd.f32 v25, v22  }
0x1e8: {  	v61 =	vld [tilespmem:s29+$0xF30];
	v26 =	vadd.f32 v26, v22;
	v27 =	vadd.f32 v27, v22  }
0x1e9: {  	v62 =	vld [tilespmem:s29+$0x1E00];
	v45 =	vadd.f32 v58, v22;
	v46 =	vadd.f32 v59, v22  }
0x1ea: {  	v63 =	vld [tilespmem:s29+$0x1E10];
	v0 =	vadd.f32 v39, v22;
	v3 =	vadd.f32 v49, v22  }
0x1eb: {  	v58 =	vld [tilespmem:s29+$0x3C20];
	v47 =	vadd.f32 v50, v24;
	v48 =	vadd.f32 v51, v25  }
0x1ec: {  	v50 =	vadd.f32 v52, v26;
	v51 =	vadd.f32 v53, v27;
	v26 =	vld [tilespmem:s29+$0x2D00]  }
0x1ed: {  	v24 =	vadd.f32 v60, v22;
	v25 =	vadd.f32 v61, v22;
	v27 =	vld [tilespmem:s29+$0x2D10]  }
0x1ee: {  	v43 =	vadd.f32 v54, v45;
	v44 =	vadd.f32 v55, v46;
	v52 =	vld [tilespmem:s29+$0x2D20]  }
0x1ef: {  	v53 =	vadd.f32 v62, v22;
	v54 =	vadd.f32 v63, v22;
	v55 =	vld [tilespmem:s29+$0x2D30]  }
0x1f0: {  	v40 =	vadd.f32 v10, v0;
	v41 =	vadd.f32 v11, v3;
	v61 =	vld [tilespmem:s29+$0x3C30]  }
0x1f1: {  	v62 =	vld [tilespmem:s29+$0x4B00];
	v45 =	vadd.f32 v56, v24;
	v46 =	vadd.f32 v57, v25  }
0x1f2: {  	v10 =	vld [tilespmem:s29+$0x4B20];
	v38 =	vadd.f32 v8, v53;
	v39 =	vadd.f32 v9, v54  }
0x1f3: {  	v23 =	vld [tilespmem:s29+$0x6940];
	v2 =	vadd.f32 v58, v22;
	v59 =	vadd.f32 v26, v22  }
0x1f4: {  	v57 =	vld [tilespmem:s29+$0x3C10];
	v60 =	vadd.f32 v27, v22;
	v1 =	vadd.f32 v52, v22  }
0x1f5: {  	v63 =	vld [tilespmem:s29+$0x4B10];
	v5 =	vadd.f32 v55, v22;
	v4 =	vadd.f32 v61, v22  }
0x1f6: {  	v32 =	vld [tilespmem:s29+$0x6950];
	v26 =	vadd.f32 v18, v2;
	v18 =	vadd.f32 v62, v22  }
0x1f7: {  	v0 =	vadd.f32 v10, v22;
	v35 =	vadd.f32 v13, v60;
	v13 =	vld [tilespmem:s29+$0x4B30]  }
0x1f8: {  	v34 =	vadd.f32 v12, v59;
	v36 =	vadd.f32 v14, v1;
	v14 =	vld [tilespmem:s29+$0x5A00]  }
0x1f9: {  	v37 =	vadd.f32 v15, v5;
	v12 =	vadd.f32 v57, v22;
	v15 =	vld [tilespmem:s29+$0x5A10]  }
0x1fa: {  	v56 =	vld [tilespmem:s29+$0x3C00];
	v27 =	vadd.f32 v19, v4;
	v19 =	vadd.f32 v63, v22  }
0x1fb: {  	v49 =	vld [tilespmem:s29+$0x5A30];
	v2 =	vadd.f32 v20, v18;
	v0 =	vadd.f32 v30, v0  }
0x1fc: {  	v54 =	vld [tilespmem:s29+$0x6910];
	v25 =	vadd.f32 v17, v12;
	v5 =	vadd.f32 v13, v22  }
0x1fd: {  	v17 =	vld [tilespmem:s29+$0x5A20];
	[tilespmem:$0x1FE20] =	vst v2;
	v59 =	vadd.f32 v21, v19;
	v61 =	vadd.f32 v14, v22  }
0x1fe: {  	v53 =	vld [tilespmem:s29+$0x6930];
	[tilespmem:$0x1FE40] =	vst v0;
	v62 =	vadd.f32 v15, v22;
	v60 =	vadd.f32 v31, v5  }
0x1ff: {  	v55 =	vld [tilespmem:s29+$0x6900];
	v11 =	vadd.f32 v56, v22;
	[tilespmem:$0x1FE30] =	vst v59;
	v0 =	vadd.f32 v33, v61  }
0x200: {  	v52 =	vld [tilespmem:s29+$0x6920];
	v63 =	vadd.f32 v42, v62;
	[tilespmem:$0x1FE50] =	vst v60  }
0x201: {  	v56 =	vadd.f32 v49, v22;
	v49 =	vld [tilespmem:s29+$0x6960];
	v30 =	vimm.f32 $0.0e+00;
	v24 =	vadd.f32 v16, v11;
	[tilespmem:$0x1FE60] =	vst v0  }
0x202: {  	s28 =	simm.s32 $0x0;
	v57 =	vadd.f32 v17, v22;
	v42 =	vld [tilespmem:s29+$0x6970];
	s29 =	simm.s32 $0xF080;
	v33 =	vimm.f32 $0.0e+00;
	v31 =	vimm.f32 $0.0e+00;
	[tilespmem:$0x1FE70] =	vst v63  }
.LBB2_5:
0x203: {  	v0 =	vld [tilespmem:s29+$0x40]  }
0x204: {  	v1 =	vld [tilespmem:s29+$0x50]  }
0x205: {  	v5 =	vld [tilespmem:s29+$0x60]  }
0x206: {  	v7 =	vld [tilespmem:s29+$0x70]  }
0x207: {  	v8 =	vld [tilespmem:s29+$0xF70]  }
0x208: {  	v9 =	vld [tilespmem:s29+$0x1E40]  }
0x209: {  	v10 =	vld [tilespmem:s29+$0x1E50]  }
0x20a: {  	v11 =	vld [tilespmem:s29+$0x1E60]  }
0x20b: {  	v12 =	vld [tilespmem:s29+$0x1E70]  }
0x20c: {  	v13 =	vld [tilespmem:s29+$0x2D40]  }
0x20d: {  	v14 =	vld [tilespmem:s29+$0x2D50]  }
0x20e: {  	v15 =	vld [tilespmem:s29+$0x2D60]  }
0x20f: {  	v58 =	vld [tilespmem:s29+$0x4B40]  }
0x210: {  	v59 =	vld [tilespmem:s29+$0x4B50]  }
0x211: {  	v60 =	vld [tilespmem:s29+$0x4B60]  }
0x212: {  	v61 =	vld [tilespmem:s29+$0x4B70]  }
0x213: {  	v62 =	vld [tilespmem:s29+$0x0]  }
0x214: {  	v63 =	vld [tilespmem:s29+$0x10]  }
0x215: {  	v16 =	vld [tilespmem:s29+$0x20]  }
0x216: {  	v17 =	vld [tilespmem:s29+$0x30]  }
0x217: {  	v18 =	vld [tilespmem:s29+$0xF00]  }
0x218: {  	v19 =	vld [tilespmem:s29+$0xF10]  }
0x219: {  	v20 =	vld [tilespmem:s29+$0xF20]  }
0x21a: {  	v21 =	vld [tilespmem:s29+$0x1E10]  }
0x21b: {  	v4 =	vadd.f32 v52, v31;
	v52 =	vld [tilespmem:s29+$0x3C40]  }
0x21c: {  	v6 =	vadd.f32 v53, v30;
	v53 =	vld [tilespmem:s29+$0x3C50]  }
0x21d: {  	v3 =	vadd.f32 v54, v33;
	v54 =	vld [tilespmem:s29+$0x3C60]  }
0x21e: {  	v2 =	vadd.f32 v55, v22;
	v55 =	vld [tilespmem:s29+$0x3C70]  }
0x21f: {  	v57 =	vadd.f32 v29, v57;
	v29 =	vld [tilespmem:s29+$0x5A60]  }
0x220: {  	v56 =	vadd.f32 v28, v56;
	v28 =	vld [tilespmem:s29+$0x5A70]  }
0x221: {  	v47 =	vadd.f32 v62, v47;
	v62 =	vld [tilespmem:s29+$0xF30]  }
0x222: {  	v48 =	vadd.f32 v63, v48;
	v63 =	vld [tilespmem:s29+$0x1E00]  }
0x223: {  	v43 =	vadd.f32 v18, v43;
	v18 =	vld [tilespmem:s29+$0x2D00]  }
0x224: {  	v22 =	vadd.f32 v23, v2;
	v2 =	vld [tilespmem:s29+$0xF40]  }
0x225: {  	v33 =	vadd.f32 v32, v3;
	v3 =	vld [tilespmem:s29+$0xF50]  }
0x226: {  	v30 =	vadd.f32 v42, v6;
	v6 =	vld [tilespmem:s29+$0xF60]  }
0x227: {  	v31 =	vadd.f32 v49, v4;
	v49 =	vld [tilespmem:s29+$0x2D70]  }
0x228: {  	v4 =	vld [tilespmem:s29+$0x5A40]  }
0x229: {  	v16 =	vadd.f32 v16, v50;
	v42 =	vld [tilespmem:s29+$0x5A50]  }
0x22a: {  	v17 =	vadd.f32 v17, v51;
	v23 =	vld [tilespmem:s29+$0x6940];
	v47 =	vadd.f32 v0, v47  }
0x22b: {  	v48 =	vadd.f32 v1, v48;
	v0 =	vld [tilespmem:s29+$0x1E20];
	v50 =	vadd.f32 v5, v16  }
0x22c: {  	v51 =	vadd.f32 v7, v17;
	v7 =	vld [tilespmem:s29+$0x1E30];
	v16 =	vadd.f32 v20, v45  }
0x22d: {  	v5 =	vadd.f32 v19, v44;
	v19 =	vld [tilespmem:s29+$0x2D10];
	v17 =	vadd.f32 v21, v39  }
0x22e: {  	v1 =	vld [tilespmem:s29+$0x2D20];
	v45 =	vadd.f32 v6, v16;
	v16 =	vadd.f32 v63, v38  }
0x22f: {  	v62 =	vadd.f32 v62, v46;
	v43 =	vadd.f32 v2, v43;
	v2 =	vld [tilespmem:s29+$0x3C20]  }
0x230: {  	v38 =	vadd.f32 v9, v16;
	v16 =	vadd.f32 v18, v34;
	v18 =	vld [tilespmem:s29+$0x3C30]  }
0x231: {  	v46 =	vadd.f32 v8, v62;
	v62 =	vld [tilespmem:s29+$0x2D30];
	v63 =	vadd.f32 v7, v41  }
0x232: {  	v39 =	vadd.f32 v10, v17;
	v17 =	vadd.f32 v19, v35;
	v19 =	vld [tilespmem:s29+$0x4B00]  }
0x233: {  	v41 =	vadd.f32 v12, v63;
	v63 =	vld [tilespmem:s29+$0x4B20]  }
0x234: {  	v35 =	vadd.f32 v14, v17;
	v14 =	vld [tilespmem:s29+$0x4B30];
	v2 =	vadd.f32 v2, v26  }
0x235: {  	v6 =	vadd.f32 v18, v27;
	v18 =	vld [tilespmem:$0x1FE20]  }
0x236: {  	v26 =	vadd.f32 v54, v2;
	v54 =	vld [tilespmem:$0x1FE40]  }
0x237: {  	v27 =	vadd.f32 v55, v6;
	v55 =	vld [tilespmem:$0x1FE50]  }
0x238: {  	v44 =	vadd.f32 v3, v5;
	v0 =	vadd.f32 v0, v40;
	v7 =	vld [tilespmem:s29+$0x3C00]  }
0x239: {  	v1 =	vadd.f32 v1, v36;
	v5 =	vadd.f32 v62, v37;
	v62 =	vld [tilespmem:s29+$0x4B10]  }
0x23a: {  	v40 =	vadd.f32 v11, v0;
	v2 =	vadd.f32 v19, v18;
	v19 =	vld [tilespmem:$0x1FE30]  }
0x23b: {  	v8 =	vld [tilespmem:s29+$0x3C10];
	v36 =	vadd.f32 v15, v1;
	v37 =	vadd.f32 v49, v5  }
0x23c: {  	v15 =	vld [tilespmem:s29+$0x5A00];
	v0 =	vadd.f32 v63, v54;
	v5 =	vadd.f32 v14, v55  }
0x23d: {  	v34 =	vadd.f32 v13, v16;
	v16 =	vld [tilespmem:s29+$0x5A10]  }
0x23e: {  	v0 =	vadd.f32 v60, v0;
	v60 =	vadd.f32 v61, v5;
	v61 =	vld [tilespmem:$0x1FE60]  }
0x23f: {  	v3 =	vadd.f32 v62, v19;
	v62 =	vld [tilespmem:$0x1FE70]  }
0x240: {  	v32 =	vld [tilespmem:s29+$0x6950];
	v12 =	vadd.f32 v7, v24  }
0x241: {  	v13 =	vadd.f32 v8, v25;
	v49 =	vld [tilespmem:s29+$0x5A30]  }
0x242: {  	s28 =	sadd.s32 $0x2, s28;
	v17 =	vld [tilespmem:s29+$0x5A20];
	v24 =	vadd.f32 v52, v12;
	v2 =	vadd.f32 v58, v2  }
0x243: {  	p0 =	slt.u32 s28, $0x3A;
	v25 =	vadd.f32 v53, v13;
	v52 =	vld [tilespmem:s29+$0x6920];
	[tilespmem:$0x1FE40] =	vst v0;
	v0 =	vadd.f32 v15, v61  }
.Ltmp1:
0x244: {  	v53 =	vld [tilespmem:s29+$0x6930];
	[tilespmem:$0x1FE20] =	vst v2;
	v59 =	vadd.f32 v59, v3;
	v2 =	vadd.f32 v16, v62;
	(pc) =	sbr.rel @p0 .LBB2_5-.Ltmp1, $4  }
0x245: {  	v54 =	vld [tilespmem:s29+$0x6910];
	[tilespmem:$0x1FE50] =	vst v60;
	v0 =	vadd.f32 v4, v0  }
0x246: {  	v56 =	vadd.f32 v49, v56;
	v49 =	vld [tilespmem:s29+$0x6960];
	[tilespmem:$0x1FE30] =	vst v59;
	v63 =	vadd.f32 v42, v2  }
0x247: {  	v55 =	vld [tilespmem:s29+$0x6900];
	[tilespmem:$0x1FE60] =	vst v0  }
0x248: {  	v57 =	vadd.f32 v17, v57;
	v42 =	vld [tilespmem:s29+$0x6970];
	s29 =	sadd.s32 $0x80, s29;
	[tilespmem:$0x1FE70] =	vst v63  }
0x249: {  	v17 =	vld [tilespmem:$0x1FF80]  }
0x24a: {  	v1 =	vmul.f32 $5.000000070e-02, v48;
	v48 =	vld [tilespmem:$0x1FF90]  }
0x24b: {  	v2 =	vmul.f32 $5.000000070e-02, v50;
	v50 =	vld [tilespmem:$0x1FFA0]  }
0x24c: {  	v3 =	vmul.f32 $5.000000070e-02, v51;
	v51 =	vld [tilespmem:$0x1FFB0];
	_ =	sdelay $0x1  }
0x24d: {  	v0 =	vmul.f32 $5.000000070e-02, v47;
	_ =	sdelay $0x1  }
0x24e: {  	v60 =	vadd.f32 v0, v17;
	v13 =	vadd.f32 v1, v48  }
0x24f: {  	v15 =	vadd.f32 v2, v50;
	v47 =	vadd.f32 v3, v51  }
0x250: {  	v0 =	vadd.f32 v13, v60  }
0x251: {  	v18 =	vld [tilespmem:$0x1FFC0];
	v20 =	vadd.f32 v47, v15;
	v21 =	vmul.f32 v60, v60;
	v58 =	vmul.f32 v13, v13  }
0x252: {  	v4 =	vmul.f32 v15, v15;
	v5 =	vmul.f32 v47, v47  }
0x253: {  	v0 =	vadd.f32 v20, v0  }
0x254: {  	v59 =	vadd.f32 v58, v21;
	v61 =	vadd.f32 v5, v4  }
0x255: {  	v19 =	vld [tilespmem:$0x1FFD0]  }
0x256: {  	v62 =	vperm.xlane v0, v18;
	v1 =	vadd.f32 v61, v59;
	_ =	sdelay $0x1  }
0x257: {  	v0 =	vadd.f32 v62, v0;
	v2 =	vperm.xlane v1, v18  }
0x258: {  	v20 =	vld [tilespmem:$0x1FFE0]  }
0x259: {  	v3 =	vperm.xlane v0, v19;
	v1 =	vadd.f32 v2, v1  }
0x25a: {  	v63 =	vmul.f32 $5.000000070e-02, v43  }
0x25b: {  	v9 =	vmul.f32 $5.000000070e-02, v44;
	v0 =	vadd.f32 v3, v0;
	v2 =	vperm.xlane v1, v19  }
0x25c: {  	v10 =	vmul.f32 $5.000000070e-02, v45;
	v6 =	vmul.f32 $5.000000070e-02, v46;
	v21 =	vld [tilespmem:$0x1FFF0]  }
0x25d: {  	v46 =	vadd.f32 v9, v48;
	v3 =	vperm.xlane v0, v20;
	v1 =	vadd.f32 v2, v1  }
0x25e: {  	v45 =	vadd.f32 v10, v50;
	v43 =	vadd.f32 v6, v51  }
0x25f: {  	v58 =	vadd.f32 v63, v17;
	v0 =	vadd.f32 v3, v0;
	v2 =	vperm.xlane v1, v20  }
0x260: {  	v11 =	vadd.f32 v43, v45  }
0x261: {  	v3 =	vperm.xlane v0, v21;
	v1 =	vadd.f32 v2, v1;
	v2 =	vadd.f32 v46, v58  }
0x262: {  	v38 =	vmul.f32 $5.000000070e-02, v38;
	v39 =	vmul.f32 $5.000000070e-02, v39  }
0x263: {  	v7 =	vperm.xlane v1, v21;
	v0 =	vadd.f32 v3, v0;
	v14 =	vadd.f32 v11, v2  }
0x264: {  	v4 =	vmul.f32 v46, v46;
	v63 =	vmul.f32 v43, v43  }
0x265: {  	v1 =	vadd.f32 v7, v1;
	v61 =	vmul.f32 $1.562500000e-02, v0;
	v59 =	vperm.xlane v14, v18  }
0x266: {  	v44 =	vmul.f32 v58, v58;
	v62 =	vmul.f32 v45, v45  }
0x267: {  	v12 =	vmul.f32 $1.562500000e-02, v1;
	v16 =	vmul.f32 v61, v61;
	v1 =	vadd.f32 v59, v14  }
0x268: {  	v34 =	vmul.f32 $5.000000070e-02, v34;
	v8 =	vadd.f32 v4, v44;
	v9 =	vadd.f32 v63, v62  }
0x269: {  	v35 =	vmul.f32 $5.000000070e-02, v35;
	v0 =	vsub.f32 v12, v16;
	v10 =	vperm.xlane v1, v19  }
0x26a: {  	v36 =	vmul.f32 $5.000000070e-02, v36;
	v44 =	vmul.f32 $5.000000070e-02, v40;
	v2 =	vadd.f32 v9, v8  }
0x26b: {  	v8 =	vmul.f32 $5.000000070e-02, v41;
	v0 =	vadd.f32 $9.999999740e-06, v0;
	v1 =	vadd.f32 v10, v1  }
0x26c: {  	v59 =	vadd.f32 v38, v17;
	v38 =	vadd.f32 v39, v48;
	v12 =	vperm.xlane v2, v18  }
0x26d: {  	v11 =	vshra.s32 v0, $0x1;
	v0 =	vmul.f32 $5.000000000e-01, v0;
	v16 =	vperm.xlane v1, v20  }
0x26e: {  	v41 =	vadd.f32 v44, v50;
	v2 =	vadd.f32 v12, v2;
	v3 =	vsub.s32 $0x5F3759DF, v11  }
0x26f: {  	v40 =	vmul.f32 v38, v38;
	v14 =	vmul.f32 v3, v0;
	v1 =	vadd.f32 v16, v1  }
0x270: {  	v39 =	vadd.f32 v8, v51;
	v10 =	vmul.f32 v41, v41;
	v9 =	vperm.xlane v2, v19  }
0x271: {  	v12 =	vadd.f32 v38, v59;
	v62 =	vmul.f32 v3, v14;
	v63 =	vperm.xlane v1, v21  }
0x272: {  	v2 =	vadd.f32 v9, v2;
	v16 =	vmul.f32 v59, v59;
	v14 =	vadd.f32 v39, v41  }
0x273: {  	v11 =	vmul.f32 v39, v39;
	v4 =	vsub.f32 $1.500000000e+00, v62;
	v1 =	vadd.f32 v63, v1  }
0x274: {  	v37 =	vmul.f32 $5.000000070e-02, v37;
	v6 =	vadd.f32 v14, v12;
	v12 =	vadd.f32 v40, v16  }
0x275: {  	v44 =	vperm.xlane v2, v20;
	v14 =	vadd.f32 v11, v10;
	v40 =	vadd.f32 v35, v48  }
0x276: {  	v35 =	vadd.f32 v36, v50;
	v3 =	vmul.f32 v3, v4;
	v62 =	vmul.f32 $1.562500000e-02, v1  }
0x277: {  	v1 =	vadd.f32 v44, v2;
	v16 =	vperm.xlane v6, v18;
	v4 =	vadd.f32 v14, v12  }
0x278: {  	v44 =	vadd.f32 v34, v17;
	v34 =	vadd.f32 v37, v51  }
0x279: {  	v36 =	vmul.f32 v40, v40;
	v37 =	vmul.f32 v35, v35;
	v2 =	vadd.f32 v16, v6  }
0x27a: {  	v63 =	vperm.xlane v4, v18;
	v12 =	vperm.xlane v1, v21  }
0x27b: {  	v7 =	vadd.f32 v40, v44;
	v8 =	vadd.f32 v34, v35;
	v14 =	vperm.xlane v2, v19  }
0x27c: {  	v16 =	vmul.f32 v44, v44;
	v4 =	vadd.f32 v63, v4;
	v1 =	vadd.f32 v12, v1  }
0x27d: {  	v63 =	vmul.f32 v34, v34;
	v7 =	vadd.f32 v8, v7;
	v2 =	vadd.f32 v14, v2  }
0x27e: {  	v12 =	vperm.xlane v4, v19;
	v1 =	vmul.f32 $1.562500000e-02, v1;
	v14 =	vadd.f32 v36, v16  }
0x27f: {  	v5 =	vadd.f32 v63, v37;
	v16 =	vmul.f32 v62, v62;
	v37 =	vmul.f32 v3, v0  }
0x280: {  	v63 =	vperm.xlane v7, v18;
	v36 =	vperm.xlane v2, v20;
	v4 =	vadd.f32 v12, v4  }
0x281: {  	v5 =	vadd.f32 v5, v14;
	v1 =	vsub.f32 v1, v16;
	v6 =	vmul.f32 v37, v3  }
0x282: {  	v7 =	vadd.f32 v63, v7;
	v2 =	vadd.f32 v36, v2;
	v12 =	vperm.xlane v4, v20  }
0x283: {  	v14 =	vperm.xlane v5, v18;
	v1 =	vadd.f32 $9.999999740e-06, v1;
	v6 =	vsub.f32 $1.500000000e+00, v6  }
0x284: {  	v16 =	vperm.xlane v7, v19;
	v10 =	vperm.xlane v2, v21;
	v9 =	vadd.f32 v12, v4  }
0x285: {  	v5 =	vadd.f32 v14, v5;
	v36 =	vshra.s32 v1, $0x1;
	v1 =	vmul.f32 $5.000000000e-01, v1  }
0x286: {  	v7 =	vadd.f32 v16, v7;
	v3 =	vmul.f32 v6, v3;
	v8 =	vsub.s32 $0x5F3759DF, v36  }
0x287: {  	v2 =	vadd.f32 v10, v2;
	v37 =	vperm.xlane v9, v21;
	v63 =	vperm.xlane v5, v19  }
0x288: {  	v14 =	vmul.f32 v8, v1;
	v16 =	vperm.xlane v7, v20  }
0x289: {  	v0 =	vmul.f32 v3, v0;
	v4 =	vmul.f32 $1.562500000e-02, v2;
	v12 =	vadd.f32 v37, v9  }
0x28a: {  	v5 =	vadd.f32 v63, v5;
	v37 =	vadd.f32 v16, v7;
	v9 =	vmul.f32 v8, v14  }
0x28b: {  	v2 =	vmul.f32 $1.562500000e-02, v12;
	v36 =	vmul.f32 v4, v4  }
0x28c: {  	v56 =	vadd.f32 v28, v56;
	v63 =	vperm.xlane v5, v20;
	v10 =	vperm.xlane v37, v21  }
0x28d: {  	v0 =	vmul.f32 v0, v3;
	v12 =	vsub.f32 $1.500000000e+00, v9;
	v2 =	vsub.f32 v2, v36  }
0x28e: {  	v5 =	vadd.f32 v63, v5;
	v6 =	vadd.f32 v10, v37  }
0x28f: {  	v29 =	vadd.f32 v29, v57;
	v57 =	vld [tilespmem:$0x1FF00];
	v0 =	vsub.f32 $1.500000000e+00, v0;
	v7 =	vmul.f32 v8, v12  }
0x290: {  	v2 =	vadd.f32 $9.999999740e-06, v2;
	v14 =	vperm.xlane v5, v21;
	v63 =	vmul.f32 $1.562500000e-02, v6  }
0x291: {  	v36 =	vmul.f32 v7, v1;
	v6 =	vadd.f32 v55, v22;
	v22 =	vsub.f32 v60, v61;
	v60 =	vld [tilespmem:$0x1FF10]  }
0x292: {  	v15 =	vsub.f32 v15, v61;
	v0 =	vmul.f32 v0, v3;
	v16 =	vshra.s32 v2, $0x1  }
0x293: {  	v2 =	vmul.f32 $5.000000000e-01, v2;
	v5 =	vadd.f32 v14, v5;
	v14 =	vmul.f32 v36, v7  }
0x294: {  	v12 =	vmul.f32 v63, v63;
	v8 =	vsub.s32 $0x5F3759DF, v16;
	v16 =	vmul.f32 v0, v57  }
0x295: {  	v37 =	vmul.f32 v8, v2;
	v5 =	vmul.f32 $1.562500000e-02, v5;
	v3 =	vsub.f32 $1.500000000e+00, v14  }
0x296: {  	v10 =	vmul.f32 v16, v22;
	v28 =	vmul.f32 v0, v60;
	v16 =	vsub.f32 v47, v61  }
0x297: {  	v9 =	vmul.f32 v8, v37;
	v5 =	vsub.f32 v5, v12;
	v12 =	vadd.f32 v54, v33  }
0x298: {  	v22 =	vld [tilespmem:$0x1FF20];
	v3 =	vmul.f32 v3, v7;
	v33 =	vsub.f32 v13, v61;
	v54 =	vadd.f32 v52, v31  }
0x299: {  	v61 =	vld [tilespmem:$0x1FF30];
	v9 =	vsub.f32 $1.500000000e+00, v9;
	v5 =	vadd.f32 $9.999999740e-06, v5  }
0x29a: {  	v1 =	vmul.f32 v3, v1;
	v33 =	vmul.f32 v28, v33;
	v28 =	vsub.f32 v58, v62  }
0x29b: {  	v52 =	vadd.f32 v49, v54;
	v54 =	vmul.f32 $5.000000070e-02, v24;
	v58 =	vmul.f32 $5.000000070e-02, v26  }
0x29c: {  	v8 =	vmul.f32 v8, v9;
	v36 =	vshra.s32 v5, $0x1;
	v5 =	vmul.f32 $5.000000000e-01, v5  }
0x29d: {  	v46 =	vsub.f32 v46, v62;
	v1 =	vmul.f32 v1, v3;
	v14 =	vmul.f32 v0, v22  }
0x29e: {  	v9 =	vsub.s32 $0x5F3759DF, v36;
	v0 =	vmul.f32 v0, v61;
	v37 =	vmul.f32 v8, v2  }
0x29f: {  	v55 =	vmul.f32 v9, v5;
	v1 =	vsub.f32 $1.500000000e+00, v1;
	v14 =	vmul.f32 v14, v15  }
0x2a0: {  	v13 =	vadd.f32 v53, v30;
	v0 =	vmul.f32 v0, v16;
	v16 =	vmul.f32 $5.000000070e-02, v27  }
0x2a1: {  	v31 =	vadd.f32 v23, v6;
	v7 =	vmul.f32 v37, v8;
	v1 =	vmul.f32 v1, v3  }
0x2a2: {  	v53 =	vsub.f32 v45, v62;
	v11 =	vmul.f32 v9, v55;
	v55 =	vmul.f32 $5.000000070e-02, v25  }
0x2a3: {  	v25 =	vadd.f32 v54, v17;
	v7 =	vsub.f32 $1.500000000e+00, v7;
	v23 =	vmul.f32 v1, v57  }
0x2a4: {  	v15 =	vsub.f32 $1.500000000e+00, v11;
	v30 =	vmul.f32 v1, v60;
	v49 =	vmul.f32 v1, v22  }
0x2a5: {  	[tilespmem:$0x1FDF0] =	vst v0;
	v45 =	vadd.f32 v16, v51;
	v1 =	vmul.f32 v1, v61;
	v0 =	vmul.f32 v7, v8  }
0x2a6: {  	v3 =	vmul.f32 v9, v15;
	v36 =	vmul.f32 v23, v28;
	v23 =	vadd.f32 v58, v50  }
0x2a7: {  	v24 =	vadd.f32 v55, v48;
	v55 =	vmul.f32 v45, v45;
	v2 =	vmul.f32 v0, v2  }
0x2a8: {  	v15 =	vadd.f32 v32, v12;
	v47 =	vmul.f32 v3, v5;
	v54 =	vmul.f32 v23, v23  }
0x2a9: {  	v28 =	vmul.f32 v49, v53;
	v32 =	vadd.f32 v24, v25;
	v2 =	vmul.f32 v2, v0  }
0x2aa: {  	v49 =	vmul.f32 v24, v24;
	v6 =	vmul.f32 v47, v3;
	v16 =	vadd.f32 v55, v54;
	v55 =	vld [tilespmem:$0x1FE30]  }
0x2ab: {  	v53 =	vsub.f32 v43, v62;
	v47 =	vmul.f32 v25, v25;
	v2 =	vsub.f32 $1.500000000e+00, v2  }
0x2ac: {  	v37 =	vmul.f32 v30, v46;
	v46 =	vadd.f32 v45, v23;
	v6 =	vsub.f32 $1.500000000e+00, v6  }
0x2ad: {  	v59 =	vsub.f32 v59, v4;
	v7 =	vadd.f32 v49, v47;
	v0 =	vmul.f32 v2, v0  }
0x2ae: {  	v2 =	vmul.f32 v6, v3;
	v3 =	vadd.f32 v46, v32;
	v46 =	vmul.f32 v1, v53  }
0x2af: {  	v26 =	vsub.f32 v38, v4;
	v11 =	vmul.f32 $5.000000070e-02, v55;
	v58 =	vmul.f32 v0, v57  }
0x2b0: {  	v54 =	vld [tilespmem:$0x1FE20];
	v30 =	vadd.f32 v16, v7;
	v62 =	vmul.f32 v0, v60;
	v5 =	vmul.f32 v2, v5  }
0x2b1: {  	v6 =	vadd.f32 v42, v13;
	v27 =	vperm.xlane v3, v18;
	v38 =	vmul.f32 v0, v22  }
0x2b2: {  	v8 =	vperm.xlane v30, v18;
	v0 =	vmul.f32 v0, v61  }
0x2b3: {  	v42 =	vsub.f32 v41, v4;
	v6 =	vmul.f32 $5.000000070e-02, v6;
	v32 =	vmul.f32 v58, v59;
	v58 =	vld [tilespmem:$0x1FE40]  }
0x2b4: {  	v5 =	vmul.f32 v5, v2;
	v3 =	vadd.f32 v27, v3;
	v1 =	vadd.f32 v8, v30;
	v59 =	vld [tilespmem:$0x1FE50]  }
0x2b5: {  	v4 =	vsub.f32 v39, v4;
	v43 =	vmul.f32 v62, v26;
	v8 =	vmul.f32 $5.000000070e-02, v54  }
0x2b6: {  	v5 =	vsub.f32 $1.500000000e+00, v5;
	v53 =	vperm.xlane v3, v19;
	v62 =	vperm.xlane v1, v19  }
0x2b7: {  	v54 =	vadd.f32 v11, v48;
	v42 =	vmul.f32 v38, v42;
	v55 =	vadd.f32 v8, v17  }
0x2b8: {  	v3 =	vadd.f32 v53, v3;
	v1 =	vadd.f32 v62, v1;
	v47 =	vmul.f32 v5, v2  }
0x2b9: {  	[tilespmem:$0x1FDD0] =	vst v10;
	v16 =	vadd.f32 v54, v55;
	v10 =	vmul.f32 $5.000000070e-02, v58;
	v12 =	vmul.f32 $5.000000070e-02, v59  }
0x2ba: {  	[tilespmem:$0x1FDE0] =	vst v14;
	v5 =	vsub.f32 v44, v63;
	v39 =	vmul.f32 v55, v55;
	v14 =	vperm.xlane v3, v20  }
0x2bb: {  	v30 =	vperm.xlane v1, v20;
	v53 =	vadd.f32 v10, v50;
	v49 =	vadd.f32 v12, v51  }
0x2bc: {  	v44 =	vmul.f32 v54, v54;
	v59 =	vsub.f32 v40, v63;
	v27 =	vadd.f32 v14, v3  }
0x2bd: {  	v41 =	vmul.f32 v0, v4;
	v1 =	vadd.f32 v30, v1;
	v26 =	vadd.f32 v49, v53  }
0x2be: {  	v4 =	vadd.f32 v44, v39;
	v62 =	vmul.f32 v53, v53;
	v38 =	vperm.xlane v27, v21  }
0x2bf: {  	v12 =	vmul.f32 v49, v49;
	v2 =	vadd.f32 v26, v16;
	v16 =	vperm.xlane v1, v21  }
0x2c0: {  	v3 =	vmul.f32 v47, v57;
	v26 =	vmul.f32 v47, v60;
	v0 =	vadd.f32 v38, v27  }
0x2c1: {  	v27 =	vadd.f32 v12, v62;
	v58 =	vperm.xlane v2, v18;
	v30 =	vadd.f32 v16, v1  }
0x2c2: {  	v44 =	vmul.f32 v26, v59;
	v59 =	vmul.f32 v47, v22;
	v16 =	vsub.f32 v35, v63  }
0x2c3: {  	v35 =	vmul.f32 $5.000000070e-02, v29;
	v40 =	vadd.f32 v27, v4;
	v4 =	vsub.f32 v34, v63;
	v34 =	vld [tilespmem:$0x1FE70]  }
0x2c4: {  	v38 =	vmul.f32 $1.562500000e-02, v0;
	v0 =	vmul.f32 $1.562500000e-02, v30;
	v30 =	vld [tilespmem:$0x1FE60]  }
0x2c5: {  	v62 =	vmul.f32 v3, v5;
	v2 =	vadd.f32 v58, v2;
	v63 =	vmul.f32 v59, v16  }
0x2c6: {  	v59 =	vadd.f32 v35, v50;
	v58 =	vmul.f32 v38, v38;
	v8 =	vperm.xlane v40, v18  }
0x2c7: {  	v25 =	vsub.f32 v25, v38;
	v23 =	vsub.f32 v23, v38;
	v39 =	vperm.xlane v2, v19  }
0x2c8: {  	v0 =	vsub.f32 v0, v58;
	v3 =	vadd.f32 v8, v40;
	v9 =	vmul.f32 $5.000000070e-02, v34  }
0x2c9: {  	v1 =	vadd.f32 v39, v2;
	v39 =	vmul.f32 $5.000000070e-02, v56;
	v8 =	vmul.f32 $5.000000070e-02, v30  }
0x2ca: {  	v0 =	vadd.f32 $9.999999740e-06, v0;
	v40 =	vperm.xlane v3, v19;
	v26 =	vadd.f32 v9, v48  }
0x2cb: {  	v5 =	vperm.xlane v1, v20;
	v16 =	vadd.f32 v39, v51;
	v30 =	vadd.f32 v8, v17  }
0x2cc: {  	v13 =	vshra.s32 v0, $0x1;
	v3 =	vadd.f32 v40, v3;
	v0 =	vmul.f32 $5.000000000e-01, v0  }
0x2cd: {  	v40 =	vmul.f32 v59, v59;
	v1 =	vadd.f32 v5, v1;
	v27 =	vadd.f32 v16, v59  }
0x2ce: {  	v39 =	vmul.f32 v26, v26;
	v11 =	vmul.f32 v16, v16;
	v14 =	vadd.f32 v26, v30  }
0x2cf: {  	v2 =	vsub.s32 $0x5F3759DF, v13;
	v34 =	vperm.xlane v3, v20;
	v35 =	vmul.f32 v30, v30  }
0x2d0: {  	v29 =	vperm.xlane v1, v21;
	v9 =	vadd.f32 v11, v40;
	v5 =	vadd.f32 v27, v14  }
0x2d1: {  	v3 =	vadd.f32 v34, v3;
	v27 =	vmul.f32 v2, v0;
	v7 =	vadd.f32 v39, v35  }
0x2d2: {  	v1 =	vadd.f32 v29, v1;
	v29 =	vmul.f32 $5.000000070e-02, v31;
	v31 =	vmul.f32 $5.000000070e-02, v15  }
0x2d3: {  	v39 =	vmul.f32 $5.000000070e-02, v52;
	v56 =	vperm.xlane v5, v18;
	v7 =	vadd.f32 v9, v7  }
0x2d4: {  	v58 =	vperm.xlane v3, v21;
	v35 =	vadd.f32 v29, v17;
	v34 =	vadd.f32 v31, v48  }
0x2d5: {  	v48 =	vmul.f32 v2, v27;
	v31 =	vadd.f32 v39, v50;
	v27 =	vadd.f32 v6, v51  }
0x2d6: {  	v5 =	vadd.f32 v56, v5;
	v3 =	vadd.f32 v58, v3  }
0x2d7: {  	v52 =	vperm.xlane v7, v18;
	v56 =	vadd.f32 v34, v35;
	v58 =	vmul.f32 v35, v35  }
0x2d8: {  	v9 =	vadd.f32 v27, v31;
	v10 =	vmul.f32 v34, v34;
	v12 =	vmul.f32 v31, v31  }
0x2d9: {  	v50 =	vld [tilespmem:$0x1FDD0];
	v13 =	vmul.f32 v27, v27;
	v8 =	vsub.f32 $1.500000000e+00, v48;
	v40 =	vperm.xlane v5, v19  }
0x2da: {  	v6 =	vadd.f32 v52, v7;
	v3 =	vmul.f32 $1.562500000e-02, v3;
	v52 =	vld [tilespmem:$0x1FF40];
	v7 =	vadd.f32 v10, v58  }
0x2db: {  	v2 =	vmul.f32 v2, v8;
	v5 =	vadd.f32 v40, v5;
	v40 =	vmul.f32 $1.562500000e-02, v1  }
0x2dc: {  	v1 =	vadd.f32 v9, v56;
	v14 =	vperm.xlane v6, v19;
	v9 =	vadd.f32 v13, v12  }
0x2dd: {  	v45 =	vsub.f32 v45, v38;
	v39 =	vmul.f32 v2, v0;
	v15 =	vmul.f32 v40, v40  }
0x2de: {  	v6 =	vadd.f32 v14, v6;
	v17 =	vperm.xlane v5, v20;
	v7 =	vadd.f32 v9, v7  }
0x2df: {  	v29 =	vperm.xlane v1, v18;
	v11 =	vadd.f32 v50, v52;
	v10 =	vmul.f32 v39, v2  }
0x2e0: {  	v32 =	vadd.f32 v32, v52;
	v3 =	vsub.f32 v3, v15;
	v48 =	vperm.xlane v6, v20  }
0x2e1: {  	v5 =	vadd.f32 v17, v5;
	v1 =	vadd.f32 v29, v1;
	v51 =	vperm.xlane v7, v18;
	v18 =	vld [tilespmem:$0x1FF50]  }
0x2e2: {  	v10 =	vsub.f32 $1.500000000e+00, v10;
	v6 =	vadd.f32 v48, v6  }
0x2e3: {  	v56 =	vperm.xlane v5, v21;
	v7 =	vadd.f32 v51, v7;
	v58 =	vperm.xlane v1, v19  }
0x2e4: {  	v3 =	vadd.f32 $9.999999740e-06, v3;
	v2 =	vmul.f32 v10, v2;
	v13 =	vperm.xlane v6, v21  }
0x2e5: {  	v29 =	vld [tilespmem:$0x1FDE0];
	v5 =	vadd.f32 v56, v5;
	v1 =	vadd.f32 v58, v1;
	v14 =	vperm.xlane v7, v19  }
0x2e6: {  	v48 =	vld [tilespmem:$0x1FDF0];
	v12 =	vadd.f32 v33, v18;
	v15 =	vadd.f32 v13, v6;
	v6 =	vmul.f32 $5.000000000e-01, v3  }
0x2e7: {  	v56 =	vld [tilespmem:$0x1FF60];
	v17 =	vperm.xlane v1, v20;
	v7 =	vadd.f32 v14, v7;
	v3 =	vshra.s32 v3, $0x1  }
0x2e8: {  	v58 =	vld [tilespmem:$0x1FF70];
	v0 =	vmul.f32 v2, v0;
	v33 =	vmul.f32 $1.562500000e-02, v5;
	v3 =	vsub.s32 $0x5F3759DF, v3  }
0x2e9: {  	v5 =	vmul.f32 $1.562500000e-02, v15;
	v1 =	vadd.f32 v17, v1;
	v20 =	vperm.xlane v7, v20  }
0x2ea: {  	v14 =	vadd.f32 v36, v52;
	v19 =	vmul.f32 v33, v33;
	v39 =	vmul.f32 v3, v6  }
0x2eb: {  	v15 =	vadd.f32 v37, v18;
	v7 =	vadd.f32 v20, v7;
	v50 =	vperm.xlane v1, v21  }
0x2ec: {  	v37 =	vadd.f32 v43, v18;
	v10 =	vadd.f32 v29, v56;
	v9 =	vmul.f32 v3, v39  }
0x2ed: {  	v13 =	vadd.f32 v48, v58;
	v1 =	vadd.f32 v50, v1;
	v51 =	vperm.xlane v7, v21  }
0x2ee: {  	v0 =	vmul.f32 v0, v2;
	v5 =	vsub.f32 v5, v19;
	v9 =	vsub.f32 $1.500000000e+00, v9  }
0x2ef: {  	v29 =	vadd.f32 v28, v56;
	v28 =	vmul.f32 $1.562500000e-02, v1;
	v17 =	vadd.f32 v51, v7  }
0x2f0: {  	v0 =	vsub.f32 $1.500000000e+00, v0;
	v5 =	vadd.f32 $9.999999740e-06, v5;
	v3 =	vmul.f32 v3, v9  }
0x2f1: {  	v41 =	vadd.f32 v41, v58;
	v1 =	vmul.f32 $1.562500000e-02, v17;
	v19 =	vmul.f32 v28, v28  }
0x2f2: {  	s26 =	sshll.u32 s26, $0x9;
	v7 =	vmul.f32 $5.000000000e-01, v5;
	v5 =	vshra.s32 v5, $0x1;
	v20 =	vmul.f32 v3, v6  }
0x2f3: {  	s26 =	sand.u32 $0x3FFFFE00, s26;
	v0 =	vmul.f32 v0, v2;
	v5 =	vsub.s32 $0x5F3759DF, v5;
	v1 =	vsub.f32 v1, v19  }
0x2f4: {  	[tilespmem:s26+$0x16940] =	vst v11;
	v11 =	vadd.f32 v63, v56;
	v21 =	vmul.f32 v5, v7;
	v2 =	vmul.f32 v20, v3  }
0x2f5: {  	v63 =	vsub.f32 v24, v38;
	v1 =	vadd.f32 $9.999999740e-06, v1  }
0x2f6: {  	v9 =	vadd.f32 v46, v58;
	v8 =	vmul.f32 v5, v21;
	v2 =	vsub.f32 $1.500000000e+00, v2  }
0x2f7: {  	v46 =	vmul.f32 v47, v61;
	v48 =	vshra.s32 v1, $0x1;
	v1 =	vmul.f32 $5.000000000e-01, v1  }
0x2f8: {  	v8 =	vsub.f32 $1.500000000e+00, v8;
	v2 =	vmul.f32 v2, v3;
	v3 =	vsub.s32 $0x5F3759DF, v48  }
0x2f9: {  	v39 =	vadd.f32 v42, v56;
	v47 =	vmul.f32 v0, v57;
	v50 =	vmul.f32 v3, v1  }
0x2fa: {  	v42 =	vadd.f32 v44, v18;
	v4 =	vmul.f32 v46, v4;
	v5 =	vmul.f32 v5, v8  }
0x2fb: {  	[tilespmem:s26+$0x169F0] =	vst v41;
	v41 =	vsub.f32 v59, v33;
	v25 =	vmul.f32 v47, v25;
	v36 =	vmul.f32 v3, v50  }
0x2fc: {  	[tilespmem:s26+$0x169E0] =	vst v39;
	v39 =	vsub.f32 v26, v33;
	v4 =	vadd.f32 v4, v58;
	v51 =	vmul.f32 v5, v7  }
0x2fd: {  	v19 =	vmul.f32 v0, v22;
	v44 =	vadd.f32 v25, v52;
	v36 =	vsub.f32 $1.500000000e+00, v36  }
0x2fe: {  	[tilespmem:s26+$0x169C0] =	vst v32;
	v25 =	vsub.f32 v49, v40;
	v6 =	vmul.f32 v2, v6;
	v17 =	vmul.f32 v51, v5  }
0x2ff: {  	[tilespmem:s26+$0x16960] =	vst v10;
	v10 =	vmul.f32 v19, v23;
	v8 =	vadd.f32 v62, v52;
	v3 =	vmul.f32 v3, v36  }
0x300: {  	[tilespmem:s26+$0x16950] =	vst v12;
	v62 =	vmul.f32 v0, v60;
	v6 =	vmul.f32 v6, v2;
	v43 =	vsub.f32 $1.500000000e+00, v17  }
0x301: {  	[tilespmem:s26+$0x16980] =	vst v14;
	v49 =	vsub.f32 v35, v28;
	v0 =	vmul.f32 v0, v61;
	v46 =	vmul.f32 v3, v1  }
0x302: {  	[tilespmem:s26+$0x16990] =	vst v15;
	v10 =	vadd.f32 v10, v56;
	v6 =	vsub.f32 $1.500000000e+00, v6;
	v5 =	vmul.f32 v43, v5  }
0x303: {  	[tilespmem:s26+$0x169D0] =	vst v37;
	v48 =	vsub.f32 v55, v40;
	v12 =	vmul.f32 v62, v63;
	v50 =	vmul.f32 v46, v3  }
0x304: {  	[tilespmem:s26+$0x16970] =	vst v13;
	v55 =	vsub.f32 v54, v40;
	v2 =	vmul.f32 v6, v2;
	v7 =	vmul.f32 v5, v7  }
0x305: {  	[tilespmem:s26+$0x169A0] =	vst v29;
	v0 =	vmul.f32 v0, v45;
	v63 =	vsub.f32 v53, v40;
	v6 =	vsub.f32 $1.500000000e+00, v50  }
0x306: {  	[tilespmem:s26+$0x16A20] =	vst v11;
	v53 =	vsub.f32 v34, v28;
	v47 =	vmul.f32 v2, v57;
	v7 =	vmul.f32 v7, v5  }
0x307: {  	[tilespmem:s26+$0x16A10] =	vst v42;
	v12 =	vadd.f32 v12, v18;
	v51 =	vmul.f32 v2, v60;
	v3 =	vmul.f32 v6, v3  }
0x308: {  	[tilespmem:s26+$0x169B0] =	vst v9;
	v62 =	vmul.f32 v2, v22;
	v2 =	vmul.f32 v2, v61;
	v7 =	vsub.f32 $1.500000000e+00, v7  }
0x309: {  	[tilespmem:s26+$0x16A30] =	vst v4;
	v0 =	vadd.f32 v0, v58;
	v9 =	vmul.f32 v47, v48;
	v1 =	vmul.f32 v3, v1  }
0x30a: {  	[tilespmem:s26+$0x16A40] =	vst v44;
	v36 =	vsub.f32 v30, v33;
	v21 =	vmul.f32 v51, v55;
	v5 =	vmul.f32 v7, v5  }
0x30b: {  	[tilespmem:s26+$0x16A00] =	vst v8;
	v43 =	vsub.f32 v16, v33;
	v24 =	vmul.f32 v62, v63;
	v1 =	vmul.f32 v1, v3  }
0x30c: {  	[tilespmem:s26+$0x16A60] =	vst v10;
	v2 =	vmul.f32 v2, v25;
	v23 =	vadd.f32 v9, v52;
	v32 =	vmul.f32 v5, v57  }
0x30d: {  	[tilespmem:s26+$0x16A50] =	vst v12;
	v38 =	vmul.f32 v5, v60;
	v40 =	vmul.f32 v5, v22;
	v1 =	vsub.f32 $1.500000000e+00, v1  }
0x30e: {  	[tilespmem:s26+$0x16A70] =	vst v0;
	v29 =	vadd.f32 v21, v18;
	v5 =	vmul.f32 v5, v61;
	v37 =	vmul.f32 v32, v36  }
0x30f: {  	v9 =	vadd.f32 v24, v56;
	[tilespmem:s26+$0x16A80] =	vst v23;
	v42 =	vmul.f32 v38, v39;
	v1 =	vmul.f32 v1, v3  }
0x310: {  	v2 =	vadd.f32 v2, v58;
	[tilespmem:s26+$0x16A90] =	vst v29;
	v44 =	vmul.f32 v40, v41;
	v46 =	vmul.f32 v5, v43  }
0x311: {  	[tilespmem:s26+$0x16AA0] =	vst v9;
	v45 =	vadd.f32 v37, v52;
	v0 =	vadd.f32 v42, v18;
	v48 =	vmul.f32 v1, v57  }
0x312: {  	[tilespmem:s26+$0x16AB0] =	vst v2;
	v47 =	vadd.f32 v44, v56;
	v50 =	vadd.f32 v46, v58;
	v51 =	vmul.f32 v1, v60  }
0x313: {  	[tilespmem:s26+$0x16AC0] =	vst v45;
	v55 =	vmul.f32 v1, v22;
	v57 =	vsub.f32 v31, v28;
	v54 =	vmul.f32 v48, v49  }
0x314: {  	s25 =	sadd.s32 $0x1, s25;
	[tilespmem:s26+$0x16AD0] =	vst v0;
	v1 =	vmul.f32 v1, v61;
	v60 =	vsub.f32 v27, v28;
	v59 =	vmul.f32 v51, v53  }
0x315: {  	p0 =	sne.s32 s25, $0x20;
	[tilespmem:s26+$0x16AE0] =	vst v47;
	v61 =	vmul.f32 v55, v57;
	v3 =	vadd.f32 v54, v52  }
.Ltmp2:
0x316: {  	[tilespmem:s26+$0x16AF0] =	vst v50;
	v1 =	vmul.f32 v1, v60;
	v0 =	vadd.f32 v59, v18;
	(pc) =	sbr.rel @p0 .LBB2_2-.Ltmp2, $4  }
0x317: {  	v62 =	vadd.f32 v61, v56;
	[tilespmem:s26+$0x16B00] =	vst v3  }
0x318: {  	v63 =	vadd.f32 v1, v58;
	[tilespmem:s26+$0x16B10] =	vst v0  }
0x319: {  	[tilespmem:s26+$0x16B20] =	vst v62  }
0x31a: {  	[tilespmem:s26+$0x16B30] =	vst v63  }
0x31b: {  	s24 =	sadd.s32 $0x1, s24  }
0x31c: {  	p0 =	sne.s32 s24, s7  }
.Ltmp3:
0x31d: {  	_ = 	snop;
	(pc) =	sbr.rel @p0 .LBB2_1-.Ltmp3, $4  }
0x31e: {  	[hbm4b:s6+s2] =	stream.linear.scatter [tilespmem:s23], [sflag:$0x3], $0x8000, $0x38;
	[tilespmem:$0x1E940] =	vst v63  }
0x31f: {  	_ =	swait.ge [sflag:s8], $0x8000  }
0x320: {  	[sflag:s8] =	ssyncset.done $0x0  }
0x321: {  	[sflag:s8] =	ssyncadd.s32 $0xFFFF8000  }
0x322: {  	_ =	sfence.sel $0x180000  }
0x323: {  	[bflag:$0x0] =	sbarrier.arrive $0xFFFF  }
0x324: {  	p0 =	sne.s32 s0, $0x0;
	_ =	strace $0x90000047  }
0x325: {  	s0 =	sadd.s32 @!p0 $0x100000, s1;
	[bflag:$0x2] =	sbarrier.arrive $0xFFFF  }
0x326: {  	[sflag:s0] =	ssyncadd.tile.s32 @!p0 $0x1;
	_ =	shalt  }
.Lfunc_end2:
_tile_overlayer_lowered:
.L_overlay_start_2:
0x327: {  	(tag) =	ssettag $0x2  }
0x328: {  	s0 =	rddreg [dreg:$0x0];
	s2 =	stileid.u32  }
0x329: {  	s1 =	rddreg [dreg:$0x1];
	p0 =	sne.s32 s2, $0x0  }
0x32a: {  	s3 =	rddreg [dreg:$0x2];
	[bflag:$0x3] =	sbarrier.arrive $0xFFFF;
	s2 =	simm.s32 @!p0 $0x1C03  }
0x32b: {  	[timem:s3], [sflag:s2] =	dma.local @!p0 [hbm:s0], s1  }
0x32c: {  	s0 =	simm.s32 @!p0 $0x3  }
0x32d: {  	_ =	swait.ge @!p0 [sflag:s0], s1  }
0x32e: {  	s1 =	ssub.s32 @!p0 $0x0, s1;
	[sflag:s0] =	ssyncset.done @!p0 $0x0  }
0x32f: {  	[sflag:s0] =	ssyncadd.s32 @!p0 s1  }
0x330: {  	[bflag:$0x3] =	sbarrier.arrive $0xFFFF  }
0x331: {  	_ =	shalt  }

</sc_bundles>
